<compile_context>
chip_gen: v7x
topology: tpu7x:2x2x1
jax: 0.10.2.dev20260603
libtpu: 0.0.44.dev20260713+nightly
codegen_flags: <defaults>
</compile_context>

<pallas_src>
import jax
import jax.numpy as jnp
from jax import lax
from jax.experimental import pallas as pl
from jax.experimental.pallas import tpu as pltpu
from jax.experimental.pallas import tpu_sc as plsc

_LAT = 128
_HEAD = 4
_HDIM = 32
_NODES = 10000
_EDGES = 320000
_NC = 2
_NS = 16
_LH = _HEAD // _NC
_LLAT = _LH * _HDIM
_LW = _LLAT + 8
_C = 80
_G = _C // 16
_EPT = _EDGES // _NS
_CH = _EPT // _C
_NPAD = 10240
_RPT = _NPAD // _NS
_UNR = 8



def _qkv_body(emb_ref, qw_ref, kw_ref, vw_ref, q_ref, kv_ref):
    e = emb_ref[...]
    qf = jnp.dot(e, qw_ref[...], preferred_element_type=jnp.float32)
    kf = jnp.dot(e, kw_ref[...], preferred_element_type=jnp.float32)
    vf = jnp.dot(e, vw_ref[...], preferred_element_type=jnp.float32)
    q_ref[0] = qf[:, :_LLAT]
    q_ref[1] = qf[:, _LLAT:]
    kv_ref[0] = jnp.concatenate([kf[:, :_LLAT], vf[:, :_LLAT]], axis=1)
    kv_ref[1] = jnp.concatenate([kf[:, _LLAT:], vf[:, _LLAT:]], axis=1)


def _qkv(embeds, qT, kT, vT):
    return pl.pallas_call(_qkv_body, out_shape=(
        jax.ShapeDtypeStruct((_NC, _NODES, _LLAT), jnp.float32),
        jax.ShapeDtypeStruct((_NC, _NODES, 2 * _LLAT), jnp.float32),
    ))(embeds, qT, kT, vT)



def _sc_body(ec_h, q_h, kv_h, z_h, out_h,
             acc_s, ib0, qb0, kvb0, wb0, ib1, qb1, kvb1, wb1,
             ib2, ib3, sem, sem_i, sem_s):
    cid = lax.axis_index("c")
    sid = lax.axis_index("s")
    r0 = sid * _RPT
    qc, kvc = q_h.at[cid], kv_h.at[cid]
    cbase = sid * _CH
    pltpu.sync_copy(z_h.at[pl.ds(0, _RPT)], acc_s.at[pl.ds(r0, _RPT)])
    pltpu.sync_copy(z_h.at[pl.ds(0, _C)], wb0)
    pltpu.sync_copy(z_h.at[pl.ds(0, _C)], wb1)
    plsc.subcore_barrier()

    lanes = jnp.arange(16, dtype=jnp.int32)
    hvecs = [jnp.full((16,), h * _HDIM, jnp.int32) for h in range(_LH)]
    vvecs = [jnp.full((16,), _LLAT + h * _HDIM, jnp.int32) for h in range(_LH)]
    dbufs = ((qb0, kvb0, wb0), (qb1, kvb1, wb1))
    ibufs = (ib0, ib1, ib2, ib3)

    def issue_idx(ci, ib):
        pltpu.async_copy(ec_h.at[pl.ds(2 * (cbase + ci), 2)], ib, sem_i)

    def drain_idx(ib):
        pltpu.make_async_copy(ec_h.at[pl.ds(0, 2)], ib, sem_i).wait()

    def issue_gather(ib, qb, kvb):
        pltpu.async_copy(qc.at[ib.at[0]], qb, sem)
        pltpu.async_copy(kvc.at[ib.at[1]], kvb, sem)

    def drain_gather(qb, kvb):
        pltpu.make_async_copy(qc.at[pl.ds(0, _C)], qb, sem).wait()
        pltpu.make_async_copy(kvc.at[pl.ds(0, _C)], kvb, sem).wait()

    def issue_scatter(ib, wb):
        pltpu.async_copy(wb, acc_s.at[ib.at[0]], sem_s, add=True)

    def drain_scatter():
        pltpu.make_async_copy(wb0, acc_s.at[ib0.at[0]], sem_s).wait()

    def compute(qb, kvb, wb):
        def group(g, _):
            eids = g * 16 + lanes
            zero = jnp.zeros((16,), jnp.float32)

            def att_d(dj, accs):
                accs = list(accs)
                for j in range(_UNR):
                    rot = (lanes + (dj * _UNR + j)) & 31
                    for h in range(_LH):
                        dvec = hvecs[h] + rot
                        qv = plsc.load_gather(qb, [eids, dvec])
                        kv = plsc.load_gather(kvb, [eids, dvec])
                        accs[h] = accs[h] + qv * kv
                return tuple(accs)

            atts = lax.fori_loop(0, _HDIM // _UNR, att_d, (zero,) * _LH)
            exps = [jnp.exp(jnp.clip(a, -10.0, 10.0)) for a in atts]
            for h in range(_LH):
                plsc.store_scatter(
                    wb, [eids, jnp.full((16,), _LLAT + h, jnp.int32)], exps[h])

            def w_d(dj, _):
                for j0 in range(0, _UNR, 4):
                    idxs, vals = [], []
                    for j in range(j0, j0 + 4):
                        rot = (lanes + (dj * _UNR + j)) & 31
                        for h in range(_LH):
                            dvec = hvecs[h] + rot
                            idxs.append(dvec)
                            vals.append(
                                plsc.load_gather(kvb, [eids, vvecs[h] + rot])
                                * exps[h])
                    for dvec, val in zip(idxs, vals):
                        plsc.store_scatter(wb, [eids, dvec], val)
                return 0

            lax.fori_loop(0, _HDIM // _UNR, w_d, 0)
            return 0

        lax.fori_loop(0, _G, group, 0)

    issue_idx(0, ib0)
    drain_idx(ib0)
    issue_gather(ib0, qb0, kvb0)
    issue_idx(1, ib1)

    def body(ci, off):
        qb, kvb, wb = dbufs[off % 2]
        nqb, nkvb, _unused = dbufs[(off + 1) % 2]
        ib = ibufs[off % 4]
        nib = ibufs[(off + 1) % 4]
        pib = ibufs[(off + 2) % 4]
        drain_idx(nib)
        issue_gather(nib, nqb, nkvb)
        drain_gather(qb, kvb)
        @pl.when(ci >= 2)
        def _():
            drain_scatter()
        issue_idx(ci + 2, pib)
        compute(qb, kvb, wb)
        issue_scatter(ib, wb)

    def quad(p, _):
        for off in range(4):
            body(4 * p + off, off)
        return 0

    lax.fori_loop(0, (_CH - 2) // 4, quad, 0)
    drain_idx(ib1)
    issue_gather(ib1, qb1, kvb1)
    drain_gather(qb0, kvb0)
    drain_scatter()
    compute(qb0, kvb0, wb0)
    issue_scatter(ib0, wb0)
    drain_gather(qb1, kvb1)
    drain_scatter()
    compute(qb1, kvb1, wb1)
    issue_scatter(ib1, wb1)
    drain_scatter()
    drain_scatter()
    plsc.subcore_barrier()
    pltpu.sync_copy(acc_s.at[pl.ds(r0, _RPT)], out_h.at[cid, pl.ds(r0, _RPT)])


_SC_MESH = plsc.VectorSubcoreMesh(
    core_axis_name="c", subcore_axis_name="s", num_cores=_NC, num_subcores=_NS)

_edge_call = pl.kernel(
    _sc_body,
    out_type=jax.ShapeDtypeStruct((_NC, _NPAD, _LW), jnp.float32),
    mesh=_SC_MESH,
    scratch_types=[
        pltpu.VMEM_SHARED((_NPAD, _LW), jnp.float32),
        pltpu.VMEM((2, _C), jnp.int32),
        pltpu.VMEM((_C, _LLAT), jnp.float32),
        pltpu.VMEM((_C, 2 * _LLAT), jnp.float32),
        pltpu.VMEM((_C, _LW), jnp.float32),
        pltpu.VMEM((2, _C), jnp.int32),
        pltpu.VMEM((_C, _LLAT), jnp.float32),
        pltpu.VMEM((_C, 2 * _LLAT), jnp.float32),
        pltpu.VMEM((_C, _LW), jnp.float32),
        pltpu.VMEM((2, _C), jnp.int32),
        pltpu.VMEM((2, _C), jnp.int32),
        pltpu.SemaphoreType.DMA,
        pltpu.SemaphoreType.DMA,
        pltpu.SemaphoreType.DMA,
    ],
    compiler_params=pltpu.CompilerParams(
        needs_layout_passes=False, use_tc_tiling_on_sc=False),
)



def _fin_body(acc_ref, sel_ref, out_ref):
    a0 = acc_ref[0, :_NODES]
    a1 = acc_ref[1, :_NODES]
    num = jnp.concatenate([a0[:, :_LLAT], a1[:, :_LLAT]], axis=1)
    norm = jnp.concatenate(
        [a0[:, _LLAT:_LLAT + _LH], a1[:, _LLAT:_LLAT + _LH]], axis=1)
    den = jnp.dot(norm, sel_ref[...], preferred_element_type=jnp.float32)
    out_ref[...] = num / (den + 1e-8)


def _finalize(acc):
    sel = jnp.repeat(jnp.eye(_HEAD, dtype=jnp.float32), _HDIM, axis=1)
    return pl.pallas_call(
        _fin_body,
        out_shape=jax.ShapeDtypeStruct((_NODES, _LAT), jnp.float32),
    )(acc, sel)



def kernel(edge_index, embeds, qTrans, kTrans, vTrans):
    ec = jnp.stack(
        [edge_index[0].reshape(_NS * _CH, _C),
         edge_index[1].reshape(_NS * _CH, _C)], axis=1
    ).reshape(_NS * _CH * 2, _C)
    q, kv = _qkv(embeds, qTrans, kTrans, vTrans)
    zeros = jnp.zeros((_RPT, _LW), jnp.float32)
    acc = _edge_call(ec, q, kv, zeros)
    return _finalize(acc)

# --- scband reference (transcript-rebuilt; emitter-appended) ---
"""Pipeline reference for scband-gtlayer-25056839204915 (READ-ONLY COPY).

The authoritative reference and input builder live on the scoring server;
editing this copy changes nothing except your own understanding.
"""

import jax, jax.numpy as jnp
import numpy as np

LATDIM = 128
HEAD = 4
N_NODES = 10000
N_EDGES = 320000

def _xavier_uniform(key, shape):
    fan_in, fan_out = shape[0], shape[1]
    lim = float(np.sqrt(6.0 / (fan_in + fan_out)))
    return jax.random.uniform(key, shape, minval=-lim, maxval=lim, dtype=jnp.float32)

def setup_inputs(seed: int = 0) -> dict:
    key = jax.random.key(seed)
    k1, k2, k3, k4, k5 = jax.random.split(key, 5)
    embeds = jax.random.normal(k1, (N_NODES, LATDIM), dtype=jnp.float32)
    edge_index = jax.random.randint(k2, (2, N_EDGES), 0, N_NODES, dtype=jnp.int32)
    qTrans = _xavier_uniform(k3, (LATDIM, LATDIM))
    kTrans = _xavier_uniform(k4, (LATDIM, LATDIM))
    vTrans = _xavier_uniform(k5, (LATDIM, LATDIM))
    return {"edge_index": edge_index, "embeds": embeds, "qTrans": qTrans, "kTrans": kTrans, "vTrans": vTrans}

def reference(edge_index, embeds, qTrans, kTrans, vTrans):
    rows = edge_index[0, :]
    cols = edge_index[1, :]
    rowEmbeds = embeds[rows]
    colEmbeds = embeds[cols]
    qEmbeds = (rowEmbeds @ qTrans).reshape(-1, HEAD, LATDIM // HEAD)
    kEmbeds = (colEmbeds @ kTrans).reshape(-1, HEAD, LATDIM // HEAD)
    vEmbeds = (colEmbeds @ vTrans).reshape(-1, HEAD, LATDIM // HEAD)
    att = jnp.einsum('ehd,ehd->eh', qEmbeds, kEmbeds)
    att = jnp.clip(att, -10.0, 10.0)
    expAtt = jnp.exp(att)
    attNorm = jnp.zeros((N_NODES, HEAD), dtype=expAtt.dtype).at[rows].add(expAtt)[rows]
    att = expAtt / (attNorm + 1e-08)
    resEmbeds = jnp.einsum('eh,ehd->ehd', att, vEmbeds).reshape(-1, LATDIM)
    out = jnp.zeros((N_NODES, LATDIM), dtype=resEmbeds.dtype).at[rows].add(resEmbeds)
    return out

if __name__ == "__main__":
    import jax
    _d = setup_inputs()
    print(jax.jit(kernel)(*tuple(_d.values())))

</pallas_src>

<mosaic_0001>
#map = affine_map<(d0, d1) -> (0, 0)>
#map1 = affine_map<(d0, d1) -> (0, 0, 0)>
module attributes {stable_mosaic.version = 14 : i64} {
  func.func @_sc_body(%arg0: i32, %arg1: i32, %arg2: memref<8000x80xi32, #tpu.memory_space<hbm>>, %arg3: memref<2x10000x64xf32, #tpu.memory_space<hbm>>, %arg4: memref<2x10000x128xf32, #tpu.memory_space<hbm>>, %arg5: memref<640x72xf32, #tpu.memory_space<hbm>>, %arg6: memref<2x10240x72xf32, #tpu.memory_space<hbm>>, %arg7: memref<10240x72xf32, #tpu.memory_space<vmem_shared>>, %arg8: memref<2x80xi32, #tpu.memory_space<vmem>>, %arg9: memref<80x64xf32, #tpu.memory_space<vmem>>, %arg10: memref<80x128xf32, #tpu.memory_space<vmem>>, %arg11: memref<80x72xf32, #tpu.memory_space<vmem>>, %arg12: memref<2x80xi32, #tpu.memory_space<vmem>>, %arg13: memref<80x64xf32, #tpu.memory_space<vmem>>, %arg14: memref<80x128xf32, #tpu.memory_space<vmem>>, %arg15: memref<80x72xf32, #tpu.memory_space<vmem>>, %arg16: memref<2x80xi32, #tpu.memory_space<vmem>>, %arg17: memref<2x80xi32, #tpu.memory_space<vmem>>, %arg18: memref<!tpu.dma_semaphore, #tpu.memory_space<semaphore_mem>>, %arg19: memref<!tpu.dma_semaphore, #tpu.memory_space<semaphore_mem>>, %arg20: memref<!tpu.dma_semaphore, #tpu.memory_space<semaphore_mem>>) attributes {dimension_semantics = [#tpu.dimension_semantics<core_parallel>, #tpu.dimension_semantics<subcore_parallel>], iteration_bounds = array<i64: 2, 16>, scalar_prefetch = 0 : i64, scratch_operands = 14 : i64, tpu.core_type = #tpu.core_type<sc_vector_subcore>, window_params = [{transform_indices = #map}, {transform_indices = #map1}, {transform_indices = #map1}, {transform_indices = #map}, {transform_indices = #map1}]} {
    %mul3A = arith.constant 640 : i32
    %mul3A_0 = arith.muli %arg1, %mul3A : i32
    %mul3A_1 = arith.constant 250 : i32
    %mul3A_2 = arith.muli %arg1, %mul3A_1 : i32
    "tpu.region"() ({
      %run_scoped3A = tpu.sem_alloc : memref<!tpu.dma_semaphore, #tpu.memory_space<semaphore_mem>>
      %dma_start3A_198 = arith.constant 0 : i32
      %dma_start3A_199 = tpu.memref_slice %arg7[%mul3A_0, %dma_start3A_198] : memref<10240x72xf32, #tpu.memory_space<vmem_shared>> -> memref<640x72xf32, #tpu.memory_space<vmem_shared>>
      %dma_start3A_200 = arith.constant 0 : i32
      %dma_start3A_201 = arith.constant 0 : i32
      %dma_start3A_202 = tpu.memref_slice %arg5[%dma_start3A_200, %dma_start3A_201] : memref<640x72xf32, #tpu.memory_space<hbm>> -> memref<640x72xf32, #tpu.memory_space<hbm>>
      tpu.enqueue_dma source(%dma_start3A_202 : memref<640x72xf32, #tpu.memory_space<hbm>>) target(%dma_start3A_199 : memref<640x72xf32, #tpu.memory_space<vmem_shared>>) target_semaphore(%run_scoped3A : memref<!tpu.dma_semaphore, #tpu.memory_space<semaphore_mem>>)
      %dma_wait3A_203 = arith.constant 0 : i32
      %dma_wait3A_204 = tpu.memref_slice %arg7[%mul3A_0, %dma_wait3A_203] : memref<10240x72xf32, #tpu.memory_space<vmem_shared>> -> memref<640x72xf32, #tpu.memory_space<vmem_shared>>
      %dma_wait3A_205 = arith.constant 0 : i32
      %dma_wait3A_206 = arith.constant 0 : i32
      %dma_wait3A_207 = tpu.memref_slice %arg5[%dma_wait3A_205, %dma_wait3A_206] : memref<640x72xf32, #tpu.memory_space<hbm>> -> memref<640x72xf32, #tpu.memory_space<hbm>>
      tpu.wait_dma2 semaphore(%run_scoped3A : memref<!tpu.dma_semaphore, #tpu.memory_space<semaphore_mem>>) src(%dma_wait3A_207 : memref<640x72xf32, #tpu.memory_space<hbm>>) dst(%dma_wait3A_204 : memref<640x72xf32, #tpu.memory_space<vmem_shared>>)
      tpu.yield
    }) : () -> ()
    "tpu.region"() ({
      %run_scoped3A = tpu.sem_alloc : memref<!tpu.dma_semaphore, #tpu.memory_space<semaphore_mem>>
      %dma_start3A_198 = arith.constant 0 : i32
      %dma_start3A_199 = arith.constant 0 : i32
      %dma_start3A_200 = tpu.memref_slice %arg5[%dma_start3A_198, %dma_start3A_199] : memref<640x72xf32, #tpu.memory_space<hbm>> -> memref<80x72xf32, #tpu.memory_space<hbm>>
      %dma_start3A_201 = arith.constant 0 : i32
      %dma_start3A_202 = arith.constant 0 : i32
      %dma_start3A_203 = tpu.memref_slice %arg5[%dma_start3A_201, %dma_start3A_202] : memref<640x72xf32, #tpu.memory_space<hbm>> -> memref<80x72xf32, #tpu.memory_space<hbm>>
      tpu.enqueue_dma source(%dma_start3A_203 : memref<80x72xf32, #tpu.memory_space<hbm>>) target(%arg11 : memref<80x72xf32, #tpu.memory_space<vmem>>) target_semaphore(%run_scoped3A : memref<!tpu.dma_semaphore, #tpu.memory_space<semaphore_mem>>)
      %dma_wait3A_204 = arith.constant 0 : i32
      %dma_wait3A_205 = arith.constant 0 : i32
      %dma_wait3A_206 = tpu.memref_slice %arg5[%dma_wait3A_204, %dma_wait3A_205] : memref<640x72xf32, #tpu.memory_space<hbm>> -> memref<80x72xf32, #tpu.memory_space<hbm>>
      %dma_wait3A_207 = arith.constant 0 : i32
      %dma_wait3A_208 = arith.constant 0 : i32
      %dma_wait3A_209 = tpu.memref_slice %arg5[%dma_wait3A_207, %dma_wait3A_208] : memref<640x72xf32, #tpu.memory_space<hbm>> -> memref<80x72xf32, #tpu.memory_space<hbm>>
      tpu.wait_dma2 semaphore(%run_scoped3A : memref<!tpu.dma_semaphore, #tpu.memory_space<semaphore_mem>>) src(%dma_wait3A_209 : memref<80x72xf32, #tpu.memory_space<hbm>>) dst(%arg11 : memref<80x72xf32, #tpu.memory_space<vmem>>)
      tpu.yield
    }) : () -> ()
    "tpu.region"() ({
      %run_scoped3A = tpu.sem_alloc : memref<!tpu.dma_semaphore, #tpu.memory_space<semaphore_mem>>
      %dma_start3A_198 = arith.constant 0 : i32
      %dma_start3A_199 = arith.constant 0 : i32
      %dma_start3A_200 = tpu.memref_slice %arg5[%dma_start3A_198, %dma_start3A_199] : memref<640x72xf32, #tpu.memory_space<hbm>> -> memref<80x72xf32, #tpu.memory_space<hbm>>
      %dma_start3A_201 = arith.constant 0 : i32
      %dma_start3A_202 = arith.constant 0 : i32
      %dma_start3A_203 = tpu.memref_slice %arg5[%dma_start3A_201, %dma_start3A_202] : memref<640x72xf32, #tpu.memory_space<hbm>> -> memref<80x72xf32, #tpu.memory_space<hbm>>
      tpu.enqueue_dma source(%dma_start3A_203 : memref<80x72xf32, #tpu.memory_space<hbm>>) target(%arg15 : memref<80x72xf32, #tpu.memory_space<vmem>>) target_semaphore(%run_scoped3A : memref<!tpu.dma_semaphore, #tpu.memory_space<semaphore_mem>>)
      %dma_wait3A_204 = arith.constant 0 : i32
      %dma_wait3A_205 = arith.constant 0 : i32
      %dma_wait3A_206 = tpu.memref_slice %arg5[%dma_wait3A_204, %dma_wait3A_205] : memref<640x72xf32, #tpu.memory_space<hbm>> -> memref<80x72xf32, #tpu.memory_space<hbm>>
      %dma_wait3A_207 = arith.constant 0 : i32
      %dma_wait3A_208 = arith.constant 0 : i32
      %dma_wait3A_209 = tpu.memref_slice %arg5[%dma_wait3A_207, %dma_wait3A_208] : memref<640x72xf32, #tpu.memory_space<hbm>> -> memref<80x72xf32, #tpu.memory_space<hbm>>
      tpu.wait_dma2 semaphore(%run_scoped3A : memref<!tpu.dma_semaphore, #tpu.memory_space<semaphore_mem>>) src(%dma_wait3A_209 : memref<80x72xf32, #tpu.memory_space<hbm>>) dst(%arg15 : memref<80x72xf32, #tpu.memory_space<vmem>>)
      tpu.yield
    }) : () -> ()
    %barrier3A = arith.constant 0 : index
    tpu.barrier barrier_id(%barrier3A)
    %iota3A = tpu.iota {dimensions = array<i32: 0>} : vector<16xi32>
    %broadcast_in_dim3A = arith.constant 0 : i32
    %broadcast_in_dim3A_3 = vector.broadcast %broadcast_in_dim3A : i32 to vector<16xi32>
    %broadcast_in_dim3A_4 = arith.constant 32 : i32
    %broadcast_in_dim3A_5 = vector.broadcast %broadcast_in_dim3A_4 : i32 to vector<16xi32>
    %broadcast_in_dim3A_6 = arith.constant 64 : i32
    %broadcast_in_dim3A_7 = vector.broadcast %broadcast_in_dim3A_6 : i32 to vector<16xi32>
    %broadcast_in_dim3A_8 = arith.constant 96 : i32
    %broadcast_in_dim3A_9 = vector.broadcast %broadcast_in_dim3A_8 : i32 to vector<16xi32>
    %add3A = arith.constant 0 : i32
    %add3A_10 = arith.addi %mul3A_2, %add3A : i32
    %mul3A_11 = arith.constant 2 : i32
    %mul3A_12 = arith.muli %mul3A_11, %add3A_10 : i32
    %dma_start3A = arith.constant 0 : i32
    %dma_start3A_13 = tpu.memref_slice %arg2[%mul3A_12, %dma_start3A] : memref<8000x80xi32, #tpu.memory_space<hbm>> -> memref<2x80xi32, #tpu.memory_space<hbm>>
    %dma_start3A_14 = arith.constant 0 : i32
    %dma_start3A_15 = tpu.memref_slice %arg2[%mul3A_12, %dma_start3A_14] : memref<8000x80xi32, #tpu.memory_space<hbm>> -> memref<2x80xi32, #tpu.memory_space<hbm>>
    tpu.enqueue_dma source(%dma_start3A_15 : memref<2x80xi32, #tpu.memory_space<hbm>>) target(%arg8 : memref<2x80xi32, #tpu.memory_space<vmem>>) target_semaphore(%arg19 : memref<!tpu.dma_semaphore, #tpu.memory_space<semaphore_mem>>)
    %dma_wait3A = arith.constant 0 : i32
    %dma_wait3A_16 = arith.constant 0 : i32
    %dma_wait3A_17 = tpu.memref_slice %arg2[%dma_wait3A, %dma_wait3A_16] : memref<8000x80xi32, #tpu.memory_space<hbm>> -> memref<2x80xi32, #tpu.memory_space<hbm>>
    %dma_wait3A_18 = arith.constant 0 : i32
    %dma_wait3A_19 = arith.constant 0 : i32
    %dma_wait3A_20 = tpu.memref_slice %arg2[%dma_wait3A_18, %dma_wait3A_19] : memref<8000x80xi32, #tpu.memory_space<hbm>> -> memref<2x80xi32, #tpu.memory_space<hbm>>
    tpu.wait_dma2 semaphore(%arg19 : memref<!tpu.dma_semaphore, #tpu.memory_space<semaphore_mem>>) src(%dma_wait3A_20 : memref<2x80xi32, #tpu.memory_space<hbm>>) dst(%arg8 : memref<2x80xi32, #tpu.memory_space<vmem>>)
    %dma_start3A_21 = arith.constant 0 : i32
    %dma_start3A_22 = arith.constant 0 : i32
    %dma_start3A_23 = tpu.memref_slice %arg8[%dma_start3A_21, %dma_start3A_22] : memref<2x80xi32, #tpu.memory_space<vmem>> -> memref<1x80xi32, #tpu.memory_space<vmem>>
    %dma_start3A_24 = tpu.memref_squeeze %dma_start3A_23 : memref<1x80xi32, #tpu.memory_space<vmem>> -> memref<80xi32, #tpu.memory_space<vmem>>
    %dma_start3A_25 = arith.constant 0 : i32
    %dma_start3A_26 = arith.constant 0 : i32
    %dma_start3A_27 = tpu.memref_slice %arg3[%arg0, %dma_start3A_25, %dma_start3A_26] : memref<2x10000x64xf32, #tpu.memory_space<hbm>> -> memref<1x10000x64xf32, #tpu.memory_space<hbm>>
    %dma_start3A_28 = tpu.memref_squeeze %dma_start3A_27 : memref<1x10000x64xf32, #tpu.memory_space<hbm>> -> memref<10000x64xf32, #tpu.memory_space<hbm>>
    %dma_start3A_29 = arith.constant 0 : i32
    %dma_start3A_30 = arith.constant 0 : i32
    %dma_start3A_31 = tpu.memref_slice %dma_start3A_28[%dma_start3A_29, %dma_start3A_30] : memref<10000x64xf32, #tpu.memory_space<hbm>> -> memref<10000x64xf32, #tpu.memory_space<hbm>>
    tpu.enqueue_indirect_dma source(%dma_start3A_31 : memref<10000x64xf32, #tpu.memory_space<hbm>>) target(%arg9 : memref<80x64xf32, #tpu.memory_space<vmem>>) offsets(%dma_start3A_24 : memref<80xi32, #tpu.memory_space<vmem>>) semaphore(%arg18 : memref<!tpu.dma_semaphore, #tpu.memory_space<semaphore_mem>>)
    %dma_start3A_32 = arith.constant 1 : i32
    %dma_start3A_33 = arith.constant 0 : i32
    %dma_start3A_34 = tpu.memref_slice %arg8[%dma_start3A_32, %dma_start3A_33] : memref<2x80xi32, #tpu.memory_space<vmem>> -> memref<1x80xi32, #tpu.memory_space<vmem>>
    %dma_start3A_35 = tpu.memref_squeeze %dma_start3A_34 : memref<1x80xi32, #tpu.memory_space<vmem>> -> memref<80xi32, #tpu.memory_space<vmem>>
    %dma_start3A_36 = arith.constant 0 : i32
    %dma_start3A_37 = arith.constant 0 : i32
    %dma_start3A_38 = tpu.memref_slice %arg4[%arg0, %dma_start3A_36, %dma_start3A_37] : memref<2x10000x128xf32, #tpu.memory_space<hbm>> -> memref<1x10000x128xf32, #tpu.memory_space<hbm>>
    %dma_start3A_39 = tpu.memref_squeeze %dma_start3A_38 : memref<1x10000x128xf32, #tpu.memory_space<hbm>> -> memref<10000x128xf32, #tpu.memory_space<hbm>>
    %dma_start3A_40 = arith.constant 0 : i32
    %dma_start3A_41 = arith.constant 0 : i32
    %dma_start3A_42 = tpu.memref_slice %dma_start3A_39[%dma_start3A_40, %dma_start3A_41] : memref<10000x128xf32, #tpu.memory_space<hbm>> -> memref<10000x128xf32, #tpu.memory_space<hbm>>
    tpu.enqueue_indirect_dma source(%dma_start3A_42 : memref<10000x128xf32, #tpu.memory_space<hbm>>) target(%arg10 : memref<80x128xf32, #tpu.memory_space<vmem>>) offsets(%dma_start3A_35 : memref<80xi32, #tpu.memory_space<vmem>>) semaphore(%arg18 : memref<!tpu.dma_semaphore, #tpu.memory_space<semaphore_mem>>)
    %add3A_43 = arith.constant 1 : i32
    %add3A_44 = arith.addi %mul3A_2, %add3A_43 : i32
    %mul3A_45 = arith.constant 2 : i32
    %mul3A_46 = arith.muli %mul3A_45, %add3A_44 : i32
    %dma_start3A_47 = arith.constant 0 : i32
    %dma_start3A_48 = tpu.memref_slice %arg2[%mul3A_46, %dma_start3A_47] : memref<8000x80xi32, #tpu.memory_space<hbm>> -> memref<2x80xi32, #tpu.memory_space<hbm>>
    %dma_start3A_49 = arith.constant 0 : i32
    %dma_start3A_50 = tpu.memref_slice %arg2[%mul3A_46, %dma_start3A_49] : memref<8000x80xi32, #tpu.memory_space<hbm>> -> memref<2x80xi32, #tpu.memory_space<hbm>>
    tpu.enqueue_dma source(%dma_start3A_50 : memref<2x80xi32, #tpu.memory_space<hbm>>) target(%arg12 : memref<2x80xi32, #tpu.memory_space<vmem>>) target_semaphore(%arg19 : memref<!tpu.dma_semaphore, #tpu.memory_space<semaphore_mem>>)
    %scan3A = arith.constant 0 : i32
    %scan3A_51 = arith.constant 0 : i32
    %scan3A_52 = arith.constant 62 : i32
    %scan3A_53 = arith.addi %scan3A_51, %scan3A_52 : i32
    %scan3A_54 = arith.constant 1 : i32
    %scan3A_55 = scf.for %scan3A_198 = %scan3A_51 to %scan3A_53 step %scan3A_54 iter_args(%scan3A_199 = %scan3A) -> (i32)  : i32 {
      %mul3A_200 = arith.constant 4 : i32
      %mul3A_201 = arith.muli %mul3A_200, %scan3A_198 : i32
      %add3A_202 = arith.constant 0 : i32
      %add3A_203 = arith.addi %mul3A_201, %add3A_202 : i32
      %dma_wait3A_204 = arith.constant 0 : i32
      %dma_wait3A_205 = arith.constant 0 : i32
      %dma_wait3A_206 = tpu.memref_slice %arg2[%dma_wait3A_204, %dma_wait3A_205] : memref<8000x80xi32, #tpu.memory_space<hbm>> -> memref<2x80xi32, #tpu.memory_space<hbm>>
      %dma_wait3A_207 = arith.constant 0 : i32
      %dma_wait3A_208 = arith.constant 0 : i32
      %dma_wait3A_209 = tpu.memref_slice %arg2[%dma_wait3A_207, %dma_wait3A_208] : memref<8000x80xi32, #tpu.memory_space<hbm>> -> memref<2x80xi32, #tpu.memory_space<hbm>>
      tpu.wait_dma2 semaphore(%arg19 : memref<!tpu.dma_semaphore, #tpu.memory_space<semaphore_mem>>) src(%dma_wait3A_209 : memref<2x80xi32, #tpu.memory_space<hbm>>) dst(%arg12 : memref<2x80xi32, #tpu.memory_space<vmem>>)
      %dma_start3A_210 = arith.constant 0 : i32
      %dma_start3A_211 = arith.constant 0 : i32
      %dma_start3A_212 = tpu.memref_slice %arg12[%dma_start3A_210, %dma_start3A_211] : memref<2x80xi32, #tpu.memory_space<vmem>> -> memref<1x80xi32, #tpu.memory_space<vmem>>
      %dma_start3A_213 = tpu.memref_squeeze %dma_start3A_212 : memref<1x80xi32, #tpu.memory_space<vmem>> -> memref<80xi32, #tpu.memory_space<vmem>>
      %dma_start3A_214 = arith.constant 0 : i32
      %dma_start3A_215 = arith.constant 0 : i32
      %dma_start3A_216 = tpu.memref_slice %arg3[%arg0, %dma_start3A_214, %dma_start3A_215] : memref<2x10000x64xf32, #tpu.memory_space<hbm>> -> memref<1x10000x64xf32, #tpu.memory_space<hbm>>
      %dma_start3A_217 = tpu.memref_squeeze %dma_start3A_216 : memref<1x10000x64xf32, #tpu.memory_space<hbm>> -> memref<10000x64xf32, #tpu.memory_space<hbm>>
      %dma_start3A_218 = arith.constant 0 : i32
      %dma_start3A_219 = arith.constant 0 : i32
      %dma_start3A_220 = tpu.memref_slice %dma_start3A_217[%dma_start3A_218, %dma_start3A_219] : memref<10000x64xf32, #tpu.memory_space<hbm>> -> memref<10000x64xf32, #tpu.memory_space<hbm>>
      tpu.enqueue_indirect_dma source(%dma_start3A_220 : memref<10000x64xf32, #tpu.memory_space<hbm>>) target(%arg13 : memref<80x64xf32, #tpu.memory_space<vmem>>) offsets(%dma_start3A_213 : memref<80xi32, #tpu.memory_space<vmem>>) semaphore(%arg18 : memref<!tpu.dma_semaphore, #tpu.memory_space<semaphore_mem>>)
      %dma_start3A_221 = arith.constant 1 : i32
      %dma_start3A_222 = arith.constant 0 : i32
      %dma_start3A_223 = tpu.memref_slice %arg12[%dma_start3A_221, %dma_start3A_222] : memref<2x80xi32, #tpu.memory_space<vmem>> -> memref<1x80xi32, #tpu.memory_space<vmem>>
      %dma_start3A_224 = tpu.memref_squeeze %dma_start3A_223 : memref<1x80xi32, #tpu.memory_space<vmem>> -> memref<80xi32, #tpu.memory_space<vmem>>
      %dma_start3A_225 = arith.constant 0 : i32
      %dma_start3A_226 = arith.constant 0 : i32
      %dma_start3A_227 = tpu.memref_slice %arg4[%arg0, %dma_start3A_225, %dma_start3A_226] : memref<2x10000x128xf32, #tpu.memory_space<hbm>> -> memref<1x10000x128xf32, #tpu.memory_space<hbm>>
      %dma_start3A_228 = tpu.memref_squeeze %dma_start3A_227 : memref<1x10000x128xf32, #tpu.memory_space<hbm>> -> memref<10000x128xf32, #tpu.memory_space<hbm>>
      %dma_start3A_229 = arith.constant 0 : i32
      %dma_start3A_230 = arith.constant 0 : i32
      %dma_start3A_231 = tpu.memref_slice %dma_start3A_228[%dma_start3A_229, %dma_start3A_230] : memref<10000x128xf32, #tpu.memory_space<hbm>> -> memref<10000x128xf32, #tpu.memory_space<hbm>>
      tpu.enqueue_indirect_dma source(%dma_start3A_231 : memref<10000x128xf32, #tpu.memory_space<hbm>>) target(%arg14 : memref<80x128xf32, #tpu.memory_space<vmem>>) offsets(%dma_start3A_224 : memref<80xi32, #tpu.memory_space<vmem>>) semaphore(%arg18 : memref<!tpu.dma_semaphore, #tpu.memory_space<semaphore_mem>>)
      %dma_wait3A_232 = arith.constant 0 : i32
      %dma_wait3A_233 = arith.constant 0 : i32
      %dma_wait3A_234 = tpu.memref_slice %arg3[%arg0, %dma_wait3A_232, %dma_wait3A_233] : memref<2x10000x64xf32, #tpu.memory_space<hbm>> -> memref<1x10000x64xf32, #tpu.memory_space<hbm>>
      %dma_wait3A_235 = tpu.memref_squeeze %dma_wait3A_234 : memref<1x10000x64xf32, #tpu.memory_space<hbm>> -> memref<10000x64xf32, #tpu.memory_space<hbm>>
      %dma_wait3A_236 = arith.constant 0 : i32
      %dma_wait3A_237 = arith.constant 0 : i32
      %dma_wait3A_238 = tpu.memref_slice %dma_wait3A_235[%dma_wait3A_236, %dma_wait3A_237] : memref<10000x64xf32, #tpu.memory_space<hbm>> -> memref<80x64xf32, #tpu.memory_space<hbm>>
      %dma_wait3A_239 = arith.constant 0 : i32
      %dma_wait3A_240 = arith.constant 0 : i32
      %dma_wait3A_241 = tpu.memref_slice %arg3[%arg0, %dma_wait3A_239, %dma_wait3A_240] : memref<2x10000x64xf32, #tpu.memory_space<hbm>> -> memref<1x10000x64xf32, #tpu.memory_space<hbm>>
      %dma_wait3A_242 = tpu.memref_squeeze %dma_wait3A_241 : memref<1x10000x64xf32, #tpu.memory_space<hbm>> -> memref<10000x64xf32, #tpu.memory_space<hbm>>
      %dma_wait3A_243 = arith.constant 0 : i32
      %dma_wait3A_244 = arith.constant 0 : i32
      %dma_wait3A_245 = tpu.memref_slice %dma_wait3A_242[%dma_wait3A_243, %dma_wait3A_244] : memref<10000x64xf32, #tpu.memory_space<hbm>> -> memref<80x64xf32, #tpu.memory_space<hbm>>
      tpu.wait_dma2 semaphore(%arg18 : memref<!tpu.dma_semaphore, #tpu.memory_space<semaphore_mem>>) src(%dma_wait3A_245 : memref<80x64xf32, #tpu.memory_space<hbm>>) dst(%arg9 : memref<80x64xf32, #tpu.memory_space<vmem>>)
      %dma_wait3A_246 = arith.constant 0 : i32
      %dma_wait3A_247 = arith.constant 0 : i32
      %dma_wait3A_248 = tpu.memref_slice %arg4[%arg0, %dma_wait3A_246, %dma_wait3A_247] : memref<2x10000x128xf32, #tpu.memory_space<hbm>> -> memref<1x10000x128xf32, #tpu.memory_space<hbm>>
      %dma_wait3A_249 = tpu.memref_squeeze %dma_wait3A_248 : memref<1x10000x128xf32, #tpu.memory_space<hbm>> -> memref<10000x128xf32, #tpu.memory_space<hbm>>
      %dma_wait3A_250 = arith.constant 0 : i32
      %dma_wait3A_251 = arith.constant 0 : i32
      %dma_wait3A_252 = tpu.memref_slice %dma_wait3A_249[%dma_wait3A_250, %dma_wait3A_251] : memref<10000x128xf32, #tpu.memory_space<hbm>> -> memref<80x128xf32, #tpu.memory_space<hbm>>
      %dma_wait3A_253 = arith.constant 0 : i32
      %dma_wait3A_254 = arith.constant 0 : i32
      %dma_wait3A_255 = tpu.memref_slice %arg4[%arg0, %dma_wait3A_253, %dma_wait3A_254] : memref<2x10000x128xf32, #tpu.memory_space<hbm>> -> memref<1x10000x128xf32, #tpu.memory_space<hbm>>
      %dma_wait3A_256 = tpu.memref_squeeze %dma_wait3A_255 : memref<1x10000x128xf32, #tpu.memory_space<hbm>> -> memref<10000x128xf32, #tpu.memory_space<hbm>>
      %dma_wait3A_257 = arith.constant 0 : i32
      %dma_wait3A_258 = arith.constant 0 : i32
      %dma_wait3A_259 = tpu.memref_slice %dma_wait3A_256[%dma_wait3A_257, %dma_wait3A_258] : memref<10000x128xf32, #tpu.memory_space<hbm>> -> memref<80x128xf32, #tpu.memory_space<hbm>>
      tpu.wait_dma2 semaphore(%arg18 : memref<!tpu.dma_semaphore, #tpu.memory_space<semaphore_mem>>) src(%dma_wait3A_259 : memref<80x128xf32, #tpu.memory_space<hbm>>) dst(%arg10 : memref<80x128xf32, #tpu.memory_space<vmem>>)
      %ge3A = arith.constant 2 : i32
      %ge3A_260 = arith.cmpi sge, %add3A_203, %ge3A : i32
      %convert_element_type3A = arith.extui %ge3A_260 : i1 to i32
      %cond3A = arith.constant 0 : i32
      %cond3A_261 = arith.cmpi ne, %convert_element_type3A, %cond3A : i32
      scf.if %cond3A_261 {
        %dma_wait3A_550 = arith.constant 0 : i32
        %dma_wait3A_551 = arith.constant 0 : i32
        %dma_wait3A_552 = tpu.memref_slice %arg8[%dma_wait3A_550, %dma_wait3A_551] : memref<2x80xi32, #tpu.memory_space<vmem>> -> memref<1x80xi32, #tpu.memory_space<vmem>>
        %dma_wait3A_553 = tpu.memref_squeeze %dma_wait3A_552 : memref<1x80xi32, #tpu.memory_space<vmem>> -> memref<80xi32, #tpu.memory_space<vmem>>
        %dma_wait3A_554 = arith.constant 0 : i32
        %dma_wait3A_555 = arith.constant 0 : i32
        %dma_wait3A_556 = tpu.memref_slice %arg7[%dma_wait3A_554, %dma_wait3A_555] : memref<10240x72xf32, #tpu.memory_space<vmem_shared>> -> memref<10240x72xf32, #tpu.memory_space<vmem_shared>>
        tpu.wait_indirect_dma semaphore(%arg20 : memref<!tpu.dma_semaphore, #tpu.memory_space<semaphore_mem>>) src(%arg11 : memref<80x72xf32, #tpu.memory_space<vmem>>) dst(%dma_wait3A_556 : memref<10240x72xf32, #tpu.memory_space<vmem_shared>>)
      } else {
      }
      %add3A_262 = arith.constant 2 : i32
      %add3A_263 = arith.addi %add3A_203, %add3A_262 : i32
      %add3A_264 = arith.addi %mul3A_2, %add3A_263 : i32
      %mul3A_265 = arith.constant 2 : i32
      %mul3A_266 = arith.muli %mul3A_265, %add3A_264 : i32
      %dma_start3A_267 = arith.constant 0 : i32
      %dma_start3A_268 = tpu.memref_slice %arg2[%mul3A_266, %dma_start3A_267] : memref<8000x80xi32, #tpu.memory_space<hbm>> -> memref<2x80xi32, #tpu.memory_space<hbm>>
      %dma_start3A_269 = arith.constant 0 : i32
      %dma_start3A_270 = tpu.memref_slice %arg2[%mul3A_266, %dma_start3A_269] : memref<8000x80xi32, #tpu.memory_space<hbm>> -> memref<2x80xi32, #tpu.memory_space<hbm>>
      tpu.enqueue_dma source(%dma_start3A_270 : memref<2x80xi32, #tpu.memory_space<hbm>>) target(%arg16 : memref<2x80xi32, #tpu.memory_space<vmem>>) target_semaphore(%arg19 : memref<!tpu.dma_semaphore, #tpu.memory_space<semaphore_mem>>)
      %scan3A_271 = arith.constant 0 : i32
      %scan3A_272 = arith.constant 0 : i32
      %scan3A_273 = arith.constant 5 : i32
      %scan3A_274 = arith.addi %scan3A_272, %scan3A_273 : i32
      %scan3A_275 = arith.constant 1 : i32
      %scan3A_276 = scf.for %scan3A_550 = %scan3A_272 to %scan3A_274 step %scan3A_275 iter_args(%scan3A_551 = %scan3A_271) -> (i32)  : i32 {
        %mul3A_552 = arith.constant 16 : i32
        %mul3A_553 = arith.muli %scan3A_550, %mul3A_552 : i32
        %add3A_554 = vector.broadcast %mul3A_553 : i32 to vector<16xi32>
        %add3A_555 = arith.addi %add3A_554, %iota3A : vector<16xi32>
        %broadcast_in_dim3A_556 = arith.constant 0.000000e+00 : f32
        %broadcast_in_dim3A_557 = vector.broadcast %broadcast_in_dim3A_556 : f32 to vector<16xf32>
        %scan3A_558 = arith.constant 0 : i32
        %scan3A_559 = arith.constant 4 : i32
        %scan3A_560 = arith.addi %scan3A_558, %scan3A_559 : i32
        %scan3A_561 = arith.constant 1 : i32
        %scan3A_562:2 = scf.for %scan3A_586 = %scan3A_558 to %scan3A_560 step %scan3A_561 iter_args(%scan3A_587 = %broadcast_in_dim3A_557, %scan3A_588 = %broadcast_in_dim3A_557) -> (vector<16xf32>, vector<16xf32>)  : i32 {
          %mul3A_589 = arith.constant 8 : i32
          %mul3A_590 = arith.muli %scan3A_586, %mul3A_589 : i32
          %add3A_591 = arith.constant 0 : i32
          %add3A_592 = arith.addi %mul3A_590, %add3A_591 : i32
          %add3A_593 = vector.broadcast %add3A_592 : i32 to vector<16xi32>
          %add3A_594 = arith.addi %iota3A, %add3A_593 : vector<16xi32>
          %and3A = arith.constant 31 : i32
          %and3A_595 = vector.broadcast %and3A : i32 to vector<16xi32>
          %and3A_596 = arith.andi %add3A_594, %and3A_595 : vector<16xi32>
          %add3A_597 = arith.addi %broadcast_in_dim3A_3, %and3A_596 : vector<16xi32>
          %gather3A = tpu.vector_load_idx %arg9[%add3A_555, %add3A_597] : memref<80x64xf32, #tpu.memory_space<vmem>>[vector<16xi32>, vector<16xi32>], vector<16xf32>,
          %gather3A_598 = tpu.vector_load_idx %arg10[%add3A_555, %add3A_597] : memref<80x128xf32, #tpu.memory_space<vmem>>[vector<16xi32>, vector<16xi32>], vector<16xf32>,
          %mul3A_599 = arith.mulf %gather3A, %gather3A_598 : vector<16xf32>
          %add3A_600 = arith.addf %scan3A_587, %mul3A_599 : vector<16xf32>
          %add3A_601 = arith.addi %broadcast_in_dim3A_5, %and3A_596 : vector<16xi32>
          %gather3A_602 = tpu.vector_load_idx %arg9[%add3A_555, %add3A_601] : memref<80x64xf32, #tpu.memory_space<vmem>>[vector<16xi32>, vector<16xi32>], vector<16xf32>,
          %gather3A_603 = tpu.vector_load_idx %arg10[%add3A_555, %add3A_601] : memref<80x128xf32, #tpu.memory_space<vmem>>[vector<16xi32>, vector<16xi32>], vector<16xf32>,
          %mul3A_604 = arith.mulf %gather3A_602, %gather3A_603 : vector<16xf32>
          %add3A_605 = arith.addf %scan3A_588, %mul3A_604 : vector<16xf32>
          %mul3A_606 = arith.constant 8 : i32
          %mul3A_607 = arith.muli %scan3A_586, %mul3A_606 : i32
          %add3A_608 = arith.constant 1 : i32
          %add3A_609 = arith.addi %mul3A_607, %add3A_608 : i32
          %add3A_610 = vector.broadcast %add3A_609 : i32 to vector<16xi32>
          %add3A_611 = arith.addi %iota3A, %add3A_610 : vector<16xi32>
          %and3A_612 = arith.constant 31 : i32
          %and3A_613 = vector.broadcast %and3A_612 : i32 to vector<16xi32>
          %and3A_614 = arith.andi %add3A_611, %and3A_613 : vector<16xi32>
          %add3A_615 = arith.addi %broadcast_in_dim3A_3, %and3A_614 : vector<16xi32>
          %gather3A_616 = tpu.vector_load_idx %arg9[%add3A_555, %add3A_615] : memref<80x64xf32, #tpu.memory_space<vmem>>[vector<16xi32>, vector<16xi32>], vector<16xf32>,
          %gather3A_617 = tpu.vector_load_idx %arg10[%add3A_555, %add3A_615] : memref<80x128xf32, #tpu.memory_space<vmem>>[vector<16xi32>, vector<16xi32>], vector<16xf32>,
          %mul3A_618 = arith.mulf %gather3A_616, %gather3A_617 : vector<16xf32>
          %add3A_619 = arith.addf %add3A_600, %mul3A_618 : vector<16xf32>
          %add3A_620 = arith.addi %broadcast_in_dim3A_5, %and3A_614 : vector<16xi32>
          %gather3A_621 = tpu.vector_load_idx %arg9[%add3A_555, %add3A_620] : memref<80x64xf32, #tpu.memory_space<vmem>>[vector<16xi32>, vector<16xi32>], vector<16xf32>,
          %gather3A_622 = tpu.vector_load_idx %arg10[%add3A_555, %add3A_620] : memref<80x128xf32, #tpu.memory_space<vmem>>[vector<16xi32>, vector<16xi32>], vector<16xf32>,
          %mul3A_623 = arith.mulf %gather3A_621, %gather3A_622 : vector<16xf32>
          %add3A_624 = arith.addf %add3A_605, %mul3A_623 : vector<16xf32>
          %mul3A_625 = arith.constant 8 : i32
          %mul3A_626 = arith.muli %scan3A_586, %mul3A_625 : i32
          %add3A_627 = arith.constant 2 : i32
          %add3A_628 = arith.addi %mul3A_626, %add3A_627 : i32
          %add3A_629 = vector.broadcast %add3A_628 : i32 to vector<16xi32>
          %add3A_630 = arith.addi %iota3A, %add3A_629 : vector<16xi32>
          %and3A_631 = arith.constant 31 : i32
          %and3A_632 = vector.broadcast %and3A_631 : i32 to vector<16xi32>
          %and3A_633 = arith.andi %add3A_630, %and3A_632 : vector<16xi32>
          %add3A_634 = arith.addi %broadcast_in_dim3A_3, %and3A_633 : vector<16xi32>
          %gather3A_635 = tpu.vector_load_idx %arg9[%add3A_555, %add3A_634] : memref<80x64xf32, #tpu.memory_space<vmem>>[vector<16xi32>, vector<16xi32>], vector<16xf32>,
          %gather3A_636 = tpu.vector_load_idx %arg10[%add3A_555, %add3A_634] : memref<80x128xf32, #tpu.memory_space<vmem>>[vector<16xi32>, vector<16xi32>], vector<16xf32>,
          %mul3A_637 = arith.mulf %gather3A_635, %gather3A_636 : vector<16xf32>
          %add3A_638 = arith.addf %add3A_619, %mul3A_637 : vector<16xf32>
          %add3A_639 = arith.addi %broadcast_in_dim3A_5, %and3A_633 : vector<16xi32>
          %gather3A_640 = tpu.vector_load_idx %arg9[%add3A_555, %add3A_639] : memref<80x64xf32, #tpu.memory_space<vmem>>[vector<16xi32>, vector<16xi32>], vector<16xf32>,
          %gather3A_641 = tpu.vector_load_idx %arg10[%add3A_555, %add3A_639] : memref<80x128xf32, #tpu.memory_space<vmem>>[vector<16xi32>, vector<16xi32>], vector<16xf32>,
          %mul3A_642 = arith.mulf %gather3A_640, %gather3A_641 : vector<16xf32>
          %add3A_643 = arith.addf %add3A_624, %mul3A_642 : vector<16xf32>
          %mul3A_644 = arith.constant 8 : i32
          %mul3A_645 = arith.muli %scan3A_586, %mul3A_644 : i32
          %add3A_646 = arith.constant 3 : i32
          %add3A_647 = arith.addi %mul3A_645, %add3A_646 : i32
          %add3A_648 = vector.broadcast %add3A_647 : i32 to vector<16xi32>
          %add3A_649 = arith.addi %iota3A, %add3A_648 : vector<16xi32>
          %and3A_650 = arith.constant 31 : i32
          %and3A_651 = vector.broadcast %and3A_650 : i32 to vector<16xi32>
          %and3A_652 = arith.andi %add3A_649, %and3A_651 : vector<16xi32>
          %add3A_653 = arith.addi %broadcast_in_dim3A_3, %and3A_652 : vector<16xi32>
          %gather3A_654 = tpu.vector_load_idx %arg9[%add3A_555, %add3A_653] : memref<80x64xf32, #tpu.memory_space<vmem>>[vector<16xi32>, vector<16xi32>], vector<16xf32>,
          %gather3A_655 = tpu.vector_load_idx %arg10[%add3A_555, %add3A_653] : memref<80x128xf32, #tpu.memory_space<vmem>>[vector<16xi32>, vector<16xi32>], vector<16xf32>,
          %mul3A_656 = arith.mulf %gather3A_654, %gather3A_655 : vector<16xf32>
          %add3A_657 = arith.addf %add3A_638, %mul3A_656 : vector<16xf32>
          %add3A_658 = arith.addi %broadcast_in_dim3A_5, %and3A_652 : vector<16xi32>
          %gather3A_659 = tpu.vector_load_idx %arg9[%add3A_555, %add3A_658] : memref<80x64xf32, #tpu.memory_space<vmem>>[vector<16xi32>, vector<16xi32>], vector<16xf32>,
          %gather3A_660 = tpu.vector_load_idx %arg10[%add3A_555, %add3A_658] : memref<80x128xf32, #tpu.memory_space<vmem>>[vector<16xi32>, vector<16xi32>], vector<16xf32>,
          %mul3A_661 = arith.mulf %gather3A_659, %gather3A_660 : vector<16xf32>
          %add3A_662 = arith.addf %add3A_643, %mul3A_661 : vector<16xf32>
          %mul3A_663 = arith.constant 8 : i32
          %mul3A_664 = arith.muli %scan3A_586, %mul3A_663 : i32
          %add3A_665 = arith.constant 4 : i32
          %add3A_666 = arith.addi %mul3A_664, %add3A_665 : i32
          %add3A_667 = vector.broadcast %add3A_666 : i32 to vector<16xi32>
          %add3A_668 = arith.addi %iota3A, %add3A_667 : vector<16xi32>
          %and3A_669 = arith.constant 31 : i32
          %and3A_670 = vector.broadcast %and3A_669 : i32 to vector<16xi32>
          %and3A_671 = arith.andi %add3A_668, %and3A_670 : vector<16xi32>
          %add3A_672 = arith.addi %broadcast_in_dim3A_3, %and3A_671 : vector<16xi32>
          %gather3A_673 = tpu.vector_load_idx %arg9[%add3A_555, %add3A_672] : memref<80x64xf32, #tpu.memory_space<vmem>>[vector<16xi32>, vector<16xi32>], vector<16xf32>,
          %gather3A_674 = tpu.vector_load_idx %arg10[%add3A_555, %add3A_672] : memref<80x128xf32, #tpu.memory_space<vmem>>[vector<16xi32>, vector<16xi32>], vector<16xf32>,
          %mul3A_675 = arith.mulf %gather3A_673, %gather3A_674 : vector<16xf32>
          %add3A_676 = arith.addf %add3A_657, %mul3A_675 : vector<16xf32>
          %add3A_677 = arith.addi %broadcast_in_dim3A_5, %and3A_671 : vector<16xi32>
          %gather3A_678 = tpu.vector_load_idx %arg9[%add3A_555, %add3A_677] : memref<80x64xf32, #tpu.memory_space<vmem>>[vector<16xi32>, vector<16xi32>], vector<16xf32>,
          %gather3A_679 = tpu.vector_load_idx %arg10[%add3A_555, %add3A_677] : memref<80x128xf32, #tpu.memory_space<vmem>>[vector<16xi32>, vector<16xi32>], vector<16xf32>,
          %mul3A_680 = arith.mulf %gather3A_678, %gather3A_679 : vector<16xf32>
          %add3A_681 = arith.addf %add3A_662, %mul3A_680 : vector<16xf32>
          %mul3A_682 = arith.constant 8 : i32
          %mul3A_683 = arith.muli %scan3A_586, %mul3A_682 : i32
          %add3A_684 = arith.constant 5 : i32
          %add3A_685 = arith.addi %mul3A_683, %add3A_684 : i32
          %add3A_686 = vector.broadcast %add3A_685 : i32 to vector<16xi32>
          %add3A_687 = arith.addi %iota3A, %add3A_686 : vector<16xi32>
          %and3A_688 = arith.constant 31 : i32
          %and3A_689 = vector.broadcast %and3A_688 : i32 to vector<16xi32>
          %and3A_690 = arith.andi %add3A_687, %and3A_689 : vector<16xi32>
          %add3A_691 = arith.addi %broadcast_in_dim3A_3, %and3A_690 : vector<16xi32>
          %gather3A_692 = tpu.vector_load_idx %arg9[%add3A_555, %add3A_691] : memref<80x64xf32, #tpu.memory_space<vmem>>[vector<16xi32>, vector<16xi32>], vector<16xf32>,
          %gather3A_693 = tpu.vector_load_idx %arg10[%add3A_555, %add3A_691] : memref<80x128xf32, #tpu.memory_space<vmem>>[vector<16xi32>, vector<16xi32>], vector<16xf32>,
          %mul3A_694 = arith.mulf %gather3A_692, %gather3A_693 : vector<16xf32>
          %add3A_695 = arith.addf %add3A_676, %mul3A_694 : vector<16xf32>
          %add3A_696 = arith.addi %broadcast_in_dim3A_5, %and3A_690 : vector<16xi32>
          %gather3A_697 = tpu.vector_load_idx %arg9[%add3A_555, %add3A_696] : memref<80x64xf32, #tpu.memory_space<vmem>>[vector<16xi32>, vector<16xi32>], vector<16xf32>,
          %gather3A_698 = tpu.vector_load_idx %arg10[%add3A_555, %add3A_696] : memref<80x128xf32, #tpu.memory_space<vmem>>[vector<16xi32>, vector<16xi32>], vector<16xf32>,
          %mul3A_699 = arith.mulf %gather3A_697, %gather3A_698 : vector<16xf32>
          %add3A_700 = arith.addf %add3A_681, %mul3A_699 : vector<16xf32>
          %mul3A_701 = arith.constant 8 : i32
          %mul3A_702 = arith.muli %scan3A_586, %mul3A_701 : i32
          %add3A_703 = arith.constant 6 : i32
          %add3A_704 = arith.addi %mul3A_702, %add3A_703 : i32
          %add3A_705 = vector.broadcast %add3A_704 : i32 to vector<16xi32>
          %add3A_706 = arith.addi %iota3A, %add3A_705 : vector<16xi32>
          %and3A_707 = arith.constant 31 : i32
          %and3A_708 = vector.broadcast %and3A_707 : i32 to vector<16xi32>
          %and3A_709 = arith.andi %add3A_706, %and3A_708 : vector<16xi32>
          %add3A_710 = arith.addi %broadcast_in_dim3A_3, %and3A_709 : vector<16xi32>
          %gather3A_711 = tpu.vector_load_idx %arg9[%add3A_555, %add3A_710] : memref<80x64xf32, #tpu.memory_space<vmem>>[vector<16xi32>, vector<16xi32>], vector<16xf32>,
          %gather3A_712 = tpu.vector_load_idx %arg10[%add3A_555, %add3A_710] : memref<80x128xf32, #tpu.memory_space<vmem>>[vector<16xi32>, vector<16xi32>], vector<16xf32>,
          %mul3A_713 = arith.mulf %gather3A_711, %gather3A_712 : vector<16xf32>
          %add3A_714 = arith.addf %add3A_695, %mul3A_713 : vector<16xf32>
          %add3A_715 = arith.addi %broadcast_in_dim3A_5, %and3A_709 : vector<16xi32>
          %gather3A_716 = tpu.vector_load_idx %arg9[%add3A_555, %add3A_715] : memref<80x64xf32, #tpu.memory_space<vmem>>[vector<16xi32>, vector<16xi32>], vector<16xf32>,
          %gather3A_717 = tpu.vector_load_idx %arg10[%add3A_555, %add3A_715] : memref<80x128xf32, #tpu.memory_space<vmem>>[vector<16xi32>, vector<16xi32>], vector<16xf32>,
          %mul3A_718 = arith.mulf %gather3A_716, %gather3A_717 : vector<16xf32>
          %add3A_719 = arith.addf %add3A_700, %mul3A_718 : vector<16xf32>
          %mul3A_720 = arith.constant 8 : i32
          %mul3A_721 = arith.muli %scan3A_586, %mul3A_720 : i32
          %add3A_722 = arith.constant 7 : i32
          %add3A_723 = arith.addi %mul3A_721, %add3A_722 : i32
          %add3A_724 = vector.broadcast %add3A_723 : i32 to vector<16xi32>
          %add3A_725 = arith.addi %iota3A, %add3A_724 : vector<16xi32>
          %and3A_726 = arith.constant 31 : i32
          %and3A_727 = vector.broadcast %and3A_726 : i32 to vector<16xi32>
          %and3A_728 = arith.andi %add3A_725, %and3A_727 : vector<16xi32>
          %add3A_729 = arith.addi %broadcast_in_dim3A_3, %and3A_728 : vector<16xi32>
          %gather3A_730 = tpu.vector_load_idx %arg9[%add3A_555, %add3A_729] : memref<80x64xf32, #tpu.memory_space<vmem>>[vector<16xi32>, vector<16xi32>], vector<16xf32>,
          %gather3A_731 = tpu.vector_load_idx %arg10[%add3A_555, %add3A_729] : memref<80x128xf32, #tpu.memory_space<vmem>>[vector<16xi32>, vector<16xi32>], vector<16xf32>,
          %mul3A_732 = arith.mulf %gather3A_730, %gather3A_731 : vector<16xf32>
          %add3A_733 = arith.addf %add3A_714, %mul3A_732 : vector<16xf32>
          %add3A_734 = arith.addi %broadcast_in_dim3A_5, %and3A_728 : vector<16xi32>
          %gather3A_735 = tpu.vector_load_idx %arg9[%add3A_555, %add3A_734] : memref<80x64xf32, #tpu.memory_space<vmem>>[vector<16xi32>, vector<16xi32>], vector<16xf32>,
          %gather3A_736 = tpu.vector_load_idx %arg10[%add3A_555, %add3A_734] : memref<80x128xf32, #tpu.memory_space<vmem>>[vector<16xi32>, vector<16xi32>], vector<16xf32>,
          %mul3A_737 = arith.mulf %gather3A_735, %gather3A_736 : vector<16xf32>
          %add3A_738 = arith.addf %add3A_719, %mul3A_737 : vector<16xf32>
          scf.yield %add3A_733, %add3A_738 : vector<16xf32>, vector<16xf32>
        }
        %scan3A_563 = arith.constant 4 : i32
        %jit3A = arith.constant -1.000000e+01 : f32
        %jit3A_564 = arith.constant 1.000000e+01 : f32
        %max3A = vector.broadcast %jit3A : f32 to vector<16xf32>
        %max3A_565 = arith.maximumf %max3A, %scan3A_562#0 : vector<16xf32>
        %min3A = vector.broadcast %jit3A_564 : f32 to vector<16xf32>
        %min3A_566 = arith.minimumf %min3A, %max3A_565 : vector<16xf32>
        %exp3A = math.exp %min3A_566 : vector<16xf32>
        %jit3A_567 = arith.constant -1.000000e+01 : f32
        %jit3A_568 = arith.constant 1.000000e+01 : f32
        %max3A_569 = vector.broadcast %jit3A_567 : f32 to vector<16xf32>
        %max3A_570 = arith.maximumf %max3A_569, %scan3A_562#1 : vector<16xf32>
        %min3A_571 = vector.broadcast %jit3A_568 : f32 to vector<16xf32>
        %min3A_572 = arith.minimumf %min3A_571, %max3A_570 : vector<16xf32>
        %exp3A_573 = math.exp %min3A_572 : vector<16xf32>
        %broadcast_in_dim3A_574 = arith.constant 64 : i32
        %broadcast_in_dim3A_575 = vector.broadcast %broadcast_in_dim3A_574 : i32 to vector<16xi32>
        tpu.vector_store_idx %arg11[%add3A_555, %broadcast_in_dim3A_575], %exp3A : memref<80x72xf32, #tpu.memory_space<vmem>>[vector<16xi32>, vector<16xi32>], vector<16xf32>,
        %broadcast_in_dim3A_576 = arith.constant 65 : i32
        %broadcast_in_dim3A_577 = vector.broadcast %broadcast_in_dim3A_576 : i32 to vector<16xi32>
        tpu.vector_store_idx %arg11[%add3A_555, %broadcast_in_dim3A_577], %exp3A_573 : memref<80x72xf32, #tpu.memory_space<vmem>>[vector<16xi32>, vector<16xi32>], vector<16xf32>,
        %scan3A_578 = arith.constant 0 : i32
        %scan3A_579 = arith.constant 0 : i32
        %scan3A_580 = arith.constant 4 : i32
        %scan3A_581 = arith.addi %scan3A_579, %scan3A_580 : i32
        %scan3A_582 = arith.constant 1 : i32
        %scan3A_583 = scf.for %scan3A_586 = %scan3A_579 to %scan3A_581 step %scan3A_582 iter_args(%scan3A_587 = %scan3A_578) -> (i32)  : i32 {
          %mul3A_588 = arith.constant 8 : i32
          %mul3A_589 = arith.muli %scan3A_586, %mul3A_588 : i32
          %add3A_590 = arith.constant 0 : i32
          %add3A_591 = arith.addi %mul3A_589, %add3A_590 : i32
          %add3A_592 = vector.broadcast %add3A_591 : i32 to vector<16xi32>
          %add3A_593 = arith.addi %iota3A, %add3A_592 : vector<16xi32>
          %and3A = arith.constant 31 : i32
          %and3A_594 = vector.broadcast %and3A : i32 to vector<16xi32>
          %and3A_595 = arith.andi %add3A_593, %and3A_594 : vector<16xi32>
          %add3A_596 = arith.addi %broadcast_in_dim3A_3, %and3A_595 : vector<16xi32>
          %add3A_597 = arith.addi %broadcast_in_dim3A_7, %and3A_595 : vector<16xi32>
          %gather3A = tpu.vector_load_idx %arg10[%add3A_555, %add3A_597] : memref<80x128xf32, #tpu.memory_space<vmem>>[vector<16xi32>, vector<16xi32>], vector<16xf32>,
          %mul3A_598 = arith.mulf %gather3A, %exp3A : vector<16xf32>
          %add3A_599 = arith.addi %broadcast_in_dim3A_5, %and3A_595 : vector<16xi32>
          %add3A_600 = arith.addi %broadcast_in_dim3A_9, %and3A_595 : vector<16xi32>
          %gather3A_601 = tpu.vector_load_idx %arg10[%add3A_555, %add3A_600] : memref<80x128xf32, #tpu.memory_space<vmem>>[vector<16xi32>, vector<16xi32>], vector<16xf32>,
          %mul3A_602 = arith.mulf %gather3A_601, %exp3A_573 : vector<16xf32>
          %mul3A_603 = arith.constant 8 : i32
          %mul3A_604 = arith.muli %scan3A_586, %mul3A_603 : i32
          %add3A_605 = arith.constant 1 : i32
          %add3A_606 = arith.addi %mul3A_604, %add3A_605 : i32
          %add3A_607 = vector.broadcast %add3A_606 : i32 to vector<16xi32>
          %add3A_608 = arith.addi %iota3A, %add3A_607 : vector<16xi32>
          %and3A_609 = arith.constant 31 : i32
          %and3A_610 = vector.broadcast %and3A_609 : i32 to vector<16xi32>
          %and3A_611 = arith.andi %add3A_608, %and3A_610 : vector<16xi32>
          %add3A_612 = arith.addi %broadcast_in_dim3A_3, %and3A_611 : vector<16xi32>
          %add3A_613 = arith.addi %broadcast_in_dim3A_7, %and3A_611 : vector<16xi32>
          %gather3A_614 = tpu.vector_load_idx %arg10[%add3A_555, %add3A_613] : memref<80x128xf32, #tpu.memory_space<vmem>>[vector<16xi32>, vector<16xi32>], vector<16xf32>,
          %mul3A_615 = arith.mulf %gather3A_614, %exp3A : vector<16xf32>
          %add3A_616 = arith.addi %broadcast_in_dim3A_5, %and3A_611 : vector<16xi32>
          %add3A_617 = arith.addi %broadcast_in_dim3A_9, %and3A_611 : vector<16xi32>
          %gather3A_618 = tpu.vector_load_idx %arg10[%add3A_555, %add3A_617] : memref<80x128xf32, #tpu.memory_space<vmem>>[vector<16xi32>, vector<16xi32>], vector<16xf32>,
          %mul3A_619 = arith.mulf %gather3A_618, %exp3A_573 : vector<16xf32>
          %mul3A_620 = arith.constant 8 : i32
          %mul3A_621 = arith.muli %scan3A_586, %mul3A_620 : i32
          %add3A_622 = arith.constant 2 : i32
          %add3A_623 = arith.addi %mul3A_621, %add3A_622 : i32
          %add3A_624 = vector.broadcast %add3A_623 : i32 to vector<16xi32>
          %add3A_625 = arith.addi %iota3A, %add3A_624 : vector<16xi32>
          %and3A_626 = arith.constant 31 : i32
          %and3A_627 = vector.broadcast %and3A_626 : i32 to vector<16xi32>
          %and3A_628 = arith.andi %add3A_625, %and3A_627 : vector<16xi32>
          %add3A_629 = arith.addi %broadcast_in_dim3A_3, %and3A_628 : vector<16xi32>
          %add3A_630 = arith.addi %broadcast_in_dim3A_7, %and3A_628 : vector<16xi32>
          %gather3A_631 = tpu.vector_load_idx %arg10[%add3A_555, %add3A_630] : memref<80x128xf32, #tpu.memory_space<vmem>>[vector<16xi32>, vector<16xi32>], vector<16xf32>,
          %mul3A_632 = arith.mulf %gather3A_631, %exp3A : vector<16xf32>
          %add3A_633 = arith.addi %broadcast_in_dim3A_5, %and3A_628 : vector<16xi32>
          %add3A_634 = arith.addi %broadcast_in_dim3A_9, %and3A_628 : vector<16xi32>
          %gather3A_635 = tpu.vector_load_idx %arg10[%add3A_555, %add3A_634] : memref<80x128xf32, #tpu.memory_space<vmem>>[vector<16xi32>, vector<16xi32>], vector<16xf32>,
          %mul3A_636 = arith.mulf %gather3A_635, %exp3A_573 : vector<16xf32>
          %mul3A_637 = arith.constant 8 : i32
          %mul3A_638 = arith.muli %scan3A_586, %mul3A_637 : i32
          %add3A_639 = arith.constant 3 : i32
          %add3A_640 = arith.addi %mul3A_638, %add3A_639 : i32
          %add3A_641 = vector.broadcast %add3A_640 : i32 to vector<16xi32>
          %add3A_642 = arith.addi %iota3A, %add3A_641 : vector<16xi32>
          %and3A_643 = arith.constant 31 : i32
          %and3A_644 = vector.broadcast %and3A_643 : i32 to vector<16xi32>
          %and3A_645 = arith.andi %add3A_642, %and3A_644 : vector<16xi32>
          %add3A_646 = arith.addi %broadcast_in_dim3A_3, %and3A_645 : vector<16xi32>
          %add3A_647 = arith.addi %broadcast_in_dim3A_7, %and3A_645 : vector<16xi32>
          %gather3A_648 = tpu.vector_load_idx %arg10[%add3A_555, %add3A_647] : memref<80x128xf32, #tpu.memory_space<vmem>>[vector<16xi32>, vector<16xi32>], vector<16xf32>,
          %mul3A_649 = arith.mulf %gather3A_648, %exp3A : vector<16xf32>
          %add3A_650 = arith.addi %broadcast_in_dim3A_5, %and3A_645 : vector<16xi32>
          %add3A_651 = arith.addi %broadcast_in_dim3A_9, %and3A_645 : vector<16xi32>
          %gather3A_652 = tpu.vector_load_idx %arg10[%add3A_555, %add3A_651] : memref<80x128xf32, #tpu.memory_space<vmem>>[vector<16xi32>, vector<16xi32>], vector<16xf32>,
          %mul3A_653 = arith.mulf %gather3A_652, %exp3A_573 : vector<16xf32>
          tpu.vector_store_idx %arg11[%add3A_555, %add3A_596], %mul3A_598 : memref<80x72xf32, #tpu.memory_space<vmem>>[vector<16xi32>, vector<16xi32>], vector<16xf32>,
          tpu.vector_store_idx %arg11[%add3A_555, %add3A_599], %mul3A_602 : memref<80x72xf32, #tpu.memory_space<vmem>>[vector<16xi32>, vector<16xi32>], vector<16xf32>,
          tpu.vector_store_idx %arg11[%add3A_555, %add3A_612], %mul3A_615 : memref<80x72xf32, #tpu.memory_space<vmem>>[vector<16xi32>, vector<16xi32>], vector<16xf32>,
          tpu.vector_store_idx %arg11[%add3A_555, %add3A_616], %mul3A_619 : memref<80x72xf32, #tpu.memory_space<vmem>>[vector<16xi32>, vector<16xi32>], vector<16xf32>,
          tpu.vector_store_idx %arg11[%add3A_555, %add3A_629], %mul3A_632 : memref<80x72xf32, #tpu.memory_space<vmem>>[vector<16xi32>, vector<16xi32>], vector<16xf32>,
          tpu.vector_store_idx %arg11[%add3A_555, %add3A_633], %mul3A_636 : memref<80x72xf32, #tpu.memory_space<vmem>>[vector<16xi32>, vector<16xi32>], vector<16xf32>,
          tpu.vector_store_idx %arg11[%add3A_555, %add3A_646], %mul3A_649 : memref<80x72xf32, #tpu.memory_space<vmem>>[vector<16xi32>, vector<16xi32>], vector<16xf32>,
          tpu.vector_store_idx %arg11[%add3A_555, %add3A_650], %mul3A_653 : memref<80x72xf32, #tpu.memory_space<vmem>>[vector<16xi32>, vector<16xi32>], vector<16xf32>,
          %mul3A_654 = arith.constant 8 : i32
          %mul3A_655 = arith.muli %scan3A_586, %mul3A_654 : i32
          %add3A_656 = arith.constant 4 : i32
          %add3A_657 = arith.addi %mul3A_655, %add3A_656 : i32
          %add3A_658 = vector.broadcast %add3A_657 : i32 to vector<16xi32>
          %add3A_659 = arith.addi %iota3A, %add3A_658 : vector<16xi32>
          %and3A_660 = arith.constant 31 : i32
          %and3A_661 = vector.broadcast %and3A_660 : i32 to vector<16xi32>
          %and3A_662 = arith.andi %add3A_659, %and3A_661 : vector<16xi32>
          %add3A_663 = arith.addi %broadcast_in_dim3A_3, %and3A_662 : vector<16xi32>
          %add3A_664 = arith.addi %broadcast_in_dim3A_7, %and3A_662 : vector<16xi32>
          %gather3A_665 = tpu.vector_load_idx %arg10[%add3A_555, %add3A_664] : memref<80x128xf32, #tpu.memory_space<vmem>>[vector<16xi32>, vector<16xi32>], vector<16xf32>,
          %mul3A_666 = arith.mulf %gather3A_665, %exp3A : vector<16xf32>
          %add3A_667 = arith.addi %broadcast_in_dim3A_5, %and3A_662 : vector<16xi32>
          %add3A_668 = arith.addi %broadcast_in_dim3A_9, %and3A_662 : vector<16xi32>
          %gather3A_669 = tpu.vector_load_idx %arg10[%add3A_555, %add3A_668] : memref<80x128xf32, #tpu.memory_space<vmem>>[vector<16xi32>, vector<16xi32>], vector<16xf32>,
          %mul3A_670 = arith.mulf %gather3A_669, %exp3A_573 : vector<16xf32>
          %mul3A_671 = arith.constant 8 : i32
          %mul3A_672 = arith.muli %scan3A_586, %mul3A_671 : i32
          %add3A_673 = arith.constant 5 : i32
          %add3A_674 = arith.addi %mul3A_672, %add3A_673 : i32
          %add3A_675 = vector.broadcast %add3A_674 : i32 to vector<16xi32>
          %add3A_676 = arith.addi %iota3A, %add3A_675 : vector<16xi32>
          %and3A_677 = arith.constant 31 : i32
          %and3A_678 = vector.broadcast %and3A_677 : i32 to vector<16xi32>
          %and3A_679 = arith.andi %add3A_676, %and3A_678 : vector<16xi32>
          %add3A_680 = arith.addi %broadcast_in_dim3A_3, %and3A_679 : vector<16xi32>
          %add3A_681 = arith.addi %broadcast_in_dim3A_7, %and3A_679 : vector<16xi32>
          %gather3A_682 = tpu.vector_load_idx %arg10[%add3A_555, %add3A_681] : memref<80x128xf32, #tpu.memory_space<vmem>>[vector<16xi32>, vector<16xi32>], vector<16xf32>,
          %mul3A_683 = arith.mulf %gather3A_682, %exp3A : vector<16xf32>
          %add3A_684 = arith.addi %broadcast_in_dim3A_5, %and3A_679 : vector<16xi32>
          %add3A_685 = arith.addi %broadcast_in_dim3A_9, %and3A_679 : vector<16xi32>
          %gather3A_686 = tpu.vector_load_idx %arg10[%add3A_555, %add3A_685] : memref<80x128xf32, #tpu.memory_space<vmem>>[vector<16xi32>, vector<16xi32>], vector<16xf32>,
          %mul3A_687 = arith.mulf %gather3A_686, %exp3A_573 : vector<16xf32>
          %mul3A_688 = arith.constant 8 : i32
          %mul3A_689 = arith.muli %scan3A_586, %mul3A_688 : i32
          %add3A_690 = arith.constant 6 : i32
          %add3A_691 = arith.addi %mul3A_689, %add3A_690 : i32
          %add3A_692 = vector.broadcast %add3A_691 : i32 to vector<16xi32>
          %add3A_693 = arith.addi %iota3A, %add3A_692 : vector<16xi32>
          %and3A_694 = arith.constant 31 : i32
          %and3A_695 = vector.broadcast %and3A_694 : i32 to vector<16xi32>
          %and3A_696 = arith.andi %add3A_693, %and3A_695 : vector<16xi32>
          %add3A_697 = arith.addi %broadcast_in_dim3A_3, %and3A_696 : vector<16xi32>
          %add3A_698 = arith.addi %broadcast_in_dim3A_7, %and3A_696 : vector<16xi32>
          %gather3A_699 = tpu.vector_load_idx %arg10[%add3A_555, %add3A_698] : memref<80x128xf32, #tpu.memory_space<vmem>>[vector<16xi32>, vector<16xi32>], vector<16xf32>,
          %mul3A_700 = arith.mulf %gather3A_699, %exp3A : vector<16xf32>
          %add3A_701 = arith.addi %broadcast_in_dim3A_5, %and3A_696 : vector<16xi32>
          %add3A_702 = arith.addi %broadcast_in_dim3A_9, %and3A_696 : vector<16xi32>
          %gather3A_703 = tpu.vector_load_idx %arg10[%add3A_555, %add3A_702] : memref<80x128xf32, #tpu.memory_space<vmem>>[vector<16xi32>, vector<16xi32>], vector<16xf32>,
          %mul3A_704 = arith.mulf %gather3A_703, %exp3A_573 : vector<16xf32>
          %mul3A_705 = arith.constant 8 : i32
          %mul3A_706 = arith.muli %scan3A_586, %mul3A_705 : i32
          %add3A_707 = arith.constant 7 : i32
          %add3A_708 = arith.addi %mul3A_706, %add3A_707 : i32
          %add3A_709 = vector.broadcast %add3A_708 : i32 to vector<16xi32>
          %add3A_710 = arith.addi %iota3A, %add3A_709 : vector<16xi32>
          %and3A_711 = arith.constant 31 : i32
          %and3A_712 = vector.broadcast %and3A_711 : i32 to vector<16xi32>
          %and3A_713 = arith.andi %add3A_710, %and3A_712 : vector<16xi32>
          %add3A_714 = arith.addi %broadcast_in_dim3A_3, %and3A_713 : vector<16xi32>
          %add3A_715 = arith.addi %broadcast_in_dim3A_7, %and3A_713 : vector<16xi32>
          %gather3A_716 = tpu.vector_load_idx %arg10[%add3A_555, %add3A_715] : memref<80x128xf32, #tpu.memory_space<vmem>>[vector<16xi32>, vector<16xi32>], vector<16xf32>,
          %mul3A_717 = arith.mulf %gather3A_716, %exp3A : vector<16xf32>
          %add3A_718 = arith.addi %broadcast_in_dim3A_5, %and3A_713 : vector<16xi32>
          %add3A_719 = arith.addi %broadcast_in_dim3A_9, %and3A_713 : vector<16xi32>
          %gather3A_720 = tpu.vector_load_idx %arg10[%add3A_555, %add3A_719] : memref<80x128xf32, #tpu.memory_space<vmem>>[vector<16xi32>, vector<16xi32>], vector<16xf32>,
          %mul3A_721 = arith.mulf %gather3A_720, %exp3A_573 : vector<16xf32>
          tpu.vector_store_idx %arg11[%add3A_555, %add3A_663], %mul3A_666 : memref<80x72xf32, #tpu.memory_space<vmem>>[vector<16xi32>, vector<16xi32>], vector<16xf32>,
          tpu.vector_store_idx %arg11[%add3A_555, %add3A_667], %mul3A_670 : memref<80x72xf32, #tpu.memory_space<vmem>>[vector<16xi32>, vector<16xi32>], vector<16xf32>,
          tpu.vector_store_idx %arg11[%add3A_555, %add3A_680], %mul3A_683 : memref<80x72xf32, #tpu.memory_space<vmem>>[vector<16xi32>, vector<16xi32>], vector<16xf32>,
          tpu.vector_store_idx %arg11[%add3A_555, %add3A_684], %mul3A_687 : memref<80x72xf32, #tpu.memory_space<vmem>>[vector<16xi32>, vector<16xi32>], vector<16xf32>,
          tpu.vector_store_idx %arg11[%add3A_555, %add3A_697], %mul3A_700 : memref<80x72xf32, #tpu.memory_space<vmem>>[vector<16xi32>, vector<16xi32>], vector<16xf32>,
          tpu.vector_store_idx %arg11[%add3A_555, %add3A_701], %mul3A_704 : memref<80x72xf32, #tpu.memory_space<vmem>>[vector<16xi32>, vector<16xi32>], vector<16xf32>,
          tpu.vector_store_idx %arg11[%add3A_555, %add3A_714], %mul3A_717 : memref<80x72xf32, #tpu.memory_space<vmem>>[vector<16xi32>, vector<16xi32>], vector<16xf32>,
          tpu.vector_store_idx %arg11[%add3A_555, %add3A_718], %mul3A_721 : memref<80x72xf32, #tpu.memory_space<vmem>>[vector<16xi32>, vector<16xi32>], vector<16xf32>,
          %scan3A_722 = arith.constant 0 : i32
          scf.yield %scan3A_722 : i32
        }
        %scan3A_584 = arith.constant 4 : i32
        %scan3A_585 = arith.constant 0 : i32
        scf.yield %scan3A_585 : i32
      }
      %scan3A_277 = arith.constant 5 : i32
      %dma_start3A_278 = arith.constant 0 : i32
      %dma_start3A_279 = arith.constant 0 : i32
      %dma_start3A_280 = tpu.memref_slice %arg8[%dma_start3A_278, %dma_start3A_279] : memref<2x80xi32, #tpu.memory_space<vmem>> -> memref<1x80xi32, #tpu.memory_space<vmem>>
      %dma_start3A_281 = tpu.memref_squeeze %dma_start3A_280 : memref<1x80xi32, #tpu.memory_space<vmem>> -> memref<80xi32, #tpu.memory_space<vmem>>
      %dma_start3A_282 = arith.constant 0 : i32
      %dma_start3A_283 = arith.constant 0 : i32
      %dma_start3A_284 = tpu.memref_slice %arg7[%dma_start3A_282, %dma_start3A_283] : memref<10240x72xf32, #tpu.memory_space<vmem_shared>> -> memref<10240x72xf32, #tpu.memory_space<vmem_shared>>
      tpu.enqueue_indirect_dma source(%arg11 : memref<80x72xf32, #tpu.memory_space<vmem>>) target(%dma_start3A_284 : memref<10240x72xf32, #tpu.memory_space<vmem_shared>>) offsets(%dma_start3A_281 : memref<80xi32, #tpu.memory_space<vmem>>) semaphore(%arg20 : memref<!tpu.dma_semaphore, #tpu.memory_space<semaphore_mem>>) {add = true}
      %mul3A_285 = arith.constant 4 : i32
      %mul3A_286 = arith.muli %mul3A_285, %scan3A_198 : i32
      %add3A_287 = arith.constant 1 : i32
      %add3A_288 = arith.addi %mul3A_286, %add3A_287 : i32
      %dma_wait3A_289 = arith.constant 0 : i32
      %dma_wait3A_290 = arith.constant 0 : i32
      %dma_wait3A_291 = tpu.memref_slice %arg2[%dma_wait3A_289, %dma_wait3A_290] : memref<8000x80xi32, #tpu.memory_space<hbm>> -> memref<2x80xi32, #tpu.memory_space<hbm>>
      %dma_wait3A_292 = arith.constant 0 : i32
      %dma_wait3A_293 = arith.constant 0 : i32
      %dma_wait3A_294 = tpu.memref_slice %arg2[%dma_wait3A_292, %dma_wait3A_293] : memref<8000x80xi32, #tpu.memory_space<hbm>> -> memref<2x80xi32, #tpu.memory_space<hbm>>
      tpu.wait_dma2 semaphore(%arg19 : memref<!tpu.dma_semaphore, #tpu.memory_space<semaphore_mem>>) src(%dma_wait3A_294 : memref<2x80xi32, #tpu.memory_space<hbm>>) dst(%arg16 : memref<2x80xi32, #tpu.memory_space<vmem>>)
      %dma_start3A_295 = arith.constant 0 : i32
      %dma_start3A_296 = arith.constant 0 : i32
      %dma_start3A_297 = tpu.memref_slice %arg16[%dma_start3A_295, %dma_start3A_296] : memref<2x80xi32, #tpu.memory_space<vmem>> -> memref<1x80xi32, #tpu.memory_space<vmem>>
      %dma_start3A_298 = tpu.memref_squeeze %dma_start3A_297 : memref<1x80xi32, #tpu.memory_space<vmem>> -> memref<80xi32, #tpu.memory_space<vmem>>
      %dma_start3A_299 = arith.constant 0 : i32
      %dma_start3A_300 = arith.constant 0 : i32
      %dma_start3A_301 = tpu.memref_slice %arg3[%arg0, %dma_start3A_299, %dma_start3A_300] : memref<2x10000x64xf32, #tpu.memory_space<hbm>> -> memref<1x10000x64xf32, #tpu.memory_space<hbm>>
      %dma_start3A_302 = tpu.memref_squeeze %dma_start3A_301 : memref<1x10000x64xf32, #tpu.memory_space<hbm>> -> memref<10000x64xf32, #tpu.memory_space<hbm>>
      %dma_start3A_303 = arith.constant 0 : i32
      %dma_start3A_304 = arith.constant 0 : i32
      %dma_start3A_305 = tpu.memref_slice %dma_start3A_302[%dma_start3A_303, %dma_start3A_304] : memref<10000x64xf32, #tpu.memory_space<hbm>> -> memref<10000x64xf32, #tpu.memory_space<hbm>>
      tpu.enqueue_indirect_dma source(%dma_start3A_305 : memref<10000x64xf32, #tpu.memory_space<hbm>>) target(%arg9 : memref<80x64xf32, #tpu.memory_space<vmem>>) offsets(%dma_start3A_298 : memref<80xi32, #tpu.memory_space<vmem>>) semaphore(%arg18 : memref<!tpu.dma_semaphore, #tpu.memory_space<semaphore_mem>>)
      %dma_start3A_306 = arith.constant 1 : i32
      %dma_start3A_307 = arith.constant 0 : i32
      %dma_start3A_308 = tpu.memref_slice %arg16[%dma_start3A_306, %dma_start3A_307] : memref<2x80xi32, #tpu.memory_space<vmem>> -> memref<1x80xi32, #tpu.memory_space<vmem>>
      %dma_start3A_309 = tpu.memref_squeeze %dma_start3A_308 : memref<1x80xi32, #tpu.memory_space<vmem>> -> memref<80xi32, #tpu.memory_space<vmem>>
      %dma_start3A_310 = arith.constant 0 : i32
      %dma_start3A_311 = arith.constant 0 : i32
      %dma_start3A_312 = tpu.memref_slice %arg4[%arg0, %dma_start3A_310, %dma_start3A_311] : memref<2x10000x128xf32, #tpu.memory_space<hbm>> -> memref<1x10000x128xf32, #tpu.memory_space<hbm>>
      %dma_start3A_313 = tpu.memref_squeeze %dma_start3A_312 : memref<1x10000x128xf32, #tpu.memory_space<hbm>> -> memref<10000x128xf32, #tpu.memory_space<hbm>>
      %dma_start3A_314 = arith.constant 0 : i32
      %dma_start3A_315 = arith.constant 0 : i32
      %dma_start3A_316 = tpu.memref_slice %dma_start3A_313[%dma_start3A_314, %dma_start3A_315] : memref<10000x128xf32, #tpu.memory_space<hbm>> -> memref<10000x128xf32, #tpu.memory_space<hbm>>
      tpu.enqueue_indirect_dma source(%dma_start3A_316 : memref<10000x128xf32, #tpu.memory_space<hbm>>) target(%arg10 : memref<80x128xf32, #tpu.memory_space<vmem>>) offsets(%dma_start3A_309 : memref<80xi32, #tpu.memory_space<vmem>>) semaphore(%arg18 : memref<!tpu.dma_semaphore, #tpu.memory_space<semaphore_mem>>)
      %dma_wait3A_317 = arith.constant 0 : i32
      %dma_wait3A_318 = arith.constant 0 : i32
      %dma_wait3A_319 = tpu.memref_slice %arg3[%arg0, %dma_wait3A_317, %dma_wait3A_318] : memref<2x10000x64xf32, #tpu.memory_space<hbm>> -> memref<1x10000x64xf32, #tpu.memory_space<hbm>>
      %dma_wait3A_320 = tpu.memref_squeeze %dma_wait3A_319 : memref<1x10000x64xf32, #tpu.memory_space<hbm>> -> memref<10000x64xf32, #tpu.memory_space<hbm>>
      %dma_wait3A_321 = arith.constant 0 : i32
      %dma_wait3A_322 = arith.constant 0 : i32
      %dma_wait3A_323 = tpu.memref_slice %dma_wait3A_320[%dma_wait3A_321, %dma_wait3A_322] : memref<10000x64xf32, #tpu.memory_space<hbm>> -> memref<80x64xf32, #tpu.memory_space<hbm>>
      %dma_wait3A_324 = arith.constant 0 : i32
      %dma_wait3A_325 = arith.constant 0 : i32
      %dma_wait3A_326 = tpu.memref_slice %arg3[%arg0, %dma_wait3A_324, %dma_wait3A_325] : memref<2x10000x64xf32, #tpu.memory_space<hbm>> -> memref<1x10000x64xf32, #tpu.memory_space<hbm>>
      %dma_wait3A_327 = tpu.memref_squeeze %dma_wait3A_326 : memref<1x10000x64xf32, #tpu.memory_space<hbm>> -> memref<10000x64xf32, #tpu.memory_space<hbm>>
      %dma_wait3A_328 = arith.constant 0 : i32
      %dma_wait3A_329 = arith.constant 0 : i32
      %dma_wait3A_330 = tpu.memref_slice %dma_wait3A_327[%dma_wait3A_328, %dma_wait3A_329] : memref<10000x64xf32, #tpu.memory_space<hbm>> -> memref<80x64xf32, #tpu.memory_space<hbm>>
      tpu.wait_dma2 semaphore(%arg18 : memref<!tpu.dma_semaphore, #tpu.memory_space<semaphore_mem>>) src(%dma_wait3A_330 : memref<80x64xf32, #tpu.memory_space<hbm>>) dst(%arg13 : memref<80x64xf32, #tpu.memory_space<vmem>>)
      %dma_wait3A_331 = arith.constant 0 : i32
      %dma_wait3A_332 = arith.constant 0 : i32
      %dma_wait3A_333 = tpu.memref_slice %arg4[%arg0, %dma_wait3A_331, %dma_wait3A_332] : memref<2x10000x128xf32, #tpu.memory_space<hbm>> -> memref<1x10000x128xf32, #tpu.memory_space<hbm>>
      %dma_wait3A_334 = tpu.memref_squeeze %dma_wait3A_333 : memref<1x10000x128xf32, #tpu.memory_space<hbm>> -> memref<10000x128xf32, #tpu.memory_space<hbm>>
      %dma_wait3A_335 = arith.constant 0 : i32
      %dma_wait3A_336 = arith.constant 0 : i32
      %dma_wait3A_337 = tpu.memref_slice %dma_wait3A_334[%dma_wait3A_335, %dma_wait3A_336] : memref<10000x128xf32, #tpu.memory_space<hbm>> -> memref<80x128xf32, #tpu.memory_space<hbm>>
      %dma_wait3A_338 = arith.constant 0 : i32
      %dma_wait3A_339 = arith.constant 0 : i32
      %dma_wait3A_340 = tpu.memref_slice %arg4[%arg0, %dma_wait3A_338, %dma_wait3A_339] : memref<2x10000x128xf32, #tpu.memory_space<hbm>> -> memref<1x10000x128xf32, #tpu.memory_space<hbm>>
      %dma_wait3A_341 = tpu.memref_squeeze %dma_wait3A_340 : memref<1x10000x128xf32, #tpu.memory_space<hbm>> -> memref<10000x128xf32, #tpu.memory_space<hbm>>
      %dma_wait3A_342 = arith.constant 0 : i32
      %dma_wait3A_343 = arith.constant 0 : i32
      %dma_wait3A_344 = tpu.memref_slice %dma_wait3A_341[%dma_wait3A_342, %dma_wait3A_343] : memref<10000x128xf32, #tpu.memory_space<hbm>> -> memref<80x128xf32, #tpu.memory_space<hbm>>
      tpu.wait_dma2 semaphore(%arg18 : memref<!tpu.dma_semaphore, #tpu.memory_space<semaphore_mem>>) src(%dma_wait3A_344 : memref<80x128xf32, #tpu.memory_space<hbm>>) dst(%arg14 : memref<80x128xf32, #tpu.memory_space<vmem>>)
      %ge3A_345 = arith.constant 2 : i32
      %ge3A_346 = arith.cmpi sge, %add3A_288, %ge3A_345 : i32
      %convert_element_type3A_347 = arith.extui %ge3A_346 : i1 to i32
      %cond3A_348 = arith.constant 0 : i32
      %cond3A_349 = arith.cmpi ne, %convert_element_type3A_347, %cond3A_348 : i32
      scf.if %cond3A_349 {
        %dma_wait3A_550 = arith.constant 0 : i32
        %dma_wait3A_551 = arith.constant 0 : i32
        %dma_wait3A_552 = tpu.memref_slice %arg8[%dma_wait3A_550, %dma_wait3A_551] : memref<2x80xi32, #tpu.memory_space<vmem>> -> memref<1x80xi32, #tpu.memory_space<vmem>>
        %dma_wait3A_553 = tpu.memref_squeeze %dma_wait3A_552 : memref<1x80xi32, #tpu.memory_space<vmem>> -> memref<80xi32, #tpu.memory_space<vmem>>
        %dma_wait3A_554 = arith.constant 0 : i32
        %dma_wait3A_555 = arith.constant 0 : i32
        %dma_wait3A_556 = tpu.memref_slice %arg7[%dma_wait3A_554, %dma_wait3A_555] : memref<10240x72xf32, #tpu.memory_space<vmem_shared>> -> memref<10240x72xf32, #tpu.memory_space<vmem_shared>>
        tpu.wait_indirect_dma semaphore(%arg20 : memref<!tpu.dma_semaphore, #tpu.memory_space<semaphore_mem>>) src(%arg11 : memref<80x72xf32, #tpu.memory_space<vmem>>) dst(%dma_wait3A_556 : memref<10240x72xf32, #tpu.memory_space<vmem_shared>>)
      } else {
      }
      %add3A_350 = arith.constant 2 : i32
      %add3A_351 = arith.addi %add3A_288, %add3A_350 : i32
      %add3A_352 = arith.addi %mul3A_2, %add3A_351 : i32
      %mul3A_353 = arith.constant 2 : i32
      %mul3A_354 = arith.muli %mul3A_353, %add3A_352 : i32
      %dma_start3A_355 = arith.constant 0 : i32
      %dma_start3A_356 = tpu.memref_slice %arg2[%mul3A_354, %dma_start3A_355] : memref<8000x80xi32, #tpu.memory_space<hbm>> -> memref<2x80xi32, #tpu.memory_space<hbm>>
      %dma_start3A_357 = arith.constant 0 : i32
      %dma_start3A_358 = tpu.memref_slice %arg2[%mul3A_354, %dma_start3A_357] : memref<8000x80xi32, #tpu.memory_space<hbm>> -> memref<2x80xi32, #tpu.memory_space<hbm>>
      tpu.enqueue_dma source(%dma_start3A_358 : memref<2x80xi32, #tpu.memory_space<hbm>>) target(%arg17 : memref<2x80xi32, #tpu.memory_space<vmem>>) target_semaphore(%arg19 : memref<!tpu.dma_semaphore, #tpu.memory_space<semaphore_mem>>)
      %scan3A_359 = arith.constant 0 : i32
      %scan3A_360 = arith.constant 0 : i32
      %scan3A_361 = arith.constant 5 : i32
      %scan3A_362 = arith.addi %scan3A_360, %scan3A_361 : i32
      %scan3A_363 = arith.constant 1 : i32
      %scan3A_364 = scf.for %scan3A_550 = %scan3A_360 to %scan3A_362 step %scan3A_363 iter_args(%scan3A_551 = %scan3A_359) -> (i32)  : i32 {
        %mul3A_552 = arith.constant 16 : i32
        %mul3A_553 = arith.muli %scan3A_550, %mul3A_552 : i32
        %add3A_554 = vector.broadcast %mul3A_553 : i32 to vector<16xi32>
        %add3A_555 = arith.addi %add3A_554, %iota3A : vector<16xi32>
        %broadcast_in_dim3A_556 = arith.constant 0.000000e+00 : f32
        %broadcast_in_dim3A_557 = vector.broadcast %broadcast_in_dim3A_556 : f32 to vector<16xf32>
        %scan3A_558 = arith.constant 0 : i32
        %scan3A_559 = arith.constant 4 : i32
        %scan3A_560 = arith.addi %scan3A_558, %scan3A_559 : i32
        %scan3A_561 = arith.constant 1 : i32
        %scan3A_562:2 = scf.for %scan3A_586 = %scan3A_558 to %scan3A_560 step %scan3A_561 iter_args(%scan3A_587 = %broadcast_in_dim3A_557, %scan3A_588 = %broadcast_in_dim3A_557) -> (vector<16xf32>, vector<16xf32>)  : i32 {
          %mul3A_589 = arith.constant 8 : i32
          %mul3A_590 = arith.muli %scan3A_586, %mul3A_589 : i32
          %add3A_591 = arith.constant 0 : i32
          %add3A_592 = arith.addi %mul3A_590, %add3A_591 : i32
          %add3A_593 = vector.broadcast %add3A_592 : i32 to vector<16xi32>
          %add3A_594 = arith.addi %iota3A, %add3A_593 : vector<16xi32>
          %and3A = arith.constant 31 : i32
          %and3A_595 = vector.broadcast %and3A : i32 to vector<16xi32>
          %and3A_596 = arith.andi %add3A_594, %and3A_595 : vector<16xi32>
          %add3A_597 = arith.addi %broadcast_in_dim3A_3, %and3A_596 : vector<16xi32>
          %gather3A = tpu.vector_load_idx %arg13[%add3A_555, %add3A_597] : memref<80x64xf32, #tpu.memory_space<vmem>>[vector<16xi32>, vector<16xi32>], vector<16xf32>,
          %gather3A_598 = tpu.vector_load_idx %arg14[%add3A_555, %add3A_597] : memref<80x128xf32, #tpu.memory_space<vmem>>[vector<16xi32>, vector<16xi32>], vector<16xf32>,
          %mul3A_599 = arith.mulf %gather3A, %gather3A_598 : vector<16xf32>
          %add3A_600 = arith.addf %scan3A_587, %mul3A_599 : vector<16xf32>
          %add3A_601 = arith.addi %broadcast_in_dim3A_5, %and3A_596 : vector<16xi32>
          %gather3A_602 = tpu.vector_load_idx %arg13[%add3A_555, %add3A_601] : memref<80x64xf32, #tpu.memory_space<vmem>>[vector<16xi32>, vector<16xi32>], vector<16xf32>,
          %gather3A_603 = tpu.vector_load_idx %arg14[%add3A_555, %add3A_601] : memref<80x128xf32, #tpu.memory_space<vmem>>[vector<16xi32>, vector<16xi32>], vector<16xf32>,
          %mul3A_604 = arith.mulf %gather3A_602, %gather3A_603 : vector<16xf32>
          %add3A_605 = arith.addf %scan3A_588, %mul3A_604 : vector<16xf32>
          %mul3A_606 = arith.constant 8 : i32
          %mul3A_607 = arith.muli %scan3A_586, %mul3A_606 : i32
          %add3A_608 = arith.constant 1 : i32
          %add3A_609 = arith.addi %mul3A_607, %add3A_608 : i32
          %add3A_610 = vector.broadcast %add3A_609 : i32 to vector<16xi32>
          %add3A_611 = arith.addi %iota3A, %add3A_610 : vector<16xi32>
          %and3A_612 = arith.constant 31 : i32
          %and3A_613 = vector.broadcast %and3A_612 : i32 to vector<16xi32>
          %and3A_614 = arith.andi %add3A_611, %and3A_613 : vector<16xi32>
          %add3A_615 = arith.addi %broadcast_in_dim3A_3, %and3A_614 : vector<16xi32>
          %gather3A_616 = tpu.vector_load_idx %arg13[%add3A_555, %add3A_615] : memref<80x64xf32, #tpu.memory_space<vmem>>[vector<16xi32>, vector<16xi32>], vector<16xf32>,
          %gather3A_617 = tpu.vector_load_idx %arg14[%add3A_555, %add3A_615] : memref<80x128xf32, #tpu.memory_space<vmem>>[vector<16xi32>, vector<16xi32>], vector<16xf32>,
          %mul3A_618 = arith.mulf %gather3A_616, %gather3A_617 : vector<16xf32>
          %add3A_619 = arith.addf %add3A_600, %mul3A_618 : vector<16xf32>
          %add3A_620 = arith.addi %broadcast_in_dim3A_5, %and3A_614 : vector<16xi32>
          %gather3A_621 = tpu.vector_load_idx %arg13[%add3A_555, %add3A_620] : memref<80x64xf32, #tpu.memory_space<vmem>>[vector<16xi32>, vector<16xi32>], vector<16xf32>,
          %gather3A_622 = tpu.vector_load_idx %arg14[%add3A_555, %add3A_620] : memref<80x128xf32, #tpu.memory_space<vmem>>[vector<16xi32>, vector<16xi32>], vector<16xf32>,
          %mul3A_623 = arith.mulf %gather3A_621, %gather3A_622 : vector<16xf32>
          %add3A_624 = arith.addf %add3A_605, %mul3A_623 : vector<16xf32>
          %mul3A_625 = arith.constant 8 : i32
          %mul3A_626 = arith.muli %scan3A_586, %mul3A_625 : i32
          %add3A_627 = arith.constant 2 : i32
          %add3A_628 = arith.addi %mul3A_626, %add3A_627 : i32
          %add3A_629 = vector.broadcast %add3A_628 : i32 to vector<16xi32>
          %add3A_630 = arith.addi %iota3A, %add3A_629 : vector<16xi32>
          %and3A_631 = arith.constant 31 : i32
          %and3A_632 = vector.broadcast %and3A_631 : i32 to vector<16xi32>
          %and3A_633 = arith.andi %add3A_630, %and3A_632 : vector<16xi32>
          %add3A_634 = arith.addi %broadcast_in_dim3A_3, %and3A_633 : vector<16xi32>
          %gather3A_635 = tpu.vector_load_idx %arg13[%add3A_555, %add3A_634] : memref<80x64xf32, #tpu.memory_space<vmem>>[vector<16xi32>, vector<16xi32>], vector<16xf32>,
          %gather3A_636 = tpu.vector_load_idx %arg14[%add3A_555, %add3A_634] : memref<80x128xf32, #tpu.memory_space<vmem>>[vector<16xi32>, vector<16xi32>], vector<16xf32>,
          %mul3A_637 = arith.mulf %gather3A_635, %gather3A_636 : vector<16xf32>
          %add3A_638 = arith.addf %add3A_619, %mul3A_637 : vector<16xf32>
          %add3A_639 = arith.addi %broadcast_in_dim3A_5, %and3A_633 : vector<16xi32>
          %gather3A_640 = tpu.vector_load_idx %arg13[%add3A_555, %add3A_639] : memref<80x64xf32, #tpu.memory_space<vmem>>[vector<16xi32>, vector<16xi32>], vector<16xf32>,
          %gather3A_641 = tpu.vector_load_idx %arg14[%add3A_555, %add3A_639] : memref<80x128xf32, #tpu.memory_space<vmem>>[vector<16xi32>, vector<16xi32>], vector<16xf32>,
          %mul3A_642 = arith.mulf %gather3A_640, %gather3A_641 : vector<16xf32>
          %add3A_643 = arith.addf %add3A_624, %mul3A_642 : vector<16xf32>
          %mul3A_644 = arith.constant 8 : i32
          %mul3A_645 = arith.muli %scan3A_586, %mul3A_644 : i32
          %add3A_646 = arith.constant 3 : i32
          %add3A_647 = arith.addi %mul3A_645, %add3A_646 : i32
          %add3A_648 = vector.broadcast %add3A_647 : i32 to vector<16xi32>
          %add3A_649 = arith.addi %iota3A, %add3A_648 : vector<16xi32>
          %and3A_650 = arith.constant 31 : i32
          %and3A_651 = vector.broadcast %and3A_650 : i32 to vector<16xi32>
          %and3A_652 = arith.andi %add3A_649, %and3A_651 : vector<16xi32>
          %add3A_653 = arith.addi %broadcast_in_dim3A_3, %and3A_652 : vector<16xi32>
          %gather3A_654 = tpu.vector_load_idx %arg13[%add3A_555, %add3A_653] : memref<80x64xf32, #tpu.memory_space<vmem>>[vector<16xi32>, vector<16xi32>], vector<16xf32>,
          %gather3A_655 = tpu.vector_load_idx %arg14[%add3A_555, %add3A_653] : memref<80x128xf32, #tpu.memory_space<vmem>>[vector<16xi32>, vector<16xi32>], vector<16xf32>,
          %mul3A_656 = arith.mulf %gather3A_654, %gather3A_655 : vector<16xf32>
          %add3A_657 = arith.addf %add3A_638, %mul3A_656 : vector<16xf32>
          %add3A_658 = arith.addi %broadcast_in_dim3A_5, %and3A_652 : vector<16xi32>
          %gather3A_659 = tpu.vector_load_idx %arg13[%add3A_555, %add3A_658] : memref<80x64xf32, #tpu.memory_space<vmem>>[vector<16xi32>, vector<16xi32>], vector<16xf32>,
          %gather3A_660 = tpu.vector_load_idx %arg14[%add3A_555, %add3A_658] : memref<80x128xf32, #tpu.memory_space<vmem>>[vector<16xi32>, vector<16xi32>], vector<16xf32>,
          %mul3A_661 = arith.mulf %gather3A_659, %gather3A_660 : vector<16xf32>
          %add3A_662 = arith.addf %add3A_643, %mul3A_661 : vector<16xf32>
          %mul3A_663 = arith.constant 8 : i32
          %mul3A_664 = arith.muli %scan3A_586, %mul3A_663 : i32
          %add3A_665 = arith.constant 4 : i32
          %add3A_666 = arith.addi %mul3A_664, %add3A_665 : i32
          %add3A_667 = vector.broadcast %add3A_666 : i32 to vector<16xi32>
          %add3A_668 = arith.addi %iota3A, %add3A_667 : vector<16xi32>
          %and3A_669 = arith.constant 31 : i32
          %and3A_670 = vector.broadcast %and3A_669 : i32 to vector<16xi32>
          %and3A_671 = arith.andi %add3A_668, %and3A_670 : vector<16xi32>
          %add3A_672 = arith.addi %broadcast_in_dim3A_3, %and3A_671 : vector<16xi32>
          %gather3A_673 = tpu.vector_load_idx %arg13[%add3A_555, %add3A_672] : memref<80x64xf32, #tpu.memory_space<vmem>>[vector<16xi32>, vector<16xi32>], vector<16xf32>,
          %gather3A_674 = tpu.vector_load_idx %arg14[%add3A_555, %add3A_672] : memref<80x128xf32, #tpu.memory_space<vmem>>[vector<16xi32>, vector<16xi32>], vector<16xf32>,
          %mul3A_675 = arith.mulf %gather3A_673, %gather3A_674 : vector<16xf32>
          %add3A_676 = arith.addf %add3A_657, %mul3A_675 : vector<16xf32>
          %add3A_677 = arith.addi %broadcast_in_dim3A_5, %and3A_671 : vector<16xi32>
          %gather3A_678 = tpu.vector_load_idx %arg13[%add3A_555, %add3A_677] : memref<80x64xf32, #tpu.memory_space<vmem>>[vector<16xi32>, vector<16xi32>], vector<16xf32>,
          %gather3A_679 = tpu.vector_load_idx %arg14[%add3A_555, %add3A_677] : memref<80x128xf32, #tpu.memory_space<vmem>>[vector<16xi32>, vector<16xi32>], vector<16xf32>,
          %mul3A_680 = arith.mulf %gather3A_678, %gather3A_679 : vector<16xf32>
          %add3A_681 = arith.addf %add3A_662, %mul3A_680 : vector<16xf32>
          %mul3A_682 = arith.constant 8 : i32
          %mul3A_683 = arith.muli %scan3A_586, %mul3A_682 : i32
          %add3A_684 = arith.constant 5 : i32
          %add3A_685 = arith.addi %mul3A_683, %add3A_684 : i32
          %add3A_686 = vector.broadcast %add3A_685 : i32 to vector<16xi32>
          %add3A_687 = arith.addi %iota3A, %add3A_686 : vector<16xi32>
          %and3A_688 = arith.constant 31 : i32
          %and3A_689 = vector.broadcast %and3A_688 : i32 to vector<16xi32>
          %and3A_690 = arith.andi %add3A_687, %and3A_689 : vector<16xi32>
          %add3A_691 = arith.addi %broadcast_in_dim3A_3, %and3A_690 : vector<16xi32>
          %gather3A_692 = tpu.vector_load_idx %arg13[%add3A_555, %add3A_691] : memref<80x64xf32, #tpu.memory_space<vmem>>[vector<16xi32>, vector<16xi32>], vector<16xf32>,
          %gather3A_693 = tpu.vector_load_idx %arg14[%add3A_555, %add3A_691] : memref<80x128xf32, #tpu.memory_space<vmem>>[vector<16xi32>, vector<16xi32>], vector<16xf32>,
          %mul3A_694 = arith.mulf %gather3A_692, %gather3A_693 : vector<16xf32>
          %add3A_695 = arith.addf %add3A_676, %mul3A_694 : vector<16xf32>
          %add3A_696 = arith.addi %broadcast_in_dim3A_5, %and3A_690 : vector<16xi32>
          %gather3A_697 = tpu.vector_load_idx %arg13[%add3A_555, %add3A_696] : memref<80x64xf32, #tpu.memory_space<vmem>>[vector<16xi32>, vector<16xi32>], vector<16xf32>,
          %gather3A_698 = tpu.vector_load_idx %arg14[%add3A_555, %add3A_696] : memref<80x128xf32, #tpu.memory_space<vmem>>[vector<16xi32>, vector<16xi32>], vector<16xf32>,
          %mul3A_699 = arith.mulf %gather3A_697, %gather3A_698 : vector<16xf32>
          %add3A_700 = arith.addf %add3A_681, %mul3A_699 : vector<16xf32>
          %mul3A_701 = arith.constant 8 : i32
          %mul3A_702 = arith.muli %scan3A_586, %mul3A_701 : i32
          %add3A_703 = arith.constant 6 : i32
          %add3A_704 = arith.addi %mul3A_702, %add3A_703 : i32
          %add3A_705 = vector.broadcast %add3A_704 : i32 to vector<16xi32>
          %add3A_706 = arith.addi %iota3A, %add3A_705 : vector<16xi32>
          %and3A_707 = arith.constant 31 : i32
          %and3A_708 = vector.broadcast %and3A_707 : i32 to vector<16xi32>
          %and3A_709 = arith.andi %add3A_706, %and3A_708 : vector<16xi32>
          %add3A_710 = arith.addi %broadcast_in_dim3A_3, %and3A_709 : vector<16xi32>
          %gather3A_711 = tpu.vector_load_idx %arg13[%add3A_555, %add3A_710] : memref<80x64xf32, #tpu.memory_space<vmem>>[vector<16xi32>, vector<16xi32>], vector<16xf32>,
          %gather3A_712 = tpu.vector_load_idx %arg14[%add3A_555, %add3A_710] : memref<80x128xf32, #tpu.memory_space<vmem>>[vector<16xi32>, vector<16xi32>], vector<16xf32>,
          %mul3A_713 = arith.mulf %gather3A_711, %gather3A_712 : vector<16xf32>
          %add3A_714 = arith.addf %add3A_695, %mul3A_713 : vector<16xf32>
          %add3A_715 = arith.addi %broadcast_in_dim3A_5, %and3A_709 : vector<16xi32>
          %gather3A_716 = tpu.vector_load_idx %arg13[%add3A_555, %add3A_715] : memref<80x64xf32, #tpu.memory_space<vmem>>[vector<16xi32>, vector<16xi32>], vector<16xf32>,
          %gather3A_717 = tpu.vector_load_idx %arg14[%add3A_555, %add3A_715] : memref<80x128xf32, #tpu.memory_space<vmem>>[vector<16xi32>, vector<16xi32>], vector<16xf32>,
          %mul3A_718 = arith.mulf %gather3A_716, %gather3A_717 : vector<16xf32>
          %add3A_719 = arith.addf %add3A_700, %mul3A_718 : vector<16xf32>
          %mul3A_720 = arith.constant 8 : i32
          %mul3A_721 = arith.muli %scan3A_586, %mul3A_720 : i32
          %add3A_722 = arith.constant 7 : i32
          %add3A_723 = arith.addi %mul3A_721, %add3A_722 : i32
          %add3A_724 = vector.broadcast %add3A_723 : i32 to vector<16xi32>
          %add3A_725 = arith.addi %iota3A, %add3A_724 : vector<16xi32>
          %and3A_726 = arith.constant 31 : i32
          %and3A_727 = vector.broadcast %and3A_726 : i32 to vector<16xi32>
          %and3A_728 = arith.andi %add3A_725, %and3A_727 : vector<16xi32>
          %add3A_729 = arith.addi %broadcast_in_dim3A_3, %and3A_728 : vector<16xi32>
          %gather3A_730 = tpu.vector_load_idx %arg13[%add3A_555, %add3A_729] : memref<80x64xf32, #tpu.memory_space<vmem>>[vector<16xi32>, vector<16xi32>], vector<16xf32>,
          %gather3A_731 = tpu.vector_load_idx %arg14[%add3A_555, %add3A_729] : memref<80x128xf32, #tpu.memory_space<vmem>>[vector<16xi32>, vector<16xi32>], vector<16xf32>,
          %mul3A_732 = arith.mulf %gather3A_730, %gather3A_731 : vector<16xf32>
          %add3A_733 = arith.addf %add3A_714, %mul3A_732 : vector<16xf32>
          %add3A_734 = arith.addi %broadcast_in_dim3A_5, %and3A_728 : vector<16xi32>
          %gather3A_735 = tpu.vector_load_idx %arg13[%add3A_555, %add3A_734] : memref<80x64xf32, #tpu.memory_space<vmem>>[vector<16xi32>, vector<16xi32>], vector<16xf32>,
          %gather3A_736 = tpu.vector_load_idx %arg14[%add3A_555, %add3A_734] : memref<80x128xf32, #tpu.memory_space<vmem>>[vector<16xi32>, vector<16xi32>], vector<16xf32>,
          %mul3A_737 = arith.mulf %gather3A_735, %gather3A_736 : vector<16xf32>
          %add3A_738 = arith.addf %add3A_719, %mul3A_737 : vector<16xf32>
          scf.yield %add3A_733, %add3A_738 : vector<16xf32>, vector<16xf32>
        }
        %scan3A_563 = arith.constant 4 : i32
        %jit3A = arith.constant -1.000000e+01 : f32
        %jit3A_564 = arith.constant 1.000000e+01 : f32
        %max3A = vector.broadcast %jit3A : f32 to vector<16xf32>
        %max3A_565 = arith.maximumf %max3A, %scan3A_562#0 : vector<16xf32>
        %min3A = vector.broadcast %jit3A_564 : f32 to vector<16xf32>
        %min3A_566 = arith.minimumf %min3A, %max3A_565 : vector<16xf32>
        %exp3A = math.exp %min3A_566 : vector<16xf32>
        %jit3A_567 = arith.constant -1.000000e+01 : f32
        %jit3A_568 = arith.constant 1.000000e+01 : f32
        %max3A_569 = vector.broadcast %jit3A_567 : f32 to vector<16xf32>
        %max3A_570 = arith.maximumf %max3A_569, %scan3A_562#1 : vector<16xf32>
        %min3A_571 = vector.broadcast %jit3A_568 : f32 to vector<16xf32>
        %min3A_572 = arith.minimumf %min3A_571, %max3A_570 : vector<16xf32>
        %exp3A_573 = math.exp %min3A_572 : vector<16xf32>
        %broadcast_in_dim3A_574 = arith.constant 64 : i32
        %broadcast_in_dim3A_575 = vector.broadcast %broadcast_in_dim3A_574 : i32 to vector<16xi32>
        tpu.vector_store_idx %arg15[%add3A_555, %broadcast_in_dim3A_575], %exp3A : memref<80x72xf32, #tpu.memory_space<vmem>>[vector<16xi32>, vector<16xi32>], vector<16xf32>,
        %broadcast_in_dim3A_576 = arith.constant 65 : i32
        %broadcast_in_dim3A_577 = vector.broadcast %broadcast_in_dim3A_576 : i32 to vector<16xi32>
        tpu.vector_store_idx %arg15[%add3A_555, %broadcast_in_dim3A_577], %exp3A_573 : memref<80x72xf32, #tpu.memory_space<vmem>>[vector<16xi32>, vector<16xi32>], vector<16xf32>,
        %scan3A_578 = arith.constant 0 : i32
        %scan3A_579 = arith.constant 0 : i32
        %scan3A_580 = arith.constant 4 : i32
        %scan3A_581 = arith.addi %scan3A_579, %scan3A_580 : i32
        %scan3A_582 = arith.constant 1 : i32
        %scan3A_583 = scf.for %scan3A_586 = %scan3A_579 to %scan3A_581 step %scan3A_582 iter_args(%scan3A_587 = %scan3A_578) -> (i32)  : i32 {
          %mul3A_588 = arith.constant 8 : i32
          %mul3A_589 = arith.muli %scan3A_586, %mul3A_588 : i32
          %add3A_590 = arith.constant 0 : i32
          %add3A_591 = arith.addi %mul3A_589, %add3A_590 : i32
          %add3A_592 = vector.broadcast %add3A_591 : i32 to vector<16xi32>
          %add3A_593 = arith.addi %iota3A, %add3A_592 : vector<16xi32>
          %and3A = arith.constant 31 : i32
          %and3A_594 = vector.broadcast %and3A : i32 to vector<16xi32>
          %and3A_595 = arith.andi %add3A_593, %and3A_594 : vector<16xi32>
          %add3A_596 = arith.addi %broadcast_in_dim3A_3, %and3A_595 : vector<16xi32>
          %add3A_597 = arith.addi %broadcast_in_dim3A_7, %and3A_595 : vector<16xi32>
          %gather3A = tpu.vector_load_idx %arg14[%add3A_555, %add3A_597] : memref<80x128xf32, #tpu.memory_space<vmem>>[vector<16xi32>, vector<16xi32>], vector<16xf32>,
          %mul3A_598 = arith.mulf %gather3A, %exp3A : vector<16xf32>
          %add3A_599 = arith.addi %broadcast_in_dim3A_5, %and3A_595 : vector<16xi32>
          %add3A_600 = arith.addi %broadcast_in_dim3A_9, %and3A_595 : vector<16xi32>
          %gather3A_601 = tpu.vector_load_idx %arg14[%add3A_555, %add3A_600] : memref<80x128xf32, #tpu.memory_space<vmem>>[vector<16xi32>, vector<16xi32>], vector<16xf32>,
          %mul3A_602 = arith.mulf %gather3A_601, %exp3A_573 : vector<16xf32>
          %mul3A_603 = arith.constant 8 : i32
          %mul3A_604 = arith.muli %scan3A_586, %mul3A_603 : i32
          %add3A_605 = arith.constant 1 : i32
          %add3A_606 = arith.addi %mul3A_604, %add3A_605 : i32
          %add3A_607 = vector.broadcast %add3A_606 : i32 to vector<16xi32>
          %add3A_608 = arith.addi %iota3A, %add3A_607 : vector<16xi32>
          %and3A_609 = arith.constant 31 : i32
          %and3A_610 = vector.broadcast %and3A_609 : i32 to vector<16xi32>
          %and3A_611 = arith.andi %add3A_608, %and3A_610 : vector<16xi32>
          %add3A_612 = arith.addi %broadcast_in_dim3A_3, %and3A_611 : vector<16xi32>
          %add3A_613 = arith.addi %broadcast_in_dim3A_7, %and3A_611 : vector<16xi32>
          %gather3A_614 = tpu.vector_load_idx %arg14[%add3A_555, %add3A_613] : memref<80x128xf32, #tpu.memory_space<vmem>>[vector<16xi32>, vector<16xi32>], vector<16xf32>,
          %mul3A_615 = arith.mulf %gather3A_614, %exp3A : vector<16xf32>
          %add3A_616 = arith.addi %broadcast_in_dim3A_5, %and3A_611 : vector<16xi32>
          %add3A_617 = arith.addi %broadcast_in_dim3A_9, %and3A_611 : vector<16xi32>
          %gather3A_618 = tpu.vector_load_idx %arg14[%add3A_555, %add3A_617] : memref<80x128xf32, #tpu.memory_space<vmem>>[vector<16xi32>, vector<16xi32>], vector<16xf32>,
          %mul3A_619 = arith.mulf %gather3A_618, %exp3A_573 : vector<16xf32>
          %mul3A_620 = arith.constant 8 : i32
          %mul3A_621 = arith.muli %scan3A_586, %mul3A_620 : i32
          %add3A_622 = arith.constant 2 : i32
          %add3A_623 = arith.addi %mul3A_621, %add3A_622 : i32
          %add3A_624 = vector.broadcast %add3A_623 : i32 to vector<16xi32>
          %add3A_625 = arith.addi %iota3A, %add3A_624 : vector<16xi32>
          %and3A_626 = arith.constant 31 : i32
          %and3A_627 = vector.broadcast %and3A_626 : i32 to vector<16xi32>
          %and3A_628 = arith.andi %add3A_625, %and3A_627 : vector<16xi32>
          %add3A_629 = arith.addi %broadcast_in_dim3A_3, %and3A_628 : vector<16xi32>
          %add3A_630 = arith.addi %broadcast_in_dim3A_7, %and3A_628 : vector<16xi32>
          %gather3A_631 = tpu.vector_load_idx %arg14[%add3A_555, %add3A_630] : memref<80x128xf32, #tpu.memory_space<vmem>>[vector<16xi32>, vector<16xi32>], vector<16xf32>,
          %mul3A_632 = arith.mulf %gather3A_631, %exp3A : vector<16xf32>
          %add3A_633 = arith.addi %broadcast_in_dim3A_5, %and3A_628 : vector<16xi32>
          %add3A_634 = arith.addi %broadcast_in_dim3A_9, %and3A_628 : vector<16xi32>
          %gather3A_635 = tpu.vector_load_idx %arg14[%add3A_555, %add3A_634] : memref<80x128xf32, #tpu.memory_space<vmem>>[vector<16xi32>, vector<16xi32>], vector<16xf32>,
          %mul3A_636 = arith.mulf %gather3A_635, %exp3A_573 : vector<16xf32>
          %mul3A_637 = arith.constant 8 : i32
          %mul3A_638 = arith.muli %scan3A_586, %mul3A_637 : i32
          %add3A_639 = arith.constant 3 : i32
          %add3A_640 = arith.addi %mul3A_638, %add3A_639 : i32
          %add3A_641 = vector.broadcast %add3A_640 : i32 to vector<16xi32>
          %add3A_642 = arith.addi %iota3A, %add3A_641 : vector<16xi32>
          %and3A_643 = arith.constant 31 : i32
          %and3A_644 = vector.broadcast %and3A_643 : i32 to vector<16xi32>
          %and3A_645 = arith.andi %add3A_642, %and3A_644 : vector<16xi32>
          %add3A_646 = arith.addi %broadcast_in_dim3A_3, %and3A_645 : vector<16xi32>
          %add3A_647 = arith.addi %broadcast_in_dim3A_7, %and3A_645 : vector<16xi32>
          %gather3A_648 = tpu.vector_load_idx %arg14[%add3A_555, %add3A_647] : memref<80x128xf32, #tpu.memory_space<vmem>>[vector<16xi32>, vector<16xi32>], vector<16xf32>,
          %mul3A_649 = arith.mulf %gather3A_648, %exp3A : vector<16xf32>
          %add3A_650 = arith.addi %broadcast_in_dim3A_5, %and3A_645 : vector<16xi32>
          %add3A_651 = arith.addi %broadcast_in_dim3A_9, %and3A_645 : vector<16xi32>
          %gather3A_652 = tpu.vector_load_idx %arg14[%add3A_555, %add3A_651] : memref<80x128xf32, #tpu.memory_space<vmem>>[vector<16xi32>, vector<16xi32>], vector<16xf32>,
          %mul3A_653 = arith.mulf %gather3A_652, %exp3A_573 : vector<16xf32>
          tpu.vector_store_idx %arg15[%add3A_555, %add3A_596], %mul3A_598 : memref<80x72xf32, #tpu.memory_space<vmem>>[vector<16xi32>, vector<16xi32>], vector<16xf32>,
          tpu.vector_store_idx %arg15[%add3A_555, %add3A_599], %mul3A_602 : memref<80x72xf32, #tpu.memory_space<vmem>>[vector<16xi32>, vector<16xi32>], vector<16xf32>,
          tpu.vector_store_idx %arg15[%add3A_555, %add3A_612], %mul3A_615 : memref<80x72xf32, #tpu.memory_space<vmem>>[vector<16xi32>, vector<16xi32>], vector<16xf32>,
          tpu.vector_store_idx %arg15[%add3A_555, %add3A_616], %mul3A_619 : memref<80x72xf32, #tpu.memory_space<vmem>>[vector<16xi32>, vector<16xi32>], vector<16xf32>,
          tpu.vector_store_idx %arg15[%add3A_555, %add3A_629], %mul3A_632 : memref<80x72xf32, #tpu.memory_space<vmem>>[vector<16xi32>, vector<16xi32>], vector<16xf32>,
          tpu.vector_store_idx %arg15[%add3A_555, %add3A_633], %mul3A_636 : memref<80x72xf32, #tpu.memory_space<vmem>>[vector<16xi32>, vector<16xi32>], vector<16xf32>,
          tpu.vector_store_idx %arg15[%add3A_555, %add3A_646], %mul3A_649 : memref<80x72xf32, #tpu.memory_space<vmem>>[vector<16xi32>, vector<16xi32>], vector<16xf32>,
          tpu.vector_store_idx %arg15[%add3A_555, %add3A_650], %mul3A_653 : memref<80x72xf32, #tpu.memory_space<vmem>>[vector<16xi32>, vector<16xi32>], vector<16xf32>,
          %mul3A_654 = arith.constant 8 : i32
          %mul3A_655 = arith.muli %scan3A_586, %mul3A_654 : i32
          %add3A_656 = arith.constant 4 : i32
          %add3A_657 = arith.addi %mul3A_655, %add3A_656 : i32
          %add3A_658 = vector.broadcast %add3A_657 : i32 to vector<16xi32>
          %add3A_659 = arith.addi %iota3A, %add3A_658 : vector<16xi32>
          %and3A_660 = arith.constant 31 : i32
          %and3A_661 = vector.broadcast %and3A_660 : i32 to vector<16xi32>
          %and3A_662 = arith.andi %add3A_659, %and3A_661 : vector<16xi32>
          %add3A_663 = arith.addi %broadcast_in_dim3A_3, %and3A_662 : vector<16xi32>
          %add3A_664 = arith.addi %broadcast_in_dim3A_7, %and3A_662 : vector<16xi32>
          %gather3A_665 = tpu.vector_load_idx %arg14[%add3A_555, %add3A_664] : memref<80x128xf32, #tpu.memory_space<vmem>>[vector<16xi32>, vector<16xi32>], vector<16xf32>,
          %mul3A_666 = arith.mulf %gather3A_665, %exp3A : vector<16xf32>
          %add3A_667 = arith.addi %broadcast_in_dim3A_5, %and3A_662 : vector<16xi32>
          %add3A_668 = arith.addi %broadcast_in_dim3A_9, %and3A_662 : vector<16xi32>
          %gather3A_669 = tpu.vector_load_idx %arg14[%add3A_555, %add3A_668] : memref<80x128xf32, #tpu.memory_space<vmem>>[vector<16xi32>, vector<16xi32>], vector<16xf32>,
          %mul3A_670 = arith.mulf %gather3A_669, %exp3A_573 : vector<16xf32>
          %mul3A_671 = arith.constant 8 : i32
          %mul3A_672 = arith.muli %scan3A_586, %mul3A_671 : i32
          %add3A_673 = arith.constant 5 : i32
          %add3A_674 = arith.addi %mul3A_672, %add3A_673 : i32
          %add3A_675 = vector.broadcast %add3A_674 : i32 to vector<16xi32>
          %add3A_676 = arith.addi %iota3A, %add3A_675 : vector<16xi32>
          %and3A_677 = arith.constant 31 : i32
          %and3A_678 = vector.broadcast %and3A_677 : i32 to vector<16xi32>
          %and3A_679 = arith.andi %add3A_676, %and3A_678 : vector<16xi32>
          %add3A_680 = arith.addi %broadcast_in_dim3A_3, %and3A_679 : vector<16xi32>
          %add3A_681 = arith.addi %broadcast_in_dim3A_7, %and3A_679 : vector<16xi32>
          %gather3A_682 = tpu.vector_load_idx %arg14[%add3A_555, %add3A_681] : memref<80x128xf32, #tpu.memory_space<vmem>>[vector<16xi32>, vector<16xi32>], vector<16xf32>,
          %mul3A_683 = arith.mulf %gather3A_682, %exp3A : vector<16xf32>
          %add3A_684 = arith.addi %broadcast_in_dim3A_5, %and3A_679 : vector<16xi32>
          %add3A_685 = arith.addi %broadcast_in_dim3A_9, %and3A_679 : vector<16xi32>
          %gather3A_686 = tpu.vector_load_idx %arg14[%add3A_555, %add3A_685] : memref<80x128xf32, #tpu.memory_space<vmem>>[vector<16xi32>, vector<16xi32>], vector<16xf32>,
          %mul3A_687 = arith.mulf %gather3A_686, %exp3A_573 : vector<16xf32>
          %mul3A_688 = arith.constant 8 : i32
          %mul3A_689 = arith.muli %scan3A_586, %mul3A_688 : i32
          %add3A_690 = arith.constant 6 : i32
          %add3A_691 = arith.addi %mul3A_689, %add3A_690 : i32
          %add3A_692 = vector.broadcast %add3A_691 : i32 to vector<16xi32>
          %add3A_693 = arith.addi %iota3A, %add3A_692 : vector<16xi32>
          %and3A_694 = arith.constant 31 : i32
          %and3A_695 = vector.broadcast %and3A_694 : i32 to vector<16xi32>
          %and3A_696 = arith.andi %add3A_693, %and3A_695 : vector<16xi32>
          %add3A_697 = arith.addi %broadcast_in_dim3A_3, %and3A_696 : vector<16xi32>
          %add3A_698 = arith.addi %broadcast_in_dim3A_7, %and3A_696 : vector<16xi32>
          %gather3A_699 = tpu.vector_load_idx %arg14[%add3A_555, %add3A_698] : memref<80x128xf32, #tpu.memory_space<vmem>>[vector<16xi32>, vector<16xi32>], vector<16xf32>,
          %mul3A_700 = arith.mulf %gather3A_699, %exp3A : vector<16xf32>
          %add3A_701 = arith.addi %broadcast_in_dim3A_5, %and3A_696 : vector<16xi32>
          %add3A_702 = arith.addi %broadcast_in_dim3A_9, %and3A_696 : vector<16xi32>
          %gather3A_703 = tpu.vector_load_idx %arg14[%add3A_555, %add3A_702] : memref<80x128xf32, #tpu.memory_space<vmem>>[vector<16xi32>, vector<16xi32>], vector<16xf32>,
          %mul3A_704 = arith.mulf %gather3A_703, %exp3A_573 : vector<16xf32>
          %mul3A_705 = arith.constant 8 : i32
          %mul3A_706 = arith.muli %scan3A_586, %mul3A_705 : i32
          %add3A_707 = arith.constant 7 : i32
          %add3A_708 = arith.addi %mul3A_706, %add3A_707 : i32
          %add3A_709 = vector.broadcast %add3A_708 : i32 to vector<16xi32>
          %add3A_710 = arith.addi %iota3A, %add3A_709 : vector<16xi32>
          %and3A_711 = arith.constant 31 : i32
          %and3A_712 = vector.broadcast %and3A_711 : i32 to vector<16xi32>
          %and3A_713 = arith.andi %add3A_710, %and3A_712 : vector<16xi32>
          %add3A_714 = arith.addi %broadcast_in_dim3A_3, %and3A_713 : vector<16xi32>
          %add3A_715 = arith.addi %broadcast_in_dim3A_7, %and3A_713 : vector<16xi32>
          %gather3A_716 = tpu.vector_load_idx %arg14[%add3A_555, %add3A_715] : memref<80x128xf32, #tpu.memory_space<vmem>>[vector<16xi32>, vector<16xi32>], vector<16xf32>,
          %mul3A_717 = arith.mulf %gather3A_716, %exp3A : vector<16xf32>
          %add3A_718 = arith.addi %broadcast_in_dim3A_5, %and3A_713 : vector<16xi32>
          %add3A_719 = arith.addi %broadcast_in_dim3A_9, %and3A_713 : vector<16xi32>
          %gather3A_720 = tpu.vector_load_idx %arg14[%add3A_555, %add3A_719] : memref<80x128xf32, #tpu.memory_space<vmem>>[vector<16xi32>, vector<16xi32>], vector<16xf32>,
          %mul3A_721 = arith.mulf %gather3A_720, %exp3A_573 : vector<16xf32>
          tpu.vector_store_idx %arg15[%add3A_555, %add3A_663], %mul3A_666 : memref<80x72xf32, #tpu.memory_space<vmem>>[vector<16xi32>, vector<16xi32>], vector<16xf32>,
          tpu.vector_store_idx %arg15[%add3A_555, %add3A_667], %mul3A_670 : memref<80x72xf32, #tpu.memory_space<vmem>>[vector<16xi32>, vector<16xi32>], vector<16xf32>,
          tpu.vector_store_idx %arg15[%add3A_555, %add3A_680], %mul3A_683 : memref<80x72xf32, #tpu.memory_space<vmem>>[vector<16xi32>, vector<16xi32>], vector<16xf32>,
          tpu.vector_store_idx %arg15[%add3A_555, %add3A_684], %mul3A_687 : memref<80x72xf32, #tpu.memory_space<vmem>>[vector<16xi32>, vector<16xi32>], vector<16xf32>,
          tpu.vector_store_idx %arg15[%add3A_555, %add3A_697], %mul3A_700 : memref<80x72xf32, #tpu.memory_space<vmem>>[vector<16xi32>, vector<16xi32>], vector<16xf32>,
          tpu.vector_store_idx %arg15[%add3A_555, %add3A_701], %mul3A_704 : memref<80x72xf32, #tpu.memory_space<vmem>>[vector<16xi32>, vector<16xi32>], vector<16xf32>,
          tpu.vector_store_idx %arg15[%add3A_555, %add3A_714], %mul3A_717 : memref<80x72xf32, #tpu.memory_space<vmem>>[vector<16xi32>, vector<16xi32>], vector<16xf32>,
          tpu.vector_store_idx %arg15[%add3A_555, %add3A_718], %mul3A_721 : memref<80x72xf32, #tpu.memory_space<vmem>>[vector<16xi32>, vector<16xi32>], vector<16xf32>,
          %scan3A_722 = arith.constant 0 : i32
          scf.yield %scan3A_722 : i32
        }
        %scan3A_584 = arith.constant 4 : i32
        %scan3A_585 = arith.constant 0 : i32
        scf.yield %scan3A_585 : i32
      }
      %scan3A_365 = arith.constant 5 : i32
      %dma_start3A_366 = arith.constant 0 : i32
      %dma_start3A_367 = arith.constant 0 : i32
      %dma_start3A_368 = tpu.memref_slice %arg12[%dma_start3A_366, %dma_start3A_367] : memref<2x80xi32, #tpu.memory_space<vmem>> -> memref<1x80xi32, #tpu.memory_space<vmem>>
      %dma_start3A_369 = tpu.memref_squeeze %dma_start3A_368 : memref<1x80xi32, #tpu.memory_space<vmem>> -> memref<80xi32, #tpu.memory_space<vmem>>
      %dma_start3A_370 = arith.constant 0 : i32
      %dma_start3A_371 = arith.constant 0 : i32
      %dma_start3A_372 = tpu.memref_slice %arg7[%dma_start3A_370, %dma_start3A_371] : memref<10240x72xf32, #tpu.memory_space<vmem_shared>> -> memref<10240x72xf32, #tpu.memory_space<vmem_shared>>
      tpu.enqueue_indirect_dma source(%arg15 : memref<80x72xf32, #tpu.memory_space<vmem>>) target(%dma_start3A_372 : memref<10240x72xf32, #tpu.memory_space<vmem_shared>>) offsets(%dma_start3A_369 : memref<80xi32, #tpu.memory_space<vmem>>) semaphore(%arg20 : memref<!tpu.dma_semaphore, #tpu.memory_space<semaphore_mem>>) {add = true}
      %mul3A_373 = arith.constant 4 : i32
      %mul3A_374 = arith.muli %mul3A_373, %scan3A_198 : i32
      %add3A_375 = arith.constant 2 : i32
      %add3A_376 = arith.addi %mul3A_374, %add3A_375 : i32
      %dma_wait3A_377 = arith.constant 0 : i32
      %dma_wait3A_378 = arith.constant 0 : i32
      %dma_wait3A_379 = tpu.memref_slice %arg2[%dma_wait3A_377, %dma_wait3A_378] : memref<8000x80xi32, #tpu.memory_space<hbm>> -> memref<2x80xi32, #tpu.memory_space<hbm>>
      %dma_wait3A_380 = arith.constant 0 : i32
      %dma_wait3A_381 = arith.constant 0 : i32
      %dma_wait3A_382 = tpu.memref_slice %arg2[%dma_wait3A_380, %dma_wait3A_381] : memref<8000x80xi32, #tpu.memory_space<hbm>> -> memref<2x80xi32, #tpu.memory_space<hbm>>
      tpu.wait_dma2 semaphore(%arg19 : memref<!tpu.dma_semaphore, #tpu.memory_space<semaphore_mem>>) src(%dma_wait3A_382 : memref<2x80xi32, #tpu.memory_space<hbm>>) dst(%arg17 : memref<2x80xi32, #tpu.memory_space<vmem>>)
      %dma_start3A_383 = arith.constant 0 : i32
      %dma_start3A_384 = arith.constant 0 : i32
      %dma_start3A_385 = tpu.memref_slice %arg17[%dma_start3A_383, %dma_start3A_384] : memref<2x80xi32, #tpu.memory_space<vmem>> -> memref<1x80xi32, #tpu.memory_space<vmem>>
      %dma_start3A_386 = tpu.memref_squeeze %dma_start3A_385 : memref<1x80xi32, #tpu.memory_space<vmem>> -> memref<80xi32, #tpu.memory_space<vmem>>
      %dma_start3A_387 = arith.constant 0 : i32
      %dma_start3A_388 = arith.constant 0 : i32
      %dma_start3A_389 = tpu.memref_slice %arg3[%arg0, %dma_start3A_387, %dma_start3A_388] : memref<2x10000x64xf32, #tpu.memory_space<hbm>> -> memref<1x10000x64xf32, #tpu.memory_space<hbm>>
      %dma_start3A_390 = tpu.memref_squeeze %dma_start3A_389 : memref<1x10000x64xf32, #tpu.memory_space<hbm>> -> memref<10000x64xf32, #tpu.memory_space<hbm>>
      %dma_start3A_391 = arith.constant 0 : i32
      %dma_start3A_392 = arith.constant 0 : i32
      %dma_start3A_393 = tpu.memref_slice %dma_start3A_390[%dma_start3A_391, %dma_start3A_392] : memref<10000x64xf32, #tpu.memory_space<hbm>> -> memref<10000x64xf32, #tpu.memory_space<hbm>>
      tpu.enqueue_indirect_dma source(%dma_start3A_393 : memref<10000x64xf32, #tpu.memory_space<hbm>>) target(%arg13 : memref<80x64xf32, #tpu.memory_space<vmem>>) offsets(%dma_start3A_386 : memref<80xi32, #tpu.memory_space<vmem>>) semaphore(%arg18 : memref<!tpu.dma_semaphore, #tpu.memory_space<semaphore_mem>>)
      %dma_start3A_394 = arith.constant 1 : i32
      %dma_start3A_395 = arith.constant 0 : i32
      %dma_start3A_396 = tpu.memref_slice %arg17[%dma_start3A_394, %dma_start3A_395] : memref<2x80xi32, #tpu.memory_space<vmem>> -> memref<1x80xi32, #tpu.memory_space<vmem>>
      %dma_start3A_397 = tpu.memref_squeeze %dma_start3A_396 : memref<1x80xi32, #tpu.memory_space<vmem>> -> memref<80xi32, #tpu.memory_space<vmem>>
      %dma_start3A_398 = arith.constant 0 : i32
      %dma_start3A_399 = arith.constant 0 : i32
      %dma_start3A_400 = tpu.memref_slice %arg4[%arg0, %dma_start3A_398, %dma_start3A_399] : memref<2x10000x128xf32, #tpu.memory_space<hbm>> -> memref<1x10000x128xf32, #tpu.memory_space<hbm>>
      %dma_start3A_401 = tpu.memref_squeeze %dma_start3A_400 : memref<1x10000x128xf32, #tpu.memory_space<hbm>> -> memref<10000x128xf32, #tpu.memory_space<hbm>>
      %dma_start3A_402 = arith.constant 0 : i32
      %dma_start3A_403 = arith.constant 0 : i32
      %dma_start3A_404 = tpu.memref_slice %dma_start3A_401[%dma_start3A_402, %dma_start3A_403] : memref<10000x128xf32, #tpu.memory_space<hbm>> -> memref<10000x128xf32, #tpu.memory_space<hbm>>
      tpu.enqueue_indirect_dma source(%dma_start3A_404 : memref<10000x128xf32, #tpu.memory_space<hbm>>) target(%arg14 : memref<80x128xf32, #tpu.memory_space<vmem>>) offsets(%dma_start3A_397 : memref<80xi32, #tpu.memory_space<vmem>>) semaphore(%arg18 : memref<!tpu.dma_semaphore, #tpu.memory_space<semaphore_mem>>)
      %dma_wait3A_405 = arith.constant 0 : i32
      %dma_wait3A_406 = arith.constant 0 : i32
      %dma_wait3A_407 = tpu.memref_slice %arg3[%arg0, %dma_wait3A_405, %dma_wait3A_406] : memref<2x10000x64xf32, #tpu.memory_space<hbm>> -> memref<1x10000x64xf32, #tpu.memory_space<hbm>>
      %dma_wait3A_408 = tpu.memref_squeeze %dma_wait3A_407 : memref<1x10000x64xf32, #tpu.memory_space<hbm>> -> memref<10000x64xf32, #tpu.memory_space<hbm>>
      %dma_wait3A_409 = arith.constant 0 : i32
      %dma_wait3A_410 = arith.constant 0 : i32
      %dma_wait3A_411 = tpu.memref_slice %dma_wait3A_408[%dma_wait3A_409, %dma_wait3A_410] : memref<10000x64xf32, #tpu.memory_space<hbm>> -> memref<80x64xf32, #tpu.memory_space<hbm>>
      %dma_wait3A_412 = arith.constant 0 : i32
      %dma_wait3A_413 = arith.constant 0 : i32
      %dma_wait3A_414 = tpu.memref_slice %arg3[%arg0, %dma_wait3A_412, %dma_wait3A_413] : memref<2x10000x64xf32, #tpu.memory_space<hbm>> -> memref<1x10000x64xf32, #tpu.memory_space<hbm>>
      %dma_wait3A_415 = tpu.memref_squeeze %dma_wait3A_414 : memref<1x10000x64xf32, #tpu.memory_space<hbm>> -> memref<10000x64xf32, #tpu.memory_space<hbm>>
      %dma_wait3A_416 = arith.constant 0 : i32
      %dma_wait3A_417 = arith.constant 0 : i32
      %dma_wait3A_418 = tpu.memref_slice %dma_wait3A_415[%dma_wait3A_416, %dma_wait3A_417] : memref<10000x64xf32, #tpu.memory_space<hbm>> -> memref<80x64xf32, #tpu.memory_space<hbm>>
      tpu.wait_dma2 semaphore(%arg18 : memref<!tpu.dma_semaphore, #tpu.memory_space<semaphore_mem>>) src(%dma_wait3A_418 : memref<80x64xf32, #tpu.memory_space<hbm>>) dst(%arg9 : memref<80x64xf32, #tpu.memory_space<vmem>>)
      %dma_wait3A_419 = arith.constant 0 : i32
      %dma_wait3A_420 = arith.constant 0 : i32
      %dma_wait3A_421 = tpu.memref_slice %arg4[%arg0, %dma_wait3A_419, %dma_wait3A_420] : memref<2x10000x128xf32, #tpu.memory_space<hbm>> -> memref<1x10000x128xf32, #tpu.memory_space<hbm>>
      %dma_wait3A_422 = tpu.memref_squeeze %dma_wait3A_421 : memref<1x10000x128xf32, #tpu.memory_space<hbm>> -> memref<10000x128xf32, #tpu.memory_space<hbm>>
      %dma_wait3A_423 = arith.constant 0 : i32
      %dma_wait3A_424 = arith.constant 0 : i32
      %dma_wait3A_425 = tpu.memref_slice %dma_wait3A_422[%dma_wait3A_423, %dma_wait3A_424] : memref<10000x128xf32, #tpu.memory_space<hbm>> -> memref<80x128xf32, #tpu.memory_space<hbm>>
      %dma_wait3A_426 = arith.constant 0 : i32
      %dma_wait3A_427 = arith.constant 0 : i32
      %dma_wait3A_428 = tpu.memref_slice %arg4[%arg0, %dma_wait3A_426, %dma_wait3A_427] : memref<2x10000x128xf32, #tpu.memory_space<hbm>> -> memref<1x10000x128xf32, #tpu.memory_space<hbm>>
      %dma_wait3A_429 = tpu.memref_squeeze %dma_wait3A_428 : memref<1x10000x128xf32, #tpu.memory_space<hbm>> -> memref<10000x128xf32, #tpu.memory_space<hbm>>
      %dma_wait3A_430 = arith.constant 0 : i32
      %dma_wait3A_431 = arith.constant 0 : i32
      %dma_wait3A_432 = tpu.memref_slice %dma_wait3A_429[%dma_wait3A_430, %dma_wait3A_431] : memref<10000x128xf32, #tpu.memory_space<hbm>> -> memref<80x128xf32, #tpu.memory_space<hbm>>
      tpu.wait_dma2 semaphore(%arg18 : memref<!tpu.dma_semaphore, #tpu.memory_space<semaphore_mem>>) src(%dma_wait3A_432 : memref<80x128xf32, #tpu.memory_space<hbm>>) dst(%arg10 : memref<80x128xf32, #tpu.memory_space<vmem>>)
      %ge3A_433 = arith.constant 2 : i32
      %ge3A_434 = arith.cmpi sge, %add3A_376, %ge3A_433 : i32
      %convert_element_type3A_435 = arith.extui %ge3A_434 : i1 to i32
      %cond3A_436 = arith.constant 0 : i32
      %cond3A_437 = arith.cmpi ne, %convert_element_type3A_435, %cond3A_436 : i32
      scf.if %cond3A_437 {
        %dma_wait3A_550 = arith.constant 0 : i32
        %dma_wait3A_551 = arith.constant 0 : i32
        %dma_wait3A_552 = tpu.memref_slice %arg8[%dma_wait3A_550, %dma_wait3A_551] : memref<2x80xi32, #tpu.memory_space<vmem>> -> memref<1x80xi32, #tpu.memory_space<vmem>>
        %dma_wait3A_553 = tpu.memref_squeeze %dma_wait3A_552 : memref<1x80xi32, #tpu.memory_space<vmem>> -> memref<80xi32, #tpu.memory_space<vmem>>
        %dma_wait3A_554 = arith.constant 0 : i32
        %dma_wait3A_555 = arith.constant 0 : i32
        %dma_wait3A_556 = tpu.memref_slice %arg7[%dma_wait3A_554, %dma_wait3A_555] : memref<10240x72xf32, #tpu.memory_space<vmem_shared>> -> memref<10240x72xf32, #tpu.memory_space<vmem_shared>>
        tpu.wait_indirect_dma semaphore(%arg20 : memref<!tpu.dma_semaphore, #tpu.memory_space<semaphore_mem>>) src(%arg11 : memref<80x72xf32, #tpu.memory_space<vmem>>) dst(%dma_wait3A_556 : memref<10240x72xf32, #tpu.memory_space<vmem_shared>>)
      } else {
      }
      %add3A_438 = arith.constant 2 : i32
      %add3A_439 = arith.addi %add3A_376, %add3A_438 : i32
      %add3A_440 = arith.addi %mul3A_2, %add3A_439 : i32
      %mul3A_441 = arith.constant 2 : i32
      %mul3A_442 = arith.muli %mul3A_441, %add3A_440 : i32
      %dma_start3A_443 = arith.constant 0 : i32
      %dma_start3A_444 = tpu.memref_slice %arg2[%mul3A_442, %dma_start3A_443] : memref<8000x80xi32, #tpu.memory_space<hbm>> -> memref<2x80xi32, #tpu.memory_space<hbm>>
      %dma_start3A_445 = arith.constant 0 : i32
      %dma_start3A_446 = tpu.memref_slice %arg2[%mul3A_442, %dma_start3A_445] : memref<8000x80xi32, #tpu.memory_space<hbm>> -> memref<2x80xi32, #tpu.memory_space<hbm>>
      tpu.enqueue_dma source(%dma_start3A_446 : memref<2x80xi32, #tpu.memory_space<hbm>>) target(%arg8 : memref<2x80xi32, #tpu.memory_space<vmem>>) target_semaphore(%arg19 : memref<!tpu.dma_semaphore, #tpu.memory_space<semaphore_mem>>)
      %scan3A_447 = arith.constant 0 : i32
      %scan3A_448 = arith.constant 0 : i32
      %scan3A_449 = arith.constant 5 : i32
      %scan3A_450 = arith.addi %scan3A_448, %scan3A_449 : i32
      %scan3A_451 = arith.constant 1 : i32
      %scan3A_452 = scf.for %scan3A_550 = %scan3A_448 to %scan3A_450 step %scan3A_451 iter_args(%scan3A_551 = %scan3A_447) -> (i32)  : i32 {
        %mul3A_552 = arith.constant 16 : i32
        %mul3A_553 = arith.muli %scan3A_550, %mul3A_552 : i32
        %add3A_554 = vector.broadcast %mul3A_553 : i32 to vector<16xi32>
        %add3A_555 = arith.addi %add3A_554, %iota3A : vector<16xi32>
        %broadcast_in_dim3A_556 = arith.constant 0.000000e+00 : f32
        %broadcast_in_dim3A_557 = vector.broadcast %broadcast_in_dim3A_556 : f32 to vector<16xf32>
        %scan3A_558 = arith.constant 0 : i32
        %scan3A_559 = arith.constant 4 : i32
        %scan3A_560 = arith.addi %scan3A_558, %scan3A_559 : i32
        %scan3A_561 = arith.constant 1 : i32
        %scan3A_562:2 = scf.for %scan3A_586 = %scan3A_558 to %scan3A_560 step %scan3A_561 iter_args(%scan3A_587 = %broadcast_in_dim3A_557, %scan3A_588 = %broadcast_in_dim3A_557) -> (vector<16xf32>, vector<16xf32>)  : i32 {
          %mul3A_589 = arith.constant 8 : i32
          %mul3A_590 = arith.muli %scan3A_586, %mul3A_589 : i32
          %add3A_591 = arith.constant 0 : i32
          %add3A_592 = arith.addi %mul3A_590, %add3A_591 : i32
          %add3A_593 = vector.broadcast %add3A_592 : i32 to vector<16xi32>
          %add3A_594 = arith.addi %iota3A, %add3A_593 : vector<16xi32>
          %and3A = arith.constant 31 : i32
          %and3A_595 = vector.broadcast %and3A : i32 to vector<16xi32>
          %and3A_596 = arith.andi %add3A_594, %and3A_595 : vector<16xi32>
          %add3A_597 = arith.addi %broadcast_in_dim3A_3, %and3A_596 : vector<16xi32>
          %gather3A = tpu.vector_load_idx %arg9[%add3A_555, %add3A_597] : memref<80x64xf32, #tpu.memory_space<vmem>>[vector<16xi32>, vector<16xi32>], vector<16xf32>,
          %gather3A_598 = tpu.vector_load_idx %arg10[%add3A_555, %add3A_597] : memref<80x128xf32, #tpu.memory_space<vmem>>[vector<16xi32>, vector<16xi32>], vector<16xf32>,
          %mul3A_599 = arith.mulf %gather3A, %gather3A_598 : vector<16xf32>
          %add3A_600 = arith.addf %scan3A_587, %mul3A_599 : vector<16xf32>
          %add3A_601 = arith.addi %broadcast_in_dim3A_5, %and3A_596 : vector<16xi32>
          %gather3A_602 = tpu.vector_load_idx %arg9[%add3A_555, %add3A_601] : memref<80x64xf32, #tpu.memory_space<vmem>>[vector<16xi32>, vector<16xi32>], vector<16xf32>,
          %gather3A_603 = tpu.vector_load_idx %arg10[%add3A_555, %add3A_601] : memref<80x128xf32, #tpu.memory_space<vmem>>[vector<16xi32>, vector<16xi32>], vector<16xf32>,
          %mul3A_604 = arith.mulf %gather3A_602, %gather3A_603 : vector<16xf32>
          %add3A_605 = arith.addf %scan3A_588, %mul3A_604 : vector<16xf32>
          %mul3A_606 = arith.constant 8 : i32
          %mul3A_607 = arith.muli %scan3A_586, %mul3A_606 : i32
          %add3A_608 = arith.constant 1 : i32
          %add3A_609 = arith.addi %mul3A_607, %add3A_608 : i32
          %add3A_610 = vector.broadcast %add3A_609 : i32 to vector<16xi32>
          %add3A_611 = arith.addi %iota3A, %add3A_610 : vector<16xi32>
          %and3A_612 = arith.constant 31 : i32
          %and3A_613 = vector.broadcast %and3A_612 : i32 to vector<16xi32>
          %and3A_614 = arith.andi %add3A_611, %and3A_613 : vector<16xi32>
          %add3A_615 = arith.addi %broadcast_in_dim3A_3, %and3A_614 : vector<16xi32>
          %gather3A_616 = tpu.vector_load_idx %arg9[%add3A_555, %add3A_615] : memref<80x64xf32, #tpu.memory_space<vmem>>[vector<16xi32>, vector<16xi32>], vector<16xf32>,
          %gather3A_617 = tpu.vector_load_idx %arg10[%add3A_555, %add3A_615] : memref<80x128xf32, #tpu.memory_space<vmem>>[vector<16xi32>, vector<16xi32>], vector<16xf32>,
          %mul3A_618 = arith.mulf %gather3A_616, %gather3A_617 : vector<16xf32>
          %add3A_619 = arith.addf %add3A_600, %mul3A_618 : vector<16xf32>
          %add3A_620 = arith.addi %broadcast_in_dim3A_5, %and3A_614 : vector<16xi32>
          %gather3A_621 = tpu.vector_load_idx %arg9[%add3A_555, %add3A_620] : memref<80x64xf32, #tpu.memory_space<vmem>>[vector<16xi32>, vector<16xi32>], vector<16xf32>,
          %gather3A_622 = tpu.vector_load_idx %arg10[%add3A_555, %add3A_620] : memref<80x128xf32, #tpu.memory_space<vmem>>[vector<16xi32>, vector<16xi32>], vector<16xf32>,
          %mul3A_623 = arith.mulf %gather3A_621, %gather3A_622 : vector<16xf32>
          %add3A_624 = arith.addf %add3A_605, %mul3A_623 : vector<16xf32>
          %mul3A_625 = arith.constant 8 : i32
          %mul3A_626 = arith.muli %scan3A_586, %mul3A_625 : i32
          %add3A_627 = arith.constant 2 : i32
          %add3A_628 = arith.addi %mul3A_626, %add3A_627 : i32
          %add3A_629 = vector.broadcast %add3A_628 : i32 to vector<16xi32>
          %add3A_630 = arith.addi %iota3A, %add3A_629 : vector<16xi32>
          %and3A_631 = arith.constant 31 : i32
          %and3A_632 = vector.broadcast %and3A_631 : i32 to vector<16xi32>
          %and3A_633 = arith.andi %add3A_630, %and3A_632 : vector<16xi32>
          %add3A_634 = arith.addi %broadcast_in_dim3A_3, %and3A_633 : vector<16xi32>
          %gather3A_635 = tpu.vector_load_idx %arg9[%add3A_555, %add3A_634] : memref<80x64xf32, #tpu.memory_space<vmem>>[vector<16xi32>, vector<16xi32>], vector<16xf32>,
          %gather3A_636 = tpu.vector_load_idx %arg10[%add3A_555, %add3A_634] : memref<80x128xf32, #tpu.memory_space<vmem>>[vector<16xi32>, vector<16xi32>], vector<16xf32>,
          %mul3A_637 = arith.mulf %gather3A_635, %gather3A_636 : vector<16xf32>
          %add3A_638 = arith.addf %add3A_619, %mul3A_637 : vector<16xf32>
          %add3A_639 = arith.addi %broadcast_in_dim3A_5, %and3A_633 : vector<16xi32>
          %gather3A_640 = tpu.vector_load_idx %arg9[%add3A_555, %add3A_639] : memref<80x64xf32, #tpu.memory_space<vmem>>[vector<16xi32>, vector<16xi32>], vector<16xf32>,
          %gather3A_641 = tpu.vector_load_idx %arg10[%add3A_555, %add3A_639] : memref<80x128xf32, #tpu.memory_space<vmem>>[vector<16xi32>, vector<16xi32>], vector<16xf32>,
          %mul3A_642 = arith.mulf %gather3A_640, %gather3A_641 : vector<16xf32>
          %add3A_643 = arith.addf %add3A_624, %mul3A_642 : vector<16xf32>
          %mul3A_644 = arith.constant 8 : i32
          %mul3A_645 = arith.muli %scan3A_586, %mul3A_644 : i32
          %add3A_646 = arith.constant 3 : i32
          %add3A_647 = arith.addi %mul3A_645, %add3A_646 : i32
          %add3A_648 = vector.broadcast %add3A_647 : i32 to vector<16xi32>
          %add3A_649 = arith.addi %iota3A, %add3A_648 : vector<16xi32>
          %and3A_650 = arith.constant 31 : i32
          %and3A_651 = vector.broadcast %and3A_650 : i32 to vector<16xi32>
          %and3A_652 = arith.andi %add3A_649, %and3A_651 : vector<16xi32>
          %add3A_653 = arith.addi %broadcast_in_dim3A_3, %and3A_652 : vector<16xi32>
          %gather3A_654 = tpu.vector_load_idx %arg9[%add3A_555, %add3A_653] : memref<80x64xf32, #tpu.memory_space<vmem>>[vector<16xi32>, vector<16xi32>], vector<16xf32>,
          %gather3A_655 = tpu.vector_load_idx %arg10[%add3A_555, %add3A_653] : memref<80x128xf32, #tpu.memory_space<vmem>>[vector<16xi32>, vector<16xi32>], vector<16xf32>,
          %mul3A_656 = arith.mulf %gather3A_654, %gather3A_655 : vector<16xf32>
          %add3A_657 = arith.addf %add3A_638, %mul3A_656 : vector<16xf32>
          %add3A_658 = arith.addi %broadcast_in_dim3A_5, %and3A_652 : vector<16xi32>
          %gather3A_659 = tpu.vector_load_idx %arg9[%add3A_555, %add3A_658] : memref<80x64xf32, #tpu.memory_space<vmem>>[vector<16xi32>, vector<16xi32>], vector<16xf32>,
          %gather3A_660 = tpu.vector_load_idx %arg10[%add3A_555, %add3A_658] : memref<80x128xf32, #tpu.memory_space<vmem>>[vector<16xi32>, vector<16xi32>], vector<16xf32>,
          %mul3A_661 = arith.mulf %gather3A_659, %gather3A_660 : vector<16xf32>
          %add3A_662 = arith.addf %add3A_643, %mul3A_661 : vector<16xf32>
          %mul3A_663 = arith.constant 8 : i32
          %mul3A_664 = arith.muli %scan3A_586, %mul3A_663 : i32
          %add3A_665 = arith.constant 4 : i32
          %add3A_666 = arith.addi %mul3A_664, %add3A_665 : i32
          %add3A_667 = vector.broadcast %add3A_666 : i32 to vector<16xi32>
          %add3A_668 = arith.addi %iota3A, %add3A_667 : vector<16xi32>
          %and3A_669 = arith.constant 31 : i32
          %and3A_670 = vector.broadcast %and3A_669 : i32 to vector<16xi32>
          %and3A_671 = arith.andi %add3A_668, %and3A_670 : vector<16xi32>
          %add3A_672 = arith.addi %broadcast_in_dim3A_3, %and3A_671 : vector<16xi32>
          %gather3A_673 = tpu.vector_load_idx %arg9[%add3A_555, %add3A_672] : memref<80x64xf32, #tpu.memory_space<vmem>>[vector<16xi32>, vector<16xi32>], vector<16xf32>,
          %gather3A_674 = tpu.vector_load_idx %arg10[%add3A_555, %add3A_672] : memref<80x128xf32, #tpu.memory_space<vmem>>[vector<16xi32>, vector<16xi32>], vector<16xf32>,
          %mul3A_675 = arith.mulf %gather3A_673, %gather3A_674 : vector<16xf32>
          %add3A_676 = arith.addf %add3A_657, %mul3A_675 : vector<16xf32>
          %add3A_677 = arith.addi %broadcast_in_dim3A_5, %and3A_671 : vector<16xi32>
          %gather3A_678 = tpu.vector_load_idx %arg9[%add3A_555, %add3A_677] : memref<80x64xf32, #tpu.memory_space<vmem>>[vector<16xi32>, vector<16xi32>], vector<16xf32>,
          %gather3A_679 = tpu.vector_load_idx %arg10[%add3A_555, %add3A_677] : memref<80x128xf32, #tpu.memory_space<vmem>>[vector<16xi32>, vector<16xi32>], vector<16xf32>,
          %mul3A_680 = arith.mulf %gather3A_678, %gather3A_679 : vector<16xf32>
          %add3A_681 = arith.addf %add3A_662, %mul3A_680 : vector<16xf32>
          %mul3A_682 = arith.constant 8 : i32
          %mul3A_683 = arith.muli %scan3A_586, %mul3A_682 : i32
          %add3A_684 = arith.constant 5 : i32
          %add3A_685 = arith.addi %mul3A_683, %add3A_684 : i32
          %add3A_686 = vector.broadcast %add3A_685 : i32 to vector<16xi32>
          %add3A_687 = arith.addi %iota3A, %add3A_686 : vector<16xi32>
          %and3A_688 = arith.constant 31 : i32
          %and3A_689 = vector.broadcast %and3A_688 : i32 to vector<16xi32>
          %and3A_690 = arith.andi %add3A_687, %and3A_689 : vector<16xi32>
          %add3A_691 = arith.addi %broadcast_in_dim3A_3, %and3A_690 : vector<16xi32>
          %gather3A_692 = tpu.vector_load_idx %arg9[%add3A_555, %add3A_691] : memref<80x64xf32, #tpu.memory_space<vmem>>[vector<16xi32>, vector<16xi32>], vector<16xf32>,
          %gather3A_693 = tpu.vector_load_idx %arg10[%add3A_555, %add3A_691] : memref<80x128xf32, #tpu.memory_space<vmem>>[vector<16xi32>, vector<16xi32>], vector<16xf32>,
          %mul3A_694 = arith.mulf %gather3A_692, %gather3A_693 : vector<16xf32>
          %add3A_695 = arith.addf %add3A_676, %mul3A_694 : vector<16xf32>
          %add3A_696 = arith.addi %broadcast_in_dim3A_5, %and3A_690 : vector<16xi32>
          %gather3A_697 = tpu.vector_load_idx %arg9[%add3A_555, %add3A_696] : memref<80x64xf32, #tpu.memory_space<vmem>>[vector<16xi32>, vector<16xi32>], vector<16xf32>,
          %gather3A_698 = tpu.vector_load_idx %arg10[%add3A_555, %add3A_696] : memref<80x128xf32, #tpu.memory_space<vmem>>[vector<16xi32>, vector<16xi32>], vector<16xf32>,
          %mul3A_699 = arith.mulf %gather3A_697, %gather3A_698 : vector<16xf32>
          %add3A_700 = arith.addf %add3A_681, %mul3A_699 : vector<16xf32>
          %mul3A_701 = arith.constant 8 : i32
          %mul3A_702 = arith.muli %scan3A_586, %mul3A_701 : i32
          %add3A_703 = arith.constant 6 : i32
          %add3A_704 = arith.addi %mul3A_702, %add3A_703 : i32
          %add3A_705 = vector.broadcast %add3A_704 : i32 to vector<16xi32>
          %add3A_706 = arith.addi %iota3A, %add3A_705 : vector<16xi32>
          %and3A_707 = arith.constant 31 : i32
          %and3A_708 = vector.broadcast %and3A_707 : i32 to vector<16xi32>
          %and3A_709 = arith.andi %add3A_706, %and3A_708 : vector<16xi32>
          %add3A_710 = arith.addi %broadcast_in_dim3A_3, %and3A_709 : vector<16xi32>
          %gather3A_711 = tpu.vector_load_idx %arg9[%add3A_555, %add3A_710] : memref<80x64xf32, #tpu.memory_space<vmem>>[vector<16xi32>, vector<16xi32>], vector<16xf32>,
          %gather3A_712 = tpu.vector_load_idx %arg10[%add3A_555, %add3A_710] : memref<80x128xf32, #tpu.memory_space<vmem>>[vector<16xi32>, vector<16xi32>], vector<16xf32>,
          %mul3A_713 = arith.mulf %gather3A_711, %gather3A_712 : vector<16xf32>
          %add3A_714 = arith.addf %add3A_695, %mul3A_713 : vector<16xf32>
          %add3A_715 = arith.addi %broadcast_in_dim3A_5, %and3A_709 : vector<16xi32>
          %gather3A_716 = tpu.vector_load_idx %arg9[%add3A_555, %add3A_715] : memref<80x64xf32, #tpu.memory_space<vmem>>[vector<16xi32>, vector<16xi32>], vector<16xf32>,
          %gather3A_717 = tpu.vector_load_idx %arg10[%add3A_555, %add3A_715] : memref<80x128xf32, #tpu.memory_space<vmem>>[vector<16xi32>, vector<16xi32>], vector<16xf32>,
          %mul3A_718 = arith.mulf %gather3A_716, %gather3A_717 : vector<16xf32>
          %add3A_719 = arith.addf %add3A_700, %mul3A_718 : vector<16xf32>
          %mul3A_720 = arith.constant 8 : i32
          %mul3A_721 = arith.muli %scan3A_586, %mul3A_720 : i32
          %add3A_722 = arith.constant 7 : i32
          %add3A_723 = arith.addi %mul3A_721, %add3A_722 : i32
          %add3A_724 = vector.broadcast %add3A_723 : i32 to vector<16xi32>
          %add3A_725 = arith.addi %iota3A, %add3A_724 : vector<16xi32>
          %and3A_726 = arith.constant 31 : i32
          %and3A_727 = vector.broadcast %and3A_726 : i32 to vector<16xi32>
          %and3A_728 = arith.andi %add3A_725, %and3A_727 : vector<16xi32>
          %add3A_729 = arith.addi %broadcast_in_dim3A_3, %and3A_728 : vector<16xi32>
          %gather3A_730 = tpu.vector_load_idx %arg9[%add3A_555, %add3A_729] : memref<80x64xf32, #tpu.memory_space<vmem>>[vector<16xi32>, vector<16xi32>], vector<16xf32>,
          %gather3A_731 = tpu.vector_load_idx %arg10[%add3A_555, %add3A_729] : memref<80x128xf32, #tpu.memory_space<vmem>>[vector<16xi32>, vector<16xi32>], vector<16xf32>,
          %mul3A_732 = arith.mulf %gather3A_730, %gather3A_731 : vector<16xf32>
          %add3A_733 = arith.addf %add3A_714, %mul3A_732 : vector<16xf32>
          %add3A_734 = arith.addi %broadcast_in_dim3A_5, %and3A_728 : vector<16xi32>
          %gather3A_735 = tpu.vector_load_idx %arg9[%add3A_555, %add3A_734] : memref<80x64xf32, #tpu.memory_space<vmem>>[vector<16xi32>, vector<16xi32>], vector<16xf32>,
          %gather3A_736 = tpu.vector_load_idx %arg10[%add3A_555, %add3A_734] : memref<80x128xf32, #tpu.memory_space<vmem>>[vector<16xi32>, vector<16xi32>], vector<16xf32>,
          %mul3A_737 = arith.mulf %gather3A_735, %gather3A_736 : vector<16xf32>
          %add3A_738 = arith.addf %add3A_719, %mul3A_737 : vector<16xf32>
          scf.yield %add3A_733, %add3A_738 : vector<16xf32>, vector<16xf32>
        }
        %scan3A_563 = arith.constant 4 : i32
        %jit3A = arith.constant -1.000000e+01 : f32
        %jit3A_564 = arith.constant 1.000000e+01 : f32
        %max3A = vector.broadcast %jit3A : f32 to vector<16xf32>
        %max3A_565 = arith.maximumf %max3A, %scan3A_562#0 : vector<16xf32>
        %min3A = vector.broadcast %jit3A_564 : f32 to vector<16xf32>
        %min3A_566 = arith.minimumf %min3A, %max3A_565 : vector<16xf32>
        %exp3A = math.exp %min3A_566 : vector<16xf32>
        %jit3A_567 = arith.constant -1.000000e+01 : f32
        %jit3A_568 = arith.constant 1.000000e+01 : f32
        %max3A_569 = vector.broadcast %jit3A_567 : f32 to vector<16xf32>
        %max3A_570 = arith.maximumf %max3A_569, %scan3A_562#1 : vector<16xf32>
        %min3A_571 = vector.broadcast %jit3A_568 : f32 to vector<16xf32>
        %min3A_572 = arith.minimumf %min3A_571, %max3A_570 : vector<16xf32>
        %exp3A_573 = math.exp %min3A_572 : vector<16xf32>
        %broadcast_in_dim3A_574 = arith.constant 64 : i32
        %broadcast_in_dim3A_575 = vector.broadcast %broadcast_in_dim3A_574 : i32 to vector<16xi32>
        tpu.vector_store_idx %arg11[%add3A_555, %broadcast_in_dim3A_575], %exp3A : memref<80x72xf32, #tpu.memory_space<vmem>>[vector<16xi32>, vector<16xi32>], vector<16xf32>,
        %broadcast_in_dim3A_576 = arith.constant 65 : i32
        %broadcast_in_dim3A_577 = vector.broadcast %broadcast_in_dim3A_576 : i32 to vector<16xi32>
        tpu.vector_store_idx %arg11[%add3A_555, %broadcast_in_dim3A_577], %exp3A_573 : memref<80x72xf32, #tpu.memory_space<vmem>>[vector<16xi32>, vector<16xi32>], vector<16xf32>,
        %scan3A_578 = arith.constant 0 : i32
        %scan3A_579 = arith.constant 0 : i32
        %scan3A_580 = arith.constant 4 : i32
        %scan3A_581 = arith.addi %scan3A_579, %scan3A_580 : i32
        %scan3A_582 = arith.constant 1 : i32
        %scan3A_583 = scf.for %scan3A_586 = %scan3A_579 to %scan3A_581 step %scan3A_582 iter_args(%scan3A_587 = %scan3A_578) -> (i32)  : i32 {
          %mul3A_588 = arith.constant 8 : i32
          %mul3A_589 = arith.muli %scan3A_586, %mul3A_588 : i32
          %add3A_590 = arith.constant 0 : i32
          %add3A_591 = arith.addi %mul3A_589, %add3A_590 : i32
          %add3A_592 = vector.broadcast %add3A_591 : i32 to vector<16xi32>
          %add3A_593 = arith.addi %iota3A, %add3A_592 : vector<16xi32>
          %and3A = arith.constant 31 : i32
          %and3A_594 = vector.broadcast %and3A : i32 to vector<16xi32>
          %and3A_595 = arith.andi %add3A_593, %and3A_594 : vector<16xi32>
          %add3A_596 = arith.addi %broadcast_in_dim3A_3, %and3A_595 : vector<16xi32>
          %add3A_597 = arith.addi %broadcast_in_dim3A_7, %and3A_595 : vector<16xi32>
          %gather3A = tpu.vector_load_idx %arg10[%add3A_555, %add3A_597] : memref<80x128xf32, #tpu.memory_space<vmem>>[vector<16xi32>, vector<16xi32>], vector<16xf32>,
          %mul3A_598 = arith.mulf %gather3A, %exp3A : vector<16xf32>
          %add3A_599 = arith.addi %broadcast_in_dim3A_5, %and3A_595 : vector<16xi32>
          %add3A_600 = arith.addi %broadcast_in_dim3A_9, %and3A_595 : vector<16xi32>
          %gather3A_601 = tpu.vector_load_idx %arg10[%add3A_555, %add3A_600] : memref<80x128xf32, #tpu.memory_space<vmem>>[vector<16xi32>, vector<16xi32>], vector<16xf32>,
          %mul3A_602 = arith.mulf %gather3A_601, %exp3A_573 : vector<16xf32>
          %mul3A_603 = arith.constant 8 : i32
          %mul3A_604 = arith.muli %scan3A_586, %mul3A_603 : i32
          %add3A_605 = arith.constant 1 : i32
          %add3A_606 = arith.addi %mul3A_604, %add3A_605 : i32
          %add3A_607 = vector.broadcast %add3A_606 : i32 to vector<16xi32>
          %add3A_608 = arith.addi %iota3A, %add3A_607 : vector<16xi32>
          %and3A_609 = arith.constant 31 : i32
          %and3A_610 = vector.broadcast %and3A_609 : i32 to vector<16xi32>
          %and3A_611 = arith.andi %add3A_608, %and3A_610 : vector<16xi32>
          %add3A_612 = arith.addi %broadcast_in_dim3A_3, %and3A_611 : vector<16xi32>
          %add3A_613 = arith.addi %broadcast_in_dim3A_7, %and3A_611 : vector<16xi32>
          %gather3A_614 = tpu.vector_load_idx %arg10[%add3A_555, %add3A_613] : memref<80x128xf32, #tpu.memory_space<vmem>>[vector<16xi32>, vector<16xi32>], vector<16xf32>,
          %mul3A_615 = arith.mulf %gather3A_614, %exp3A : vector<16xf32>
          %add3A_616 = arith.addi %broadcast_in_dim3A_5, %and3A_611 : vector<16xi32>
          %add3A_617 = arith.addi %broadcast_in_dim3A_9, %and3A_611 : vector<16xi32>
          %gather3A_618 = tpu.vector_load_idx %arg10[%add3A_555, %add3A_617] : memref<80x128xf32, #tpu.memory_space<vmem>>[vector<16xi32>, vector<16xi32>], vector<16xf32>,
          %mul3A_619 = arith.mulf %gather3A_618, %exp3A_573 : vector<16xf32>
          %mul3A_620 = arith.constant 8 : i32
          %mul3A_621 = arith.muli %scan3A_586, %mul3A_620 : i32
          %add3A_622 = arith.constant 2 : i32
          %add3A_623 = arith.addi %mul3A_621, %add3A_622 : i32
          %add3A_624 = vector.broadcast %add3A_623 : i32 to vector<16xi32>
          %add3A_625 = arith.addi %iota3A, %add3A_624 : vector<16xi32>
          %and3A_626 = arith.constant 31 : i32
          %and3A_627 = vector.broadcast %and3A_626 : i32 to vector<16xi32>
          %and3A_628 = arith.andi %add3A_625, %and3A_627 : vector<16xi32>
          %add3A_629 = arith.addi %broadcast_in_dim3A_3, %and3A_628 : vector<16xi32>
          %add3A_630 = arith.addi %broadcast_in_dim3A_7, %and3A_628 : vector<16xi32>
          %gather3A_631 = tpu.vector_load_idx %arg10[%add3A_555, %add3A_630] : memref<80x128xf32, #tpu.memory_space<vmem>>[vector<16xi32>, vector<16xi32>], vector<16xf32>,
          %mul3A_632 = arith.mulf %gather3A_631, %exp3A : vector<16xf32>
          %add3A_633 = arith.addi %broadcast_in_dim3A_5, %and3A_628 : vector<16xi32>
          %add3A_634 = arith.addi %broadcast_in_dim3A_9, %and3A_628 : vector<16xi32>
          %gather3A_635 = tpu.vector_load_idx %arg10[%add3A_555, %add3A_634] : memref<80x128xf32, #tpu.memory_space<vmem>>[vector<16xi32>, vector<16xi32>], vector<16xf32>,
          %mul3A_636 = arith.mulf %gather3A_635, %exp3A_573 : vector<16xf32>
          %mul3A_637 = arith.constant 8 : i32
          %mul3A_638 = arith.muli %scan3A_586, %mul3A_637 : i32
          %add3A_639 = arith.constant 3 : i32
          %add3A_640 = arith.addi %mul3A_638, %add3A_639 : i32
          %add3A_641 = vector.broadcast %add3A_640 : i32 to vector<16xi32>
          %add3A_642 = arith.addi %iota3A, %add3A_641 : vector<16xi32>
          %and3A_643 = arith.constant 31 : i32
          %and3A_644 = vector.broadcast %and3A_643 : i32 to vector<16xi32>
          %and3A_645 = arith.andi %add3A_642, %and3A_644 : vector<16xi32>
          %add3A_646 = arith.addi %broadcast_in_dim3A_3, %and3A_645 : vector<16xi32>
          %add3A_647 = arith.addi %broadcast_in_dim3A_7, %and3A_645 : vector<16xi32>
          %gather3A_648 = tpu.vector_load_idx %arg10[%add3A_555, %add3A_647] : memref<80x128xf32, #tpu.memory_space<vmem>>[vector<16xi32>, vector<16xi32>], vector<16xf32>,
          %mul3A_649 = arith.mulf %gather3A_648, %exp3A : vector<16xf32>
          %add3A_650 = arith.addi %broadcast_in_dim3A_5, %and3A_645 : vector<16xi32>
          %add3A_651 = arith.addi %broadcast_in_dim3A_9, %and3A_645 : vector<16xi32>
          %gather3A_652 = tpu.vector_load_idx %arg10[%add3A_555, %add3A_651] : memref<80x128xf32, #tpu.memory_space<vmem>>[vector<16xi32>, vector<16xi32>], vector<16xf32>,
          %mul3A_653 = arith.mulf %gather3A_652, %exp3A_573 : vector<16xf32>
          tpu.vector_store_idx %arg11[%add3A_555, %add3A_596], %mul3A_598 : memref<80x72xf32, #tpu.memory_space<vmem>>[vector<16xi32>, vector<16xi32>], vector<16xf32>,
          tpu.vector_store_idx %arg11[%add3A_555, %add3A_599], %mul3A_602 : memref<80x72xf32, #tpu.memory_space<vmem>>[vector<16xi32>, vector<16xi32>], vector<16xf32>,
          tpu.vector_store_idx %arg11[%add3A_555, %add3A_612], %mul3A_615 : memref<80x72xf32, #tpu.memory_space<vmem>>[vector<16xi32>, vector<16xi32>], vector<16xf32>,
          tpu.vector_store_idx %arg11[%add3A_555, %add3A_616], %mul3A_619 : memref<80x72xf32, #tpu.memory_space<vmem>>[vector<16xi32>, vector<16xi32>], vector<16xf32>,
          tpu.vector_store_idx %arg11[%add3A_555, %add3A_629], %mul3A_632 : memref<80x72xf32, #tpu.memory_space<vmem>>[vector<16xi32>, vector<16xi32>], vector<16xf32>,
          tpu.vector_store_idx %arg11[%add3A_555, %add3A_633], %mul3A_636 : memref<80x72xf32, #tpu.memory_space<vmem>>[vector<16xi32>, vector<16xi32>], vector<16xf32>,
          tpu.vector_store_idx %arg11[%add3A_555, %add3A_646], %mul3A_649 : memref<80x72xf32, #tpu.memory_space<vmem>>[vector<16xi32>, vector<16xi32>], vector<16xf32>,
          tpu.vector_store_idx %arg11[%add3A_555, %add3A_650], %mul3A_653 : memref<80x72xf32, #tpu.memory_space<vmem>>[vector<16xi32>, vector<16xi32>], vector<16xf32>,
          %mul3A_654 = arith.constant 8 : i32
          %mul3A_655 = arith.muli %scan3A_586, %mul3A_654 : i32
          %add3A_656 = arith.constant 4 : i32
          %add3A_657 = arith.addi %mul3A_655, %add3A_656 : i32
          %add3A_658 = vector.broadcast %add3A_657 : i32 to vector<16xi32>
          %add3A_659 = arith.addi %iota3A, %add3A_658 : vector<16xi32>
          %and3A_660 = arith.constant 31 : i32
          %and3A_661 = vector.broadcast %and3A_660 : i32 to vector<16xi32>
          %and3A_662 = arith.andi %add3A_659, %and3A_661 : vector<16xi32>
          %add3A_663 = arith.addi %broadcast_in_dim3A_3, %and3A_662 : vector<16xi32>
          %add3A_664 = arith.addi %broadcast_in_dim3A_7, %and3A_662 : vector<16xi32>
          %gather3A_665 = tpu.vector_load_idx %arg10[%add3A_555, %add3A_664] : memref<80x128xf32, #tpu.memory_space<vmem>>[vector<16xi32>, vector<16xi32>], vector<16xf32>,
          %mul3A_666 = arith.mulf %gather3A_665, %exp3A : vector<16xf32>
          %add3A_667 = arith.addi %broadcast_in_dim3A_5, %and3A_662 : vector<16xi32>
          %add3A_668 = arith.addi %broadcast_in_dim3A_9, %and3A_662 : vector<16xi32>
          %gather3A_669 = tpu.vector_load_idx %arg10[%add3A_555, %add3A_668] : memref<80x128xf32, #tpu.memory_space<vmem>>[vector<16xi32>, vector<16xi32>], vector<16xf32>,
          %mul3A_670 = arith.mulf %gather3A_669, %exp3A_573 : vector<16xf32>
          %mul3A_671 = arith.constant 8 : i32
          %mul3A_672 = arith.muli %scan3A_586, %mul3A_671 : i32
          %add3A_673 = arith.constant 5 : i32
          %add3A_674 = arith.addi %mul3A_672, %add3A_673 : i32
          %add3A_675 = vector.broadcast %add3A_674 : i32 to vector<16xi32>
          %add3A_676 = arith.addi %iota3A, %add3A_675 : vector<16xi32>
          %and3A_677 = arith.constant 31 : i32
          %and3A_678 = vector.broadcast %and3A_677 : i32 to vector<16xi32>
          %and3A_679 = arith.andi %add3A_676, %and3A_678 : vector<16xi32>
          %add3A_680 = arith.addi %broadcast_in_dim3A_3, %and3A_679 : vector<16xi32>
          %add3A_681 = arith.addi %broadcast_in_dim3A_7, %and3A_679 : vector<16xi32>
          %gather3A_682 = tpu.vector_load_idx %arg10[%add3A_555, %add3A_681] : memref<80x128xf32, #tpu.memory_space<vmem>>[vector<16xi32>, vector<16xi32>], vector<16xf32>,
          %mul3A_683 = arith.mulf %gather3A_682, %exp3A : vector<16xf32>
          %add3A_684 = arith.addi %broadcast_in_dim3A_5, %and3A_679 : vector<16xi32>
          %add3A_685 = arith.addi %broadcast_in_dim3A_9, %and3A_679 : vector<16xi32>
          %gather3A_686 = tpu.vector_load_idx %arg10[%add3A_555, %add3A_685] : memref<80x128xf32, #tpu.memory_space<vmem>>[vector<16xi32>, vector<16xi32>], vector<16xf32>,
          %mul3A_687 = arith.mulf %gather3A_686, %exp3A_573 : vector<16xf32>
          %mul3A_688 = arith.constant 8 : i32
          %mul3A_689 = arith.muli %scan3A_586, %mul3A_688 : i32
          %add3A_690 = arith.constant 6 : i32
          %add3A_691 = arith.addi %mul3A_689, %add3A_690 : i32
          %add3A_692 = vector.broadcast %add3A_691 : i32 to vector<16xi32>
          %add3A_693 = arith.addi %iota3A, %add3A_692 : vector<16xi32>
          %and3A_694 = arith.constant 31 : i32
          %and3A_695 = vector.broadcast %and3A_694 : i32 to vector<16xi32>
          %and3A_696 = arith.andi %add3A_693, %and3A_695 : vector<16xi32>
          %add3A_697 = arith.addi %broadcast_in_dim3A_3, %and3A_696 : vector<16xi32>
          %add3A_698 = arith.addi %broadcast_in_dim3A_7, %and3A_696 : vector<16xi32>
          %gather3A_699 = tpu.vector_load_idx %arg10[%add3A_555, %add3A_698] : memref<80x128xf32, #tpu.memory_space<vmem>>[vector<16xi32>, vector<16xi32>], vector<16xf32>,
          %mul3A_700 = arith.mulf %gather3A_699, %exp3A : vector<16xf32>
          %add3A_701 = arith.addi %broadcast_in_dim3A_5, %and3A_696 : vector<16xi32>
          %add3A_702 = arith.addi %broadcast_in_dim3A_9, %and3A_696 : vector<16xi32>
          %gather3A_703 = tpu.vector_load_idx %arg10[%add3A_555, %add3A_702] : memref<80x128xf32, #tpu.memory_space<vmem>>[vector<16xi32>, vector<16xi32>], vector<16xf32>,
          %mul3A_704 = arith.mulf %gather3A_703, %exp3A_573 : vector<16xf32>
          %mul3A_705 = arith.constant 8 : i32
          %mul3A_706 = arith.muli %scan3A_586, %mul3A_705 : i32
          %add3A_707 = arith.constant 7 : i32
          %add3A_708 = arith.addi %mul3A_706, %add3A_707 : i32
          %add3A_709 = vector.broadcast %add3A_708 : i32 to vector<16xi32>
          %add3A_710 = arith.addi %iota3A, %add3A_709 : vector<16xi32>
          %and3A_711 = arith.constant 31 : i32
          %and3A_712 = vector.broadcast %and3A_711 : i32 to vector<16xi32>
          %and3A_713 = arith.andi %add3A_710, %and3A_712 : vector<16xi32>
          %add3A_714 = arith.addi %broadcast_in_dim3A_3, %and3A_713 : vector<16xi32>
          %add3A_715 = arith.addi %broadcast_in_dim3A_7, %and3A_713 : vector<16xi32>
          %gather3A_716 = tpu.vector_load_idx %arg10[%add3A_555, %add3A_715] : memref<80x128xf32, #tpu.memory_space<vmem>>[vector<16xi32>, vector<16xi32>], vector<16xf32>,
          %mul3A_717 = arith.mulf %gather3A_716, %exp3A : vector<16xf32>
          %add3A_718 = arith.addi %broadcast_in_dim3A_5, %and3A_713 : vector<16xi32>
          %add3A_719 = arith.addi %broadcast_in_dim3A_9, %and3A_713 : vector<16xi32>
          %gather3A_720 = tpu.vector_load_idx %arg10[%add3A_555, %add3A_719] : memref<80x128xf32, #tpu.memory_space<vmem>>[vector<16xi32>, vector<16xi32>], vector<16xf32>,
          %mul3A_721 = arith.mulf %gather3A_720, %exp3A_573 : vector<16xf32>
          tpu.vector_store_idx %arg11[%add3A_555, %add3A_663], %mul3A_666 : memref<80x72xf32, #tpu.memory_space<vmem>>[vector<16xi32>, vector<16xi32>], vector<16xf32>,
          tpu.vector_store_idx %arg11[%add3A_555, %add3A_667], %mul3A_670 : memref<80x72xf32, #tpu.memory_space<vmem>>[vector<16xi32>, vector<16xi32>], vector<16xf32>,
          tpu.vector_store_idx %arg11[%add3A_555, %add3A_680], %mul3A_683 : memref<80x72xf32, #tpu.memory_space<vmem>>[vector<16xi32>, vector<16xi32>], vector<16xf32>,
          tpu.vector_store_idx %arg11[%add3A_555, %add3A_684], %mul3A_687 : memref<80x72xf32, #tpu.memory_space<vmem>>[vector<16xi32>, vector<16xi32>], vector<16xf32>,
          tpu.vector_store_idx %arg11[%add3A_555, %add3A_697], %mul3A_700 : memref<80x72xf32, #tpu.memory_space<vmem>>[vector<16xi32>, vector<16xi32>], vector<16xf32>,
          tpu.vector_store_idx %arg11[%add3A_555, %add3A_701], %mul3A_704 : memref<80x72xf32, #tpu.memory_space<vmem>>[vector<16xi32>, vector<16xi32>], vector<16xf32>,
          tpu.vector_store_idx %arg11[%add3A_555, %add3A_714], %mul3A_717 : memref<80x72xf32, #tpu.memory_space<vmem>>[vector<16xi32>, vector<16xi32>], vector<16xf32>,
          tpu.vector_store_idx %arg11[%add3A_555, %add3A_718], %mul3A_721 : memref<80x72xf32, #tpu.memory_space<vmem>>[vector<16xi32>, vector<16xi32>], vector<16xf32>,
          %scan3A_722 = arith.constant 0 : i32
          scf.yield %scan3A_722 : i32
        }
        %scan3A_584 = arith.constant 4 : i32
        %scan3A_585 = arith.constant 0 : i32
        scf.yield %scan3A_585 : i32
      }
      %scan3A_453 = arith.constant 5 : i32
      %dma_start3A_454 = arith.constant 0 : i32
      %dma_start3A_455 = arith.constant 0 : i32
      %dma_start3A_456 = tpu.memref_slice %arg16[%dma_start3A_454, %dma_start3A_455] : memref<2x80xi32, #tpu.memory_space<vmem>> -> memref<1x80xi32, #tpu.memory_space<vmem>>
      %dma_start3A_457 = tpu.memref_squeeze %dma_start3A_456 : memref<1x80xi32, #tpu.memory_space<vmem>> -> memref<80xi32, #tpu.memory_space<vmem>>
      %dma_start3A_458 = arith.constant 0 : i32
      %dma_start3A_459 = arith.constant 0 : i32
      %dma_start3A_460 = tpu.memref_slice %arg7[%dma_start3A_458, %dma_start3A_459] : memref<10240x72xf32, #tpu.memory_space<vmem_shared>> -> memref<10240x72xf32, #tpu.memory_space<vmem_shared>>
      tpu.enqueue_indirect_dma source(%arg11 : memref<80x72xf32, #tpu.memory_space<vmem>>) target(%dma_start3A_460 : memref<10240x72xf32, #tpu.memory_space<vmem_shared>>) offsets(%dma_start3A_457 : memref<80xi32, #tpu.memory_space<vmem>>) semaphore(%arg20 : memref<!tpu.dma_semaphore, #tpu.memory_space<semaphore_mem>>) {add = true}
      %mul3A_461 = arith.constant 4 : i32
      %mul3A_462 = arith.muli %mul3A_461, %scan3A_198 : i32
      %add3A_463 = arith.constant 3 : i32
      %add3A_464 = arith.addi %mul3A_462, %add3A_463 : i32
      %dma_wait3A_465 = arith.constant 0 : i32
      %dma_wait3A_466 = arith.constant 0 : i32
      %dma_wait3A_467 = tpu.memref_slice %arg2[%dma_wait3A_465, %dma_wait3A_466] : memref<8000x80xi32, #tpu.memory_space<hbm>> -> memref<2x80xi32, #tpu.memory_space<hbm>>
      %dma_wait3A_468 = arith.constant 0 : i32
      %dma_wait3A_469 = arith.constant 0 : i32
      %dma_wait3A_470 = tpu.memref_slice %arg2[%dma_wait3A_468, %dma_wait3A_469] : memref<8000x80xi32, #tpu.memory_space<hbm>> -> memref<2x80xi32, #tpu.memory_space<hbm>>
      tpu.wait_dma2 semaphore(%arg19 : memref<!tpu.dma_semaphore, #tpu.memory_space<semaphore_mem>>) src(%dma_wait3A_470 : memref<2x80xi32, #tpu.memory_space<hbm>>) dst(%arg8 : memref<2x80xi32, #tpu.memory_space<vmem>>)
      %dma_start3A_471 = arith.constant 0 : i32
      %dma_start3A_472 = arith.constant 0 : i32
      %dma_start3A_473 = tpu.memref_slice %arg8[%dma_start3A_471, %dma_start3A_472] : memref<2x80xi32, #tpu.memory_space<vmem>> -> memref<1x80xi32, #tpu.memory_space<vmem>>
      %dma_start3A_474 = tpu.memref_squeeze %dma_start3A_473 : memref<1x80xi32, #tpu.memory_space<vmem>> -> memref<80xi32, #tpu.memory_space<vmem>>
      %dma_start3A_475 = arith.constant 0 : i32
      %dma_start3A_476 = arith.constant 0 : i32
      %dma_start3A_477 = tpu.memref_slice %arg3[%arg0, %dma_start3A_475, %dma_start3A_476] : memref<2x10000x64xf32, #tpu.memory_space<hbm>> -> memref<1x10000x64xf32, #tpu.memory_space<hbm>>
      %dma_start3A_478 = tpu.memref_squeeze %dma_start3A_477 : memref<1x10000x64xf32, #tpu.memory_space<hbm>> -> memref<10000x64xf32, #tpu.memory_space<hbm>>
      %dma_start3A_479 = arith.constant 0 : i32
      %dma_start3A_480 = arith.constant 0 : i32
      %dma_start3A_481 = tpu.memref_slice %dma_start3A_478[%dma_start3A_479, %dma_start3A_480] : memref<10000x64xf32, #tpu.memory_space<hbm>> -> memref<10000x64xf32, #tpu.memory_space<hbm>>
      tpu.enqueue_indirect_dma source(%dma_start3A_481 : memref<10000x64xf32, #tpu.memory_space<hbm>>) target(%arg9 : memref<80x64xf32, #tpu.memory_space<vmem>>) offsets(%dma_start3A_474 : memref<80xi32, #tpu.memory_space<vmem>>) semaphore(%arg18 : memref<!tpu.dma_semaphore, #tpu.memory_space<semaphore_mem>>)
      %dma_start3A_482 = arith.constant 1 : i32
      %dma_start3A_483 = arith.constant 0 : i32
      %dma_start3A_484 = tpu.memref_slice %arg8[%dma_start3A_482, %dma_start3A_483] : memref<2x80xi32, #tpu.memory_space<vmem>> -> memref<1x80xi32, #tpu.memory_space<vmem>>
      %dma_start3A_485 = tpu.memref_squeeze %dma_start3A_484 : memref<1x80xi32, #tpu.memory_space<vmem>> -> memref<80xi32, #tpu.memory_space<vmem>>
      %dma_start3A_486 = arith.constant 0 : i32
      %dma_start3A_487 = arith.constant 0 : i32
      %dma_start3A_488 = tpu.memref_slice %arg4[%arg0, %dma_start3A_486, %dma_start3A_487] : memref<2x10000x128xf32, #tpu.memory_space<hbm>> -> memref<1x10000x128xf32, #tpu.memory_space<hbm>>
      %dma_start3A_489 = tpu.memref_squeeze %dma_start3A_488 : memref<1x10000x128xf32, #tpu.memory_space<hbm>> -> memref<10000x128xf32, #tpu.memory_space<hbm>>
      %dma_start3A_490 = arith.constant 0 : i32
      %dma_start3A_491 = arith.constant 0 : i32
      %dma_start3A_492 = tpu.memref_slice %dma_start3A_489[%dma_start3A_490, %dma_start3A_491] : memref<10000x128xf32, #tpu.memory_space<hbm>> -> memref<10000x128xf32, #tpu.memory_space<hbm>>
      tpu.enqueue_indirect_dma source(%dma_start3A_492 : memref<10000x128xf32, #tpu.memory_space<hbm>>) target(%arg10 : memref<80x128xf32, #tpu.memory_space<vmem>>) offsets(%dma_start3A_485 : memref<80xi32, #tpu.memory_space<vmem>>) semaphore(%arg18 : memref<!tpu.dma_semaphore, #tpu.memory_space<semaphore_mem>>)
      %dma_wait3A_493 = arith.constant 0 : i32
      %dma_wait3A_494 = arith.constant 0 : i32
      %dma_wait3A_495 = tpu.memref_slice %arg3[%arg0, %dma_wait3A_493, %dma_wait3A_494] : memref<2x10000x64xf32, #tpu.memory_space<hbm>> -> memref<1x10000x64xf32, #tpu.memory_space<hbm>>
      %dma_wait3A_496 = tpu.memref_squeeze %dma_wait3A_495 : memref<1x10000x64xf32, #tpu.memory_space<hbm>> -> memref<10000x64xf32, #tpu.memory_space<hbm>>
      %dma_wait3A_497 = arith.constant 0 : i32
      %dma_wait3A_498 = arith.constant 0 : i32
      %dma_wait3A_499 = tpu.memref_slice %dma_wait3A_496[%dma_wait3A_497, %dma_wait3A_498] : memref<10000x64xf32, #tpu.memory_space<hbm>> -> memref<80x64xf32, #tpu.memory_space<hbm>>
      %dma_wait3A_500 = arith.constant 0 : i32
      %dma_wait3A_501 = arith.constant 0 : i32
      %dma_wait3A_502 = tpu.memref_slice %arg3[%arg0, %dma_wait3A_500, %dma_wait3A_501] : memref<2x10000x64xf32, #tpu.memory_space<hbm>> -> memref<1x10000x64xf32, #tpu.memory_space<hbm>>
      %dma_wait3A_503 = tpu.memref_squeeze %dma_wait3A_502 : memref<1x10000x64xf32, #tpu.memory_space<hbm>> -> memref<10000x64xf32, #tpu.memory_space<hbm>>
      %dma_wait3A_504 = arith.constant 0 : i32
      %dma_wait3A_505 = arith.constant 0 : i32
      %dma_wait3A_506 = tpu.memref_slice %dma_wait3A_503[%dma_wait3A_504, %dma_wait3A_505] : memref<10000x64xf32, #tpu.memory_space<hbm>> -> memref<80x64xf32, #tpu.memory_space<hbm>>
      tpu.wait_dma2 semaphore(%arg18 : memref<!tpu.dma_semaphore, #tpu.memory_space<semaphore_mem>>) src(%dma_wait3A_506 : memref<80x64xf32, #tpu.memory_space<hbm>>) dst(%arg13 : memref<80x64xf32, #tpu.memory_space<vmem>>)
      %dma_wait3A_507 = arith.constant 0 : i32
      %dma_wait3A_508 = arith.constant 0 : i32
      %dma_wait3A_509 = tpu.memref_slice %arg4[%arg0, %dma_wait3A_507, %dma_wait3A_508] : memref<2x10000x128xf32, #tpu.memory_space<hbm>> -> memref<1x10000x128xf32, #tpu.memory_space<hbm>>
      %dma_wait3A_510 = tpu.memref_squeeze %dma_wait3A_509 : memref<1x10000x128xf32, #tpu.memory_space<hbm>> -> memref<10000x128xf32, #tpu.memory_space<hbm>>
      %dma_wait3A_511 = arith.constant 0 : i32
      %dma_wait3A_512 = arith.constant 0 : i32
      %dma_wait3A_513 = tpu.memref_slice %dma_wait3A_510[%dma_wait3A_511, %dma_wait3A_512] : memref<10000x128xf32, #tpu.memory_space<hbm>> -> memref<80x128xf32, #tpu.memory_space<hbm>>
      %dma_wait3A_514 = arith.constant 0 : i32
      %dma_wait3A_515 = arith.constant 0 : i32
      %dma_wait3A_516 = tpu.memref_slice %arg4[%arg0, %dma_wait3A_514, %dma_wait3A_515] : memref<2x10000x128xf32, #tpu.memory_space<hbm>> -> memref<1x10000x128xf32, #tpu.memory_space<hbm>>
      %dma_wait3A_517 = tpu.memref_squeeze %dma_wait3A_516 : memref<1x10000x128xf32, #tpu.memory_space<hbm>> -> memref<10000x128xf32, #tpu.memory_space<hbm>>
      %dma_wait3A_518 = arith.constant 0 : i32
      %dma_wait3A_519 = arith.constant 0 : i32
      %dma_wait3A_520 = tpu.memref_slice %dma_wait3A_517[%dma_wait3A_518, %dma_wait3A_519] : memref<10000x128xf32, #tpu.memory_space<hbm>> -> memref<80x128xf32, #tpu.memory_space<hbm>>
      tpu.wait_dma2 semaphore(%arg18 : memref<!tpu.dma_semaphore, #tpu.memory_space<semaphore_mem>>) src(%dma_wait3A_520 : memref<80x128xf32, #tpu.memory_space<hbm>>) dst(%arg14 : memref<80x128xf32, #tpu.memory_space<vmem>>)
      %ge3A_521 = arith.constant 2 : i32
      %ge3A_522 = arith.cmpi sge, %add3A_464, %ge3A_521 : i32
      %convert_element_type3A_523 = arith.extui %ge3A_522 : i1 to i32
      %cond3A_524 = arith.constant 0 : i32
      %cond3A_525 = arith.cmpi ne, %convert_element_type3A_523, %cond3A_524 : i32
      scf.if %cond3A_525 {
        %dma_wait3A_550 = arith.constant 0 : i32
        %dma_wait3A_551 = arith.constant 0 : i32
        %dma_wait3A_552 = tpu.memref_slice %arg8[%dma_wait3A_550, %dma_wait3A_551] : memref<2x80xi32, #tpu.memory_space<vmem>> -> memref<1x80xi32, #tpu.memory_space<vmem>>
        %dma_wait3A_553 = tpu.memref_squeeze %dma_wait3A_552 : memref<1x80xi32, #tpu.memory_space<vmem>> -> memref<80xi32, #tpu.memory_space<vmem>>
        %dma_wait3A_554 = arith.constant 0 : i32
        %dma_wait3A_555 = arith.constant 0 : i32
        %dma_wait3A_556 = tpu.memref_slice %arg7[%dma_wait3A_554, %dma_wait3A_555] : memref<10240x72xf32, #tpu.memory_space<vmem_shared>> -> memref<10240x72xf32, #tpu.memory_space<vmem_shared>>
        tpu.wait_indirect_dma semaphore(%arg20 : memref<!tpu.dma_semaphore, #tpu.memory_space<semaphore_mem>>) src(%arg11 : memref<80x72xf32, #tpu.memory_space<vmem>>) dst(%dma_wait3A_556 : memref<10240x72xf32, #tpu.memory_space<vmem_shared>>)
      } else {
      }
      %add3A_526 = arith.constant 2 : i32
      %add3A_527 = arith.addi %add3A_464, %add3A_526 : i32
      %add3A_528 = arith.addi %mul3A_2, %add3A_527 : i32
      %mul3A_529 = arith.constant 2 : i32
      %mul3A_530 = arith.muli %mul3A_529, %add3A_528 : i32
      %dma_start3A_531 = arith.constant 0 : i32
      %dma_start3A_532 = tpu.memref_slice %arg2[%mul3A_530, %dma_start3A_531] : memref<8000x80xi32, #tpu.memory_space<hbm>> -> memref<2x80xi32, #tpu.memory_space<hbm>>
      %dma_start3A_533 = arith.constant 0 : i32
      %dma_start3A_534 = tpu.memref_slice %arg2[%mul3A_530, %dma_start3A_533] : memref<8000x80xi32, #tpu.memory_space<hbm>> -> memref<2x80xi32, #tpu.memory_space<hbm>>
      tpu.enqueue_dma source(%dma_start3A_534 : memref<2x80xi32, #tpu.memory_space<hbm>>) target(%arg12 : memref<2x80xi32, #tpu.memory_space<vmem>>) target_semaphore(%arg19 : memref<!tpu.dma_semaphore, #tpu.memory_space<semaphore_mem>>)
      %scan3A_535 = arith.constant 0 : i32
      %scan3A_536 = arith.constant 0 : i32
      %scan3A_537 = arith.constant 5 : i32
      %scan3A_538 = arith.addi %scan3A_536, %scan3A_537 : i32
      %scan3A_539 = arith.constant 1 : i32
      %scan3A_540 = scf.for %scan3A_550 = %scan3A_536 to %scan3A_538 step %scan3A_539 iter_args(%scan3A_551 = %scan3A_535) -> (i32)  : i32 {
        %mul3A_552 = arith.constant 16 : i32
        %mul3A_553 = arith.muli %scan3A_550, %mul3A_552 : i32
        %add3A_554 = vector.broadcast %mul3A_553 : i32 to vector<16xi32>
        %add3A_555 = arith.addi %add3A_554, %iota3A : vector<16xi32>
        %broadcast_in_dim3A_556 = arith.constant 0.000000e+00 : f32
        %broadcast_in_dim3A_557 = vector.broadcast %broadcast_in_dim3A_556 : f32 to vector<16xf32>
        %scan3A_558 = arith.constant 0 : i32
        %scan3A_559 = arith.constant 4 : i32
        %scan3A_560 = arith.addi %scan3A_558, %scan3A_559 : i32
        %scan3A_561 = arith.constant 1 : i32
        %scan3A_562:2 = scf.for %scan3A_586 = %scan3A_558 to %scan3A_560 step %scan3A_561 iter_args(%scan3A_587 = %broadcast_in_dim3A_557, %scan3A_588 = %broadcast_in_dim3A_557) -> (vector<16xf32>, vector<16xf32>)  : i32 {
          %mul3A_589 = arith.constant 8 : i32
          %mul3A_590 = arith.muli %scan3A_586, %mul3A_589 : i32
          %add3A_591 = arith.constant 0 : i32
          %add3A_592 = arith.addi %mul3A_590, %add3A_591 : i32
          %add3A_593 = vector.broadcast %add3A_592 : i32 to vector<16xi32>
          %add3A_594 = arith.addi %iota3A, %add3A_593 : vector<16xi32>
          %and3A = arith.constant 31 : i32
          %and3A_595 = vector.broadcast %and3A : i32 to vector<16xi32>
          %and3A_596 = arith.andi %add3A_594, %and3A_595 : vector<16xi32>
          %add3A_597 = arith.addi %broadcast_in_dim3A_3, %and3A_596 : vector<16xi32>
          %gather3A = tpu.vector_load_idx %arg13[%add3A_555, %add3A_597] : memref<80x64xf32, #tpu.memory_space<vmem>>[vector<16xi32>, vector<16xi32>], vector<16xf32>,
          %gather3A_598 = tpu.vector_load_idx %arg14[%add3A_555, %add3A_597] : memref<80x128xf32, #tpu.memory_space<vmem>>[vector<16xi32>, vector<16xi32>], vector<16xf32>,
          %mul3A_599 = arith.mulf %gather3A, %gather3A_598 : vector<16xf32>
          %add3A_600 = arith.addf %scan3A_587, %mul3A_599 : vector<16xf32>
          %add3A_601 = arith.addi %broadcast_in_dim3A_5, %and3A_596 : vector<16xi32>
          %gather3A_602 = tpu.vector_load_idx %arg13[%add3A_555, %add3A_601] : memref<80x64xf32, #tpu.memory_space<vmem>>[vector<16xi32>, vector<16xi32>], vector<16xf32>,
          %gather3A_603 = tpu.vector_load_idx %arg14[%add3A_555, %add3A_601] : memref<80x128xf32, #tpu.memory_space<vmem>>[vector<16xi32>, vector<16xi32>], vector<16xf32>,
          %mul3A_604 = arith.mulf %gather3A_602, %gather3A_603 : vector<16xf32>
          %add3A_605 = arith.addf %scan3A_588, %mul3A_604 : vector<16xf32>
          %mul3A_606 = arith.constant 8 : i32
          %mul3A_607 = arith.muli %scan3A_586, %mul3A_606 : i32
          %add3A_608 = arith.constant 1 : i32
          %add3A_609 = arith.addi %mul3A_607, %add3A_608 : i32
          %add3A_610 = vector.broadcast %add3A_609 : i32 to vector<16xi32>
          %add3A_611 = arith.addi %iota3A, %add3A_610 : vector<16xi32>
          %and3A_612 = arith.constant 31 : i32
          %and3A_613 = vector.broadcast %and3A_612 : i32 to vector<16xi32>
          %and3A_614 = arith.andi %add3A_611, %and3A_613 : vector<16xi32>
          %add3A_615 = arith.addi %broadcast_in_dim3A_3, %and3A_614 : vector<16xi32>
          %gather3A_616 = tpu.vector_load_idx %arg13[%add3A_555, %add3A_615] : memref<80x64xf32, #tpu.memory_space<vmem>>[vector<16xi32>, vector<16xi32>], vector<16xf32>,
          %gather3A_617 = tpu.vector_load_idx %arg14[%add3A_555, %add3A_615] : memref<80x128xf32, #tpu.memory_space<vmem>>[vector<16xi32>, vector<16xi32>], vector<16xf32>,
          %mul3A_618 = arith.mulf %gather3A_616, %gather3A_617 : vector<16xf32>
          %add3A_619 = arith.addf %add3A_600, %mul3A_618 : vector<16xf32>
          %add3A_620 = arith.addi %broadcast_in_dim3A_5, %and3A_614 : vector<16xi32>
          %gather3A_621 = tpu.vector_load_idx %arg13[%add3A_555, %add3A_620] : memref<80x64xf32, #tpu.memory_space<vmem>>[vector<16xi32>, vector<16xi32>], vector<16xf32>,
          %gather3A_622 = tpu.vector_load_idx %arg14[%add3A_555, %add3A_620] : memref<80x128xf32, #tpu.memory_space<vmem>>[vector<16xi32>, vector<16xi32>], vector<16xf32>,
          %mul3A_623 = arith.mulf %gather3A_621, %gather3A_622 : vector<16xf32>
          %add3A_624 = arith.addf %add3A_605, %mul3A_623 : vector<16xf32>
          %mul3A_625 = arith.constant 8 : i32
          %mul3A_626 = arith.muli %scan3A_586, %mul3A_625 : i32
          %add3A_627 = arith.constant 2 : i32
          %add3A_628 = arith.addi %mul3A_626, %add3A_627 : i32
          %add3A_629 = vector.broadcast %add3A_628 : i32 to vector<16xi32>
          %add3A_630 = arith.addi %iota3A, %add3A_629 : vector<16xi32>
          %and3A_631 = arith.constant 31 : i32
          %and3A_632 = vector.broadcast %and3A_631 : i32 to vector<16xi32>
          %and3A_633 = arith.andi %add3A_630, %and3A_632 : vector<16xi32>
          %add3A_634 = arith.addi %broadcast_in_dim3A_3, %and3A_633 : vector<16xi32>
          %gather3A_635 = tpu.vector_load_idx %arg13[%add3A_555, %add3A_634] : memref<80x64xf32, #tpu.memory_space<vmem>>[vector<16xi32>, vector<16xi32>], vector<16xf32>,
          %gather3A_636 = tpu.vector_load_idx %arg14[%add3A_555, %add3A_634] : memref<80x128xf32, #tpu.memory_space<vmem>>[vector<16xi32>, vector<16xi32>], vector<16xf32>,
          %mul3A_637 = arith.mulf %gather3A_635, %gather3A_636 : vector<16xf32>
          %add3A_638 = arith.addf %add3A_619, %mul3A_637 : vector<16xf32>
          %add3A_639 = arith.addi %broadcast_in_dim3A_5, %and3A_633 : vector<16xi32>
          %gather3A_640 = tpu.vector_load_idx %arg13[%add3A_555, %add3A_639] : memref<80x64xf32, #tpu.memory_space<vmem>>[vector<16xi32>, vector<16xi32>], vector<16xf32>,
          %gather3A_641 = tpu.vector_load_idx %arg14[%add3A_555, %add3A_639] : memref<80x128xf32, #tpu.memory_space<vmem>>[vector<16xi32>, vector<16xi32>], vector<16xf32>,
          %mul3A_642 = arith.mulf %gather3A_640, %gather3A_641 : vector<16xf32>
          %add3A_643 = arith.addf %add3A_624, %mul3A_642 : vector<16xf32>
          %mul3A_644 = arith.constant 8 : i32
          %mul3A_645 = arith.muli %scan3A_586, %mul3A_644 : i32
          %add3A_646 = arith.constant 3 : i32
          %add3A_647 = arith.addi %mul3A_645, %add3A_646 : i32
          %add3A_648 = vector.broadcast %add3A_647 : i32 to vector<16xi32>
          %add3A_649 = arith.addi %iota3A, %add3A_648 : vector<16xi32>
          %and3A_650 = arith.constant 31 : i32
          %and3A_651 = vector.broadcast %and3A_650 : i32 to vector<16xi32>
          %and3A_652 = arith.andi %add3A_649, %and3A_651 : vector<16xi32>
          %add3A_653 = arith.addi %broadcast_in_dim3A_3, %and3A_652 : vector<16xi32>
          %gather3A_654 = tpu.vector_load_idx %arg13[%add3A_555, %add3A_653] : memref<80x64xf32, #tpu.memory_space<vmem>>[vector<16xi32>, vector<16xi32>], vector<16xf32>,
          %gather3A_655 = tpu.vector_load_idx %arg14[%add3A_555, %add3A_653] : memref<80x128xf32, #tpu.memory_space<vmem>>[vector<16xi32>, vector<16xi32>], vector<16xf32>,
          %mul3A_656 = arith.mulf %gather3A_654, %gather3A_655 : vector<16xf32>
          %add3A_657 = arith.addf %add3A_638, %mul3A_656 : vector<16xf32>
          %add3A_658 = arith.addi %broadcast_in_dim3A_5, %and3A_652 : vector<16xi32>
          %gather3A_659 = tpu.vector_load_idx %arg13[%add3A_555, %add3A_658] : memref<80x64xf32, #tpu.memory_space<vmem>>[vector<16xi32>, vector<16xi32>], vector<16xf32>,
          %gather3A_660 = tpu.vector_load_idx %arg14[%add3A_555, %add3A_658] : memref<80x128xf32, #tpu.memory_space<vmem>>[vector<16xi32>, vector<16xi32>], vector<16xf32>,
          %mul3A_661 = arith.mulf %gather3A_659, %gather3A_660 : vector<16xf32>
          %add3A_662 = arith.addf %add3A_643, %mul3A_661 : vector<16xf32>
          %mul3A_663 = arith.constant 8 : i32
          %mul3A_664 = arith.muli %scan3A_586, %mul3A_663 : i32
          %add3A_665 = arith.constant 4 : i32
          %add3A_666 = arith.addi %mul3A_664, %add3A_665 : i32
          %add3A_667 = vector.broadcast %add3A_666 : i32 to vector<16xi32>
          %add3A_668 = arith.addi %iota3A, %add3A_667 : vector<16xi32>
          %and3A_669 = arith.constant 31 : i32
          %and3A_670 = vector.broadcast %and3A_669 : i32 to vector<16xi32>
          %and3A_671 = arith.andi %add3A_668, %and3A_670 : vector<16xi32>
          %add3A_672 = arith.addi %broadcast_in_dim3A_3, %and3A_671 : vector<16xi32>
          %gather3A_673 = tpu.vector_load_idx %arg13[%add3A_555, %add3A_672] : memref<80x64xf32, #tpu.memory_space<vmem>>[vector<16xi32>, vector<16xi32>], vector<16xf32>,
          %gather3A_674 = tpu.vector_load_idx %arg14[%add3A_555, %add3A_672] : memref<80x128xf32, #tpu.memory_space<vmem>>[vector<16xi32>, vector<16xi32>], vector<16xf32>,
          %mul3A_675 = arith.mulf %gather3A_673, %gather3A_674 : vector<16xf32>
          %add3A_676 = arith.addf %add3A_657, %mul3A_675 : vector<16xf32>
          %add3A_677 = arith.addi %broadcast_in_dim3A_5, %and3A_671 : vector<16xi32>
          %gather3A_678 = tpu.vector_load_idx %arg13[%add3A_555, %add3A_677] : memref<80x64xf32, #tpu.memory_space<vmem>>[vector<16xi32>, vector<16xi32>], vector<16xf32>,
          %gather3A_679 = tpu.vector_load_idx %arg14[%add3A_555, %add3A_677] : memref<80x128xf32, #tpu.memory_space<vmem>>[vector<16xi32>, vector<16xi32>], vector<16xf32>,
          %mul3A_680 = arith.mulf %gather3A_678, %gather3A_679 : vector<16xf32>
          %add3A_681 = arith.addf %add3A_662, %mul3A_680 : vector<16xf32>
          %mul3A_682 = arith.constant 8 : i32
          %mul3A_683 = arith.muli %scan3A_586, %mul3A_682 : i32
          %add3A_684 = arith.constant 5 : i32
          %add3A_685 = arith.addi %mul3A_683, %add3A_684 : i32
          %add3A_686 = vector.broadcast %add3A_685 : i32 to vector<16xi32>
          %add3A_687 = arith.addi %iota3A, %add3A_686 : vector<16xi32>
          %and3A_688 = arith.constant 31 : i32
          %and3A_689 = vector.broadcast %and3A_688 : i32 to vector<16xi32>
          %and3A_690 = arith.andi %add3A_687, %and3A_689 : vector<16xi32>
          %add3A_691 = arith.addi %broadcast_in_dim3A_3, %and3A_690 : vector<16xi32>
          %gather3A_692 = tpu.vector_load_idx %arg13[%add3A_555, %add3A_691] : memref<80x64xf32, #tpu.memory_space<vmem>>[vector<16xi32>, vector<16xi32>], vector<16xf32>,
          %gather3A_693 = tpu.vector_load_idx %arg14[%add3A_555, %add3A_691] : memref<80x128xf32, #tpu.memory_space<vmem>>[vector<16xi32>, vector<16xi32>], vector<16xf32>,
          %mul3A_694 = arith.mulf %gather3A_692, %gather3A_693 : vector<16xf32>
          %add3A_695 = arith.addf %add3A_676, %mul3A_694 : vector<16xf32>
          %add3A_696 = arith.addi %broadcast_in_dim3A_5, %and3A_690 : vector<16xi32>
          %gather3A_697 = tpu.vector_load_idx %arg13[%add3A_555, %add3A_696] : memref<80x64xf32, #tpu.memory_space<vmem>>[vector<16xi32>, vector<16xi32>], vector<16xf32>,
          %gather3A_698 = tpu.vector_load_idx %arg14[%add3A_555, %add3A_696] : memref<80x128xf32, #tpu.memory_space<vmem>>[vector<16xi32>, vector<16xi32>], vector<16xf32>,
          %mul3A_699 = arith.mulf %gather3A_697, %gather3A_698 : vector<16xf32>
          %add3A_700 = arith.addf %add3A_681, %mul3A_699 : vector<16xf32>
          %mul3A_701 = arith.constant 8 : i32
          %mul3A_702 = arith.muli %scan3A_586, %mul3A_701 : i32
          %add3A_703 = arith.constant 6 : i32
          %add3A_704 = arith.addi %mul3A_702, %add3A_703 : i32
          %add3A_705 = vector.broadcast %add3A_704 : i32 to vector<16xi32>
          %add3A_706 = arith.addi %iota3A, %add3A_705 : vector<16xi32>
          %and3A_707 = arith.constant 31 : i32
          %and3A_708 = vector.broadcast %and3A_707 : i32 to vector<16xi32>
          %and3A_709 = arith.andi %add3A_706, %and3A_708 : vector<16xi32>
          %add3A_710 = arith.addi %broadcast_in_dim3A_3, %and3A_709 : vector<16xi32>
          %gather3A_711 = tpu.vector_load_idx %arg13[%add3A_555, %add3A_710] : memref<80x64xf32, #tpu.memory_space<vmem>>[vector<16xi32>, vector<16xi32>], vector<16xf32>,
          %gather3A_712 = tpu.vector_load_idx %arg14[%add3A_555, %add3A_710] : memref<80x128xf32, #tpu.memory_space<vmem>>[vector<16xi32>, vector<16xi32>], vector<16xf32>,
          %mul3A_713 = arith.mulf %gather3A_711, %gather3A_712 : vector<16xf32>
          %add3A_714 = arith.addf %add3A_695, %mul3A_713 : vector<16xf32>
          %add3A_715 = arith.addi %broadcast_in_dim3A_5, %and3A_709 : vector<16xi32>
          %gather3A_716 = tpu.vector_load_idx %arg13[%add3A_555, %add3A_715] : memref<80x64xf32, #tpu.memory_space<vmem>>[vector<16xi32>, vector<16xi32>], vector<16xf32>,
          %gather3A_717 = tpu.vector_load_idx %arg14[%add3A_555, %add3A_715] : memref<80x128xf32, #tpu.memory_space<vmem>>[vector<16xi32>, vector<16xi32>], vector<16xf32>,
          %mul3A_718 = arith.mulf %gather3A_716, %gather3A_717 : vector<16xf32>
          %add3A_719 = arith.addf %add3A_700, %mul3A_718 : vector<16xf32>
          %mul3A_720 = arith.constant 8 : i32
          %mul3A_721 = arith.muli %scan3A_586, %mul3A_720 : i32
          %add3A_722 = arith.constant 7 : i32
          %add3A_723 = arith.addi %mul3A_721, %add3A_722 : i32
          %add3A_724 = vector.broadcast %add3A_723 : i32 to vector<16xi32>
          %add3A_725 = arith.addi %iota3A, %add3A_724 : vector<16xi32>
          %and3A_726 = arith.constant 31 : i32
          %and3A_727 = vector.broadcast %and3A_726 : i32 to vector<16xi32>
          %and3A_728 = arith.andi %add3A_725, %and3A_727 : vector<16xi32>
          %add3A_729 = arith.addi %broadcast_in_dim3A_3, %and3A_728 : vector<16xi32>
          %gather3A_730 = tpu.vector_load_idx %arg13[%add3A_555, %add3A_729] : memref<80x64xf32, #tpu.memory_space<vmem>>[vector<16xi32>, vector<16xi32>], vector<16xf32>,
          %gather3A_731 = tpu.vector_load_idx %arg14[%add3A_555, %add3A_729] : memref<80x128xf32, #tpu.memory_space<vmem>>[vector<16xi32>, vector<16xi32>], vector<16xf32>,
          %mul3A_732 = arith.mulf %gather3A_730, %gather3A_731 : vector<16xf32>
          %add3A_733 = arith.addf %add3A_714, %mul3A_732 : vector<16xf32>
          %add3A_734 = arith.addi %broadcast_in_dim3A_5, %and3A_728 : vector<16xi32>
          %gather3A_735 = tpu.vector_load_idx %arg13[%add3A_555, %add3A_734] : memref<80x64xf32, #tpu.memory_space<vmem>>[vector<16xi32>, vector<16xi32>], vector<16xf32>,
          %gather3A_736 = tpu.vector_load_idx %arg14[%add3A_555, %add3A_734] : memref<80x128xf32, #tpu.memory_space<vmem>>[vector<16xi32>, vector<16xi32>], vector<16xf32>,
          %mul3A_737 = arith.mulf %gather3A_735, %gather3A_736 : vector<16xf32>
          %add3A_738 = arith.addf %add3A_719, %mul3A_737 : vector<16xf32>
          scf.yield %add3A_733, %add3A_738 : vector<16xf32>, vector<16xf32>
        }
        %scan3A_563 = arith.constant 4 : i32
        %jit3A = arith.constant -1.000000e+01 : f32
        %jit3A_564 = arith.constant 1.000000e+01 : f32
        %max3A = vector.broadcast %jit3A : f32 to vector<16xf32>
        %max3A_565 = arith.maximumf %max3A, %scan3A_562#0 : vector<16xf32>
        %min3A = vector.broadcast %jit3A_564 : f32 to vector<16xf32>
        %min3A_566 = arith.minimumf %min3A, %max3A_565 : vector<16xf32>
        %exp3A = math.exp %min3A_566 : vector<16xf32>
        %jit3A_567 = arith.constant -1.000000e+01 : f32
        %jit3A_568 = arith.constant 1.000000e+01 : f32
        %max3A_569 = vector.broadcast %jit3A_567 : f32 to vector<16xf32>
        %max3A_570 = arith.maximumf %max3A_569, %scan3A_562#1 : vector<16xf32>
        %min3A_571 = vector.broadcast %jit3A_568 : f32 to vector<16xf32>
        %min3A_572 = arith.minimumf %min3A_571, %max3A_570 : vector<16xf32>
        %exp3A_573 = math.exp %min3A_572 : vector<16xf32>
        %broadcast_in_dim3A_574 = arith.constant 64 : i32
        %broadcast_in_dim3A_575 = vector.broadcast %broadcast_in_dim3A_574 : i32 to vector<16xi32>
        tpu.vector_store_idx %arg15[%add3A_555, %broadcast_in_dim3A_575], %exp3A : memref<80x72xf32, #tpu.memory_space<vmem>>[vector<16xi32>, vector<16xi32>], vector<16xf32>,
        %broadcast_in_dim3A_576 = arith.constant 65 : i32
        %broadcast_in_dim3A_577 = vector.broadcast %broadcast_in_dim3A_576 : i32 to vector<16xi32>
        tpu.vector_store_idx %arg15[%add3A_555, %broadcast_in_dim3A_577], %exp3A_573 : memref<80x72xf32, #tpu.memory_space<vmem>>[vector<16xi32>, vector<16xi32>], vector<16xf32>,
        %scan3A_578 = arith.constant 0 : i32
        %scan3A_579 = arith.constant 0 : i32
        %scan3A_580 = arith.constant 4 : i32
        %scan3A_581 = arith.addi %scan3A_579, %scan3A_580 : i32
        %scan3A_582 = arith.constant 1 : i32
        %scan3A_583 = scf.for %scan3A_586 = %scan3A_579 to %scan3A_581 step %scan3A_582 iter_args(%scan3A_587 = %scan3A_578) -> (i32)  : i32 {
          %mul3A_588 = arith.constant 8 : i32
          %mul3A_589 = arith.muli %scan3A_586, %mul3A_588 : i32
          %add3A_590 = arith.constant 0 : i32
          %add3A_591 = arith.addi %mul3A_589, %add3A_590 : i32
          %add3A_592 = vector.broadcast %add3A_591 : i32 to vector<16xi32>
          %add3A_593 = arith.addi %iota3A, %add3A_592 : vector<16xi32>
          %and3A = arith.constant 31 : i32
          %and3A_594 = vector.broadcast %and3A : i32 to vector<16xi32>
          %and3A_595 = arith.andi %add3A_593, %and3A_594 : vector<16xi32>
          %add3A_596 = arith.addi %broadcast_in_dim3A_3, %and3A_595 : vector<16xi32>
          %add3A_597 = arith.addi %broadcast_in_dim3A_7, %and3A_595 : vector<16xi32>
          %gather3A = tpu.vector_load_idx %arg14[%add3A_555, %add3A_597] : memref<80x128xf32, #tpu.memory_space<vmem>>[vector<16xi32>, vector<16xi32>], vector<16xf32>,
          %mul3A_598 = arith.mulf %gather3A, %exp3A : vector<16xf32>
          %add3A_599 = arith.addi %broadcast_in_dim3A_5, %and3A_595 : vector<16xi32>
          %add3A_600 = arith.addi %broadcast_in_dim3A_9, %and3A_595 : vector<16xi32>
          %gather3A_601 = tpu.vector_load_idx %arg14[%add3A_555, %add3A_600] : memref<80x128xf32, #tpu.memory_space<vmem>>[vector<16xi32>, vector<16xi32>], vector<16xf32>,
          %mul3A_602 = arith.mulf %gather3A_601, %exp3A_573 : vector<16xf32>
          %mul3A_603 = arith.constant 8 : i32
          %mul3A_604 = arith.muli %scan3A_586, %mul3A_603 : i32
          %add3A_605 = arith.constant 1 : i32
          %add3A_606 = arith.addi %mul3A_604, %add3A_605 : i32
          %add3A_607 = vector.broadcast %add3A_606 : i32 to vector<16xi32>
          %add3A_608 = arith.addi %iota3A, %add3A_607 : vector<16xi32>
          %and3A_609 = arith.constant 31 : i32
          %and3A_610 = vector.broadcast %and3A_609 : i32 to vector<16xi32>
          %and3A_611 = arith.andi %add3A_608, %and3A_610 : vector<16xi32>
          %add3A_612 = arith.addi %broadcast_in_dim3A_3, %and3A_611 : vector<16xi32>
          %add3A_613 = arith.addi %broadcast_in_dim3A_7, %and3A_611 : vector<16xi32>
          %gather3A_614 = tpu.vector_load_idx %arg14[%add3A_555, %add3A_613] : memref<80x128xf32, #tpu.memory_space<vmem>>[vector<16xi32>, vector<16xi32>], vector<16xf32>,
          %mul3A_615 = arith.mulf %gather3A_614, %exp3A : vector<16xf32>
          %add3A_616 = arith.addi %broadcast_in_dim3A_5, %and3A_611 : vector<16xi32>
          %add3A_617 = arith.addi %broadcast_in_dim3A_9, %and3A_611 : vector<16xi32>
          %gather3A_618 = tpu.vector_load_idx %arg14[%add3A_555, %add3A_617] : memref<80x128xf32, #tpu.memory_space<vmem>>[vector<16xi32>, vector<16xi32>], vector<16xf32>,
          %mul3A_619 = arith.mulf %gather3A_618, %exp3A_573 : vector<16xf32>
          %mul3A_620 = arith.constant 8 : i32
          %mul3A_621 = arith.muli %scan3A_586, %mul3A_620 : i32
          %add3A_622 = arith.constant 2 : i32
          %add3A_623 = arith.addi %mul3A_621, %add3A_622 : i32
          %add3A_624 = vector.broadcast %add3A_623 : i32 to vector<16xi32>
          %add3A_625 = arith.addi %iota3A, %add3A_624 : vector<16xi32>
          %and3A_626 = arith.constant 31 : i32
          %and3A_627 = vector.broadcast %and3A_626 : i32 to vector<16xi32>
          %and3A_628 = arith.andi %add3A_625, %and3A_627 : vector<16xi32>
          %add3A_629 = arith.addi %broadcast_in_dim3A_3, %and3A_628 : vector<16xi32>
          %add3A_630 = arith.addi %broadcast_in_dim3A_7, %and3A_628 : vector<16xi32>
          %gather3A_631 = tpu.vector_load_idx %arg14[%add3A_555, %add3A_630] : memref<80x128xf32, #tpu.memory_space<vmem>>[vector<16xi32>, vector<16xi32>], vector<16xf32>,
          %mul3A_632 = arith.mulf %gather3A_631, %exp3A : vector<16xf32>
          %add3A_633 = arith.addi %broadcast_in_dim3A_5, %and3A_628 : vector<16xi32>
          %add3A_634 = arith.addi %broadcast_in_dim3A_9, %and3A_628 : vector<16xi32>
          %gather3A_635 = tpu.vector_load_idx %arg14[%add3A_555, %add3A_634] : memref<80x128xf32, #tpu.memory_space<vmem>>[vector<16xi32>, vector<16xi32>], vector<16xf32>,
          %mul3A_636 = arith.mulf %gather3A_635, %exp3A_573 : vector<16xf32>
          %mul3A_637 = arith.constant 8 : i32
          %mul3A_638 = arith.muli %scan3A_586, %mul3A_637 : i32
          %add3A_639 = arith.constant 3 : i32
          %add3A_640 = arith.addi %mul3A_638, %add3A_639 : i32
          %add3A_641 = vector.broadcast %add3A_640 : i32 to vector<16xi32>
          %add3A_642 = arith.addi %iota3A, %add3A_641 : vector<16xi32>
          %and3A_643 = arith.constant 31 : i32
          %and3A_644 = vector.broadcast %and3A_643 : i32 to vector<16xi32>
          %and3A_645 = arith.andi %add3A_642, %and3A_644 : vector<16xi32>
          %add3A_646 = arith.addi %broadcast_in_dim3A_3, %and3A_645 : vector<16xi32>
          %add3A_647 = arith.addi %broadcast_in_dim3A_7, %and3A_645 : vector<16xi32>
          %gather3A_648 = tpu.vector_load_idx %arg14[%add3A_555, %add3A_647] : memref<80x128xf32, #tpu.memory_space<vmem>>[vector<16xi32>, vector<16xi32>], vector<16xf32>,
          %mul3A_649 = arith.mulf %gather3A_648, %exp3A : vector<16xf32>
          %add3A_650 = arith.addi %broadcast_in_dim3A_5, %and3A_645 : vector<16xi32>
          %add3A_651 = arith.addi %broadcast_in_dim3A_9, %and3A_645 : vector<16xi32>
          %gather3A_652 = tpu.vector_load_idx %arg14[%add3A_555, %add3A_651] : memref<80x128xf32, #tpu.memory_space<vmem>>[vector<16xi32>, vector<16xi32>], vector<16xf32>,
          %mul3A_653 = arith.mulf %gather3A_652, %exp3A_573 : vector<16xf32>
          tpu.vector_store_idx %arg15[%add3A_555, %add3A_596], %mul3A_598 : memref<80x72xf32, #tpu.memory_space<vmem>>[vector<16xi32>, vector<16xi32>], vector<16xf32>,
          tpu.vector_store_idx %arg15[%add3A_555, %add3A_599], %mul3A_602 : memref<80x72xf32, #tpu.memory_space<vmem>>[vector<16xi32>, vector<16xi32>], vector<16xf32>,
          tpu.vector_store_idx %arg15[%add3A_555, %add3A_612], %mul3A_615 : memref<80x72xf32, #tpu.memory_space<vmem>>[vector<16xi32>, vector<16xi32>], vector<16xf32>,
          tpu.vector_store_idx %arg15[%add3A_555, %add3A_616], %mul3A_619 : memref<80x72xf32, #tpu.memory_space<vmem>>[vector<16xi32>, vector<16xi32>], vector<16xf32>,
          tpu.vector_store_idx %arg15[%add3A_555, %add3A_629], %mul3A_632 : memref<80x72xf32, #tpu.memory_space<vmem>>[vector<16xi32>, vector<16xi32>], vector<16xf32>,
          tpu.vector_store_idx %arg15[%add3A_555, %add3A_633], %mul3A_636 : memref<80x72xf32, #tpu.memory_space<vmem>>[vector<16xi32>, vector<16xi32>], vector<16xf32>,
          tpu.vector_store_idx %arg15[%add3A_555, %add3A_646], %mul3A_649 : memref<80x72xf32, #tpu.memory_space<vmem>>[vector<16xi32>, vector<16xi32>], vector<16xf32>,
          tpu.vector_store_idx %arg15[%add3A_555, %add3A_650], %mul3A_653 : memref<80x72xf32, #tpu.memory_space<vmem>>[vector<16xi32>, vector<16xi32>], vector<16xf32>,
          %mul3A_654 = arith.constant 8 : i32
          %mul3A_655 = arith.muli %scan3A_586, %mul3A_654 : i32
          %add3A_656 = arith.constant 4 : i32
          %add3A_657 = arith.addi %mul3A_655, %add3A_656 : i32
          %add3A_658 = vector.broadcast %add3A_657 : i32 to vector<16xi32>
          %add3A_659 = arith.addi %iota3A, %add3A_658 : vector<16xi32>
          %and3A_660 = arith.constant 31 : i32
          %and3A_661 = vector.broadcast %and3A_660 : i32 to vector<16xi32>
          %and3A_662 = arith.andi %add3A_659, %and3A_661 : vector<16xi32>
          %add3A_663 = arith.addi %broadcast_in_dim3A_3, %and3A_662 : vector<16xi32>
          %add3A_664 = arith.addi %broadcast_in_dim3A_7, %and3A_662 : vector<16xi32>
          %gather3A_665 = tpu.vector_load_idx %arg14[%add3A_555, %add3A_664] : memref<80x128xf32, #tpu.memory_space<vmem>>[vector<16xi32>, vector<16xi32>], vector<16xf32>,
          %mul3A_666 = arith.mulf %gather3A_665, %exp3A : vector<16xf32>
          %add3A_667 = arith.addi %broadcast_in_dim3A_5, %and3A_662 : vector<16xi32>
          %add3A_668 = arith.addi %broadcast_in_dim3A_9, %and3A_662 : vector<16xi32>
          %gather3A_669 = tpu.vector_load_idx %arg14[%add3A_555, %add3A_668] : memref<80x128xf32, #tpu.memory_space<vmem>>[vector<16xi32>, vector<16xi32>], vector<16xf32>,
          %mul3A_670 = arith.mulf %gather3A_669, %exp3A_573 : vector<16xf32>
          %mul3A_671 = arith.constant 8 : i32
          %mul3A_672 = arith.muli %scan3A_586, %mul3A_671 : i32
          %add3A_673 = arith.constant 5 : i32
          %add3A_674 = arith.addi %mul3A_672, %add3A_673 : i32
          %add3A_675 = vector.broadcast %add3A_674 : i32 to vector<16xi32>
          %add3A_676 = arith.addi %iota3A, %add3A_675 : vector<16xi32>
          %and3A_677 = arith.constant 31 : i32
          %and3A_678 = vector.broadcast %and3A_677 : i32 to vector<16xi32>
          %and3A_679 = arith.andi %add3A_676, %and3A_678 : vector<16xi32>
          %add3A_680 = arith.addi %broadcast_in_dim3A_3, %and3A_679 : vector<16xi32>
          %add3A_681 = arith.addi %broadcast_in_dim3A_7, %and3A_679 : vector<16xi32>
          %gather3A_682 = tpu.vector_load_idx %arg14[%add3A_555, %add3A_681] : memref<80x128xf32, #tpu.memory_space<vmem>>[vector<16xi32>, vector<16xi32>], vector<16xf32>,
          %mul3A_683 = arith.mulf %gather3A_682, %exp3A : vector<16xf32>
          %add3A_684 = arith.addi %broadcast_in_dim3A_5, %and3A_679 : vector<16xi32>
          %add3A_685 = arith.addi %broadcast_in_dim3A_9, %and3A_679 : vector<16xi32>
          %gather3A_686 = tpu.vector_load_idx %arg14[%add3A_555, %add3A_685] : memref<80x128xf32, #tpu.memory_space<vmem>>[vector<16xi32>, vector<16xi32>], vector<16xf32>,
          %mul3A_687 = arith.mulf %gather3A_686, %exp3A_573 : vector<16xf32>
          %mul3A_688 = arith.constant 8 : i32
          %mul3A_689 = arith.muli %scan3A_586, %mul3A_688 : i32
          %add3A_690 = arith.constant 6 : i32
          %add3A_691 = arith.addi %mul3A_689, %add3A_690 : i32
          %add3A_692 = vector.broadcast %add3A_691 : i32 to vector<16xi32>
          %add3A_693 = arith.addi %iota3A, %add3A_692 : vector<16xi32>
          %and3A_694 = arith.constant 31 : i32
          %and3A_695 = vector.broadcast %and3A_694 : i32 to vector<16xi32>
          %and3A_696 = arith.andi %add3A_693, %and3A_695 : vector<16xi32>
          %add3A_697 = arith.addi %broadcast_in_dim3A_3, %and3A_696 : vector<16xi32>
          %add3A_698 = arith.addi %broadcast_in_dim3A_7, %and3A_696 : vector<16xi32>
          %gather3A_699 = tpu.vector_load_idx %arg14[%add3A_555, %add3A_698] : memref<80x128xf32, #tpu.memory_space<vmem>>[vector<16xi32>, vector<16xi32>], vector<16xf32>,
          %mul3A_700 = arith.mulf %gather3A_699, %exp3A : vector<16xf32>
          %add3A_701 = arith.addi %broadcast_in_dim3A_5, %and3A_696 : vector<16xi32>
          %add3A_702 = arith.addi %broadcast_in_dim3A_9, %and3A_696 : vector<16xi32>
          %gather3A_703 = tpu.vector_load_idx %arg14[%add3A_555, %add3A_702] : memref<80x128xf32, #tpu.memory_space<vmem>>[vector<16xi32>, vector<16xi32>], vector<16xf32>,
          %mul3A_704 = arith.mulf %gather3A_703, %exp3A_573 : vector<16xf32>
          %mul3A_705 = arith.constant 8 : i32
          %mul3A_706 = arith.muli %scan3A_586, %mul3A_705 : i32
          %add3A_707 = arith.constant 7 : i32
          %add3A_708 = arith.addi %mul3A_706, %add3A_707 : i32
          %add3A_709 = vector.broadcast %add3A_708 : i32 to vector<16xi32>
          %add3A_710 = arith.addi %iota3A, %add3A_709 : vector<16xi32>
          %and3A_711 = arith.constant 31 : i32
          %and3A_712 = vector.broadcast %and3A_711 : i32 to vector<16xi32>
          %and3A_713 = arith.andi %add3A_710, %and3A_712 : vector<16xi32>
          %add3A_714 = arith.addi %broadcast_in_dim3A_3, %and3A_713 : vector<16xi32>
          %add3A_715 = arith.addi %broadcast_in_dim3A_7, %and3A_713 : vector<16xi32>
          %gather3A_716 = tpu.vector_load_idx %arg14[%add3A_555, %add3A_715] : memref<80x128xf32, #tpu.memory_space<vmem>>[vector<16xi32>, vector<16xi32>], vector<16xf32>,
          %mul3A_717 = arith.mulf %gather3A_716, %exp3A : vector<16xf32>
          %add3A_718 = arith.addi %broadcast_in_dim3A_5, %and3A_713 : vector<16xi32>
          %add3A_719 = arith.addi %broadcast_in_dim3A_9, %and3A_713 : vector<16xi32>
          %gather3A_720 = tpu.vector_load_idx %arg14[%add3A_555, %add3A_719] : memref<80x128xf32, #tpu.memory_space<vmem>>[vector<16xi32>, vector<16xi32>], vector<16xf32>,
          %mul3A_721 = arith.mulf %gather3A_720, %exp3A_573 : vector<16xf32>
          tpu.vector_store_idx %arg15[%add3A_555, %add3A_663], %mul3A_666 : memref<80x72xf32, #tpu.memory_space<vmem>>[vector<16xi32>, vector<16xi32>], vector<16xf32>,
          tpu.vector_store_idx %arg15[%add3A_555, %add3A_667], %mul3A_670 : memref<80x72xf32, #tpu.memory_space<vmem>>[vector<16xi32>, vector<16xi32>], vector<16xf32>,
          tpu.vector_store_idx %arg15[%add3A_555, %add3A_680], %mul3A_683 : memref<80x72xf32, #tpu.memory_space<vmem>>[vector<16xi32>, vector<16xi32>], vector<16xf32>,
          tpu.vector_store_idx %arg15[%add3A_555, %add3A_684], %mul3A_687 : memref<80x72xf32, #tpu.memory_space<vmem>>[vector<16xi32>, vector<16xi32>], vector<16xf32>,
          tpu.vector_store_idx %arg15[%add3A_555, %add3A_697], %mul3A_700 : memref<80x72xf32, #tpu.memory_space<vmem>>[vector<16xi32>, vector<16xi32>], vector<16xf32>,
          tpu.vector_store_idx %arg15[%add3A_555, %add3A_701], %mul3A_704 : memref<80x72xf32, #tpu.memory_space<vmem>>[vector<16xi32>, vector<16xi32>], vector<16xf32>,
          tpu.vector_store_idx %arg15[%add3A_555, %add3A_714], %mul3A_717 : memref<80x72xf32, #tpu.memory_space<vmem>>[vector<16xi32>, vector<16xi32>], vector<16xf32>,
          tpu.vector_store_idx %arg15[%add3A_555, %add3A_718], %mul3A_721 : memref<80x72xf32, #tpu.memory_space<vmem>>[vector<16xi32>, vector<16xi32>], vector<16xf32>,
          %scan3A_722 = arith.constant 0 : i32
          scf.yield %scan3A_722 : i32
        }
        %scan3A_584 = arith.constant 4 : i32
        %scan3A_585 = arith.constant 0 : i32
        scf.yield %scan3A_585 : i32
      }
      %scan3A_541 = arith.constant 5 : i32
      %dma_start3A_542 = arith.constant 0 : i32
      %dma_start3A_543 = arith.constant 0 : i32
      %dma_start3A_544 = tpu.memref_slice %arg17[%dma_start3A_542, %dma_start3A_543] : memref<2x80xi32, #tpu.memory_space<vmem>> -> memref<1x80xi32, #tpu.memory_space<vmem>>
      %dma_start3A_545 = tpu.memref_squeeze %dma_start3A_544 : memref<1x80xi32, #tpu.memory_space<vmem>> -> memref<80xi32, #tpu.memory_space<vmem>>
      %dma_start3A_546 = arith.constant 0 : i32
      %dma_start3A_547 = arith.constant 0 : i32
      %dma_start3A_548 = tpu.memref_slice %arg7[%dma_start3A_546, %dma_start3A_547] : memref<10240x72xf32, #tpu.memory_space<vmem_shared>> -> memref<10240x72xf32, #tpu.memory_space<vmem_shared>>
      tpu.enqueue_indirect_dma source(%arg15 : memref<80x72xf32, #tpu.memory_space<vmem>>) target(%dma_start3A_548 : memref<10240x72xf32, #tpu.memory_space<vmem_shared>>) offsets(%dma_start3A_545 : memref<80xi32, #tpu.memory_space<vmem>>) semaphore(%arg20 : memref<!tpu.dma_semaphore, #tpu.memory_space<semaphore_mem>>) {add = true}
      %scan3A_549 = arith.constant 0 : i32
      scf.yield %scan3A_549 : i32
    }
    %scan3A_56 = arith.constant 62 : i32
    %dma_wait3A_57 = arith.constant 0 : i32
    %dma_wait3A_58 = arith.constant 0 : i32
    %dma_wait3A_59 = tpu.memref_slice %arg2[%dma_wait3A_57, %dma_wait3A_58] : memref<8000x80xi32, #tpu.memory_space<hbm>> -> memref<2x80xi32, #tpu.memory_space<hbm>>
    %dma_wait3A_60 = arith.constant 0 : i32
    %dma_wait3A_61 = arith.constant 0 : i32
    %dma_wait3A_62 = tpu.memref_slice %arg2[%dma_wait3A_60, %dma_wait3A_61] : memref<8000x80xi32, #tpu.memory_space<hbm>> -> memref<2x80xi32, #tpu.memory_space<hbm>>
    tpu.wait_dma2 semaphore(%arg19 : memref<!tpu.dma_semaphore, #tpu.memory_space<semaphore_mem>>) src(%dma_wait3A_62 : memref<2x80xi32, #tpu.memory_space<hbm>>) dst(%arg12 : memref<2x80xi32, #tpu.memory_space<vmem>>)
    %dma_start3A_63 = arith.constant 0 : i32
    %dma_start3A_64 = arith.constant 0 : i32
    %dma_start3A_65 = tpu.memref_slice %arg12[%dma_start3A_63, %dma_start3A_64] : memref<2x80xi32, #tpu.memory_space<vmem>> -> memref<1x80xi32, #tpu.memory_space<vmem>>
    %dma_start3A_66 = tpu.memref_squeeze %dma_start3A_65 : memref<1x80xi32, #tpu.memory_space<vmem>> -> memref<80xi32, #tpu.memory_space<vmem>>
    %dma_start3A_67 = arith.constant 0 : i32
    %dma_start3A_68 = arith.constant 0 : i32
    %dma_start3A_69 = tpu.memref_slice %arg3[%arg0, %dma_start3A_67, %dma_start3A_68] : memref<2x10000x64xf32, #tpu.memory_space<hbm>> -> memref<1x10000x64xf32, #tpu.memory_space<hbm>>
    %dma_start3A_70 = tpu.memref_squeeze %dma_start3A_69 : memref<1x10000x64xf32, #tpu.memory_space<hbm>> -> memref<10000x64xf32, #tpu.memory_space<hbm>>
    %dma_start3A_71 = arith.constant 0 : i32
    %dma_start3A_72 = arith.constant 0 : i32
    %dma_start3A_73 = tpu.memref_slice %dma_start3A_70[%dma_start3A_71, %dma_start3A_72] : memref<10000x64xf32, #tpu.memory_space<hbm>> -> memref<10000x64xf32, #tpu.memory_space<hbm>>
    tpu.enqueue_indirect_dma source(%dma_start3A_73 : memref<10000x64xf32, #tpu.memory_space<hbm>>) target(%arg13 : memref<80x64xf32, #tpu.memory_space<vmem>>) offsets(%dma_start3A_66 : memref<80xi32, #tpu.memory_space<vmem>>) semaphore(%arg18 : memref<!tpu.dma_semaphore, #tpu.memory_space<semaphore_mem>>)
    %dma_start3A_74 = arith.constant 1 : i32
    %dma_start3A_75 = arith.constant 0 : i32
    %dma_start3A_76 = tpu.memref_slice %arg12[%dma_start3A_74, %dma_start3A_75] : memref<2x80xi32, #tpu.memory_space<vmem>> -> memref<1x80xi32, #tpu.memory_space<vmem>>
    %dma_start3A_77 = tpu.memref_squeeze %dma_start3A_76 : memref<1x80xi32, #tpu.memory_space<vmem>> -> memref<80xi32, #tpu.memory_space<vmem>>
    %dma_start3A_78 = arith.constant 0 : i32
    %dma_start3A_79 = arith.constant 0 : i32
    %dma_start3A_80 = tpu.memref_slice %arg4[%arg0, %dma_start3A_78, %dma_start3A_79] : memref<2x10000x128xf32, #tpu.memory_space<hbm>> -> memref<1x10000x128xf32, #tpu.memory_space<hbm>>
    %dma_start3A_81 = tpu.memref_squeeze %dma_start3A_80 : memref<1x10000x128xf32, #tpu.memory_space<hbm>> -> memref<10000x128xf32, #tpu.memory_space<hbm>>
    %dma_start3A_82 = arith.constant 0 : i32
    %dma_start3A_83 = arith.constant 0 : i32
    %dma_start3A_84 = tpu.memref_slice %dma_start3A_81[%dma_start3A_82, %dma_start3A_83] : memref<10000x128xf32, #tpu.memory_space<hbm>> -> memref<10000x128xf32, #tpu.memory_space<hbm>>
    tpu.enqueue_indirect_dma source(%dma_start3A_84 : memref<10000x128xf32, #tpu.memory_space<hbm>>) target(%arg14 : memref<80x128xf32, #tpu.memory_space<vmem>>) offsets(%dma_start3A_77 : memref<80xi32, #tpu.memory_space<vmem>>) semaphore(%arg18 : memref<!tpu.dma_semaphore, #tpu.memory_space<semaphore_mem>>)
    %dma_wait3A_85 = arith.constant 0 : i32
    %dma_wait3A_86 = arith.constant 0 : i32
    %dma_wait3A_87 = tpu.memref_slice %arg3[%arg0, %dma_wait3A_85, %dma_wait3A_86] : memref<2x10000x64xf32, #tpu.memory_space<hbm>> -> memref<1x10000x64xf32, #tpu.memory_space<hbm>>
    %dma_wait3A_88 = tpu.memref_squeeze %dma_wait3A_87 : memref<1x10000x64xf32, #tpu.memory_space<hbm>> -> memref<10000x64xf32, #tpu.memory_space<hbm>>
    %dma_wait3A_89 = arith.constant 0 : i32
    %dma_wait3A_90 = arith.constant 0 : i32
    %dma_wait3A_91 = tpu.memref_slice %dma_wait3A_88[%dma_wait3A_89, %dma_wait3A_90] : memref<10000x64xf32, #tpu.memory_space<hbm>> -> memref<80x64xf32, #tpu.memory_space<hbm>>
    %dma_wait3A_92 = arith.constant 0 : i32
    %dma_wait3A_93 = arith.constant 0 : i32
    %dma_wait3A_94 = tpu.memref_slice %arg3[%arg0, %dma_wait3A_92, %dma_wait3A_93] : memref<2x10000x64xf32, #tpu.memory_space<hbm>> -> memref<1x10000x64xf32, #tpu.memory_space<hbm>>
    %dma_wait3A_95 = tpu.memref_squeeze %dma_wait3A_94 : memref<1x10000x64xf32, #tpu.memory_space<hbm>> -> memref<10000x64xf32, #tpu.memory_space<hbm>>
    %dma_wait3A_96 = arith.constant 0 : i32
    %dma_wait3A_97 = arith.constant 0 : i32
    %dma_wait3A_98 = tpu.memref_slice %dma_wait3A_95[%dma_wait3A_96, %dma_wait3A_97] : memref<10000x64xf32, #tpu.memory_space<hbm>> -> memref<80x64xf32, #tpu.memory_space<hbm>>
    tpu.wait_dma2 semaphore(%arg18 : memref<!tpu.dma_semaphore, #tpu.memory_space<semaphore_mem>>) src(%dma_wait3A_98 : memref<80x64xf32, #tpu.memory_space<hbm>>) dst(%arg9 : memref<80x64xf32, #tpu.memory_space<vmem>>)
    %dma_wait3A_99 = arith.constant 0 : i32
    %dma_wait3A_100 = arith.constant 0 : i32
    %dma_wait3A_101 = tpu.memref_slice %arg4[%arg0, %dma_wait3A_99, %dma_wait3A_100] : memref<2x10000x128xf32, #tpu.memory_space<hbm>> -> memref<1x10000x128xf32, #tpu.memory_space<hbm>>
    %dma_wait3A_102 = tpu.memref_squeeze %dma_wait3A_101 : memref<1x10000x128xf32, #tpu.memory_space<hbm>> -> memref<10000x128xf32, #tpu.memory_space<hbm>>
    %dma_wait3A_103 = arith.constant 0 : i32
    %dma_wait3A_104 = arith.constant 0 : i32
    %dma_wait3A_105 = tpu.memref_slice %dma_wait3A_102[%dma_wait3A_103, %dma_wait3A_104] : memref<10000x128xf32, #tpu.memory_space<hbm>> -> memref<80x128xf32, #tpu.memory_space<hbm>>
    %dma_wait3A_106 = arith.constant 0 : i32
    %dma_wait3A_107 = arith.constant 0 : i32
    %dma_wait3A_108 = tpu.memref_slice %arg4[%arg0, %dma_wait3A_106, %dma_wait3A_107] : memref<2x10000x128xf32, #tpu.memory_space<hbm>> -> memref<1x10000x128xf32, #tpu.memory_space<hbm>>
    %dma_wait3A_109 = tpu.memref_squeeze %dma_wait3A_108 : memref<1x10000x128xf32, #tpu.memory_space<hbm>> -> memref<10000x128xf32, #tpu.memory_space<hbm>>
    %dma_wait3A_110 = arith.constant 0 : i32
    %dma_wait3A_111 = arith.constant 0 : i32
    %dma_wait3A_112 = tpu.memref_slice %dma_wait3A_109[%dma_wait3A_110, %dma_wait3A_111] : memref<10000x128xf32, #tpu.memory_space<hbm>> -> memref<80x128xf32, #tpu.memory_space<hbm>>
    tpu.wait_dma2 semaphore(%arg18 : memref<!tpu.dma_semaphore, #tpu.memory_space<semaphore_mem>>) src(%dma_wait3A_112 : memref<80x128xf32, #tpu.memory_space<hbm>>) dst(%arg10 : memref<80x128xf32, #tpu.memory_space<vmem>>)
    %dma_wait3A_113 = arith.constant 0 : i32
    %dma_wait3A_114 = arith.constant 0 : i32
    %dma_wait3A_115 = tpu.memref_slice %arg8[%dma_wait3A_113, %dma_wait3A_114] : memref<2x80xi32, #tpu.memory_space<vmem>> -> memref<1x80xi32, #tpu.memory_space<vmem>>
    %dma_wait3A_116 = tpu.memref_squeeze %dma_wait3A_115 : memref<1x80xi32, #tpu.memory_space<vmem>> -> memref<80xi32, #tpu.memory_space<vmem>>
    %dma_wait3A_117 = arith.constant 0 : i32
    %dma_wait3A_118 = arith.constant 0 : i32
    %dma_wait3A_119 = tpu.memref_slice %arg7[%dma_wait3A_117, %dma_wait3A_118] : memref<10240x72xf32, #tpu.memory_space<vmem_shared>> -> memref<10240x72xf32, #tpu.memory_space<vmem_shared>>
    tpu.wait_indirect_dma semaphore(%arg20 : memref<!tpu.dma_semaphore, #tpu.memory_space<semaphore_mem>>) src(%arg11 : memref<80x72xf32, #tpu.memory_space<vmem>>) dst(%dma_wait3A_119 : memref<10240x72xf32, #tpu.memory_space<vmem_shared>>)
    %scan3A_120 = arith.constant 0 : i32
    %scan3A_121 = arith.constant 0 : i32
    %scan3A_122 = arith.constant 5 : i32
    %scan3A_123 = arith.addi %scan3A_121, %scan3A_122 : i32
    %scan3A_124 = arith.constant 1 : i32
    %scan3A_125 = scf.for %scan3A_198 = %scan3A_121 to %scan3A_123 step %scan3A_124 iter_args(%scan3A_199 = %scan3A_120) -> (i32)  : i32 {
      %mul3A_200 = arith.constant 16 : i32
      %mul3A_201 = arith.muli %scan3A_198, %mul3A_200 : i32
      %add3A_202 = vector.broadcast %mul3A_201 : i32 to vector<16xi32>
      %add3A_203 = arith.addi %add3A_202, %iota3A : vector<16xi32>
      %broadcast_in_dim3A_204 = arith.constant 0.000000e+00 : f32
      %broadcast_in_dim3A_205 = vector.broadcast %broadcast_in_dim3A_204 : f32 to vector<16xf32>
      %scan3A_206 = arith.constant 0 : i32
      %scan3A_207 = arith.constant 4 : i32
      %scan3A_208 = arith.addi %scan3A_206, %scan3A_207 : i32
      %scan3A_209 = arith.constant 1 : i32
      %scan3A_210:2 = scf.for %scan3A_234 = %scan3A_206 to %scan3A_208 step %scan3A_209 iter_args(%scan3A_235 = %broadcast_in_dim3A_205, %scan3A_236 = %broadcast_in_dim3A_205) -> (vector<16xf32>, vector<16xf32>)  : i32 {
        %mul3A_237 = arith.constant 8 : i32
        %mul3A_238 = arith.muli %scan3A_234, %mul3A_237 : i32
        %add3A_239 = arith.constant 0 : i32
        %add3A_240 = arith.addi %mul3A_238, %add3A_239 : i32
        %add3A_241 = vector.broadcast %add3A_240 : i32 to vector<16xi32>
        %add3A_242 = arith.addi %iota3A, %add3A_241 : vector<16xi32>
        %and3A = arith.constant 31 : i32
        %and3A_243 = vector.broadcast %and3A : i32 to vector<16xi32>
        %and3A_244 = arith.andi %add3A_242, %and3A_243 : vector<16xi32>
        %add3A_245 = arith.addi %broadcast_in_dim3A_3, %and3A_244 : vector<16xi32>
        %gather3A = tpu.vector_load_idx %arg9[%add3A_203, %add3A_245] : memref<80x64xf32, #tpu.memory_space<vmem>>[vector<16xi32>, vector<16xi32>], vector<16xf32>,
        %gather3A_246 = tpu.vector_load_idx %arg10[%add3A_203, %add3A_245] : memref<80x128xf32, #tpu.memory_space<vmem>>[vector<16xi32>, vector<16xi32>], vector<16xf32>,
        %mul3A_247 = arith.mulf %gather3A, %gather3A_246 : vector<16xf32>
        %add3A_248 = arith.addf %scan3A_235, %mul3A_247 : vector<16xf32>
        %add3A_249 = arith.addi %broadcast_in_dim3A_5, %and3A_244 : vector<16xi32>
        %gather3A_250 = tpu.vector_load_idx %arg9[%add3A_203, %add3A_249] : memref<80x64xf32, #tpu.memory_space<vmem>>[vector<16xi32>, vector<16xi32>], vector<16xf32>,
        %gather3A_251 = tpu.vector_load_idx %arg10[%add3A_203, %add3A_249] : memref<80x128xf32, #tpu.memory_space<vmem>>[vector<16xi32>, vector<16xi32>], vector<16xf32>,
        %mul3A_252 = arith.mulf %gather3A_250, %gather3A_251 : vector<16xf32>
        %add3A_253 = arith.addf %scan3A_236, %mul3A_252 : vector<16xf32>
        %mul3A_254 = arith.constant 8 : i32
        %mul3A_255 = arith.muli %scan3A_234, %mul3A_254 : i32
        %add3A_256 = arith.constant 1 : i32
        %add3A_257 = arith.addi %mul3A_255, %add3A_256 : i32
        %add3A_258 = vector.broadcast %add3A_257 : i32 to vector<16xi32>
        %add3A_259 = arith.addi %iota3A, %add3A_258 : vector<16xi32>
        %and3A_260 = arith.constant 31 : i32
        %and3A_261 = vector.broadcast %and3A_260 : i32 to vector<16xi32>
        %and3A_262 = arith.andi %add3A_259, %and3A_261 : vector<16xi32>
        %add3A_263 = arith.addi %broadcast_in_dim3A_3, %and3A_262 : vector<16xi32>
        %gather3A_264 = tpu.vector_load_idx %arg9[%add3A_203, %add3A_263] : memref<80x64xf32, #tpu.memory_space<vmem>>[vector<16xi32>, vector<16xi32>], vector<16xf32>,
        %gather3A_265 = tpu.vector_load_idx %arg10[%add3A_203, %add3A_263] : memref<80x128xf32, #tpu.memory_space<vmem>>[vector<16xi32>, vector<16xi32>], vector<16xf32>,
        %mul3A_266 = arith.mulf %gather3A_264, %gather3A_265 : vector<16xf32>
        %add3A_267 = arith.addf %add3A_248, %mul3A_266 : vector<16xf32>
        %add3A_268 = arith.addi %broadcast_in_dim3A_5, %and3A_262 : vector<16xi32>
        %gather3A_269 = tpu.vector_load_idx %arg9[%add3A_203, %add3A_268] : memref<80x64xf32, #tpu.memory_space<vmem>>[vector<16xi32>, vector<16xi32>], vector<16xf32>,
        %gather3A_270 = tpu.vector_load_idx %arg10[%add3A_203, %add3A_268] : memref<80x128xf32, #tpu.memory_space<vmem>>[vector<16xi32>, vector<16xi32>], vector<16xf32>,
        %mul3A_271 = arith.mulf %gather3A_269, %gather3A_270 : vector<16xf32>
        %add3A_272 = arith.addf %add3A_253, %mul3A_271 : vector<16xf32>
        %mul3A_273 = arith.constant 8 : i32
        %mul3A_274 = arith.muli %scan3A_234, %mul3A_273 : i32
        %add3A_275 = arith.constant 2 : i32
        %add3A_276 = arith.addi %mul3A_274, %add3A_275 : i32
        %add3A_277 = vector.broadcast %add3A_276 : i32 to vector<16xi32>
        %add3A_278 = arith.addi %iota3A, %add3A_277 : vector<16xi32>
        %and3A_279 = arith.constant 31 : i32
        %and3A_280 = vector.broadcast %and3A_279 : i32 to vector<16xi32>
        %and3A_281 = arith.andi %add3A_278, %and3A_280 : vector<16xi32>
        %add3A_282 = arith.addi %broadcast_in_dim3A_3, %and3A_281 : vector<16xi32>
        %gather3A_283 = tpu.vector_load_idx %arg9[%add3A_203, %add3A_282] : memref<80x64xf32, #tpu.memory_space<vmem>>[vector<16xi32>, vector<16xi32>], vector<16xf32>,
        %gather3A_284 = tpu.vector_load_idx %arg10[%add3A_203, %add3A_282] : memref<80x128xf32, #tpu.memory_space<vmem>>[vector<16xi32>, vector<16xi32>], vector<16xf32>,
        %mul3A_285 = arith.mulf %gather3A_283, %gather3A_284 : vector<16xf32>
        %add3A_286 = arith.addf %add3A_267, %mul3A_285 : vector<16xf32>
        %add3A_287 = arith.addi %broadcast_in_dim3A_5, %and3A_281 : vector<16xi32>
        %gather3A_288 = tpu.vector_load_idx %arg9[%add3A_203, %add3A_287] : memref<80x64xf32, #tpu.memory_space<vmem>>[vector<16xi32>, vector<16xi32>], vector<16xf32>,
        %gather3A_289 = tpu.vector_load_idx %arg10[%add3A_203, %add3A_287] : memref<80x128xf32, #tpu.memory_space<vmem>>[vector<16xi32>, vector<16xi32>], vector<16xf32>,
        %mul3A_290 = arith.mulf %gather3A_288, %gather3A_289 : vector<16xf32>
        %add3A_291 = arith.addf %add3A_272, %mul3A_290 : vector<16xf32>
        %mul3A_292 = arith.constant 8 : i32
        %mul3A_293 = arith.muli %scan3A_234, %mul3A_292 : i32
        %add3A_294 = arith.constant 3 : i32
        %add3A_295 = arith.addi %mul3A_293, %add3A_294 : i32
        %add3A_296 = vector.broadcast %add3A_295 : i32 to vector<16xi32>
        %add3A_297 = arith.addi %iota3A, %add3A_296 : vector<16xi32>
        %and3A_298 = arith.constant 31 : i32
        %and3A_299 = vector.broadcast %and3A_298 : i32 to vector<16xi32>
        %and3A_300 = arith.andi %add3A_297, %and3A_299 : vector<16xi32>
        %add3A_301 = arith.addi %broadcast_in_dim3A_3, %and3A_300 : vector<16xi32>
        %gather3A_302 = tpu.vector_load_idx %arg9[%add3A_203, %add3A_301] : memref<80x64xf32, #tpu.memory_space<vmem>>[vector<16xi32>, vector<16xi32>], vector<16xf32>,
        %gather3A_303 = tpu.vector_load_idx %arg10[%add3A_203, %add3A_301] : memref<80x128xf32, #tpu.memory_space<vmem>>[vector<16xi32>, vector<16xi32>], vector<16xf32>,
        %mul3A_304 = arith.mulf %gather3A_302, %gather3A_303 : vector<16xf32>
        %add3A_305 = arith.addf %add3A_286, %mul3A_304 : vector<16xf32>
        %add3A_306 = arith.addi %broadcast_in_dim3A_5, %and3A_300 : vector<16xi32>
        %gather3A_307 = tpu.vector_load_idx %arg9[%add3A_203, %add3A_306] : memref<80x64xf32, #tpu.memory_space<vmem>>[vector<16xi32>, vector<16xi32>], vector<16xf32>,
        %gather3A_308 = tpu.vector_load_idx %arg10[%add3A_203, %add3A_306] : memref<80x128xf32, #tpu.memory_space<vmem>>[vector<16xi32>, vector<16xi32>], vector<16xf32>,
        %mul3A_309 = arith.mulf %gather3A_307, %gather3A_308 : vector<16xf32>
        %add3A_310 = arith.addf %add3A_291, %mul3A_309 : vector<16xf32>
        %mul3A_311 = arith.constant 8 : i32
        %mul3A_312 = arith.muli %scan3A_234, %mul3A_311 : i32
        %add3A_313 = arith.constant 4 : i32
        %add3A_314 = arith.addi %mul3A_312, %add3A_313 : i32
        %add3A_315 = vector.broadcast %add3A_314 : i32 to vector<16xi32>
        %add3A_316 = arith.addi %iota3A, %add3A_315 : vector<16xi32>
        %and3A_317 = arith.constant 31 : i32
        %and3A_318 = vector.broadcast %and3A_317 : i32 to vector<16xi32>
        %and3A_319 = arith.andi %add3A_316, %and3A_318 : vector<16xi32>
        %add3A_320 = arith.addi %broadcast_in_dim3A_3, %and3A_319 : vector<16xi32>
        %gather3A_321 = tpu.vector_load_idx %arg9[%add3A_203, %add3A_320] : memref<80x64xf32, #tpu.memory_space<vmem>>[vector<16xi32>, vector<16xi32>], vector<16xf32>,
        %gather3A_322 = tpu.vector_load_idx %arg10[%add3A_203, %add3A_320] : memref<80x128xf32, #tpu.memory_space<vmem>>[vector<16xi32>, vector<16xi32>], vector<16xf32>,
        %mul3A_323 = arith.mulf %gather3A_321, %gather3A_322 : vector<16xf32>
        %add3A_324 = arith.addf %add3A_305, %mul3A_323 : vector<16xf32>
        %add3A_325 = arith.addi %broadcast_in_dim3A_5, %and3A_319 : vector<16xi32>
        %gather3A_326 = tpu.vector_load_idx %arg9[%add3A_203, %add3A_325] : memref<80x64xf32, #tpu.memory_space<vmem>>[vector<16xi32>, vector<16xi32>], vector<16xf32>,
        %gather3A_327 = tpu.vector_load_idx %arg10[%add3A_203, %add3A_325] : memref<80x128xf32, #tpu.memory_space<vmem>>[vector<16xi32>, vector<16xi32>], vector<16xf32>,
        %mul3A_328 = arith.mulf %gather3A_326, %gather3A_327 : vector<16xf32>
        %add3A_329 = arith.addf %add3A_310, %mul3A_328 : vector<16xf32>
        %mul3A_330 = arith.constant 8 : i32
        %mul3A_331 = arith.muli %scan3A_234, %mul3A_330 : i32
        %add3A_332 = arith.constant 5 : i32
        %add3A_333 = arith.addi %mul3A_331, %add3A_332 : i32
        %add3A_334 = vector.broadcast %add3A_333 : i32 to vector<16xi32>
        %add3A_335 = arith.addi %iota3A, %add3A_334 : vector<16xi32>
        %and3A_336 = arith.constant 31 : i32
        %and3A_337 = vector.broadcast %and3A_336 : i32 to vector<16xi32>
        %and3A_338 = arith.andi %add3A_335, %and3A_337 : vector<16xi32>
        %add3A_339 = arith.addi %broadcast_in_dim3A_3, %and3A_338 : vector<16xi32>
        %gather3A_340 = tpu.vector_load_idx %arg9[%add3A_203, %add3A_339] : memref<80x64xf32, #tpu.memory_space<vmem>>[vector<16xi32>, vector<16xi32>], vector<16xf32>,
        %gather3A_341 = tpu.vector_load_idx %arg10[%add3A_203, %add3A_339] : memref<80x128xf32, #tpu.memory_space<vmem>>[vector<16xi32>, vector<16xi32>], vector<16xf32>,
        %mul3A_342 = arith.mulf %gather3A_340, %gather3A_341 : vector<16xf32>
        %add3A_343 = arith.addf %add3A_324, %mul3A_342 : vector<16xf32>
        %add3A_344 = arith.addi %broadcast_in_dim3A_5, %and3A_338 : vector<16xi32>
        %gather3A_345 = tpu.vector_load_idx %arg9[%add3A_203, %add3A_344] : memref<80x64xf32, #tpu.memory_space<vmem>>[vector<16xi32>, vector<16xi32>], vector<16xf32>,
        %gather3A_346 = tpu.vector_load_idx %arg10[%add3A_203, %add3A_344] : memref<80x128xf32, #tpu.memory_space<vmem>>[vector<16xi32>, vector<16xi32>], vector<16xf32>,
        %mul3A_347 = arith.mulf %gather3A_345, %gather3A_346 : vector<16xf32>
        %add3A_348 = arith.addf %add3A_329, %mul3A_347 : vector<16xf32>
        %mul3A_349 = arith.constant 8 : i32
        %mul3A_350 = arith.muli %scan3A_234, %mul3A_349 : i32
        %add3A_351 = arith.constant 6 : i32
        %add3A_352 = arith.addi %mul3A_350, %add3A_351 : i32
        %add3A_353 = vector.broadcast %add3A_352 : i32 to vector<16xi32>
        %add3A_354 = arith.addi %iota3A, %add3A_353 : vector<16xi32>
        %and3A_355 = arith.constant 31 : i32
        %and3A_356 = vector.broadcast %and3A_355 : i32 to vector<16xi32>
        %and3A_357 = arith.andi %add3A_354, %and3A_356 : vector<16xi32>
        %add3A_358 = arith.addi %broadcast_in_dim3A_3, %and3A_357 : vector<16xi32>
        %gather3A_359 = tpu.vector_load_idx %arg9[%add3A_203, %add3A_358] : memref<80x64xf32, #tpu.memory_space<vmem>>[vector<16xi32>, vector<16xi32>], vector<16xf32>,
        %gather3A_360 = tpu.vector_load_idx %arg10[%add3A_203, %add3A_358] : memref<80x128xf32, #tpu.memory_space<vmem>>[vector<16xi32>, vector<16xi32>], vector<16xf32>,
        %mul3A_361 = arith.mulf %gather3A_359, %gather3A_360 : vector<16xf32>
        %add3A_362 = arith.addf %add3A_343, %mul3A_361 : vector<16xf32>
        %add3A_363 = arith.addi %broadcast_in_dim3A_5, %and3A_357 : vector<16xi32>
        %gather3A_364 = tpu.vector_load_idx %arg9[%add3A_203, %add3A_363] : memref<80x64xf32, #tpu.memory_space<vmem>>[vector<16xi32>, vector<16xi32>], vector<16xf32>,
        %gather3A_365 = tpu.vector_load_idx %arg10[%add3A_203, %add3A_363] : memref<80x128xf32, #tpu.memory_space<vmem>>[vector<16xi32>, vector<16xi32>], vector<16xf32>,
        %mul3A_366 = arith.mulf %gather3A_364, %gather3A_365 : vector<16xf32>
        %add3A_367 = arith.addf %add3A_348, %mul3A_366 : vector<16xf32>
        %mul3A_368 = arith.constant 8 : i32
        %mul3A_369 = arith.muli %scan3A_234, %mul3A_368 : i32
        %add3A_370 = arith.constant 7 : i32
        %add3A_371 = arith.addi %mul3A_369, %add3A_370 : i32
        %add3A_372 = vector.broadcast %add3A_371 : i32 to vector<16xi32>
        %add3A_373 = arith.addi %iota3A, %add3A_372 : vector<16xi32>
        %and3A_374 = arith.constant 31 : i32
        %and3A_375 = vector.broadcast %and3A_374 : i32 to vector<16xi32>
        %and3A_376 = arith.andi %add3A_373, %and3A_375 : vector<16xi32>
        %add3A_377 = arith.addi %broadcast_in_dim3A_3, %and3A_376 : vector<16xi32>
        %gather3A_378 = tpu.vector_load_idx %arg9[%add3A_203, %add3A_377] : memref<80x64xf32, #tpu.memory_space<vmem>>[vector<16xi32>, vector<16xi32>], vector<16xf32>,
        %gather3A_379 = tpu.vector_load_idx %arg10[%add3A_203, %add3A_377] : memref<80x128xf32, #tpu.memory_space<vmem>>[vector<16xi32>, vector<16xi32>], vector<16xf32>,
        %mul3A_380 = arith.mulf %gather3A_378, %gather3A_379 : vector<16xf32>
        %add3A_381 = arith.addf %add3A_362, %mul3A_380 : vector<16xf32>
        %add3A_382 = arith.addi %broadcast_in_dim3A_5, %and3A_376 : vector<16xi32>
        %gather3A_383 = tpu.vector_load_idx %arg9[%add3A_203, %add3A_382] : memref<80x64xf32, #tpu.memory_space<vmem>>[vector<16xi32>, vector<16xi32>], vector<16xf32>,
        %gather3A_384 = tpu.vector_load_idx %arg10[%add3A_203, %add3A_382] : memref<80x128xf32, #tpu.memory_space<vmem>>[vector<16xi32>, vector<16xi32>], vector<16xf32>,
        %mul3A_385 = arith.mulf %gather3A_383, %gather3A_384 : vector<16xf32>
        %add3A_386 = arith.addf %add3A_367, %mul3A_385 : vector<16xf32>
        scf.yield %add3A_381, %add3A_386 : vector<16xf32>, vector<16xf32>
      }
      %scan3A_211 = arith.constant 4 : i32
      %jit3A = arith.constant -1.000000e+01 : f32
      %jit3A_212 = arith.constant 1.000000e+01 : f32
      %max3A = vector.broadcast %jit3A : f32 to vector<16xf32>
      %max3A_213 = arith.maximumf %max3A, %scan3A_210#0 : vector<16xf32>
      %min3A = vector.broadcast %jit3A_212 : f32 to vector<16xf32>
      %min3A_214 = arith.minimumf %min3A, %max3A_213 : vector<16xf32>
      %exp3A = math.exp %min3A_214 : vector<16xf32>
      %jit3A_215 = arith.constant -1.000000e+01 : f32
      %jit3A_216 = arith.constant 1.000000e+01 : f32
      %max3A_217 = vector.broadcast %jit3A_215 : f32 to vector<16xf32>
      %max3A_218 = arith.maximumf %max3A_217, %scan3A_210#1 : vector<16xf32>
      %min3A_219 = vector.broadcast %jit3A_216 : f32 to vector<16xf32>
      %min3A_220 = arith.minimumf %min3A_219, %max3A_218 : vector<16xf32>
      %exp3A_221 = math.exp %min3A_220 : vector<16xf32>
      %broadcast_in_dim3A_222 = arith.constant 64 : i32
      %broadcast_in_dim3A_223 = vector.broadcast %broadcast_in_dim3A_222 : i32 to vector<16xi32>
      tpu.vector_store_idx %arg11[%add3A_203, %broadcast_in_dim3A_223], %exp3A : memref<80x72xf32, #tpu.memory_space<vmem>>[vector<16xi32>, vector<16xi32>], vector<16xf32>,
      %broadcast_in_dim3A_224 = arith.constant 65 : i32
      %broadcast_in_dim3A_225 = vector.broadcast %broadcast_in_dim3A_224 : i32 to vector<16xi32>
      tpu.vector_store_idx %arg11[%add3A_203, %broadcast_in_dim3A_225], %exp3A_221 : memref<80x72xf32, #tpu.memory_space<vmem>>[vector<16xi32>, vector<16xi32>], vector<16xf32>,
      %scan3A_226 = arith.constant 0 : i32
      %scan3A_227 = arith.constant 0 : i32
      %scan3A_228 = arith.constant 4 : i32
      %scan3A_229 = arith.addi %scan3A_227, %scan3A_228 : i32
      %scan3A_230 = arith.constant 1 : i32
      %scan3A_231 = scf.for %scan3A_234 = %scan3A_227 to %scan3A_229 step %scan3A_230 iter_args(%scan3A_235 = %scan3A_226) -> (i32)  : i32 {
        %mul3A_236 = arith.constant 8 : i32
        %mul3A_237 = arith.muli %scan3A_234, %mul3A_236 : i32
        %add3A_238 = arith.constant 0 : i32
        %add3A_239 = arith.addi %mul3A_237, %add3A_238 : i32
        %add3A_240 = vector.broadcast %add3A_239 : i32 to vector<16xi32>
        %add3A_241 = arith.addi %iota3A, %add3A_240 : vector<16xi32>
        %and3A = arith.constant 31 : i32
        %and3A_242 = vector.broadcast %and3A : i32 to vector<16xi32>
        %and3A_243 = arith.andi %add3A_241, %and3A_242 : vector<16xi32>
        %add3A_244 = arith.addi %broadcast_in_dim3A_3, %and3A_243 : vector<16xi32>
        %add3A_245 = arith.addi %broadcast_in_dim3A_7, %and3A_243 : vector<16xi32>
        %gather3A = tpu.vector_load_idx %arg10[%add3A_203, %add3A_245] : memref<80x128xf32, #tpu.memory_space<vmem>>[vector<16xi32>, vector<16xi32>], vector<16xf32>,
        %mul3A_246 = arith.mulf %gather3A, %exp3A : vector<16xf32>
        %add3A_247 = arith.addi %broadcast_in_dim3A_5, %and3A_243 : vector<16xi32>
        %add3A_248 = arith.addi %broadcast_in_dim3A_9, %and3A_243 : vector<16xi32>
        %gather3A_249 = tpu.vector_load_idx %arg10[%add3A_203, %add3A_248] : memref<80x128xf32, #tpu.memory_space<vmem>>[vector<16xi32>, vector<16xi32>], vector<16xf32>,
        %mul3A_250 = arith.mulf %gather3A_249, %exp3A_221 : vector<16xf32>
        %mul3A_251 = arith.constant 8 : i32
        %mul3A_252 = arith.muli %scan3A_234, %mul3A_251 : i32
        %add3A_253 = arith.constant 1 : i32
        %add3A_254 = arith.addi %mul3A_252, %add3A_253 : i32
        %add3A_255 = vector.broadcast %add3A_254 : i32 to vector<16xi32>
        %add3A_256 = arith.addi %iota3A, %add3A_255 : vector<16xi32>
        %and3A_257 = arith.constant 31 : i32
        %and3A_258 = vector.broadcast %and3A_257 : i32 to vector<16xi32>
        %and3A_259 = arith.andi %add3A_256, %and3A_258 : vector<16xi32>
        %add3A_260 = arith.addi %broadcast_in_dim3A_3, %and3A_259 : vector<16xi32>
        %add3A_261 = arith.addi %broadcast_in_dim3A_7, %and3A_259 : vector<16xi32>
        %gather3A_262 = tpu.vector_load_idx %arg10[%add3A_203, %add3A_261] : memref<80x128xf32, #tpu.memory_space<vmem>>[vector<16xi32>, vector<16xi32>], vector<16xf32>,
        %mul3A_263 = arith.mulf %gather3A_262, %exp3A : vector<16xf32>
        %add3A_264 = arith.addi %broadcast_in_dim3A_5, %and3A_259 : vector<16xi32>
        %add3A_265 = arith.addi %broadcast_in_dim3A_9, %and3A_259 : vector<16xi32>
        %gather3A_266 = tpu.vector_load_idx %arg10[%add3A_203, %add3A_265] : memref<80x128xf32, #tpu.memory_space<vmem>>[vector<16xi32>, vector<16xi32>], vector<16xf32>,
        %mul3A_267 = arith.mulf %gather3A_266, %exp3A_221 : vector<16xf32>
        %mul3A_268 = arith.constant 8 : i32
        %mul3A_269 = arith.muli %scan3A_234, %mul3A_268 : i32
        %add3A_270 = arith.constant 2 : i32
        %add3A_271 = arith.addi %mul3A_269, %add3A_270 : i32
        %add3A_272 = vector.broadcast %add3A_271 : i32 to vector<16xi32>
        %add3A_273 = arith.addi %iota3A, %add3A_272 : vector<16xi32>
        %and3A_274 = arith.constant 31 : i32
        %and3A_275 = vector.broadcast %and3A_274 : i32 to vector<16xi32>
        %and3A_276 = arith.andi %add3A_273, %and3A_275 : vector<16xi32>
        %add3A_277 = arith.addi %broadcast_in_dim3A_3, %and3A_276 : vector<16xi32>
        %add3A_278 = arith.addi %broadcast_in_dim3A_7, %and3A_276 : vector<16xi32>
        %gather3A_279 = tpu.vector_load_idx %arg10[%add3A_203, %add3A_278] : memref<80x128xf32, #tpu.memory_space<vmem>>[vector<16xi32>, vector<16xi32>], vector<16xf32>,
        %mul3A_280 = arith.mulf %gather3A_279, %exp3A : vector<16xf32>
        %add3A_281 = arith.addi %broadcast_in_dim3A_5, %and3A_276 : vector<16xi32>
        %add3A_282 = arith.addi %broadcast_in_dim3A_9, %and3A_276 : vector<16xi32>
        %gather3A_283 = tpu.vector_load_idx %arg10[%add3A_203, %add3A_282] : memref<80x128xf32, #tpu.memory_space<vmem>>[vector<16xi32>, vector<16xi32>], vector<16xf32>,
        %mul3A_284 = arith.mulf %gather3A_283, %exp3A_221 : vector<16xf32>
        %mul3A_285 = arith.constant 8 : i32
        %mul3A_286 = arith.muli %scan3A_234, %mul3A_285 : i32
        %add3A_287 = arith.constant 3 : i32
        %add3A_288 = arith.addi %mul3A_286, %add3A_287 : i32
        %add3A_289 = vector.broadcast %add3A_288 : i32 to vector<16xi32>
        %add3A_290 = arith.addi %iota3A, %add3A_289 : vector<16xi32>
        %and3A_291 = arith.constant 31 : i32
        %and3A_292 = vector.broadcast %and3A_291 : i32 to vector<16xi32>
        %and3A_293 = arith.andi %add3A_290, %and3A_292 : vector<16xi32>
        %add3A_294 = arith.addi %broadcast_in_dim3A_3, %and3A_293 : vector<16xi32>
        %add3A_295 = arith.addi %broadcast_in_dim3A_7, %and3A_293 : vector<16xi32>
        %gather3A_296 = tpu.vector_load_idx %arg10[%add3A_203, %add3A_295] : memref<80x128xf32, #tpu.memory_space<vmem>>[vector<16xi32>, vector<16xi32>], vector<16xf32>,
        %mul3A_297 = arith.mulf %gather3A_296, %exp3A : vector<16xf32>
        %add3A_298 = arith.addi %broadcast_in_dim3A_5, %and3A_293 : vector<16xi32>
        %add3A_299 = arith.addi %broadcast_in_dim3A_9, %and3A_293 : vector<16xi32>
        %gather3A_300 = tpu.vector_load_idx %arg10[%add3A_203, %add3A_299] : memref<80x128xf32, #tpu.memory_space<vmem>>[vector<16xi32>, vector<16xi32>], vector<16xf32>,
        %mul3A_301 = arith.mulf %gather3A_300, %exp3A_221 : vector<16xf32>
        tpu.vector_store_idx %arg11[%add3A_203, %add3A_244], %mul3A_246 : memref<80x72xf32, #tpu.memory_space<vmem>>[vector<16xi32>, vector<16xi32>], vector<16xf32>,
        tpu.vector_store_idx %arg11[%add3A_203, %add3A_247], %mul3A_250 : memref<80x72xf32, #tpu.memory_space<vmem>>[vector<16xi32>, vector<16xi32>], vector<16xf32>,
        tpu.vector_store_idx %arg11[%add3A_203, %add3A_260], %mul3A_263 : memref<80x72xf32, #tpu.memory_space<vmem>>[vector<16xi32>, vector<16xi32>], vector<16xf32>,
        tpu.vector_store_idx %arg11[%add3A_203, %add3A_264], %mul3A_267 : memref<80x72xf32, #tpu.memory_space<vmem>>[vector<16xi32>, vector<16xi32>], vector<16xf32>,
        tpu.vector_store_idx %arg11[%add3A_203, %add3A_277], %mul3A_280 : memref<80x72xf32, #tpu.memory_space<vmem>>[vector<16xi32>, vector<16xi32>], vector<16xf32>,
        tpu.vector_store_idx %arg11[%add3A_203, %add3A_281], %mul3A_284 : memref<80x72xf32, #tpu.memory_space<vmem>>[vector<16xi32>, vector<16xi32>], vector<16xf32>,
        tpu.vector_store_idx %arg11[%add3A_203, %add3A_294], %mul3A_297 : memref<80x72xf32, #tpu.memory_space<vmem>>[vector<16xi32>, vector<16xi32>], vector<16xf32>,
        tpu.vector_store_idx %arg11[%add3A_203, %add3A_298], %mul3A_301 : memref<80x72xf32, #tpu.memory_space<vmem>>[vector<16xi32>, vector<16xi32>], vector<16xf32>,
        %mul3A_302 = arith.constant 8 : i32
        %mul3A_303 = arith.muli %scan3A_234, %mul3A_302 : i32
        %add3A_304 = arith.constant 4 : i32
        %add3A_305 = arith.addi %mul3A_303, %add3A_304 : i32
        %add3A_306 = vector.broadcast %add3A_305 : i32 to vector<16xi32>
        %add3A_307 = arith.addi %iota3A, %add3A_306 : vector<16xi32>
        %and3A_308 = arith.constant 31 : i32
        %and3A_309 = vector.broadcast %and3A_308 : i32 to vector<16xi32>
        %and3A_310 = arith.andi %add3A_307, %and3A_309 : vector<16xi32>
        %add3A_311 = arith.addi %broadcast_in_dim3A_3, %and3A_310 : vector<16xi32>
        %add3A_312 = arith.addi %broadcast_in_dim3A_7, %and3A_310 : vector<16xi32>
        %gather3A_313 = tpu.vector_load_idx %arg10[%add3A_203, %add3A_312] : memref<80x128xf32, #tpu.memory_space<vmem>>[vector<16xi32>, vector<16xi32>], vector<16xf32>,
        %mul3A_314 = arith.mulf %gather3A_313, %exp3A : vector<16xf32>
        %add3A_315 = arith.addi %broadcast_in_dim3A_5, %and3A_310 : vector<16xi32>
        %add3A_316 = arith.addi %broadcast_in_dim3A_9, %and3A_310 : vector<16xi32>
        %gather3A_317 = tpu.vector_load_idx %arg10[%add3A_203, %add3A_316] : memref<80x128xf32, #tpu.memory_space<vmem>>[vector<16xi32>, vector<16xi32>], vector<16xf32>,
        %mul3A_318 = arith.mulf %gather3A_317, %exp3A_221 : vector<16xf32>
        %mul3A_319 = arith.constant 8 : i32
        %mul3A_320 = arith.muli %scan3A_234, %mul3A_319 : i32
        %add3A_321 = arith.constant 5 : i32
        %add3A_322 = arith.addi %mul3A_320, %add3A_321 : i32
        %add3A_323 = vector.broadcast %add3A_322 : i32 to vector<16xi32>
        %add3A_324 = arith.addi %iota3A, %add3A_323 : vector<16xi32>
        %and3A_325 = arith.constant 31 : i32
        %and3A_326 = vector.broadcast %and3A_325 : i32 to vector<16xi32>
        %and3A_327 = arith.andi %add3A_324, %and3A_326 : vector<16xi32>
        %add3A_328 = arith.addi %broadcast_in_dim3A_3, %and3A_327 : vector<16xi32>
        %add3A_329 = arith.addi %broadcast_in_dim3A_7, %and3A_327 : vector<16xi32>
        %gather3A_330 = tpu.vector_load_idx %arg10[%add3A_203, %add3A_329] : memref<80x128xf32, #tpu.memory_space<vmem>>[vector<16xi32>, vector<16xi32>], vector<16xf32>,
        %mul3A_331 = arith.mulf %gather3A_330, %exp3A : vector<16xf32>
        %add3A_332 = arith.addi %broadcast_in_dim3A_5, %and3A_327 : vector<16xi32>
        %add3A_333 = arith.addi %broadcast_in_dim3A_9, %and3A_327 : vector<16xi32>
        %gather3A_334 = tpu.vector_load_idx %arg10[%add3A_203, %add3A_333] : memref<80x128xf32, #tpu.memory_space<vmem>>[vector<16xi32>, vector<16xi32>], vector<16xf32>,
        %mul3A_335 = arith.mulf %gather3A_334, %exp3A_221 : vector<16xf32>
        %mul3A_336 = arith.constant 8 : i32
        %mul3A_337 = arith.muli %scan3A_234, %mul3A_336 : i32
        %add3A_338 = arith.constant 6 : i32
        %add3A_339 = arith.addi %mul3A_337, %add3A_338 : i32
        %add3A_340 = vector.broadcast %add3A_339 : i32 to vector<16xi32>
        %add3A_341 = arith.addi %iota3A, %add3A_340 : vector<16xi32>
        %and3A_342 = arith.constant 31 : i32
        %and3A_343 = vector.broadcast %and3A_342 : i32 to vector<16xi32>
        %and3A_344 = arith.andi %add3A_341, %and3A_343 : vector<16xi32>
        %add3A_345 = arith.addi %broadcast_in_dim3A_3, %and3A_344 : vector<16xi32>
        %add3A_346 = arith.addi %broadcast_in_dim3A_7, %and3A_344 : vector<16xi32>
        %gather3A_347 = tpu.vector_load_idx %arg10[%add3A_203, %add3A_346] : memref<80x128xf32, #tpu.memory_space<vmem>>[vector<16xi32>, vector<16xi32>], vector<16xf32>,
        %mul3A_348 = arith.mulf %gather3A_347, %exp3A : vector<16xf32>
        %add3A_349 = arith.addi %broadcast_in_dim3A_5, %and3A_344 : vector<16xi32>
        %add3A_350 = arith.addi %broadcast_in_dim3A_9, %and3A_344 : vector<16xi32>
        %gather3A_351 = tpu.vector_load_idx %arg10[%add3A_203, %add3A_350] : memref<80x128xf32, #tpu.memory_space<vmem>>[vector<16xi32>, vector<16xi32>], vector<16xf32>,
        %mul3A_352 = arith.mulf %gather3A_351, %exp3A_221 : vector<16xf32>
        %mul3A_353 = arith.constant 8 : i32
        %mul3A_354 = arith.muli %scan3A_234, %mul3A_353 : i32
        %add3A_355 = arith.constant 7 : i32
        %add3A_356 = arith.addi %mul3A_354, %add3A_355 : i32
        %add3A_357 = vector.broadcast %add3A_356 : i32 to vector<16xi32>
        %add3A_358 = arith.addi %iota3A, %add3A_357 : vector<16xi32>
        %and3A_359 = arith.constant 31 : i32
        %and3A_360 = vector.broadcast %and3A_359 : i32 to vector<16xi32>
        %and3A_361 = arith.andi %add3A_358, %and3A_360 : vector<16xi32>
        %add3A_362 = arith.addi %broadcast_in_dim3A_3, %and3A_361 : vector<16xi32>
        %add3A_363 = arith.addi %broadcast_in_dim3A_7, %and3A_361 : vector<16xi32>
        %gather3A_364 = tpu.vector_load_idx %arg10[%add3A_203, %add3A_363] : memref<80x128xf32, #tpu.memory_space<vmem>>[vector<16xi32>, vector<16xi32>], vector<16xf32>,
        %mul3A_365 = arith.mulf %gather3A_364, %exp3A : vector<16xf32>
        %add3A_366 = arith.addi %broadcast_in_dim3A_5, %and3A_361 : vector<16xi32>
        %add3A_367 = arith.addi %broadcast_in_dim3A_9, %and3A_361 : vector<16xi32>
        %gather3A_368 = tpu.vector_load_idx %arg10[%add3A_203, %add3A_367] : memref<80x128xf32, #tpu.memory_space<vmem>>[vector<16xi32>, vector<16xi32>], vector<16xf32>,
        %mul3A_369 = arith.mulf %gather3A_368, %exp3A_221 : vector<16xf32>
        tpu.vector_store_idx %arg11[%add3A_203, %add3A_311], %mul3A_314 : memref<80x72xf32, #tpu.memory_space<vmem>>[vector<16xi32>, vector<16xi32>], vector<16xf32>,
        tpu.vector_store_idx %arg11[%add3A_203, %add3A_315], %mul3A_318 : memref<80x72xf32, #tpu.memory_space<vmem>>[vector<16xi32>, vector<16xi32>], vector<16xf32>,
        tpu.vector_store_idx %arg11[%add3A_203, %add3A_328], %mul3A_331 : memref<80x72xf32, #tpu.memory_space<vmem>>[vector<16xi32>, vector<16xi32>], vector<16xf32>,
        tpu.vector_store_idx %arg11[%add3A_203, %add3A_332], %mul3A_335 : memref<80x72xf32, #tpu.memory_space<vmem>>[vector<16xi32>, vector<16xi32>], vector<16xf32>,
        tpu.vector_store_idx %arg11[%add3A_203, %add3A_345], %mul3A_348 : memref<80x72xf32, #tpu.memory_space<vmem>>[vector<16xi32>, vector<16xi32>], vector<16xf32>,
        tpu.vector_store_idx %arg11[%add3A_203, %add3A_349], %mul3A_352 : memref<80x72xf32, #tpu.memory_space<vmem>>[vector<16xi32>, vector<16xi32>], vector<16xf32>,
        tpu.vector_store_idx %arg11[%add3A_203, %add3A_362], %mul3A_365 : memref<80x72xf32, #tpu.memory_space<vmem>>[vector<16xi32>, vector<16xi32>], vector<16xf32>,
        tpu.vector_store_idx %arg11[%add3A_203, %add3A_366], %mul3A_369 : memref<80x72xf32, #tpu.memory_space<vmem>>[vector<16xi32>, vector<16xi32>], vector<16xf32>,
        %scan3A_370 = arith.constant 0 : i32
        scf.yield %scan3A_370 : i32
      }
      %scan3A_232 = arith.constant 4 : i32
      %scan3A_233 = arith.constant 0 : i32
      scf.yield %scan3A_233 : i32
    }
    %scan3A_126 = arith.constant 5 : i32
    %dma_start3A_127 = arith.constant 0 : i32
    %dma_start3A_128 = arith.constant 0 : i32
    %dma_start3A_129 = tpu.memref_slice %arg8[%dma_start3A_127, %dma_start3A_128] : memref<2x80xi32, #tpu.memory_space<vmem>> -> memref<1x80xi32, #tpu.memory_space<vmem>>
    %dma_start3A_130 = tpu.memref_squeeze %dma_start3A_129 : memref<1x80xi32, #tpu.memory_space<vmem>> -> memref<80xi32, #tpu.memory_space<vmem>>
    %dma_start3A_131 = arith.constant 0 : i32
    %dma_start3A_132 = arith.constant 0 : i32
    %dma_start3A_133 = tpu.memref_slice %arg7[%dma_start3A_131, %dma_start3A_132] : memref<10240x72xf32, #tpu.memory_space<vmem_shared>> -> memref<10240x72xf32, #tpu.memory_space<vmem_shared>>
    tpu.enqueue_indirect_dma source(%arg11 : memref<80x72xf32, #tpu.memory_space<vmem>>) target(%dma_start3A_133 : memref<10240x72xf32, #tpu.memory_space<vmem_shared>>) offsets(%dma_start3A_130 : memref<80xi32, #tpu.memory_space<vmem>>) semaphore(%arg20 : memref<!tpu.dma_semaphore, #tpu.memory_space<semaphore_mem>>) {add = true}
    %dma_wait3A_134 = arith.constant 0 : i32
    %dma_wait3A_135 = arith.constant 0 : i32
    %dma_wait3A_136 = tpu.memref_slice %arg3[%arg0, %dma_wait3A_134, %dma_wait3A_135] : memref<2x10000x64xf32, #tpu.memory_space<hbm>> -> memref<1x10000x64xf32, #tpu.memory_space<hbm>>
    %dma_wait3A_137 = tpu.memref_squeeze %dma_wait3A_136 : memref<1x10000x64xf32, #tpu.memory_space<hbm>> -> memref<10000x64xf32, #tpu.memory_space<hbm>>
    %dma_wait3A_138 = arith.constant 0 : i32
    %dma_wait3A_139 = arith.constant 0 : i32
    %dma_wait3A_140 = tpu.memref_slice %dma_wait3A_137[%dma_wait3A_138, %dma_wait3A_139] : memref<10000x64xf32, #tpu.memory_space<hbm>> -> memref<80x64xf32, #tpu.memory_space<hbm>>
    %dma_wait3A_141 = arith.constant 0 : i32
    %dma_wait3A_142 = arith.constant 0 : i32
    %dma_wait3A_143 = tpu.memref_slice %arg3[%arg0, %dma_wait3A_141, %dma_wait3A_142] : memref<2x10000x64xf32, #tpu.memory_space<hbm>> -> memref<1x10000x64xf32, #tpu.memory_space<hbm>>
    %dma_wait3A_144 = tpu.memref_squeeze %dma_wait3A_143 : memref<1x10000x64xf32, #tpu.memory_space<hbm>> -> memref<10000x64xf32, #tpu.memory_space<hbm>>
    %dma_wait3A_145 = arith.constant 0 : i32
    %dma_wait3A_146 = arith.constant 0 : i32
    %dma_wait3A_147 = tpu.memref_slice %dma_wait3A_144[%dma_wait3A_145, %dma_wait3A_146] : memref<10000x64xf32, #tpu.memory_space<hbm>> -> memref<80x64xf32, #tpu.memory_space<hbm>>
    tpu.wait_dma2 semaphore(%arg18 : memref<!tpu.dma_semaphore, #tpu.memory_space<semaphore_mem>>) src(%dma_wait3A_147 : memref<80x64xf32, #tpu.memory_space<hbm>>) dst(%arg13 : memref<80x64xf32, #tpu.memory_space<vmem>>)
    %dma_wait3A_148 = arith.constant 0 : i32
    %dma_wait3A_149 = arith.constant 0 : i32
    %dma_wait3A_150 = tpu.memref_slice %arg4[%arg0, %dma_wait3A_148, %dma_wait3A_149] : memref<2x10000x128xf32, #tpu.memory_space<hbm>> -> memref<1x10000x128xf32, #tpu.memory_space<hbm>>
    %dma_wait3A_151 = tpu.memref_squeeze %dma_wait3A_150 : memref<1x10000x128xf32, #tpu.memory_space<hbm>> -> memref<10000x128xf32, #tpu.memory_space<hbm>>
    %dma_wait3A_152 = arith.constant 0 : i32
    %dma_wait3A_153 = arith.constant 0 : i32
    %dma_wait3A_154 = tpu.memref_slice %dma_wait3A_151[%dma_wait3A_152, %dma_wait3A_153] : memref<10000x128xf32, #tpu.memory_space<hbm>> -> memref<80x128xf32, #tpu.memory_space<hbm>>
    %dma_wait3A_155 = arith.constant 0 : i32
    %dma_wait3A_156 = arith.constant 0 : i32
    %dma_wait3A_157 = tpu.memref_slice %arg4[%arg0, %dma_wait3A_155, %dma_wait3A_156] : memref<2x10000x128xf32, #tpu.memory_space<hbm>> -> memref<1x10000x128xf32, #tpu.memory_space<hbm>>
    %dma_wait3A_158 = tpu.memref_squeeze %dma_wait3A_157 : memref<1x10000x128xf32, #tpu.memory_space<hbm>> -> memref<10000x128xf32, #tpu.memory_space<hbm>>
    %dma_wait3A_159 = arith.constant 0 : i32
    %dma_wait3A_160 = arith.constant 0 : i32
    %dma_wait3A_161 = tpu.memref_slice %dma_wait3A_158[%dma_wait3A_159, %dma_wait3A_160] : memref<10000x128xf32, #tpu.memory_space<hbm>> -> memref<80x128xf32, #tpu.memory_space<hbm>>
    tpu.wait_dma2 semaphore(%arg18 : memref<!tpu.dma_semaphore, #tpu.memory_space<semaphore_mem>>) src(%dma_wait3A_161 : memref<80x128xf32, #tpu.memory_space<hbm>>) dst(%arg14 : memref<80x128xf32, #tpu.memory_space<vmem>>)
    %dma_wait3A_162 = arith.constant 0 : i32
    %dma_wait3A_163 = arith.constant 0 : i32
    %dma_wait3A_164 = tpu.memref_slice %arg8[%dma_wait3A_162, %dma_wait3A_163] : memref<2x80xi32, #tpu.memory_space<vmem>> -> memref<1x80xi32, #tpu.memory_space<vmem>>
    %dma_wait3A_165 = tpu.memref_squeeze %dma_wait3A_164 : memref<1x80xi32, #tpu.memory_space<vmem>> -> memref<80xi32, #tpu.memory_space<vmem>>
    %dma_wait3A_166 = arith.constant 0 : i32
    %dma_wait3A_167 = arith.constant 0 : i32
    %dma_wait3A_168 = tpu.memref_slice %arg7[%dma_wait3A_166, %dma_wait3A_167] : memref<10240x72xf32, #tpu.memory_space<vmem_shared>> -> memref<10240x72xf32, #tpu.memory_space<vmem_shared>>
    tpu.wait_indirect_dma semaphore(%arg20 : memref<!tpu.dma_semaphore, #tpu.memory_space<semaphore_mem>>) src(%arg11 : memref<80x72xf32, #tpu.memory_space<vmem>>) dst(%dma_wait3A_168 : memref<10240x72xf32, #tpu.memory_space<vmem_shared>>)
    %scan3A_169 = arith.constant 0 : i32
    %scan3A_170 = arith.constant 0 : i32
    %scan3A_171 = arith.constant 5 : i32
    %scan3A_172 = arith.addi %scan3A_170, %scan3A_171 : i32
    %scan3A_173 = arith.constant 1 : i32
    %scan3A_174 = scf.for %scan3A_198 = %scan3A_170 to %scan3A_172 step %scan3A_173 iter_args(%scan3A_199 = %scan3A_169) -> (i32)  : i32 {
      %mul3A_200 = arith.constant 16 : i32
      %mul3A_201 = arith.muli %scan3A_198, %mul3A_200 : i32
      %add3A_202 = vector.broadcast %mul3A_201 : i32 to vector<16xi32>
      %add3A_203 = arith.addi %add3A_202, %iota3A : vector<16xi32>
      %broadcast_in_dim3A_204 = arith.constant 0.000000e+00 : f32
      %broadcast_in_dim3A_205 = vector.broadcast %broadcast_in_dim3A_204 : f32 to vector<16xf32>
      %scan3A_206 = arith.constant 0 : i32
      %scan3A_207 = arith.constant 4 : i32
      %scan3A_208 = arith.addi %scan3A_206, %scan3A_207 : i32
      %scan3A_209 = arith.constant 1 : i32
      %scan3A_210:2 = scf.for %scan3A_234 = %scan3A_206 to %scan3A_208 step %scan3A_209 iter_args(%scan3A_235 = %broadcast_in_dim3A_205, %scan3A_236 = %broadcast_in_dim3A_205) -> (vector<16xf32>, vector<16xf32>)  : i32 {
        %mul3A_237 = arith.constant 8 : i32
        %mul3A_238 = arith.muli %scan3A_234, %mul3A_237 : i32
        %add3A_239 = arith.constant 0 : i32
        %add3A_240 = arith.addi %mul3A_238, %add3A_239 : i32
        %add3A_241 = vector.broadcast %add3A_240 : i32 to vector<16xi32>
        %add3A_242 = arith.addi %iota3A, %add3A_241 : vector<16xi32>
        %and3A = arith.constant 31 : i32
        %and3A_243 = vector.broadcast %and3A : i32 to vector<16xi32>
        %and3A_244 = arith.andi %add3A_242, %and3A_243 : vector<16xi32>
        %add3A_245 = arith.addi %broadcast_in_dim3A_3, %and3A_244 : vector<16xi32>
        %gather3A = tpu.vector_load_idx %arg13[%add3A_203, %add3A_245] : memref<80x64xf32, #tpu.memory_space<vmem>>[vector<16xi32>, vector<16xi32>], vector<16xf32>,
        %gather3A_246 = tpu.vector_load_idx %arg14[%add3A_203, %add3A_245] : memref<80x128xf32, #tpu.memory_space<vmem>>[vector<16xi32>, vector<16xi32>], vector<16xf32>,
        %mul3A_247 = arith.mulf %gather3A, %gather3A_246 : vector<16xf32>
        %add3A_248 = arith.addf %scan3A_235, %mul3A_247 : vector<16xf32>
        %add3A_249 = arith.addi %broadcast_in_dim3A_5, %and3A_244 : vector<16xi32>
        %gather3A_250 = tpu.vector_load_idx %arg13[%add3A_203, %add3A_249] : memref<80x64xf32, #tpu.memory_space<vmem>>[vector<16xi32>, vector<16xi32>], vector<16xf32>,
        %gather3A_251 = tpu.vector_load_idx %arg14[%add3A_203, %add3A_249] : memref<80x128xf32, #tpu.memory_space<vmem>>[vector<16xi32>, vector<16xi32>], vector<16xf32>,
        %mul3A_252 = arith.mulf %gather3A_250, %gather3A_251 : vector<16xf32>
        %add3A_253 = arith.addf %scan3A_236, %mul3A_252 : vector<16xf32>
        %mul3A_254 = arith.constant 8 : i32
        %mul3A_255 = arith.muli %scan3A_234, %mul3A_254 : i32
        %add3A_256 = arith.constant 1 : i32
        %add3A_257 = arith.addi %mul3A_255, %add3A_256 : i32
        %add3A_258 = vector.broadcast %add3A_257 : i32 to vector<16xi32>
        %add3A_259 = arith.addi %iota3A, %add3A_258 : vector<16xi32>
        %and3A_260 = arith.constant 31 : i32
        %and3A_261 = vector.broadcast %and3A_260 : i32 to vector<16xi32>
        %and3A_262 = arith.andi %add3A_259, %and3A_261 : vector<16xi32>
        %add3A_263 = arith.addi %broadcast_in_dim3A_3, %and3A_262 : vector<16xi32>
        %gather3A_264 = tpu.vector_load_idx %arg13[%add3A_203, %add3A_263] : memref<80x64xf32, #tpu.memory_space<vmem>>[vector<16xi32>, vector<16xi32>], vector<16xf32>,
        %gather3A_265 = tpu.vector_load_idx %arg14[%add3A_203, %add3A_263] : memref<80x128xf32, #tpu.memory_space<vmem>>[vector<16xi32>, vector<16xi32>], vector<16xf32>,
        %mul3A_266 = arith.mulf %gather3A_264, %gather3A_265 : vector<16xf32>
        %add3A_267 = arith.addf %add3A_248, %mul3A_266 : vector<16xf32>
        %add3A_268 = arith.addi %broadcast_in_dim3A_5, %and3A_262 : vector<16xi32>
        %gather3A_269 = tpu.vector_load_idx %arg13[%add3A_203, %add3A_268] : memref<80x64xf32, #tpu.memory_space<vmem>>[vector<16xi32>, vector<16xi32>], vector<16xf32>,
        %gather3A_270 = tpu.vector_load_idx %arg14[%add3A_203, %add3A_268] : memref<80x128xf32, #tpu.memory_space<vmem>>[vector<16xi32>, vector<16xi32>], vector<16xf32>,
        %mul3A_271 = arith.mulf %gather3A_269, %gather3A_270 : vector<16xf32>
        %add3A_272 = arith.addf %add3A_253, %mul3A_271 : vector<16xf32>
        %mul3A_273 = arith.constant 8 : i32
        %mul3A_274 = arith.muli %scan3A_234, %mul3A_273 : i32
        %add3A_275 = arith.constant 2 : i32
        %add3A_276 = arith.addi %mul3A_274, %add3A_275 : i32
        %add3A_277 = vector.broadcast %add3A_276 : i32 to vector<16xi32>
        %add3A_278 = arith.addi %iota3A, %add3A_277 : vector<16xi32>
        %and3A_279 = arith.constant 31 : i32
        %and3A_280 = vector.broadcast %and3A_279 : i32 to vector<16xi32>
        %and3A_281 = arith.andi %add3A_278, %and3A_280 : vector<16xi32>
        %add3A_282 = arith.addi %broadcast_in_dim3A_3, %and3A_281 : vector<16xi32>
        %gather3A_283 = tpu.vector_load_idx %arg13[%add3A_203, %add3A_282] : memref<80x64xf32, #tpu.memory_space<vmem>>[vector<16xi32>, vector<16xi32>], vector<16xf32>,
        %gather3A_284 = tpu.vector_load_idx %arg14[%add3A_203, %add3A_282] : memref<80x128xf32, #tpu.memory_space<vmem>>[vector<16xi32>, vector<16xi32>], vector<16xf32>,
        %mul3A_285 = arith.mulf %gather3A_283, %gather3A_284 : vector<16xf32>
        %add3A_286 = arith.addf %add3A_267, %mul3A_285 : vector<16xf32>
        %add3A_287 = arith.addi %broadcast_in_dim3A_5, %and3A_281 : vector<16xi32>
        %gather3A_288 = tpu.vector_load_idx %arg13[%add3A_203, %add3A_287] : memref<80x64xf32, #tpu.memory_space<vmem>>[vector<16xi32>, vector<16xi32>], vector<16xf32>,
        %gather3A_289 = tpu.vector_load_idx %arg14[%add3A_203, %add3A_287] : memref<80x128xf32, #tpu.memory_space<vmem>>[vector<16xi32>, vector<16xi32>], vector<16xf32>,
        %mul3A_290 = arith.mulf %gather3A_288, %gather3A_289 : vector<16xf32>
        %add3A_291 = arith.addf %add3A_272, %mul3A_290 : vector<16xf32>
        %mul3A_292 = arith.constant 8 : i32
        %mul3A_293 = arith.muli %scan3A_234, %mul3A_292 : i32
        %add3A_294 = arith.constant 3 : i32
        %add3A_295 = arith.addi %mul3A_293, %add3A_294 : i32
        %add3A_296 = vector.broadcast %add3A_295 : i32 to vector<16xi32>
        %add3A_297 = arith.addi %iota3A, %add3A_296 : vector<16xi32>
        %and3A_298 = arith.constant 31 : i32
        %and3A_299 = vector.broadcast %and3A_298 : i32 to vector<16xi32>
        %and3A_300 = arith.andi %add3A_297, %and3A_299 : vector<16xi32>
        %add3A_301 = arith.addi %broadcast_in_dim3A_3, %and3A_300 : vector<16xi32>
        %gather3A_302 = tpu.vector_load_idx %arg13[%add3A_203, %add3A_301] : memref<80x64xf32, #tpu.memory_space<vmem>>[vector<16xi32>, vector<16xi32>], vector<16xf32>,
        %gather3A_303 = tpu.vector_load_idx %arg14[%add3A_203, %add3A_301] : memref<80x128xf32, #tpu.memory_space<vmem>>[vector<16xi32>, vector<16xi32>], vector<16xf32>,
        %mul3A_304 = arith.mulf %gather3A_302, %gather3A_303 : vector<16xf32>
        %add3A_305 = arith.addf %add3A_286, %mul3A_304 : vector<16xf32>
        %add3A_306 = arith.addi %broadcast_in_dim3A_5, %and3A_300 : vector<16xi32>
        %gather3A_307 = tpu.vector_load_idx %arg13[%add3A_203, %add3A_306] : memref<80x64xf32, #tpu.memory_space<vmem>>[vector<16xi32>, vector<16xi32>], vector<16xf32>,
        %gather3A_308 = tpu.vector_load_idx %arg14[%add3A_203, %add3A_306] : memref<80x128xf32, #tpu.memory_space<vmem>>[vector<16xi32>, vector<16xi32>], vector<16xf32>,
        %mul3A_309 = arith.mulf %gather3A_307, %gather3A_308 : vector<16xf32>
        %add3A_310 = arith.addf %add3A_291, %mul3A_309 : vector<16xf32>
        %mul3A_311 = arith.constant 8 : i32
        %mul3A_312 = arith.muli %scan3A_234, %mul3A_311 : i32
        %add3A_313 = arith.constant 4 : i32
        %add3A_314 = arith.addi %mul3A_312, %add3A_313 : i32
        %add3A_315 = vector.broadcast %add3A_314 : i32 to vector<16xi32>
        %add3A_316 = arith.addi %iota3A, %add3A_315 : vector<16xi32>
        %and3A_317 = arith.constant 31 : i32
        %and3A_318 = vector.broadcast %and3A_317 : i32 to vector<16xi32>
        %and3A_319 = arith.andi %add3A_316, %and3A_318 : vector<16xi32>
        %add3A_320 = arith.addi %broadcast_in_dim3A_3, %and3A_319 : vector<16xi32>
        %gather3A_321 = tpu.vector_load_idx %arg13[%add3A_203, %add3A_320] : memref<80x64xf32, #tpu.memory_space<vmem>>[vector<16xi32>, vector<16xi32>], vector<16xf32>,
        %gather3A_322 = tpu.vector_load_idx %arg14[%add3A_203, %add3A_320] : memref<80x128xf32, #tpu.memory_space<vmem>>[vector<16xi32>, vector<16xi32>], vector<16xf32>,
        %mul3A_323 = arith.mulf %gather3A_321, %gather3A_322 : vector<16xf32>
        %add3A_324 = arith.addf %add3A_305, %mul3A_323 : vector<16xf32>
        %add3A_325 = arith.addi %broadcast_in_dim3A_5, %and3A_319 : vector<16xi32>
        %gather3A_326 = tpu.vector_load_idx %arg13[%add3A_203, %add3A_325] : memref<80x64xf32, #tpu.memory_space<vmem>>[vector<16xi32>, vector<16xi32>], vector<16xf32>,
        %gather3A_327 = tpu.vector_load_idx %arg14[%add3A_203, %add3A_325] : memref<80x128xf32, #tpu.memory_space<vmem>>[vector<16xi32>, vector<16xi32>], vector<16xf32>,
        %mul3A_328 = arith.mulf %gather3A_326, %gather3A_327 : vector<16xf32>
        %add3A_329 = arith.addf %add3A_310, %mul3A_328 : vector<16xf32>
        %mul3A_330 = arith.constant 8 : i32
        %mul3A_331 = arith.muli %scan3A_234, %mul3A_330 : i32
        %add3A_332 = arith.constant 5 : i32
        %add3A_333 = arith.addi %mul3A_331, %add3A_332 : i32
        %add3A_334 = vector.broadcast %add3A_333 : i32 to vector<16xi32>
        %add3A_335 = arith.addi %iota3A, %add3A_334 : vector<16xi32>
        %and3A_336 = arith.constant 31 : i32
        %and3A_337 = vector.broadcast %and3A_336 : i32 to vector<16xi32>
        %and3A_338 = arith.andi %add3A_335, %and3A_337 : vector<16xi32>
        %add3A_339 = arith.addi %broadcast_in_dim3A_3, %and3A_338 : vector<16xi32>
        %gather3A_340 = tpu.vector_load_idx %arg13[%add3A_203, %add3A_339] : memref<80x64xf32, #tpu.memory_space<vmem>>[vector<16xi32>, vector<16xi32>], vector<16xf32>,
        %gather3A_341 = tpu.vector_load_idx %arg14[%add3A_203, %add3A_339] : memref<80x128xf32, #tpu.memory_space<vmem>>[vector<16xi32>, vector<16xi32>], vector<16xf32>,
        %mul3A_342 = arith.mulf %gather3A_340, %gather3A_341 : vector<16xf32>
        %add3A_343 = arith.addf %add3A_324, %mul3A_342 : vector<16xf32>
        %add3A_344 = arith.addi %broadcast_in_dim3A_5, %and3A_338 : vector<16xi32>
        %gather3A_345 = tpu.vector_load_idx %arg13[%add3A_203, %add3A_344] : memref<80x64xf32, #tpu.memory_space<vmem>>[vector<16xi32>, vector<16xi32>], vector<16xf32>,
        %gather3A_346 = tpu.vector_load_idx %arg14[%add3A_203, %add3A_344] : memref<80x128xf32, #tpu.memory_space<vmem>>[vector<16xi32>, vector<16xi32>], vector<16xf32>,
        %mul3A_347 = arith.mulf %gather3A_345, %gather3A_346 : vector<16xf32>
        %add3A_348 = arith.addf %add3A_329, %mul3A_347 : vector<16xf32>
        %mul3A_349 = arith.constant 8 : i32
        %mul3A_350 = arith.muli %scan3A_234, %mul3A_349 : i32
        %add3A_351 = arith.constant 6 : i32
        %add3A_352 = arith.addi %mul3A_350, %add3A_351 : i32
        %add3A_353 = vector.broadcast %add3A_352 : i32 to vector<16xi32>
        %add3A_354 = arith.addi %iota3A, %add3A_353 : vector<16xi32>
        %and3A_355 = arith.constant 31 : i32
        %and3A_356 = vector.broadcast %and3A_355 : i32 to vector<16xi32>
        %and3A_357 = arith.andi %add3A_354, %and3A_356 : vector<16xi32>
        %add3A_358 = arith.addi %broadcast_in_dim3A_3, %and3A_357 : vector<16xi32>
        %gather3A_359 = tpu.vector_load_idx %arg13[%add3A_203, %add3A_358] : memref<80x64xf32, #tpu.memory_space<vmem>>[vector<16xi32>, vector<16xi32>], vector<16xf32>,
        %gather3A_360 = tpu.vector_load_idx %arg14[%add3A_203, %add3A_358] : memref<80x128xf32, #tpu.memory_space<vmem>>[vector<16xi32>, vector<16xi32>], vector<16xf32>,
        %mul3A_361 = arith.mulf %gather3A_359, %gather3A_360 : vector<16xf32>
        %add3A_362 = arith.addf %add3A_343, %mul3A_361 : vector<16xf32>
        %add3A_363 = arith.addi %broadcast_in_dim3A_5, %and3A_357 : vector<16xi32>
        %gather3A_364 = tpu.vector_load_idx %arg13[%add3A_203, %add3A_363] : memref<80x64xf32, #tpu.memory_space<vmem>>[vector<16xi32>, vector<16xi32>], vector<16xf32>,
        %gather3A_365 = tpu.vector_load_idx %arg14[%add3A_203, %add3A_363] : memref<80x128xf32, #tpu.memory_space<vmem>>[vector<16xi32>, vector<16xi32>], vector<16xf32>,
        %mul3A_366 = arith.mulf %gather3A_364, %gather3A_365 : vector<16xf32>
        %add3A_367 = arith.addf %add3A_348, %mul3A_366 : vector<16xf32>
        %mul3A_368 = arith.constant 8 : i32
        %mul3A_369 = arith.muli %scan3A_234, %mul3A_368 : i32
        %add3A_370 = arith.constant 7 : i32
        %add3A_371 = arith.addi %mul3A_369, %add3A_370 : i32
        %add3A_372 = vector.broadcast %add3A_371 : i32 to vector<16xi32>
        %add3A_373 = arith.addi %iota3A, %add3A_372 : vector<16xi32>
        %and3A_374 = arith.constant 31 : i32
        %and3A_375 = vector.broadcast %and3A_374 : i32 to vector<16xi32>
        %and3A_376 = arith.andi %add3A_373, %and3A_375 : vector<16xi32>
        %add3A_377 = arith.addi %broadcast_in_dim3A_3, %and3A_376 : vector<16xi32>
        %gather3A_378 = tpu.vector_load_idx %arg13[%add3A_203, %add3A_377] : memref<80x64xf32, #tpu.memory_space<vmem>>[vector<16xi32>, vector<16xi32>], vector<16xf32>,
        %gather3A_379 = tpu.vector_load_idx %arg14[%add3A_203, %add3A_377] : memref<80x128xf32, #tpu.memory_space<vmem>>[vector<16xi32>, vector<16xi32>], vector<16xf32>,
        %mul3A_380 = arith.mulf %gather3A_378, %gather3A_379 : vector<16xf32>
        %add3A_381 = arith.addf %add3A_362, %mul3A_380 : vector<16xf32>
        %add3A_382 = arith.addi %broadcast_in_dim3A_5, %and3A_376 : vector<16xi32>
        %gather3A_383 = tpu.vector_load_idx %arg13[%add3A_203, %add3A_382] : memref<80x64xf32, #tpu.memory_space<vmem>>[vector<16xi32>, vector<16xi32>], vector<16xf32>,
        %gather3A_384 = tpu.vector_load_idx %arg14[%add3A_203, %add3A_382] : memref<80x128xf32, #tpu.memory_space<vmem>>[vector<16xi32>, vector<16xi32>], vector<16xf32>,
        %mul3A_385 = arith.mulf %gather3A_383, %gather3A_384 : vector<16xf32>
        %add3A_386 = arith.addf %add3A_367, %mul3A_385 : vector<16xf32>
        scf.yield %add3A_381, %add3A_386 : vector<16xf32>, vector<16xf32>
      }
      %scan3A_211 = arith.constant 4 : i32
      %jit3A = arith.constant -1.000000e+01 : f32
      %jit3A_212 = arith.constant 1.000000e+01 : f32
      %max3A = vector.broadcast %jit3A : f32 to vector<16xf32>
      %max3A_213 = arith.maximumf %max3A, %scan3A_210#0 : vector<16xf32>
      %min3A = vector.broadcast %jit3A_212 : f32 to vector<16xf32>
      %min3A_214 = arith.minimumf %min3A, %max3A_213 : vector<16xf32>
      %exp3A = math.exp %min3A_214 : vector<16xf32>
      %jit3A_215 = arith.constant -1.000000e+01 : f32
      %jit3A_216 = arith.constant 1.000000e+01 : f32
      %max3A_217 = vector.broadcast %jit3A_215 : f32 to vector<16xf32>
      %max3A_218 = arith.maximumf %max3A_217, %scan3A_210#1 : vector<16xf32>
      %min3A_219 = vector.broadcast %jit3A_216 : f32 to vector<16xf32>
      %min3A_220 = arith.minimumf %min3A_219, %max3A_218 : vector<16xf32>
      %exp3A_221 = math.exp %min3A_220 : vector<16xf32>
      %broadcast_in_dim3A_222 = arith.constant 64 : i32
      %broadcast_in_dim3A_223 = vector.broadcast %broadcast_in_dim3A_222 : i32 to vector<16xi32>
      tpu.vector_store_idx %arg15[%add3A_203, %broadcast_in_dim3A_223], %exp3A : memref<80x72xf32, #tpu.memory_space<vmem>>[vector<16xi32>, vector<16xi32>], vector<16xf32>,
      %broadcast_in_dim3A_224 = arith.constant 65 : i32
      %broadcast_in_dim3A_225 = vector.broadcast %broadcast_in_dim3A_224 : i32 to vector<16xi32>
      tpu.vector_store_idx %arg15[%add3A_203, %broadcast_in_dim3A_225], %exp3A_221 : memref<80x72xf32, #tpu.memory_space<vmem>>[vector<16xi32>, vector<16xi32>], vector<16xf32>,
      %scan3A_226 = arith.constant 0 : i32
      %scan3A_227 = arith.constant 0 : i32
      %scan3A_228 = arith.constant 4 : i32
      %scan3A_229 = arith.addi %scan3A_227, %scan3A_228 : i32
      %scan3A_230 = arith.constant 1 : i32
      %scan3A_231 = scf.for %scan3A_234 = %scan3A_227 to %scan3A_229 step %scan3A_230 iter_args(%scan3A_235 = %scan3A_226) -> (i32)  : i32 {
        %mul3A_236 = arith.constant 8 : i32
        %mul3A_237 = arith.muli %scan3A_234, %mul3A_236 : i32
        %add3A_238 = arith.constant 0 : i32
        %add3A_239 = arith.addi %mul3A_237, %add3A_238 : i32
        %add3A_240 = vector.broadcast %add3A_239 : i32 to vector<16xi32>
        %add3A_241 = arith.addi %iota3A, %add3A_240 : vector<16xi32>
        %and3A = arith.constant 31 : i32
        %and3A_242 = vector.broadcast %and3A : i32 to vector<16xi32>
        %and3A_243 = arith.andi %add3A_241, %and3A_242 : vector<16xi32>
        %add3A_244 = arith.addi %broadcast_in_dim3A_3, %and3A_243 : vector<16xi32>
        %add3A_245 = arith.addi %broadcast_in_dim3A_7, %and3A_243 : vector<16xi32>
        %gather3A = tpu.vector_load_idx %arg14[%add3A_203, %add3A_245] : memref<80x128xf32, #tpu.memory_space<vmem>>[vector<16xi32>, vector<16xi32>], vector<16xf32>,
        %mul3A_246 = arith.mulf %gather3A, %exp3A : vector<16xf32>
        %add3A_247 = arith.addi %broadcast_in_dim3A_5, %and3A_243 : vector<16xi32>
        %add3A_248 = arith.addi %broadcast_in_dim3A_9, %and3A_243 : vector<16xi32>
        %gather3A_249 = tpu.vector_load_idx %arg14[%add3A_203, %add3A_248] : memref<80x128xf32, #tpu.memory_space<vmem>>[vector<16xi32>, vector<16xi32>], vector<16xf32>,
        %mul3A_250 = arith.mulf %gather3A_249, %exp3A_221 : vector<16xf32>
        %mul3A_251 = arith.constant 8 : i32
        %mul3A_252 = arith.muli %scan3A_234, %mul3A_251 : i32
        %add3A_253 = arith.constant 1 : i32
        %add3A_254 = arith.addi %mul3A_252, %add3A_253 : i32
        %add3A_255 = vector.broadcast %add3A_254 : i32 to vector<16xi32>
        %add3A_256 = arith.addi %iota3A, %add3A_255 : vector<16xi32>
        %and3A_257 = arith.constant 31 : i32
        %and3A_258 = vector.broadcast %and3A_257 : i32 to vector<16xi32>
        %and3A_259 = arith.andi %add3A_256, %and3A_258 : vector<16xi32>
        %add3A_260 = arith.addi %broadcast_in_dim3A_3, %and3A_259 : vector<16xi32>
        %add3A_261 = arith.addi %broadcast_in_dim3A_7, %and3A_259 : vector<16xi32>
        %gather3A_262 = tpu.vector_load_idx %arg14[%add3A_203, %add3A_261] : memref<80x128xf32, #tpu.memory_space<vmem>>[vector<16xi32>, vector<16xi32>], vector<16xf32>,
        %mul3A_263 = arith.mulf %gather3A_262, %exp3A : vector<16xf32>
        %add3A_264 = arith.addi %broadcast_in_dim3A_5, %and3A_259 : vector<16xi32>
        %add3A_265 = arith.addi %broadcast_in_dim3A_9, %and3A_259 : vector<16xi32>
        %gather3A_266 = tpu.vector_load_idx %arg14[%add3A_203, %add3A_265] : memref<80x128xf32, #tpu.memory_space<vmem>>[vector<16xi32>, vector<16xi32>], vector<16xf32>,
        %mul3A_267 = arith.mulf %gather3A_266, %exp3A_221 : vector<16xf32>
        %mul3A_268 = arith.constant 8 : i32
        %mul3A_269 = arith.muli %scan3A_234, %mul3A_268 : i32
        %add3A_270 = arith.constant 2 : i32
        %add3A_271 = arith.addi %mul3A_269, %add3A_270 : i32
        %add3A_272 = vector.broadcast %add3A_271 : i32 to vector<16xi32>
        %add3A_273 = arith.addi %iota3A, %add3A_272 : vector<16xi32>
        %and3A_274 = arith.constant 31 : i32
        %and3A_275 = vector.broadcast %and3A_274 : i32 to vector<16xi32>
        %and3A_276 = arith.andi %add3A_273, %and3A_275 : vector<16xi32>
        %add3A_277 = arith.addi %broadcast_in_dim3A_3, %and3A_276 : vector<16xi32>
        %add3A_278 = arith.addi %broadcast_in_dim3A_7, %and3A_276 : vector<16xi32>
        %gather3A_279 = tpu.vector_load_idx %arg14[%add3A_203, %add3A_278] : memref<80x128xf32, #tpu.memory_space<vmem>>[vector<16xi32>, vector<16xi32>], vector<16xf32>,
        %mul3A_280 = arith.mulf %gather3A_279, %exp3A : vector<16xf32>
        %add3A_281 = arith.addi %broadcast_in_dim3A_5, %and3A_276 : vector<16xi32>
        %add3A_282 = arith.addi %broadcast_in_dim3A_9, %and3A_276 : vector<16xi32>
        %gather3A_283 = tpu.vector_load_idx %arg14[%add3A_203, %add3A_282] : memref<80x128xf32, #tpu.memory_space<vmem>>[vector<16xi32>, vector<16xi32>], vector<16xf32>,
        %mul3A_284 = arith.mulf %gather3A_283, %exp3A_221 : vector<16xf32>
        %mul3A_285 = arith.constant 8 : i32
        %mul3A_286 = arith.muli %scan3A_234, %mul3A_285 : i32
        %add3A_287 = arith.constant 3 : i32
        %add3A_288 = arith.addi %mul3A_286, %add3A_287 : i32
        %add3A_289 = vector.broadcast %add3A_288 : i32 to vector<16xi32>
        %add3A_290 = arith.addi %iota3A, %add3A_289 : vector<16xi32>
        %and3A_291 = arith.constant 31 : i32
        %and3A_292 = vector.broadcast %and3A_291 : i32 to vector<16xi32>
        %and3A_293 = arith.andi %add3A_290, %and3A_292 : vector<16xi32>
        %add3A_294 = arith.addi %broadcast_in_dim3A_3, %and3A_293 : vector<16xi32>
        %add3A_295 = arith.addi %broadcast_in_dim3A_7, %and3A_293 : vector<16xi32>
        %gather3A_296 = tpu.vector_load_idx %arg14[%add3A_203, %add3A_295] : memref<80x128xf32, #tpu.memory_space<vmem>>[vector<16xi32>, vector<16xi32>], vector<16xf32>,
        %mul3A_297 = arith.mulf %gather3A_296, %exp3A : vector<16xf32>
        %add3A_298 = arith.addi %broadcast_in_dim3A_5, %and3A_293 : vector<16xi32>
        %add3A_299 = arith.addi %broadcast_in_dim3A_9, %and3A_293 : vector<16xi32>
        %gather3A_300 = tpu.vector_load_idx %arg14[%add3A_203, %add3A_299] : memref<80x128xf32, #tpu.memory_space<vmem>>[vector<16xi32>, vector<16xi32>], vector<16xf32>,
        %mul3A_301 = arith.mulf %gather3A_300, %exp3A_221 : vector<16xf32>
        tpu.vector_store_idx %arg15[%add3A_203, %add3A_244], %mul3A_246 : memref<80x72xf32, #tpu.memory_space<vmem>>[vector<16xi32>, vector<16xi32>], vector<16xf32>,
        tpu.vector_store_idx %arg15[%add3A_203, %add3A_247], %mul3A_250 : memref<80x72xf32, #tpu.memory_space<vmem>>[vector<16xi32>, vector<16xi32>], vector<16xf32>,
        tpu.vector_store_idx %arg15[%add3A_203, %add3A_260], %mul3A_263 : memref<80x72xf32, #tpu.memory_space<vmem>>[vector<16xi32>, vector<16xi32>], vector<16xf32>,
        tpu.vector_store_idx %arg15[%add3A_203, %add3A_264], %mul3A_267 : memref<80x72xf32, #tpu.memory_space<vmem>>[vector<16xi32>, vector<16xi32>], vector<16xf32>,
        tpu.vector_store_idx %arg15[%add3A_203, %add3A_277], %mul3A_280 : memref<80x72xf32, #tpu.memory_space<vmem>>[vector<16xi32>, vector<16xi32>], vector<16xf32>,
        tpu.vector_store_idx %arg15[%add3A_203, %add3A_281], %mul3A_284 : memref<80x72xf32, #tpu.memory_space<vmem>>[vector<16xi32>, vector<16xi32>], vector<16xf32>,
        tpu.vector_store_idx %arg15[%add3A_203, %add3A_294], %mul3A_297 : memref<80x72xf32, #tpu.memory_space<vmem>>[vector<16xi32>, vector<16xi32>], vector<16xf32>,
        tpu.vector_store_idx %arg15[%add3A_203, %add3A_298], %mul3A_301 : memref<80x72xf32, #tpu.memory_space<vmem>>[vector<16xi32>, vector<16xi32>], vector<16xf32>,
        %mul3A_302 = arith.constant 8 : i32
        %mul3A_303 = arith.muli %scan3A_234, %mul3A_302 : i32
        %add3A_304 = arith.constant 4 : i32
        %add3A_305 = arith.addi %mul3A_303, %add3A_304 : i32
        %add3A_306 = vector.broadcast %add3A_305 : i32 to vector<16xi32>
        %add3A_307 = arith.addi %iota3A, %add3A_306 : vector<16xi32>
        %and3A_308 = arith.constant 31 : i32
        %and3A_309 = vector.broadcast %and3A_308 : i32 to vector<16xi32>
        %and3A_310 = arith.andi %add3A_307, %and3A_309 : vector<16xi32>
        %add3A_311 = arith.addi %broadcast_in_dim3A_3, %and3A_310 : vector<16xi32>
        %add3A_312 = arith.addi %broadcast_in_dim3A_7, %and3A_310 : vector<16xi32>
        %gather3A_313 = tpu.vector_load_idx %arg14[%add3A_203, %add3A_312] : memref<80x128xf32, #tpu.memory_space<vmem>>[vector<16xi32>, vector<16xi32>], vector<16xf32>,
        %mul3A_314 = arith.mulf %gather3A_313, %exp3A : vector<16xf32>
        %add3A_315 = arith.addi %broadcast_in_dim3A_5, %and3A_310 : vector<16xi32>
        %add3A_316 = arith.addi %broadcast_in_dim3A_9, %and3A_310 : vector<16xi32>
        %gather3A_317 = tpu.vector_load_idx %arg14[%add3A_203, %add3A_316] : memref<80x128xf32, #tpu.memory_space<vmem>>[vector<16xi32>, vector<16xi32>], vector<16xf32>,
        %mul3A_318 = arith.mulf %gather3A_317, %exp3A_221 : vector<16xf32>
        %mul3A_319 = arith.constant 8 : i32
        %mul3A_320 = arith.muli %scan3A_234, %mul3A_319 : i32
        %add3A_321 = arith.constant 5 : i32
        %add3A_322 = arith.addi %mul3A_320, %add3A_321 : i32
        %add3A_323 = vector.broadcast %add3A_322 : i32 to vector<16xi32>
        %add3A_324 = arith.addi %iota3A, %add3A_323 : vector<16xi32>
        %and3A_325 = arith.constant 31 : i32
        %and3A_326 = vector.broadcast %and3A_325 : i32 to vector<16xi32>
        %and3A_327 = arith.andi %add3A_324, %and3A_326 : vector<16xi32>
        %add3A_328 = arith.addi %broadcast_in_dim3A_3, %and3A_327 : vector<16xi32>
        %add3A_329 = arith.addi %broadcast_in_dim3A_7, %and3A_327 : vector<16xi32>
        %gather3A_330 = tpu.vector_load_idx %arg14[%add3A_203, %add3A_329] : memref<80x128xf32, #tpu.memory_space<vmem>>[vector<16xi32>, vector<16xi32>], vector<16xf32>,
        %mul3A_331 = arith.mulf %gather3A_330, %exp3A : vector<16xf32>
        %add3A_332 = arith.addi %broadcast_in_dim3A_5, %and3A_327 : vector<16xi32>
        %add3A_333 = arith.addi %broadcast_in_dim3A_9, %and3A_327 : vector<16xi32>
        %gather3A_334 = tpu.vector_load_idx %arg14[%add3A_203, %add3A_333] : memref<80x128xf32, #tpu.memory_space<vmem>>[vector<16xi32>, vector<16xi32>], vector<16xf32>,
        %mul3A_335 = arith.mulf %gather3A_334, %exp3A_221 : vector<16xf32>
        %mul3A_336 = arith.constant 8 : i32
        %mul3A_337 = arith.muli %scan3A_234, %mul3A_336 : i32
        %add3A_338 = arith.constant 6 : i32
        %add3A_339 = arith.addi %mul3A_337, %add3A_338 : i32
        %add3A_340 = vector.broadcast %add3A_339 : i32 to vector<16xi32>
        %add3A_341 = arith.addi %iota3A, %add3A_340 : vector<16xi32>
        %and3A_342 = arith.constant 31 : i32
        %and3A_343 = vector.broadcast %and3A_342 : i32 to vector<16xi32>
        %and3A_344 = arith.andi %add3A_341, %and3A_343 : vector<16xi32>
        %add3A_345 = arith.addi %broadcast_in_dim3A_3, %and3A_344 : vector<16xi32>
        %add3A_346 = arith.addi %broadcast_in_dim3A_7, %and3A_344 : vector<16xi32>
        %gather3A_347 = tpu.vector_load_idx %arg14[%add3A_203, %add3A_346] : memref<80x128xf32, #tpu.memory_space<vmem>>[vector<16xi32>, vector<16xi32>], vector<16xf32>,
        %mul3A_348 = arith.mulf %gather3A_347, %exp3A : vector<16xf32>
        %add3A_349 = arith.addi %broadcast_in_dim3A_5, %and3A_344 : vector<16xi32>
        %add3A_350 = arith.addi %broadcast_in_dim3A_9, %and3A_344 : vector<16xi32>
        %gather3A_351 = tpu.vector_load_idx %arg14[%add3A_203, %add3A_350] : memref<80x128xf32, #tpu.memory_space<vmem>>[vector<16xi32>, vector<16xi32>], vector<16xf32>,
        %mul3A_352 = arith.mulf %gather3A_351, %exp3A_221 : vector<16xf32>
        %mul3A_353 = arith.constant 8 : i32
        %mul3A_354 = arith.muli %scan3A_234, %mul3A_353 : i32
        %add3A_355 = arith.constant 7 : i32
        %add3A_356 = arith.addi %mul3A_354, %add3A_355 : i32
        %add3A_357 = vector.broadcast %add3A_356 : i32 to vector<16xi32>
        %add3A_358 = arith.addi %iota3A, %add3A_357 : vector<16xi32>
        %and3A_359 = arith.constant 31 : i32
        %and3A_360 = vector.broadcast %and3A_359 : i32 to vector<16xi32>
        %and3A_361 = arith.andi %add3A_358, %and3A_360 : vector<16xi32>
        %add3A_362 = arith.addi %broadcast_in_dim3A_3, %and3A_361 : vector<16xi32>
        %add3A_363 = arith.addi %broadcast_in_dim3A_7, %and3A_361 : vector<16xi32>
        %gather3A_364 = tpu.vector_load_idx %arg14[%add3A_203, %add3A_363] : memref<80x128xf32, #tpu.memory_space<vmem>>[vector<16xi32>, vector<16xi32>], vector<16xf32>,
        %mul3A_365 = arith.mulf %gather3A_364, %exp3A : vector<16xf32>
        %add3A_366 = arith.addi %broadcast_in_dim3A_5, %and3A_361 : vector<16xi32>
        %add3A_367 = arith.addi %broadcast_in_dim3A_9, %and3A_361 : vector<16xi32>
        %gather3A_368 = tpu.vector_load_idx %arg14[%add3A_203, %add3A_367] : memref<80x128xf32, #tpu.memory_space<vmem>>[vector<16xi32>, vector<16xi32>], vector<16xf32>,
        %mul3A_369 = arith.mulf %gather3A_368, %exp3A_221 : vector<16xf32>
        tpu.vector_store_idx %arg15[%add3A_203, %add3A_311], %mul3A_314 : memref<80x72xf32, #tpu.memory_space<vmem>>[vector<16xi32>, vector<16xi32>], vector<16xf32>,
        tpu.vector_store_idx %arg15[%add3A_203, %add3A_315], %mul3A_318 : memref<80x72xf32, #tpu.memory_space<vmem>>[vector<16xi32>, vector<16xi32>], vector<16xf32>,
        tpu.vector_store_idx %arg15[%add3A_203, %add3A_328], %mul3A_331 : memref<80x72xf32, #tpu.memory_space<vmem>>[vector<16xi32>, vector<16xi32>], vector<16xf32>,
        tpu.vector_store_idx %arg15[%add3A_203, %add3A_332], %mul3A_335 : memref<80x72xf32, #tpu.memory_space<vmem>>[vector<16xi32>, vector<16xi32>], vector<16xf32>,
        tpu.vector_store_idx %arg15[%add3A_203, %add3A_345], %mul3A_348 : memref<80x72xf32, #tpu.memory_space<vmem>>[vector<16xi32>, vector<16xi32>], vector<16xf32>,
        tpu.vector_store_idx %arg15[%add3A_203, %add3A_349], %mul3A_352 : memref<80x72xf32, #tpu.memory_space<vmem>>[vector<16xi32>, vector<16xi32>], vector<16xf32>,
        tpu.vector_store_idx %arg15[%add3A_203, %add3A_362], %mul3A_365 : memref<80x72xf32, #tpu.memory_space<vmem>>[vector<16xi32>, vector<16xi32>], vector<16xf32>,
        tpu.vector_store_idx %arg15[%add3A_203, %add3A_366], %mul3A_369 : memref<80x72xf32, #tpu.memory_space<vmem>>[vector<16xi32>, vector<16xi32>], vector<16xf32>,
        %scan3A_370 = arith.constant 0 : i32
        scf.yield %scan3A_370 : i32
      }
      %scan3A_232 = arith.constant 4 : i32
      %scan3A_233 = arith.constant 0 : i32
      scf.yield %scan3A_233 : i32
    }
    %scan3A_175 = arith.constant 5 : i32
    %dma_start3A_176 = arith.constant 0 : i32
    %dma_start3A_177 = arith.constant 0 : i32
    %dma_start3A_178 = tpu.memref_slice %arg12[%dma_start3A_176, %dma_start3A_177] : memref<2x80xi32, #tpu.memory_space<vmem>> -> memref<1x80xi32, #tpu.memory_space<vmem>>
    %dma_start3A_179 = tpu.memref_squeeze %dma_start3A_178 : memref<1x80xi32, #tpu.memory_space<vmem>> -> memref<80xi32, #tpu.memory_space<vmem>>
    %dma_start3A_180 = arith.constant 0 : i32
    %dma_start3A_181 = arith.constant 0 : i32
    %dma_start3A_182 = tpu.memref_slice %arg7[%dma_start3A_180, %dma_start3A_181] : memref<10240x72xf32, #tpu.memory_space<vmem_shared>> -> memref<10240x72xf32, #tpu.memory_space<vmem_shared>>
    tpu.enqueue_indirect_dma source(%arg15 : memref<80x72xf32, #tpu.memory_space<vmem>>) target(%dma_start3A_182 : memref<10240x72xf32, #tpu.memory_space<vmem_shared>>) offsets(%dma_start3A_179 : memref<80xi32, #tpu.memory_space<vmem>>) semaphore(%arg20 : memref<!tpu.dma_semaphore, #tpu.memory_space<semaphore_mem>>) {add = true}
    %dma_wait3A_183 = arith.constant 0 : i32
    %dma_wait3A_184 = arith.constant 0 : i32
    %dma_wait3A_185 = tpu.memref_slice %arg8[%dma_wait3A_183, %dma_wait3A_184] : memref<2x80xi32, #tpu.memory_space<vmem>> -> memref<1x80xi32, #tpu.memory_space<vmem>>
    %dma_wait3A_186 = tpu.memref_squeeze %dma_wait3A_185 : memref<1x80xi32, #tpu.memory_space<vmem>> -> memref<80xi32, #tpu.memory_space<vmem>>
    %dma_wait3A_187 = arith.constant 0 : i32
    %dma_wait3A_188 = arith.constant 0 : i32
    %dma_wait3A_189 = tpu.memref_slice %arg7[%dma_wait3A_187, %dma_wait3A_188] : memref<10240x72xf32, #tpu.memory_space<vmem_shared>> -> memref<10240x72xf32, #tpu.memory_space<vmem_shared>>
    tpu.wait_indirect_dma semaphore(%arg20 : memref<!tpu.dma_semaphore, #tpu.memory_space<semaphore_mem>>) src(%arg11 : memref<80x72xf32, #tpu.memory_space<vmem>>) dst(%dma_wait3A_189 : memref<10240x72xf32, #tpu.memory_space<vmem_shared>>)
    %dma_wait3A_190 = arith.constant 0 : i32
    %dma_wait3A_191 = arith.constant 0 : i32
    %dma_wait3A_192 = tpu.memref_slice %arg8[%dma_wait3A_190, %dma_wait3A_191] : memref<2x80xi32, #tpu.memory_space<vmem>> -> memref<1x80xi32, #tpu.memory_space<vmem>>
    %dma_wait3A_193 = tpu.memref_squeeze %dma_wait3A_192 : memref<1x80xi32, #tpu.memory_space<vmem>> -> memref<80xi32, #tpu.memory_space<vmem>>
    %dma_wait3A_194 = arith.constant 0 : i32
    %dma_wait3A_195 = arith.constant 0 : i32
    %dma_wait3A_196 = tpu.memref_slice %arg7[%dma_wait3A_194, %dma_wait3A_195] : memref<10240x72xf32, #tpu.memory_space<vmem_shared>> -> memref<10240x72xf32, #tpu.memory_space<vmem_shared>>
    tpu.wait_indirect_dma semaphore(%arg20 : memref<!tpu.dma_semaphore, #tpu.memory_space<semaphore_mem>>) src(%arg11 : memref<80x72xf32, #tpu.memory_space<vmem>>) dst(%dma_wait3A_196 : memref<10240x72xf32, #tpu.memory_space<vmem_shared>>)
    %barrier3A_197 = arith.constant 0 : index
    tpu.barrier barrier_id(%barrier3A_197)
    "tpu.region"() ({
      %run_scoped3A = tpu.sem_alloc : memref<!tpu.dma_semaphore, #tpu.memory_space<semaphore_mem>>
      %dma_start3A_198 = arith.constant 0 : i32
      %dma_start3A_199 = tpu.memref_slice %arg6[%arg0, %mul3A_0, %dma_start3A_198] : memref<2x10240x72xf32, #tpu.memory_space<hbm>> -> memref<1x640x72xf32, #tpu.memory_space<hbm>>
      %dma_start3A_200 = tpu.memref_squeeze %dma_start3A_199 : memref<1x640x72xf32, #tpu.memory_space<hbm>> -> memref<640x72xf32, #tpu.memory_space<hbm>>
      %dma_start3A_201 = arith.constant 0 : i32
      %dma_start3A_202 = tpu.memref_slice %arg7[%mul3A_0, %dma_start3A_201] : memref<10240x72xf32, #tpu.memory_space<vmem_shared>> -> memref<640x72xf32, #tpu.memory_space<vmem_shared>>
      tpu.enqueue_dma source(%dma_start3A_202 : memref<640x72xf32, #tpu.memory_space<vmem_shared>>) target(%dma_start3A_200 : memref<640x72xf32, #tpu.memory_space<hbm>>) target_semaphore(%run_scoped3A : memref<!tpu.dma_semaphore, #tpu.memory_space<semaphore_mem>>)
      %dma_wait3A_203 = arith.constant 0 : i32
      %dma_wait3A_204 = tpu.memref_slice %arg6[%arg0, %mul3A_0, %dma_wait3A_203] : memref<2x10240x72xf32, #tpu.memory_space<hbm>> -> memref<1x640x72xf32, #tpu.memory_space<hbm>>
      %dma_wait3A_205 = tpu.memref_squeeze %dma_wait3A_204 : memref<1x640x72xf32, #tpu.memory_space<hbm>> -> memref<640x72xf32, #tpu.memory_space<hbm>>
      %dma_wait3A_206 = arith.constant 0 : i32
      %dma_wait3A_207 = tpu.memref_slice %arg7[%mul3A_0, %dma_wait3A_206] : memref<10240x72xf32, #tpu.memory_space<vmem_shared>> -> memref<640x72xf32, #tpu.memory_space<vmem_shared>>
      tpu.wait_dma2 semaphore(%run_scoped3A : memref<!tpu.dma_semaphore, #tpu.memory_space<semaphore_mem>>) src(%dma_wait3A_207 : memref<640x72xf32, #tpu.memory_space<vmem_shared>>) dst(%dma_wait3A_205 : memref<640x72xf32, #tpu.memory_space<hbm>>)
      tpu.yield
    }) : () -> ()
    return
  }
}

module attributes {stable_mosaic.version = 14 : i64} {
  func.func @_qkv_body(%arg0: memref<10000x128xf32, #tpu.memory_space<vmem>>, %arg1: memref<128x128xf32, #tpu.memory_space<vmem>>, %arg2: memref<128x128xf32, #tpu.memory_space<vmem>>, %arg3: memref<128x128xf32, #tpu.memory_space<vmem>>, %arg4: memref<2x10000x64xf32, #tpu.memory_space<vmem>>, %arg5: memref<2x10000x128xf32, #tpu.memory_space<vmem>>) attributes {dimension_semantics = [], scalar_prefetch = 0 : i64, scratch_operands = 0 : i64, tpu.core_type = #tpu.core_type<tc>} {
    %get3A = arith.constant 0 : index
    %get3A_0 = arith.constant 0 : index
    %get3A_1 = vector.load %arg0[%get3A, %get3A_0] : memref<10000x128xf32, #tpu.memory_space<vmem>>, vector<10000x128xf32>
    %get3A_2 = arith.constant 0 : index
    %get3A_3 = arith.constant 0 : index
    %get3A_4 = vector.load %arg1[%get3A_2, %get3A_3] : memref<128x128xf32, #tpu.memory_space<vmem>>, vector<128x128xf32>
    %dot_general3A = arith.constant dense<0.000000e+00> : vector<10000x128xf32>
    %dot_general3A_5 = tpu.matmul %get3A_1, %get3A_4, %dot_general3A {dimension_numbers = #tpu.dot_dimension_numbers<[1], [0], [0], [1], [0, 0, 1, 1], [], []>, transpose_lhs_hint = false} : vector<10000x128xf32>, vector<128x128xf32>, vector<10000x128xf32> -> vector<10000x128xf32>
    %get3A_6 = arith.constant 0 : index
    %get3A_7 = arith.constant 0 : index
    %get3A_8 = vector.load %arg2[%get3A_6, %get3A_7] : memref<128x128xf32, #tpu.memory_space<vmem>>, vector<128x128xf32>
    %dot_general3A_9 = arith.constant dense<0.000000e+00> : vector<10000x128xf32>
    %dot_general3A_10 = tpu.matmul %get3A_1, %get3A_8, %dot_general3A_9 {dimension_numbers = #tpu.dot_dimension_numbers<[1], [0], [0], [1], [0, 0, 1, 1], [], []>, transpose_lhs_hint = false} : vector<10000x128xf32>, vector<128x128xf32>, vector<10000x128xf32> -> vector<10000x128xf32>
    %get3A_11 = arith.constant 0 : index
    %get3A_12 = arith.constant 0 : index
    %get3A_13 = vector.load %arg3[%get3A_11, %get3A_12] : memref<128x128xf32, #tpu.memory_space<vmem>>, vector<128x128xf32>
    %dot_general3A_14 = arith.constant dense<0.000000e+00> : vector<10000x128xf32>
    %dot_general3A_15 = tpu.matmul %get3A_1, %get3A_13, %dot_general3A_14 {dimension_numbers = #tpu.dot_dimension_numbers<[1], [0], [0], [1], [0, 0, 1, 1], [], []>, transpose_lhs_hint = false} : vector<10000x128xf32>, vector<128x128xf32>, vector<10000x128xf32> -> vector<10000x128xf32>
    %slice3A = vector.extract_strided_slice %dot_general3A_5 {offsets = [0, 0], sizes = [10000, 64], strides = [1, 1]} : vector<10000x128xf32> to vector<10000x64xf32>
    %swap3A = arith.constant 0 : index
    %swap3A_16 = arith.constant 0 : index
    %swap3A_17 = arith.constant 0 : index
    %swap3A_18 = vector.load %arg4[%swap3A, %swap3A_16, %swap3A_17] : memref<2x10000x64xf32, #tpu.memory_space<vmem>>, vector<1x10000x64xf32>
    %swap3A_19 = vector.shape_cast %swap3A_18 : vector<1x10000x64xf32> to vector<10000x64xf32>
    %swap3A_20 = vector.shape_cast %slice3A : vector<10000x64xf32> to vector<1x10000x64xf32>
    tpu.vector_store %arg4[%swap3A, %swap3A_16, %swap3A_17], %swap3A_20 {strides = array<i32>} : memref<2x10000x64xf32, #tpu.memory_space<vmem>>, vector<1x10000x64xf32>,
    %slice3A_21 = vector.extract_strided_slice %dot_general3A_5 {offsets = [0, 64], sizes = [10000, 64], strides = [1, 1]} : vector<10000x128xf32> to vector<10000x64xf32>
    %swap3A_22 = arith.constant 1 : index
    %swap3A_23 = arith.constant 0 : index
    %swap3A_24 = arith.constant 0 : index
    %swap3A_25 = vector.load %arg4[%swap3A_22, %swap3A_23, %swap3A_24] : memref<2x10000x64xf32, #tpu.memory_space<vmem>>, vector<1x10000x64xf32>
    %swap3A_26 = vector.shape_cast %swap3A_25 : vector<1x10000x64xf32> to vector<10000x64xf32>
    %swap3A_27 = vector.shape_cast %slice3A_21 : vector<10000x64xf32> to vector<1x10000x64xf32>
    tpu.vector_store %arg4[%swap3A_22, %swap3A_23, %swap3A_24], %swap3A_27 {strides = array<i32>} : memref<2x10000x64xf32, #tpu.memory_space<vmem>>, vector<1x10000x64xf32>,
    %slice3A_28 = vector.extract_strided_slice %dot_general3A_10 {offsets = [0, 0], sizes = [10000, 64], strides = [1, 1]} : vector<10000x128xf32> to vector<10000x64xf32>
    %slice3A_29 = vector.extract_strided_slice %dot_general3A_15 {offsets = [0, 0], sizes = [10000, 64], strides = [1, 1]} : vector<10000x128xf32> to vector<10000x64xf32>
    %concatenate3A = tpu.concatenate %slice3A_28, %slice3A_29 in 1 : vector<10000x64xf32>, vector<10000x64xf32> -> vector<10000x128xf32>
    %swap3A_30 = arith.constant 0 : index
    %swap3A_31 = arith.constant 0 : index
    %swap3A_32 = arith.constant 0 : index
    %swap3A_33 = vector.load %arg5[%swap3A_30, %swap3A_31, %swap3A_32] : memref<2x10000x128xf32, #tpu.memory_space<vmem>>, vector<1x10000x128xf32>
    %swap3A_34 = vector.shape_cast %swap3A_33 : vector<1x10000x128xf32> to vector<10000x128xf32>
    %swap3A_35 = vector.shape_cast %concatenate3A : vector<10000x128xf32> to vector<1x10000x128xf32>
    tpu.vector_store %arg5[%swap3A_30, %swap3A_31, %swap3A_32], %swap3A_35 {strides = array<i32>} : memref<2x10000x128xf32, #tpu.memory_space<vmem>>, vector<1x10000x128xf32>,
    %slice3A_36 = vector.extract_strided_slice %dot_general3A_10 {offsets = [0, 64], sizes = [10000, 64], strides = [1, 1]} : vector<10000x128xf32> to vector<10000x64xf32>
    %slice3A_37 = vector.extract_strided_slice %dot_general3A_15 {offsets = [0, 64], sizes = [10000, 64], strides = [1, 1]} : vector<10000x128xf32> to vector<10000x64xf32>
    %concatenate3A_38 = tpu.concatenate %slice3A_36, %slice3A_37 in 1 : vector<10000x64xf32>, vector<10000x64xf32> -> vector<10000x128xf32>
    %swap3A_39 = arith.constant 1 : index
    %swap3A_40 = arith.constant 0 : index
    %swap3A_41 = arith.constant 0 : index
    %swap3A_42 = vector.load %arg5[%swap3A_39, %swap3A_40, %swap3A_41] : memref<2x10000x128xf32, #tpu.memory_space<vmem>>, vector<1x10000x128xf32>
    %swap3A_43 = vector.shape_cast %swap3A_42 : vector<1x10000x128xf32> to vector<10000x128xf32>
    %swap3A_44 = vector.shape_cast %concatenate3A_38 : vector<10000x128xf32> to vector<1x10000x128xf32>
    tpu.vector_store %arg5[%swap3A_39, %swap3A_40, %swap3A_41], %swap3A_44 {strides = array<i32>} : memref<2x10000x128xf32, #tpu.memory_space<vmem>>, vector<1x10000x128xf32>,
    return
  }
}

module attributes {stable_mosaic.version = 14 : i64} {
  func.func @_fin_body(%arg0: memref<2x10240x72xf32, #tpu.memory_space<vmem>>, %arg1: memref<4x128xf32, #tpu.memory_space<vmem>>, %arg2: memref<10000x128xf32, #tpu.memory_space<vmem>>) attributes {dimension_semantics = [], scalar_prefetch = 0 : i64, scratch_operands = 0 : i64, tpu.core_type = #tpu.core_type<tc>} {
    %get3A = arith.constant 0 : index
    %get3A_0 = arith.constant 0 : index
    %get3A_1 = arith.constant 0 : index
    %get3A_2 = vector.load %arg0[%get3A, %get3A_0, %get3A_1] : memref<2x10240x72xf32, #tpu.memory_space<vmem>>, vector<1x10000x72xf32>
    %get3A_3 = vector.shape_cast %get3A_2 : vector<1x10000x72xf32> to vector<10000x72xf32>
    %get3A_4 = arith.constant 1 : index
    %get3A_5 = arith.constant 0 : index
    %get3A_6 = arith.constant 0 : index
    %get3A_7 = vector.load %arg0[%get3A_4, %get3A_5, %get3A_6] : memref<2x10240x72xf32, #tpu.memory_space<vmem>>, vector<1x10000x72xf32>
    %get3A_8 = vector.shape_cast %get3A_7 : vector<1x10000x72xf32> to vector<10000x72xf32>
    %slice3A = vector.extract_strided_slice %get3A_3 {offsets = [0, 0], sizes = [10000, 64], strides = [1, 1]} : vector<10000x72xf32> to vector<10000x64xf32>
    %slice3A_9 = vector.extract_strided_slice %get3A_8 {offsets = [0, 0], sizes = [10000, 64], strides = [1, 1]} : vector<10000x72xf32> to vector<10000x64xf32>
    %concatenate3A = tpu.concatenate %slice3A, %slice3A_9 in 1 : vector<10000x64xf32>, vector<10000x64xf32> -> vector<10000x128xf32>
    %slice3A_10 = vector.extract_strided_slice %get3A_3 {offsets = [0, 64], sizes = [10000, 2], strides = [1, 1]} : vector<10000x72xf32> to vector<10000x2xf32>
    %slice3A_11 = vector.extract_strided_slice %get3A_8 {offsets = [0, 64], sizes = [10000, 2], strides = [1, 1]} : vector<10000x72xf32> to vector<10000x2xf32>
    %concatenate3A_12 = tpu.concatenate %slice3A_10, %slice3A_11 in 1 : vector<10000x2xf32>, vector<10000x2xf32> -> vector<10000x4xf32>
    %get3A_13 = arith.constant 0 : index
    %get3A_14 = arith.constant 0 : index
    %get3A_15 = vector.load %arg1[%get3A_13, %get3A_14] : memref<4x128xf32, #tpu.memory_space<vmem>>, vector<4x128xf32>
    %dot_general3A = arith.constant dense<0.000000e+00> : vector<10000x128xf32>
    %dot_general3A_16 = tpu.matmul %concatenate3A_12, %get3A_15, %dot_general3A {dimension_numbers = #tpu.dot_dimension_numbers<[1], [0], [0], [1], [0, 0, 1, 1], [], []>, transpose_lhs_hint = false} : vector<10000x4xf32>, vector<4x128xf32>, vector<10000x128xf32> -> vector<10000x128xf32>
    %add3A = arith.constant 9.99999993E-9 : f32
    %add3A_17 = vector.broadcast %add3A : f32 to vector<10000x128xf32>
    %add3A_18 = arith.addf %dot_general3A_16, %add3A_17 : vector<10000x128xf32>
    %div3A = arith.divf %concatenate3A, %add3A_18 : vector<10000x128xf32>
    %swap3A = arith.constant 0 : index
    %swap3A_19 = arith.constant 0 : index
    %swap3A_20 = vector.load %arg2[%swap3A, %swap3A_19] : memref<10000x128xf32, #tpu.memory_space<vmem>>, vector<10000x128xf32>
    tpu.vector_store %arg2[%swap3A, %swap3A_19], %div3A {strides = array<i32>} : memref<10000x128xf32, #tpu.memory_space<vmem>>, vector<10000x128xf32>,
    return
  }
}

</mosaic_0001>

<sc_bundles>
// kernel: kernel.5.cloned.1.call-start
scs
__scs_entry_jumppad:
0x0: {  	(pc) =	sbr.rel $0x88, $3  }
0x1: {  	(tag) =	ssettag $0x0;
	lr =	simm.s32 $0x1  }
0x2: {  	[smem:$0x3F9C] =	sst lr;
	_ =	strace $0xD0000000  }
0x3: {  	_ = 	snop  }
0x4: {  	_ = 	snop  }
0x5: {  	_ = 	snop  }
0x6: {  	_ = 	snop  }
0x7: {  	_ = 	snop  }
__scs_overlays_trampoline_lowered:
0x8: {  	[smem:$0x3FAB] =	sst s0  }
0x9: {  	[smem:$0x3FAC] =	sst s1  }
0xa: {  	[smem:$0x3FAD] =	sst s2  }
0xb: {  	[smem:$0x3FAE] =	sst s3  }
0xc: {  	[smem:$0x3FAF] =	sst s4  }
0xd: {  	[smem:$0x3FB0] =	sst s5  }
0xe: {  	[smem:$0x3FB1] =	sst s6  }
0xf: {  	[smem:$0x3FB2] =	sst s7  }
0x10: {  	[smem:$0x3FB3] =	sst s8  }
0x11: {  	[smem:$0x3FB4] =	sst s9;
	s0 =	simm.s32 @!p0 $0x0  }
0x12: {  	s1 =	sld [smem:$0x3F9A];
	s0 =	simm.s32 @p0 $0x1  }
0x13: {  	[smem:$0x3FB5] =	sst s0;
	s0 =	simm.s32 @!p1 $0x0  }
0x14: {  	s2 =	sld [smem:$0x3F99];
	s0 =	simm.s32 @p1 $0x1  }
0x15: {  	[smem:$0x3FB6] =	sst s0;
	s0 =	simm.s32 @!p2 $0x0  }
0x16: {  	s3 =	sld [smem:$0x3FDB];
	s0 =	simm.s32 @p2 $0x1  }
0x17: {  	s4 =	simm.s32 $0x1BF5;
	[smem:$0x3FB8] =	sst s0  }
0x18: {  	s0 =	sld [smem:$0x3F9B];
	_ =	swait.ge [sflag:s4], $0x0  }
0x19: {  	s7 =	sld [smem:$0x3F9C]  }
0x1a: {  	s8 =	sadd.s32 $0xFFFFE003, lr  }
0x1b: {  	s9 =	sadd.s32 $0xFFFFFEF7, lr;
	s5 =	simm.s32 $0xFFFFFFFF;
	p2 =	slt.u32 s8, $0xFFFFF086  }
0x1c: {  	p1 =	slt.u32 s9, $0xF7A;
	s5 =	simm.s32 @!p2 $0x0  }
0x1d: {  	s5 =	simm.s32 @p1 $0x1;
	p0 =	seq.s32 s7, s2  }
0x1e: {  	s7 =	smul.u32 @!p0 $0xF7A, s2;
	p2 =	seq.s32 @!p0 s5, $0x0  }
0x1f: {  	s9 =	smul.u32 $0xF7A, s1;
	s8 =	simm.s32 @!p0 $0x1BF5;
	p2 =	por !p2, p0  }
0x20: {  	[sflag:s8] =	ssyncset.s32 @!p0 $0xFFFFF086;
	s6 =	sadd.s32 @!p0 s3, s7;
	s7 =	simm.s32 @!p0 $0x108  }
0x21: {  	s3 =	sadd.s32 s3, s9;
	s6 =	sadd.s32 @!p0 $0x88, s6;
	s7 =	simm.s32 @p2 $0x1082  }
0x22: {  	[simem:s7], [sflag:s8] =	dma.local @!p0 [hbm:s6], $0xF7A  }
0x23: {  	s9 =	sor.u32 $0xD0000000, s2;
	s6 =	simm.s32 $0x108;
	_ =	swait.ge @!p0 [sflag:s8], $0x0  }
0x24: {  	s3 =	sadd.s32 $0x88, s3;
	s6 =	simm.s32 @!p1 $0x1082;
	[sflag:s4] =	ssyncset.s32 $0xFFFFF086  }
0x25: {  	[simem:s6], [sflag:s4] =	dma.local [hbm:s3], $0xF7A  }
0x26: {  	[smem:$0x3F9C] =	sst s1;
	(tag) =	ssettag s2;
	_ =	strace s9  }
0x27: {  	s1 =	sld [smem:$0x3FAC]  }
0x28: {  	s2 =	sld [smem:$0x3FAD]  }
0x29: {  	s4 =	sld [smem:$0x3FAF]  }
0x2a: {  	p0 =	seq.s32 s5, $0x0;
	s5 =	sld [smem:$0x3FB0]  }
0x2b: {  	s6 =	sld [smem:$0x3FB1]  }
0x2c: {  	s7 =	sld [smem:$0x3FB2]  }
0x2d: {  	s3 =	simm.s32 $0x108;
	s8 =	sld [smem:$0x3FB3]  }
0x2e: {  	s3 =	simm.s32 @!p0 $0x1082;
	s9 =	sld [smem:$0x3FB4]  }
0x2f: {  	lr =	sadd.s32 s0, s3;
	s0 =	sld [smem:$0x3FAB]  }
0x30: {  	s3 =	sld [smem:$0x3FAE]  }
0x31: {  	[smem:$0x3FB7] =	sst s10  }
0x32: {  	s10 =	sld [smem:$0x3FB5];
	_ =	sdelay $0x3  }
0x33: {  	p0 =	seq.s32 s10, $0x1;
	s10 =	sld [smem:$0x3FB7];
	_ =	sdelay $0x3  }
0x34: {  	[smem:$0x3FB7] =	sst s10  }
0x35: {  	s10 =	sld [smem:$0x3FB6];
	_ =	sdelay $0x3  }
0x36: {  	p1 =	seq.s32 s10, $0x1;
	s10 =	sld [smem:$0x3FB7];
	_ =	sdelay $0x3  }
0x37: {  	[smem:$0x3FB7] =	sst s10  }
0x38: {  	s10 =	sld [smem:$0x3FB8]  }
0x39: {  	_ = 	snop;
	(pc) =	sbr.ind lr, $3  }
0x3a: {  	_ = 	snop  }
0x3b: {  	_ = 	snop  }
0x3c: {  	p2 =	seq.s32 s10, $0x1;
	s10 =	sld [smem:$0x3FB7]  }
0x3d: {  	_ =	shalt  }
0x3e: {  	_ =	shalt  }
0x3f: {  	_ =	shalt  }
0x40: {  	_ =	shalt  }
0x41: {  	_ =	shalt  }
0x42: {  	_ =	shalt  }
0x43: {  	_ =	shalt  }
0x44: {  	_ =	shalt  }
0x45: {  	_ =	shalt  }
0x46: {  	_ =	shalt  }
0x47: {  	_ =	shalt  }
0x48: {  	_ =	shalt  }
0x49: {  	_ =	shalt  }
0x4a: {  	_ =	shalt  }
0x4b: {  	_ =	shalt  }
0x4c: {  	_ =	shalt  }
0x4d: {  	_ =	shalt  }
0x4e: {  	_ =	shalt  }
0x4f: {  	_ =	shalt  }
0x50: {  	_ =	shalt  }
0x51: {  	_ =	shalt  }
0x52: {  	_ =	shalt  }
0x53: {  	_ =	shalt  }
0x54: {  	_ =	shalt  }
0x55: {  	_ =	shalt  }
0x56: {  	_ =	shalt  }
0x57: {  	_ =	shalt  }
0x58: {  	_ =	shalt  }
0x59: {  	_ =	shalt  }
0x5a: {  	_ =	shalt  }
0x5b: {  	_ =	shalt  }
0x5c: {  	_ =	shalt  }
0x5d: {  	_ =	shalt  }
0x5e: {  	_ =	shalt  }
0x5f: {  	_ =	shalt  }
0x60: {  	_ =	shalt  }
0x61: {  	_ =	shalt  }
0x62: {  	_ =	shalt  }
0x63: {  	_ =	shalt  }
0x64: {  	_ =	shalt  }
0x65: {  	_ =	shalt  }
0x66: {  	_ =	shalt  }
0x67: {  	_ =	shalt  }
0x68: {  	_ =	shalt  }
0x69: {  	_ =	shalt  }
0x6a: {  	_ =	shalt  }
0x6b: {  	_ =	shalt  }
0x6c: {  	_ =	shalt  }
0x6d: {  	_ =	shalt  }
0x6e: {  	_ =	shalt  }
0x6f: {  	_ =	shalt  }
0x70: {  	_ =	shalt  }
0x71: {  	_ =	shalt  }
0x72: {  	_ =	shalt  }
0x73: {  	_ =	shalt  }
0x74: {  	_ =	shalt  }
0x75: {  	_ =	shalt  }
0x76: {  	_ =	shalt  }
0x77: {  	_ =	shalt  }
0x78: {  	_ =	shalt  }
0x79: {  	_ =	shalt  }
0x7a: {  	_ =	shalt  }
0x7b: {  	_ =	shalt  }
0x7c: {  	_ =	shalt  }
0x7d: {  	_ =	shalt  }
0x7e: {  	_ =	shalt  }
0x7f: {  	_ =	shalt  }
0x80: {  	_ =	shalt  }
0x81: {  	_ =	shalt  }
0x82: {  	_ =	shalt  }
0x83: {  	_ =	shalt  }
0x84: {  	_ =	shalt  }
0x85: {  	_ =	shalt  }
0x86: {  	_ =	shalt  }
0x87: {  	_ =	shalt  }
.Lfunc_end0:
.L_simem_size_0:
called_computation_lowered:
.L_overlay_start_0:
0x88: {  	s2 =	sld [smem:$0x3FD9]  }
0x89: {  	s3 =	sld [smem:$0x3FFE];
	_ =	sdelay $0x1  }
0x8a: {  	s1 =	srdreg.scid  }
0x8b: {  	s0 =	sand.u32 $0x1, s1  }
0x8c: {  	s17 =	sshll.u32 s0, $0xA;
	s2 =	sadd.s32 s3, s2  }
0x8d: {  	s2 =	sadd.s32 s2, s17  }
0x8e: {  	[smem:$0x3FC3] =	sst s2  }
0x8f: {  	_ = 	snop  }
0x90: {  	s2 =	sld [smem:$0x3FD0];
	(tm) =	ssettm $0x1  }
0x91: {  	s18 =	sld [smem:$0x3FFB];
	_ =	sdelay $0x3  }
0x92: {  	_ =	strace s18  }
0x93: {  	s3 =	sld [smem:$0x3FFC];
	_ =	sdelay $0x3  }
0x94: {  	_ =	strace s3  }
0x95: {  	s3 =	sld [smem:$0x3FFD];
	_ =	sdelay $0x3  }
0x96: {  	_ =	strace s3  }
0x97: {  	_ =	strace $0x8FFFFFFF  }
0x98: {  	s19 =	sld [smem:$0x3FDB];
	_ =	sdelay $0x1  }
0x99: {  	s4 =	simm.s32 $_scs_section_size  }
0x9a: {  	s5 =	simm.s32 $_size__tile_overlayer_lowered;
	s6 =	simm.s32 $_tile_overlayer_lowered  }
0x9b: {  	s22 =	simm.s32 $0x1BFF;
	s21 =	sshll.u32 s6, $0x1;
	s3 =	sadd.s32 s4, s19  }
0x9c: {  	s7 =	simm.s32 $0x0;
	s20 =	sshll.u32 s5, $0x1;
	s5 =	sadd.s32 s21, s3  }
0x9d: {  	[timem:s7], [sflag:s22] =	dma.local [hbm:s5], s20  }
0x9e: {  	_ =	swait.ge [sflag:s22], s20  }
0x9f: {  	s4 =	ssub.s32 $0x0, s20;
	[sflag:s22] =	ssyncset.done $0x0  }
0xa0: {  	[sflag:s22] =	ssyncadd.s32 s4;
	_ =	sdelay $0x1  }
0xa1: {  	s23 =	simm.s32 $0x1B8B  }
0xa2: {  	_ =	swait.ge [sflag:s23], $0x1  }
0xa3: {  	[sflag:s23] =	ssyncset.done $0x0  }
0xa4: {  	s25 =	simm.s32 $0x1B8E;
	s24 =	sld [smem:$0x3FFE];
	[sflag:s23] =	ssyncadd.s32 $0xFFFFFFFF  }
0xa5: {  	s26 =	simm.s32 $execute0_lowered;
	[smem:$0x3FD2] =	sst s25  }
0xa6: {  	s5 =	sshll.u32 s26, $0x1;
	_ =	strace $0x80000046;
	[dreg:$0x1] =	wrdreg $0xFFFFFFFF  }
0xa7: {  	s28 =	simm.s32 $_size_execute0_lowered;
	s3 =	sadd.s32 s3, s5;
	[dreg:$0x0] =	wrdreg $0x0  }
0xa8: {  	s5 =	sshll.u32 s28, $0x1;
	[dreg:$0x2] =	wrdreg s3  }
0xa9: {  	[dreg:$0x3] =	wrdreg s5  }
0xaa: {  	[dreg:$0x4] =	wrdreg $0xC0  }
0xab: {  	_ =	task [dreg:s7], $0x5FFFF  }
0xac: {  	[dreg:$0x1] =	wrdreg $0xFFFFFFFF  }
0xad: {  	[dreg:$0x0] =	wrdreg $0x60  }
0xae: {  	[dreg:$0x2] =	wrdreg s24  }
0xaf: {  	[dreg:$0x3] =	wrdreg s2  }
0xb0: {  	[dreg:$0x4] =	wrdreg $0x0  }
0xb1: {  	[dreg:$0x5] =	wrdreg $0x9  }
0xb2: {  	_ =	task.clear_ibuf [dreg:s7], $0x6FFFF;
	_ =	strace $0x90000046  }
0xb3: {  	s29 =	simm.s32 $0x9;
	_ =	strace $0x80000048  }
0xb4: {  	_ =	swait.ge [sflag:s29], $0x1  }
0xb5: {  	[sflag:s29] =	ssyncadd.s32 $0xFFFFFFFF  }
0xb6: {  	_ =	strace $0x90000048  }
0xb7: {  	_ =	sfence  }
0xb8: {  	s30 =	sld [smem:$0x0];
	_ =	sdelay $0x2  }
0xb9: {  	s31 =	sshll.u32 s1, $0xD;
	s1 =	sshrl.u32 s1, $0x2  }
0xba: {  	s3 =	sand.u32 $0x4000, s31;
	s1 =	sadd.s32 s1, s30  }
0xbb: {  	s0 =	sor.u32 s3, s0;
	s1 =	sshll.u32 s1, $0x11  }
0xbc: {  	s0 =	sor.u32 s1, s0  }
0xbd: {  	s0 =	sadd.s32 $0x8F2B, s0  }
0xbe: {  	[sflag:s0] =	ssyncadd.remote.s32 $0x1  }
0xbf: {  	_ =	sfence.sel $0xFFFF  }
0xc0: {  	[dreg:$0x0] =	wrdreg $0xFFFFFFFF;
	(pc) =	sbr.abs _section_cstart, $3  }
0xc1: {  	[dreg:$0x1] =	wrdreg $0xFFFFFFFF  }
0xc2: {  	_ =	task.clear_ibuf [dreg:s7], $0x2FFFF;
	_ =	strace $0x9FFFFFFF  }
0xc3: {  	(tm) =	ssettm $0x7FFFFFFF  }
tec
execute0_lowered:
.L_overlay_start_1:
0x0: {  	(tag) =	ssettag $0x1  }
0x1: {  	s0 =	rddreg [dreg:$0x0]  }
0x2: {  	s1 =	rddreg [dreg:$0x1];
	s3 =	srdreg.scid  }
0x3: {  	s2 =	rddreg [dreg:$0x2];
	s11 =	stileid.u32;
	s4 =	simm.s32 $0x0  }
0x4: {  	s19 =	simm.s32 $0xF0A0;
	s20 =	simm.s32 $0x143C0;
	s6 =	smul.u32 $0xB400, s11  }
0x5: {  	s28 =	simm.s32 $0x10720;
	s29 =	simm.s32 $0x107C0;
	s10 =	smul.u32 $0xFA, s11  }
0x6: {  	s30 =	simm.s32 $0x10770;
	s31 =	simm.s32 $0x11BC0;
	s9 =	smul.u32 $0x9C40, s11  }
0x7: {  	s16 =	simm.s32 $0x3;
	s3 =	sand.u32 $0x1, s3;
	s23 =	smul.u32 $0x1388, s11  }
0x8: {  	[smem:$0x7FF] =	sst s4;
	s4 =	sadd.s32 $0xC00, s0;
	s5 =	smul.u32 $0x27100, s3  }
0x9: {  	s8 =	sadd.s32 $0x62800, s0;
	s11 =	sshll.u32 s11, $0x6;
	s7 =	smul.u32 $0xB4000, s3  }
0xa: {  	_ =	strace $0x80000047;
	[dreg:$0x4] =	wrdreg s8;
	s21 =	ssub.s32 $0x2, s3  }
0xb: {  	s3 =	smul.u32 $0x13880, s3;
	s15 =	sor.u32 $0x1C04, s11;
	s22 =	sshrl.u32 s21, $0x1  }
0xc: {  	s9 =	sshrl.u32 s9, $0x3;
	s8 =	sadd.s32 s4, s23;
	s11 =	sadd.s32 $0x2, s10  }
0xd: {  	s12 =	sadd.s32 $0x3, s10;
	s13 =	sadd.s32 $0x4, s10;
	s14 =	sadd.s32 $0x5, s10  }
0xe: {  	s23 =	simm.s32 $0x50;
	s10 =	simm.s32 $0x15AE0;
	[dreg:$0x5] =	wrdreg s15  }
0xf: {  	s5 =	sadd.s32 s5, s0;
	s7 =	sadd.s32 s6, s7;
	s6 =	sadd.s32 s6, s2  }
0x10: {  	[dreg:$0x6] =	wrdreg s8;
	s24 =	sadd.s32 s4, s9;
	s8 =	sadd.s32 s1, s3  }
0x11: {  	s1 =	simm.s32 $0x15A40;
	s7 =	sshrl.u32 s7, $0x3;
	s9 =	sadd.s32 $0x14600, s5  }
0x12: {  	s25 =	sadd.s32 $0x14, s24;
	s6 =	sshrl.u32 s6, $0x3;
	s24 =	simm.s32 $0xB4A0  }
0x13: {  	s5 =	simm.s32 $0x0;
	s0 =	sadd.s32 s7, s0;
	s7 =	ssub.s32 s21, s22  }
0x14: {  	v0 =	vlaneseq.u32;
	[dreg:$0x7] =	wrdreg s25;
	s21 =	simm.s32 $0xB400;
	s22 =	simm.s32 $0x2  }
0x15: {  	v1 =	vand.u32 $0x7, v0;
	s25 =	simm.s32 $0xB450;
	[dreg:$0xa] =	wrdreg s6;
	s0 =	sadd.s32 $0x64000, s0  }
0x16: {  	v3 =	vor.u32 $0x40, v1;
	s26 =	smax.u32 s7, $0x1;
	s7 =	simm.s32 $0x4;
	[dreg:$0x8] =	wrdreg s0  }
0x17: {  	v2 =	vor.u32 $0x20, v1;
	v4 =	vor.u32 $0x60, v1;
	[tilespmem:$0x1FFF0] =	vst v3;
	[dreg:$0x9] =	wrdreg s26;
	s26 =	simm.s32 $0xC8A0;
	s0 =	simm.s32 $0x1  }
.LBB2_1:
0x18: {  	[dreg:$0xb] =	wrdreg s5  }
0x19: {  	s18 =	rddreg [dreg:$0x4]  }
0x1a: {  	[spmem:s6], [sflag:s15] =	dma.local [hbm:s18], $0x1680  }
0x1b: {  	_ =	swait.ge [sflag:s7], $0x1680  }
0x1c: {  	[sflag:s7] =	ssyncset.done $0x0  }
0x1d: {  	s3 =	simm.s32 $0x0;
	[sflag:s7] =	ssyncadd.s32 $0xFFFFE980  }
0x1e: {  	[tilespmem:s19], [sflag:$0x4] =	stream.linear.gather [hbm4b:s18+s3], $0x1680, $0x38;
	[tilespmem:$0x15B80] =	vst v63  }
0x1f: {  	_ =	swait.ge [sflag:s7], $0x1680  }
0x20: {  	[sflag:s7] =	ssyncset.done $0x0  }
0x21: {  	[sflag:s7] =	ssyncadd.s32 $0xFFFFE980  }
0x22: {  	[tilespmem:s20], [sflag:$0x4] =	stream.linear.gather [hbm4b:s18+s3], $0x1680, $0x38;
	[tilespmem:$0x15B80] =	vst v63  }
0x23: {  	_ =	swait.ge [sflag:s7], $0x1680  }
0x24: {  	[sflag:s7] =	ssyncset.done $0x0  }
0x25: {  	[sflag:s7] =	ssyncadd.s32 $0xFFFFE980  }
0x26: {  	[bflag:$0x0] =	sbarrier.arrive $0xFFFF  }
0x27: {  	s17 =	rddreg [dreg:$0x6]  }
0x28: {  	[tilespmem:s21], [sflag:$0x2] =	stream.linear.gather [hbm4b:s17+s3], $0xA0, $0x38;
	[tilespmem:$0x15B80] =	vst v63  }
0x29: {  	_ =	swait.ge [sflag:s22], $0xA0  }
0x2a: {  	[sflag:s22] =	ssyncset.done $0x0  }
0x2b: {  	[sflag:s22] =	ssyncadd.s32 $0xFFFFFF60  }
0x2c: {  	[tilespmem:s24], [sflag:$0x1] =	stream.indirect.gather [hbm4b:s8+s23], $0x40, s21, s23, $0xb8;
	[tilespmem:$0x15B80] =	vst v63  }
0x2d: {  	_ = 	snop  }
0x2e: {  	[tilespmem:s26], [sflag:$0x1] =	stream.indirect.gather [hbm4b:s9+s23], $0x80, s25, s23, $0xb8;
	[tilespmem:$0x15B80] =	vst v63  }
0x2f: {  	s6 =	simm.s32 $0x0;
	s18 =	rddreg [dreg:$0x7]  }
0x30: {  	[tilespmem:s28], [sflag:$0x2] =	stream.linear.gather [hbm4b:s18+s3], $0xA0, $0x38;
	[tilespmem:$0x15B80] =	vst v63  }
.LBB2_2:
0x31: {  	_ =	swait.ge [sflag:s22], $0xA0  }
0x32: {  	[sflag:s22] =	ssyncset.done $0x0  }
0x33: {  	[sflag:s22] =	ssyncadd.s32 $0xFFFFFF60  }
0x34: {  	[tilespmem:s29], [sflag:$0x1] =	stream.indirect.gather [hbm4b:s8+s23], $0x40, s28, s23, $0xb8;
	[tilespmem:$0x15B80] =	vst v63  }
0x35: {  	_ = 	snop  }
0x36: {  	[tilespmem:s31], [sflag:$0x1] =	stream.indirect.gather [hbm4b:s9+s23], $0x80, s30, s23, $0xb8;
	[tilespmem:$0x15B80] =	vst v63  }
0x37: {  	_ =	swait.ge [sflag:s0], $0x1400  }
0x38: {  	[sflag:s0] =	ssyncset.done $0x0  }
0x39: {  	[sflag:s0] =	ssyncadd.s32 $0xFFFFEC00  }
0x3a: {  	_ =	swait.ge [sflag:s0], $0x2800  }
0x3b: {  	s17 =	sshll.u32 s6, $0x2;
	p0 =	seq.s32 s6, $0x0;
	[sflag:s0] =	ssyncset.done $0x0  }
0x3c: {  	s3 =	simm.s32 @!p0 $0x3;
	s5 =	sadd.s32 s17, s11;
	[sflag:s0] =	ssyncadd.s32 $0xFFFFD800  }
0x3d: {  	s5 =	smul.u32 $0x14, s5;
	_ =	swait.ge @!p0 [sflag:s3], $0x1680  }
0x3e: {  	[sflag:s3] =	ssyncset.done @!p0 $0x0  }
0x3f: {  	s18 =	sadd.s32 s4, s5;
	s5 =	simm.s32 $0x0;
	[sflag:s3] =	ssyncadd.s32 @!p0 $0xFFFFE980  }
0x40: {  	[tilespmem:s1], [sflag:$0x2] =	stream.linear.gather [hbm4b:s18+s5], $0xA0, $0x38;
	[tilespmem:$0x15B80] =	vst v63  }
.LBB2_3:
0x41: {  	s3 =	sshll.u32 s5, $0x4;
	s15 =	simm.s32 $0x7;
	v21 =	vimm.f32 $0.0e+00;
	s7 =	simm.s32 $0x0  }
0x42: {  	v6 =	vor.u32 s3, v0;
	v7 =	vadd.s32 s15, v0;
	v12 =	vadd.s32 s7, v0  }
0x43: {  	s18 =	simm.s32 $0x6;
	v13 =	vshll.u32 v6, $0x6;
	v5 =	vshll.u32 v6, $0x7;
	v8 =	vand.u32 $0x7, v7  }
0x44: {  	s15 =	simm.s32 $0x3;
	s7 =	simm.s32 $0x4;
	v11 =	vand.u32 $0x18, v7;
	v7 =	vadd.s32 s18, v0;
	v22 =	vand.u32 $0x18, v12  }
0x45: {  	v24 =	vadd.s32 s15, v0;
	v25 =	vadd.s32 s7, v0;
	v10 =	vor.u32 v13, v8  }
0x46: {  	v14 =	vor.u32 v1, v13;
	v9 =	vor.u32 v5, v8;
	v8 =	vor.u32 v11, v10  }
0x47: {  	s18 =	simm.s32 $0x5;
	v15 =	vor.u32 v1, v5;
	v16 =	vor.u32 v2, v13;
	v23 =	vor.u32 v11, v9  }
0x48: {  	s15 =	simm.s32 $0x1;
	v18 =	vor.u32 v2, v5;
	v19 =	vadd.s32 s18, v0;
	v27 =	vor.u32 v22, v14  }
0x49: {  	v26 =	vadd.s32 s15, v0;
	v12 =	vand.u32 $0x18, v7;
	v29 =	vor.u32 v22, v15  }
0x4a: {  	v28 =	vand.u32 $0x7, v7;
	v37 =	vand.u32 $0x18, v25;
	v31 =	vor.u32 v16, v22  }
0x4b: {  	v17 =	vand.u32 $0x18, v19;
	v20 =	vor.u32 v13, v28;
	v33 =	vor.u32 v18, v22;
	v7 =	vld.idx.msk [tilespmem:v8+s24+$0x0], $0xffff  }
0x4c: {  	v19 =	vand.u32 $0x7, v19;
	v22 =	vor.u32 v5, v28;
	v34 =	vor.u32 v12, v20;
	v8 =	vld.idx.msk [tilespmem:v23+s26+$0x0], $0xffff  }
0x4d: {  	v41 =	vand.u32 $0x7, v24;
	v30 =	vor.u32 v13, v19;
	v36 =	vor.u32 v12, v22;
	v27 =	vld.idx.msk [tilespmem:v27+s24+$0x0], $0xffff  }
0x4e: {  	v28 =	vor.u32 v5, v19;
	v42 =	vor.u32 v17, v30;
	v23 =	vand.u32 $0x7, v25;
	v29 =	vld.idx.msk [tilespmem:v29+s26+$0x0], $0xffff  }
0x4f: {  	s18 =	simm.s32 $0x2;
	v40 =	vand.u32 $0x18, v24;
	v31 =	vld.idx.msk [tilespmem:v31+s24+$0x0], $0xffff;
	v25 =	vor.u32 v17, v28;
	v35 =	vor.u32 v13, v23  }
0x50: {  	v32 =	vadd.s32 s18, v0;
	v33 =	vld.idx.msk [tilespmem:v33+s26+$0x0], $0xffff;
	v38 =	vor.u32 v5, v23;
	v44 =	vor.u32 v37, v35  }
0x51: {  	v39 =	vor.u32 v13, v41;
	v41 =	vor.u32 v5, v41;
	v19 =	vld.idx.msk [tilespmem:v34+s24+$0x0], $0xffff;
	v45 =	vor.u32 v37, v38  }
0x52: {  	v48 =	vand.u32 $0x7, v26;
	v49 =	vand.u32 $0x7, v32;
	v43 =	vor.u32 v40, v39;
	v23 =	vld.idx.msk [tilespmem:v36+s26+$0x0], $0xffff  }
0x53: {  	v47 =	vor.u32 v40, v41;
	v36 =	vand.u32 $0x18, v32;
	v34 =	vor.u32 v13, v49;
	v24 =	vld.idx.msk [tilespmem:v42+s24+$0x0], $0xffff  }
0x54: {  	s18 =	simm.s32 $0xF;
	v32 =	vimm.f32 $0.0e+00;
	v46 =	vor.u32 v36, v34;
	v42 =	vor.u32 v5, v49;
	v25 =	vld.idx.msk [tilespmem:v25+s26+$0x0], $0xffff  }
.LBB2_4:
0x55: {  	p1 =	sne.s32 s18, $0x1F;
	v26 =	vand.u32 $0x18, v26;
	v49 =	vor.u32 v13, v48;
	v50 =	vor.u32 v36, v42;
	v44 =	vld.idx.msk [tilespmem:v44+s24+$0x0], $0xffff  }
0x56: {  	v51 =	vadd.s32 s18, v0;
	v48 =	vor.u32 v5, v48;
	v52 =	vor.u32 v26, v49;
	v45 =	vld.idx.msk [tilespmem:v45+s26+$0x0], $0xffff  }
0x57: {  	s3 =	sadd.s32 $0xFFFFFFFF, s18;
	v53 =	vand.u32 $0x18, v51;
	v54 =	vor.u32 v26, v48;
	v26 =	vor.u32 $0x20, v26;
	v43 =	vld.idx.msk [tilespmem:v43+s24+$0x0], $0xffff  }
0x58: {  	s7 =	sadd.s32 $0xFFFFFFFE, s18;
	v55 =	vadd.s32 s3, v0;
	v51 =	vand.u32 $0x7, v51;
	v49 =	vor.u32 v26, v49;
	v47 =	vld.idx.msk [tilespmem:v47+s26+$0x0], $0xffff  }
0x59: {  	s15 =	sadd.s32 $0xFFFFFFFD, s18;
	s3 =	sadd.s32 $0xFFFFFFFC, s18;
	v56 =	vadd.s32 s7, v0;
	v48 =	vor.u32 v26, v48;
	v26 =	vor.u32 $0x20, v36;
	v46 =	vld.idx.msk [tilespmem:v46+s24+$0x0], $0xffff  }
0x5a: {  	s7 =	sadd.s32 $0xFFFFFFFB, s18;
	v57 =	vadd.s32 s15, v0;
	v36 =	vadd.s32 s3, v0;
	v58 =	vor.u32 v26, v34;
	v50 =	vld.idx.msk [tilespmem:v50+s26+$0x0], $0xffff  }
0x5b: {  	v40 =	vor.u32 $0x20, v40;
	s15 =	sadd.s32 $0xFFFFFFFA, s18;
	s3 =	sadd.s32 $0xFFFFFFF9, s18;
	v34 =	vadd.s32 s7, v0;
	v42 =	vor.u32 v26, v42;
	v52 =	vld.idx.msk [tilespmem:v52+s24+$0x0], $0xffff  }
0x5c: {  	v39 =	vor.u32 v40, v39;
	v59 =	vadd.s32 s3, v0;
	v26 =	vadd.s32 s15, v0;
	v54 =	vld.idx.msk [tilespmem:v54+s26+$0x0], $0xffff  }
0x5d: {  	v37 =	vor.u32 $0x20, v37;
	v40 =	vor.u32 v40, v41;
	v60 =	vor.u32 v13, v51;
	v49 =	vld.idx.msk [tilespmem:v49+s24+$0x0], $0xffff  }
0x5e: {  	v35 =	vor.u32 v37, v35;
	v41 =	vor.u32 v5, v51;
	v51 =	vor.u32 $0x20, v11;
	v11 =	vmovc v53;
	v48 =	vld.idx.msk [tilespmem:v48+s26+$0x0], $0xffff  }
0x5f: {  	v37 =	vor.u32 v37, v38;
	v38 =	vor.u32 $0x20, v17;
	v53 =	vand.u32 $0x18, v55;
	v58 =	vld.idx.msk [tilespmem:v58+s24+$0x0], $0xffff  }
0x60: {  	v17 =	vand.u32 $0x18, v56;
	v55 =	vand.u32 $0x7, v55;
	v30 =	vor.u32 v38, v30;
	v42 =	vld.idx.msk [tilespmem:v42+s26+$0x0], $0xffff  }
0x61: {  	v56 =	vand.u32 $0x7, v56;
	v28 =	vor.u32 v38, v28;
	v38 =	vor.u32 $0x20, v12;
	v12 =	vmovc v53;
	v39 =	vld.idx.msk [tilespmem:v39+s24+$0x0], $0xffff  }
0x62: {  	v27 =	vmul.f32 v29, v27;
	v29 =	vmul.f32 v33, v31;
	v20 =	vor.u32 v38, v20;
	v31 =	vld.idx.msk [tilespmem:v40+s26+$0x0], $0xffff  }
0x63: {  	v22 =	vor.u32 v38, v22;
	v38 =	vor.u32 v51, v10;
	v33 =	vmul.f32 v54, v52;
	v35 =	vld.idx.msk [tilespmem:v35+s24+$0x0], $0xffff  }
0x64: {  	v21 =	vadd.f32 v27, v21;
	v27 =	vadd.f32 v29, v32;
	v29 =	vmul.f32 v48, v49;
	v32 =	vld.idx.msk [tilespmem:v37+s26+$0x0], $0xffff  }
0x65: {  	v10 =	vmovc v60;
	v40 =	vand.u32 $0x7, v57;
	v37 =	vmul.f32 v50, v46;
	v46 =	vor.u32 v51, v9;
	v30 =	vld.idx.msk [tilespmem:v30+s24+$0x0], $0xffff  }
0x66: {  	v21 =	vadd.f32 v33, v21;
	v27 =	vadd.f32 v29, v27;
	v29 =	vmul.f32 v42, v58;
	v28 =	vld.idx.msk [tilespmem:v28+s26+$0x0], $0xffff  }
0x67: {  	v43 =	vmul.f32 v47, v43;
	v33 =	vand.u32 $0x18, v59;
	v9 =	vmovc v41;
	v42 =	vor.u32 v11, v10;
	v47 =	vld.idx.msk [tilespmem:v20+s24+$0x0], $0xffff  }
0x68: {  	v21 =	vadd.f32 v37, v21;
	v27 =	vadd.f32 v29, v27;
	v29 =	vmul.f32 v31, v39;
	v31 =	vld.idx.msk [tilespmem:v22+s26+$0x0], $0xffff  }
0x69: {  	v37 =	vor.u32 v11, v9;
	v20 =	vor.u32 v13, v55;
	v39 =	vmul.f32 v45, v44;
	v38 =	vld.idx.msk [tilespmem:v38+s24+$0x0], $0xffff  }
0x6a: {  	v21 =	vadd.f32 v43, v21;
	v27 =	vadd.f32 v29, v27;
	v29 =	vmul.f32 v32, v35;
	v32 =	vld.idx.msk [tilespmem:v46+s26+$0x0], $0xffff  }
0x6b: {  	v24 =	vmul.f32 v25, v24;
	v22 =	vor.u32 v5, v55;
	v35 =	vor.u32 v33, v14  }
0x6c: {  	v21 =	vadd.f32 v39, v21;
	v25 =	vadd.f32 v29, v27;
	v27 =	vmul.f32 v28, v30  }
0x6d: {  	v19 =	vmul.f32 v23, v19;
	v39 =	vor.u32 v16, v33;
	v29 =	vor.u32 v33, v15  }
0x6e: {  	v21 =	vadd.f32 v24, v21;
	v23 =	vadd.f32 v27, v25;
	v24 =	vmul.f32 v31, v47  }
0x6f: {  	v41 =	vor.u32 v12, v20;
	v25 =	vor.u32 v18, v33;
	v31 =	vmul.f32 v8, v7;
	v7 =	vld.idx.msk [tilespmem:v42+s24+$0x0], $0xffff  }
0x70: {  	v19 =	vadd.f32 v19, v21;
	v23 =	vadd.f32 v24, v23;
	v24 =	vmul.f32 v32, v38;
	v8 =	vld.idx.msk [tilespmem:v37+s26+$0x0], $0xffff  }
0x71: {  	v30 =	vor.u32 v13, v56;
	v28 =	vor.u32 v5, v56;
	v42 =	vor.u32 v12, v22;
	v27 =	vld.idx.msk [tilespmem:v35+s24+$0x0], $0xffff  }
0x72: {  	v46 =	vor.u32 v17, v30;
	v21 =	vadd.f32 v31, v19;
	v32 =	vadd.f32 v24, v23;
	v29 =	vld.idx.msk [tilespmem:v29+s26+$0x0], $0xffff  }
0x73: {  	v49 =	vor.u32 v17, v28;
	v37 =	vand.u32 $0x18, v57;
	v35 =	vor.u32 v13, v40;
	v31 =	vld.idx.msk [tilespmem:v39+s24+$0x0], $0xffff  }
.Ltmp0:
0x74: {  	v38 =	vor.u32 v5, v40;
	v23 =	vand.u32 $0x7, v36;
	v44 =	vor.u32 v37, v35;
	v33 =	vld.idx.msk [tilespmem:v25+s26+$0x0], $0xffff;
	(pc) =	sbr.rel @p1 .LBB2_4-.Ltmp0, $4  }
0x75: {  	v40 =	vand.u32 $0x18, v36;
	v45 =	vor.u32 v37, v38;
	v39 =	vor.u32 v13, v23;
	v19 =	vld.idx.msk [tilespmem:v41+s24+$0x0], $0xffff  }
0x76: {  	v25 =	vand.u32 $0x7, v34;
	v43 =	vor.u32 v40, v39;
	v41 =	vor.u32 v5, v23;
	v23 =	vld.idx.msk [tilespmem:v42+s26+$0x0], $0xffff  }
0x77: {  	v36 =	vand.u32 $0x18, v34;
	v34 =	vor.u32 v13, v25;
	v47 =	vor.u32 v40, v41;
	v24 =	vld.idx.msk [tilespmem:v46+s24+$0x0], $0xffff  }
0x78: {  	s18 =	sadd.s32 $0x8, s18;
	v48 =	vand.u32 $0x7, v26;
	v42 =	vor.u32 v5, v25;
	v46 =	vor.u32 v36, v34;
	v25 =	vld.idx.msk [tilespmem:v49+s26+$0x0], $0xffff  }
0x79: {  	_ =	sdelay $0x3  }
0x7a: {  	v14 =	vand.u32 $0x18, v26;
	v13 =	vor.u32 v13, v48;
	v15 =	vor.u32 v36, v42;
	v16 =	vld.idx.msk [tilespmem:v44+s24+$0x0], $0xffff  }
0x7b: {  	v26 =	vor.u32 v5, v48;
	v62 =	vld.idx.msk [tilespmem:v45+s26+$0x0], $0xffff;
	v18 =	vor.u32 v14, v13  }
0x7c: {  	v43 =	vld.idx.msk [tilespmem:v43+s24+$0x0], $0xffff;
	v40 =	vor.u32 $0x20, v40;
	v63 =	vor.u32 v14, v26  }
0x7d: {  	v47 =	vld.idx.msk [tilespmem:v47+s26+$0x0], $0xffff;
	v14 =	vor.u32 $0x20, v14;
	v39 =	vor.u32 v40, v39  }
0x7e: {  	v40 =	vor.u32 v40, v41;
	v13 =	vor.u32 v14, v13;
	v14 =	vor.u32 v14, v26;
	v26 =	vld.idx.msk [tilespmem:v46+s24+$0x0], $0xffff  }
0x7f: {  	v15 =	vld.idx.msk [tilespmem:v15+s26+$0x0], $0xffff  }
0x80: {  	v46 =	vor.u32 $0x20, v36;
	v18 =	vld.idx.msk [tilespmem:v18+s24+$0x0], $0xffff  }
0x81: {  	v17 =	vor.u32 $0x20, v17;
	v11 =	vor.u32 $0x20, v11;
	v34 =	vor.u32 v46, v34;
	v48 =	vld.idx.msk [tilespmem:v63+s26+$0x0], $0xffff  }
0x82: {  	v27 =	vmul.f32 v29, v27;
	v30 =	vor.u32 v17, v30;
	v36 =	vor.u32 v46, v42;
	v29 =	vld.idx.msk [tilespmem:v39+s24+$0x0], $0xffff  }
0x83: {  	v17 =	vor.u32 v17, v28;
	v28 =	vmul.f32 v33, v31;
	v10 =	vor.u32 v11, v10;
	v31 =	vld.idx.msk [tilespmem:v40+s26+$0x0], $0xffff  }
0x84: {  	v37 =	vor.u32 $0x20, v37;
	v9 =	vor.u32 v11, v9;
	v13 =	vld.idx.msk [tilespmem:v13+s24+$0x0], $0xffff  }
0x85: {  	v35 =	vor.u32 v37, v35;
	v14 =	vld.idx.msk [tilespmem:v14+s26+$0x0], $0xffff  }
0x86: {  	v12 =	vor.u32 $0x20, v12;
	v7 =	vmul.f32 v8, v7;
	s18 =	simm.s32 $0x5;
	v37 =	vor.u32 v37, v38;
	v34 =	vld.idx.msk [tilespmem:v34+s24+$0x0], $0xffff  }
0x87: {  	v6 =	vmul.u32 $0x48, v6;
	v20 =	vor.u32 v12, v20;
	v52 =	vadd.s32 s18, v0;
	v36 =	vld.idx.msk [tilespmem:v36+s26+$0x0], $0xffff  }
0x88: {  	v12 =	vor.u32 v12, v22;
	v21 =	vadd.f32 v27, v21;
	v54 =	vand.u32 $0x18, v52;
	v10 =	vld.idx.msk [tilespmem:v10+s24+$0x0], $0xffff  }
0x89: {  	s18 =	simm.s32 $0x7;
	v22 =	vadd.f32 v28, v32;
	v16 =	vmul.f32 v62, v16;
	v9 =	vld.idx.msk [tilespmem:v9+s26+$0x0], $0xffff;
	v18 =	vmul.f32 v48, v18  }
0x8a: {  	v62 =	vand.u32 $0x1F, v52;
	v27 =	vld.idx.msk [tilespmem:v35+s24+$0x0], $0xffff;
	v39 =	vadd.s32 s18, v0;
	v13 =	vmul.f32 v14, v13  }
0x8b: {  	v40 =	vadd.s32 v6, v54;
	v15 =	vmul.f32 v15, v26;
	v14 =	vld.idx.msk [tilespmem:v37+s26+$0x0], $0xffff;
	v18 =	vadd.f32 v18, v21  }
0x8c: {  	v17 =	vld.idx.msk [tilespmem:v17+s26+$0x0], $0xffff;
	v63 =	vand.u32 $0x18, v39;
	v11 =	vadd.f32 v13, v22;
	v13 =	vmul.f32 v36, v34  }
0x8d: {  	v38 =	vadd.s32 v6, v63;
	v21 =	vld.idx.msk [tilespmem:v30+s24+$0x0], $0xffff;
	v22 =	vmul.f32 v47, v43;
	v15 =	vadd.f32 v15, v18  }
0x8e: {  	v12 =	vld.idx.msk [tilespmem:v12+s26+$0x0], $0xffff;
	v9 =	vmul.f32 v9, v10;
	v11 =	vadd.f32 v13, v11;
	v13 =	vmul.f32 v31, v29  }
0x8f: {  	v10 =	vor.u32 v4, v5;
	v43 =	vand.u32 $0x1F, v39;
	v18 =	vld.idx.msk [tilespmem:v20+s24+$0x0], $0xffff;
	v15 =	vadd.f32 v22, v15  }
0x90: {  	v20 =	vadd.s32 $0x40, v6;
	v11 =	vadd.f32 v13, v11;
	v13 =	vmul.f32 v14, v27  }
0x91: {  	s15 =	simm.s32 $0x2;
	v22 =	vadd.s32 $0x41, v6;
	v14 =	vmul.f32 v25, v24;
	v15 =	vadd.f32 v16, v15  }
0x92: {  	v27 =	vadd.s32 s15, v0;
	s15 =	simm.s32 $0x3;
	v11 =	vadd.f32 v13, v11;
	v13 =	vmul.f32 v17, v21  }
0x93: {  	v16 =	vmul.f32 v23, v19;
	v29 =	vadd.s32 s15, v0;
	v14 =	vadd.f32 v14, v15  }
0x94: {  	v19 =	vand.u32 $0x1F, v27;
	v12 =	vmul.f32 v12, v18;
	v11 =	vadd.f32 v13, v11  }
0x95: {  	v28 =	vand.u32 $0x18, v27;
	s15 =	simm.s32 $0x6;
	v27 =	vand.u32 $0x7, v27;
	v8 =	vadd.f32 v16, v14  }
0x96: {  	v56 =	vadd.s32 v6, v28;
	v58 =	vadd.s32 s15, v0;
	v11 =	vadd.f32 v12, v11  }
0x97: {  	s7 =	simm.s32 $0x1;
	v15 =	vadd.s32 v2, v6;
	v60 =	vand.u32 $0x1F, v58;
	v7 =	vadd.f32 v7, v8  }
0x98: {  	v33 =	vand.u32 $0x7, v58;
	v14 =	vadd.s32 s7, v0;
	v8 =	vadd.f32 v9, v11  }
0x99: {  	v12 =	vor.u32 v1, v6;
	v13 =	vand.u32 $0x1F, v14;
	v7 =	vmax.f32 v7, $-1.000000000e+01  }
0x9a: {  	v3 =	vld [tilespmem:$0x1FFF0];
	s7 =	simm.s32 $0x4;
	v17 =	vand.u32 $0x18, v14;
	v7 =	vmin.f32 v7, $1.000000000e+01;
	v8 =	vmax.f32 v8, $-1.000000000e+01  }
0x9b: {  	v55 =	vadd.s32 s7, v0;
	v7 =	vmul.f32 $1.442695020e+00, v7;
	v8 =	vmin.f32 v8, $1.000000000e+01  }
0x9c: {  	v14 =	vand.u32 $0x7, v14;
	v24 =	vadd.s32 v6, v17;
	v8 =	vmul.f32 $1.442695020e+00, v8  }
0x9d: {  	s3 =	simm.s32 $0x0;
	v57 =	vand.u32 $0x18, v55;
	v59 =	vand.u32 $0x7, v55;
	(erf) = vpow2.f32 v7  }
0x9e: {  	v34 =	vand.u32 $0x1F, v55;
	v11 =	vadd.s32 s3, v0;
	(erf) = vpow2.f32 v8  }
0x9f: {  	v9 =	vor.u32 v3, v5;
	v24 =	vor.u32 v14, v24;
	v11 =	vand.u32 $0x18, v11  }
0xa0: {  	v49 =	vor.u32 v9, v11;
	v30 =	vor.u32 v10, v11;
	v23 =	vadd.s32 v12, v11  }
0xa1: {  	v26 =	vadd.s32 v11, v15;
	v7 =	vor.u32 $0x60, v5;
	v8 =	vor.u32 $0x40, v5  }
0xa2: {  	v5 =	vadd.s32 $0x20, v6;
	v50 =	vor.u32 v13, v7;
	v35 =	vor.u32 v34, v7  }
0xa3: {  	v37 =	vor.u32 v60, v7;
	v51 =	vor.u32 v13, v8;
	v13 =	vand.u32 $0x1F, v29  }
0xa4: {  	v21 =	vor.u32 v19, v8;
	v19 =	vor.u32 v19, v7;
	v25 =	vadd.s32 v17, v5  }
0xa5: {  	v61 =	vadd.s32 v28, v5;
	v28 =	vor.u32 v27, v56;
	v36 =	vor.u32 v34, v8  }
0xa6: {  	v32 =	vor.u32 v62, v8;
	v34 =	vor.u32 v60, v8;
	v42 =	vadd.s32 v54, v5;
	v11 =	vpop (erf)  }
0xa7: {  	v17 =	vand.u32 $0x18, v58;
	v44 =	vadd.s32 v63, v5;
	v25 =	vor.u32 v14, v25;
	v14 =	vpop (erf);
	[tilespmem:v20+s19+$0x0] =	vst.idx.msk $0xffff, v11  }
0xa8: {  	v18 =	vor.u32 v13, v8;
	v16 =	vor.u32 v13, v7;
	v13 =	vand.u32 $0x18, v29;
	[tilespmem:v22+s19+$0x0] =	vst.idx.msk $0xffff, v14  }
0xa9: {  	v31 =	vadd.s32 v6, v13;
	v53 =	vadd.s32 v13, v5;
	v13 =	vadd.s32 v57, v5;
	v45 =	vld.idx.msk [tilespmem:v30+s26+$0x0], $0xffff  }
0xaa: {  	v27 =	vor.u32 v27, v61;
	v13 =	vor.u32 v59, v13;
	v20 =	vand.u32 $0x7, v29;
	v47 =	vld.idx.msk [tilespmem:v49+s26+$0x0], $0xffff  }
0xab: {  	v29 =	vor.u32 v20, v31;
	v31 =	vor.u32 v20, v53;
	v20 =	vadd.s32 v6, v57;
	v46 =	vld.idx.msk [tilespmem:v51+s26+$0x0], $0xffff  }
0xac: {  	s18 =	simm.s32 $0xF;
	v22 =	vor.u32 v62, v7;
	v20 =	vor.u32 v59, v20;
	v30 =	vand.u32 $0x7, v52;
	v48 =	vld.idx.msk [tilespmem:v50+s26+$0x0], $0xffff  }
.LBB2_6:
0xad: {  	s3 =	sadd.s32 $0xFFFFFFF9, s18;
	s7 =	sadd.s32 $0xFFFFFFFA, s18;
	s15 =	sadd.s32 $0xFFFFFFFB, s18;
	v49 =	vor.u32 v43, v8;
	v50 =	vor.u32 v43, v7;
	v51 =	vadd.s32 v6, v17  }
0xae: {  	p1 =	sne.s32 s18, $0x1F;
	v41 =	vadd.s32 s3, v0;
	v52 =	vadd.s32 s7, v0;
	v53 =	vadd.s32 s15, v0;
	v21 =	vld.idx.msk [tilespmem:v21+s26+$0x0], $0xffff;
	s3 =	smov.u32 s18;
	s18 =	sadd.s32 $0x8, s18  }
0xaf: {  	v45 =	vmul.f32 v45, v14;
	v54 =	vand.u32 $0x18, v41;
	v55 =	vand.u32 $0x1F, v52;
	s7 =	sadd.s32 $0xFFFFFFFC, s3;
	v19 =	vld.idx.msk [tilespmem:v19+s26+$0x0], $0xffff  }
0xb0: {  	v47 =	vmul.f32 v47, v11;
	v43 =	vor.u32 v9, v54;
	v56 =	vor.u32 v10, v54;
	v57 =	vld.idx.msk [tilespmem:v18+s26+$0x0], $0xffff  }
0xb1: {  	v41 =	vor.u32 v55, v7;
	v58 =	vadd.s32 s7, v0;
	v46 =	vmul.f32 v46, v11;
	v59 =	vld.idx.msk [tilespmem:v16+s26+$0x0], $0xffff  }
0xb2: {  	v55 =	vor.u32 v55, v8;
	v16 =	vand.u32 $0x1F, v58;
	v48 =	vmul.f32 v48, v14;
	[tilespmem:v23+s19+$0x0] =	vst.idx.msk $0xffff, v47  }
0xb3: {  	v18 =	vor.u32 v16, v8;
	v16 =	vor.u32 v16, v7;
	v23 =	vand.u32 $0x18, v52;
	[tilespmem:v26+s19+$0x0] =	vst.idx.msk $0xffff, v45  }
0xb4: {  	v26 =	vand.u32 $0x1F, v53;
	v45 =	vadd.s32 v6, v23;
	v47 =	vmul.f32 v21, v11;
	[tilespmem:v24+s19+$0x0] =	vst.idx.msk $0xffff, v46  }
0xb5: {  	v21 =	vor.u32 v26, v8;
	v24 =	vand.u32 $0x18, v58;
	v46 =	vmul.f32 v19, v14;
	[tilespmem:v25+s19+$0x0] =	vst.idx.msk $0xffff, v48  }
0xb6: {  	s7 =	sadd.s32 $0xFFFFFFFE, s3;
	v19 =	vor.u32 v26, v7;
	v48 =	vand.u32 $0x18, v53;
	v25 =	vmul.f32 v57, v11;
	[tilespmem:v28+s19+$0x0] =	vst.idx.msk $0xffff, v47  }
0xb7: {  	v28 =	vadd.s32 v23, v5;
	v47 =	vadd.s32 s7, v0;
	v23 =	vmul.f32 v59, v14;
	[tilespmem:v27+s19+$0x0] =	vst.idx.msk $0xffff, v46  }
0xb8: {  	v57 =	vadd.s32 v24, v5;
	s7 =	sadd.s32 $0xFFFFFFFD, s3;
	v46 =	vadd.s32 v6, v24;
	v59 =	vand.u32 $0x18, v47;
	[tilespmem:v29+s19+$0x0] =	vst.idx.msk $0xffff, v25  }
0xb9: {  	v27 =	vadd.s32 v6, v48;
	v60 =	vadd.s32 s7, v0;
	[tilespmem:v31+s19+$0x0] =	vst.idx.msk $0xffff, v23;
	v23 =	vand.u32 $0x7, v39  }
0xba: {  	s7 =	sadd.s32 $0xFFFFFFFF, s3;
	v24 =	vadd.s32 v17, v5;
	v61 =	vand.u32 $0x7, v60;
	v39 =	vand.u32 $0x18, v60;
	v29 =	vld.idx.msk [tilespmem:v36+s26+$0x0], $0xffff  }
0xbb: {  	v62 =	vadd.s32 s7, v0;
	v17 =	vadd.s32 v39, v5;
	v44 =	vor.u32 v23, v44;
	v31 =	vld.idx.msk [tilespmem:v35+s26+$0x0], $0xffff  }
0xbc: {  	v63 =	vand.u32 $0x1F, v62;
	v38 =	vor.u32 v23, v38;
	v35 =	vor.u32 v61, v17;
	v32 =	vld.idx.msk [tilespmem:v32+s26+$0x0], $0xffff  }
0xbd: {  	v3 =	vor.u32 v33, v24;
	v23 =	vadd.s32 v12, v54;
	v17 =	vand.u32 $0x18, v62;
	v22 =	vld.idx.msk [tilespmem:v22+s26+$0x0], $0xffff  }
0xbe: {  	v26 =	vadd.s32 v54, v15;
	v25 =	vand.u32 $0x7, v52;
	v36 =	vor.u32 v30, v42;
	v34 =	vld.idx.msk [tilespmem:v34+s26+$0x0], $0xffff  }
0xbf: {  	v33 =	vor.u32 v33, v51;
	v24 =	vor.u32 v25, v45;
	v30 =	vor.u32 v30, v40;
	v37 =	vld.idx.msk [tilespmem:v37+s26+$0x0], $0xffff  }
0xc0: {  	v25 =	vor.u32 v25, v28;
	v40 =	vand.u32 $0x7, v53;
	v29 =	vmul.f32 v29, v11;
	v42 =	vld.idx.msk [tilespmem:v49+s26+$0x0], $0xffff  }
0xc1: {  	v28 =	vor.u32 v40, v27;
	v27 =	vadd.s32 v48, v5;
	v31 =	vmul.f32 v31, v14;
	v45 =	vld.idx.msk [tilespmem:v50+s26+$0x0], $0xffff  }
0xc2: {  	v27 =	vor.u32 v40, v27;
	v40 =	vand.u32 $0x7, v58;
	v32 =	vmul.f32 v32, v11;
	[tilespmem:v20+s19+$0x0] =	vst.idx.msk $0xffff, v29  }
0xc3: {  	v29 =	vor.u32 v40, v46;
	v20 =	vmul.f32 v22, v14;
	[tilespmem:v13+s19+$0x0] =	vst.idx.msk $0xffff, v31;
	v13 =	vmov v35  }
0xc4: {  	v31 =	vor.u32 v40, v57;
	v40 =	vand.u32 $0x1F, v47;
	v34 =	vmul.f32 v34, v11;
	[tilespmem:v30+s19+$0x0] =	vst.idx.msk $0xffff, v32  }
0xc5: {  	v30 =	vand.u32 $0x1F, v60;
	v22 =	vor.u32 v40, v7;
	v32 =	vmul.f32 v37, v14;
	[tilespmem:v36+s19+$0x0] =	vst.idx.msk $0xffff, v20  }
0xc6: {  	v36 =	vor.u32 v30, v8;
	v20 =	vmul.f32 v42, v11;
	[tilespmem:v33+s19+$0x0] =	vst.idx.msk $0xffff, v34  }
0xc7: {  	v35 =	vor.u32 v30, v7;
	v30 =	vmul.f32 v45, v14;
	[tilespmem:v3+s19+$0x0] =	vst.idx.msk $0xffff, v32  }
0xc8: {  	v32 =	vor.u32 v40, v8;
	v3 =	vadd.s32 v6, v39;
	[tilespmem:v38+s19+$0x0] =	vst.idx.msk $0xffff, v20  }
.Ltmp1:
0xc9: {  	v20 =	vor.u32 v61, v3;
	[tilespmem:v44+s19+$0x0] =	vst.idx.msk $0xffff, v30;
	(pc) =	sbr.rel @p1 .LBB2_6-.Ltmp1, $4  }
0xca: {  	v34 =	vor.u32 v63, v8;
	v39 =	vadd.s32 s3, v0;
	v30 =	vand.u32 $0x7, v47;
	v45 =	vld.idx.msk [tilespmem:v56+s26+$0x0], $0xffff  }
0xcb: {  	v37 =	vor.u32 v63, v7;
	v3 =	vand.u32 $0x18, v39;
	v47 =	vld.idx.msk [tilespmem:v43+s26+$0x0], $0xffff  }
0xcc: {  	v33 =	vand.u32 $0x7, v62;
	v38 =	vadd.s32 v6, v3;
	v43 =	vand.u32 $0x1F, v39;
	v46 =	vld.idx.msk [tilespmem:v55+s26+$0x0], $0xffff  }
0xcd: {  	v42 =	vadd.s32 v59, v5;
	v40 =	vadd.s32 v6, v59;
	v44 =	vadd.s32 v3, v5;
	v48 =	vld.idx.msk [tilespmem:v41+s26+$0x0], $0xffff  }
0xce: {  	_ =	sdelay $0x3  }
0xcf: {  	v3 =	vld.idx.msk [tilespmem:v21+s26+$0x0], $0xffff  }
0xd0: {  	v9 =	vld.idx.msk [tilespmem:v19+s26+$0x0], $0xffff;
	v10 =	vmul.f32 v47, v11  }
0xd1: {  	v12 =	vld.idx.msk [tilespmem:v18+s26+$0x0], $0xffff;
	v15 =	vmul.f32 v45, v14  }
0xd2: {  	v16 =	vld.idx.msk [tilespmem:v16+s26+$0x0], $0xffff;
	v53 =	vmul.f32 v46, v11;
	[tilespmem:v23+s19+$0x0] =	vst.idx.msk $0xffff, v10  }
0xd3: {  	v54 =	vmul.f32 v48, v14;
	[tilespmem:v26+s19+$0x0] =	vst.idx.msk $0xffff, v15  }
0xd4: {  	v3 =	vmul.f32 v3, v11;
	[tilespmem:v24+s19+$0x0] =	vst.idx.msk $0xffff, v53  }
0xd5: {  	v9 =	vmul.f32 v9, v14;
	[tilespmem:v25+s19+$0x0] =	vst.idx.msk $0xffff, v54  }
0xd6: {  	v55 =	vmul.f32 v12, v11;
	[tilespmem:v28+s19+$0x0] =	vst.idx.msk $0xffff, v3  }
0xd7: {  	v3 =	vmul.f32 v16, v14;
	[tilespmem:v27+s19+$0x0] =	vst.idx.msk $0xffff, v9  }
0xd8: {  	[tilespmem:v29+s19+$0x0] =	vst.idx.msk $0xffff, v55  }
0xd9: {  	[tilespmem:v31+s19+$0x0] =	vst.idx.msk $0xffff, v3  }
0xda: {  	v3 =	vld.idx.msk [tilespmem:v36+s26+$0x0], $0xffff  }
0xdb: {  	v8 =	vor.u32 v43, v8;
	v9 =	vld.idx.msk [tilespmem:v35+s26+$0x0], $0xffff  }
0xdc: {  	v7 =	vor.u32 v43, v7;
	v10 =	vld.idx.msk [tilespmem:v32+s26+$0x0], $0xffff  }
0xdd: {  	v56 =	vld.idx.msk [tilespmem:v22+s26+$0x0], $0xffff  }
0xde: {  	v58 =	vor.u32 v30, v40;
	v6 =	vadd.s32 v6, v17;
	v15 =	vld.idx.msk [tilespmem:v34+s26+$0x0], $0xffff  }
0xdf: {  	v59 =	vor.u32 v30, v42;
	v5 =	vadd.s32 v17, v5;
	v57 =	vld.idx.msk [tilespmem:v37+s26+$0x0], $0xffff;
	v3 =	vmul.f32 v3, v11  }
0xe0: {  	v60 =	vand.u32 $0x7, v39;
	v6 =	vor.u32 v33, v6;
	v8 =	vld.idx.msk [tilespmem:v8+s26+$0x0], $0xffff;
	v9 =	vmul.f32 v9, v14  }
0xe1: {  	v5 =	vor.u32 v33, v5;
	v7 =	vld.idx.msk [tilespmem:v7+s26+$0x0], $0xffff;
	v10 =	vmul.f32 v10, v11;
	[tilespmem:v20+s19+$0x0] =	vst.idx.msk $0xffff, v3  }
0xe2: {  	s5 =	sadd.s32 $0x1, s5;
	v12 =	vmul.f32 v56, v14;
	v3 =	vor.u32 v60, v38;
	[tilespmem:v13+s19+$0x0] =	vst.idx.msk $0xffff, v9  }
0xe3: {  	v61 =	vor.u32 v60, v44;
	p1 =	sne.s32 s5, $0x5;
	v62 =	vmul.f32 v15, v11;
	[tilespmem:v58+s19+$0x0] =	vst.idx.msk $0xffff, v10  }
.Ltmp2:
0xe4: {  	v63 =	vmul.f32 v57, v14;
	[tilespmem:v59+s19+$0x0] =	vst.idx.msk $0xffff, v12;
	(pc) =	sbr.rel @p1 .LBB2_3-.Ltmp2, $4  }
0xe5: {  	v8 =	vmul.f32 v8, v11;
	[tilespmem:v6+s19+$0x0] =	vst.idx.msk $0xffff, v62  }
0xe6: {  	v6 =	vmul.f32 v7, v14;
	[tilespmem:v5+s19+$0x0] =	vst.idx.msk $0xffff, v63  }
0xe7: {  	[tilespmem:v3+s19+$0x0] =	vst.idx.msk $0xffff, v8  }
0xe8: {  	[tilespmem:v61+s19+$0x0] =	vst.idx.msk $0xffff, v6  }
0xe9: {  	[spmem:s2] =	stream.indirect.scatter.add.f32 [tilespmem:s19], [sflag:$0x3], $0x48, s21, s23, $0xb8;
	[tilespmem:$0x15B80] =	vst v63  }
0xea: {  	_ =	swait.ge [sflag:s22], $0xA0  }
0xeb: {  	[sflag:s22] =	ssyncset.done $0x0  }
0xec: {  	[sflag:s22] =	ssyncadd.s32 $0xFFFFFF60  }
0xed: {  	[tilespmem:s24], [sflag:$0x1] =	stream.indirect.gather [hbm4b:s8+s23], $0x40, s1, s23, $0xb8;
	[tilespmem:$0x15B80] =	vst v63  }
0xee: {  	s3 =	simm.s32 $0x15A90  }
0xef: {  	[tilespmem:s26], [sflag:$0x1] =	stream.indirect.gather [hbm4b:s9+s23], $0x80, s3, s23, $0xb8;
	[tilespmem:$0x15B80] =	vst v63  }
0xf0: {  	_ =	swait.ge [sflag:s0], $0x1400  }
0xf1: {  	[sflag:s0] =	ssyncset.done $0x0  }
0xf2: {  	[sflag:s0] =	ssyncadd.s32 $0xFFFFEC00  }
0xf3: {  	_ =	swait.ge [sflag:s0], $0x2800  }
0xf4: {  	[sflag:s0] =	ssyncset.done $0x0  }
0xf5: {  	s5 =	sadd.s32 s17, s12;
	s3 =	simm.s32 @!p0 $0x3;
	[sflag:s0] =	ssyncadd.s32 $0xFFFFD800  }
0xf6: {  	s5 =	smul.u32 $0x14, s5;
	_ =	swait.ge @!p0 [sflag:s3], $0x1680  }
0xf7: {  	[sflag:s3] =	ssyncset.done @!p0 $0x0  }
0xf8: {  	s18 =	sadd.s32 s4, s5;
	s5 =	simm.s32 $0x0;
	[sflag:s3] =	ssyncadd.s32 @!p0 $0xFFFFE980  }
0xf9: {  	[tilespmem:s10], [sflag:$0x2] =	stream.linear.gather [hbm4b:s18+s5], $0xA0, $0x38;
	[tilespmem:$0x15B80] =	vst v63  }
.LBB2_9:
0xfa: {  	s3 =	sshll.u32 s5, $0x4;
	s18 =	simm.s32 $0x7;
	v21 =	vimm.f32 $0.0e+00;
	s15 =	simm.s32 $0x0  }
0xfb: {  	v6 =	vor.u32 s3, v0;
	v3 =	vadd.s32 s18, v0;
	v8 =	vadd.s32 s15, v0  }
0xfc: {  	s7 =	simm.s32 $0x6;
	v13 =	vshll.u32 v6, $0x6;
	v5 =	vshll.u32 v6, $0x7;
	v7 =	vand.u32 $0x7, v3  }
0xfd: {  	s18 =	simm.s32 $0x3;
	s15 =	simm.s32 $0x4;
	v11 =	vand.u32 $0x18, v3;
	v3 =	vadd.s32 s7, v0;
	v8 =	vand.u32 $0x18, v8  }
0xfe: {  	v24 =	vadd.s32 s18, v0;
	v25 =	vadd.s32 s15, v0;
	v10 =	vor.u32 v13, v7  }
0xff: {  	v14 =	vor.u32 v1, v13;
	v9 =	vor.u32 v5, v7;
	v7 =	vor.u32 v11, v10  }
0x100: {  	s7 =	simm.s32 $0x5;
	v15 =	vor.u32 v1, v5;
	v16 =	vor.u32 v2, v13;
	v23 =	vor.u32 v11, v9  }
0x101: {  	s18 =	simm.s32 $0x1;
	v18 =	vor.u32 v2, v5;
	v19 =	vadd.s32 s7, v0;
	v27 =	vor.u32 v8, v14  }
0x102: {  	v26 =	vadd.s32 s18, v0;
	v12 =	vand.u32 $0x18, v3;
	v29 =	vor.u32 v8, v15  }
0x103: {  	v3 =	vand.u32 $0x7, v3;
	v37 =	vand.u32 $0x18, v25;
	v31 =	vor.u32 v16, v8  }
0x104: {  	v17 =	vand.u32 $0x18, v19;
	v20 =	vor.u32 v13, v3;
	v33 =	vor.u32 v18, v8;
	v7 =	vld.idx.msk [tilespmem:v7+s29+$0x0], $0xffff  }
0x105: {  	v19 =	vand.u32 $0x7, v19;
	v22 =	vor.u32 v5, v3;
	v3 =	vor.u32 v12, v20;
	v8 =	vld.idx.msk [tilespmem:v23+s31+$0x0], $0xffff  }
0x106: {  	v36 =	vand.u32 $0x7, v24;
	v30 =	vor.u32 v13, v19;
	v34 =	vor.u32 v12, v22;
	v27 =	vld.idx.msk [tilespmem:v27+s29+$0x0], $0xffff  }
0x107: {  	v28 =	vor.u32 v5, v19;
	v42 =	vor.u32 v17, v30;
	v23 =	vand.u32 $0x7, v25;
	v29 =	vld.idx.msk [tilespmem:v29+s31+$0x0], $0xffff  }
0x108: {  	s7 =	simm.s32 $0x2;
	v40 =	vand.u32 $0x18, v24;
	v31 =	vld.idx.msk [tilespmem:v31+s29+$0x0], $0xffff;
	v25 =	vor.u32 v17, v28;
	v35 =	vor.u32 v13, v23  }
0x109: {  	v32 =	vadd.s32 s7, v0;
	v33 =	vld.idx.msk [tilespmem:v33+s31+$0x0], $0xffff;
	v38 =	vor.u32 v5, v23;
	v44 =	vor.u32 v37, v35  }
0x10a: {  	v39 =	vor.u32 v13, v36;
	v41 =	vor.u32 v5, v36;
	v19 =	vld.idx.msk [tilespmem:v3+s29+$0x0], $0xffff;
	v45 =	vor.u32 v37, v38  }
0x10b: {  	v48 =	vand.u32 $0x7, v26;
	v43 =	vor.u32 v40, v39;
	v3 =	vand.u32 $0x7, v32;
	v23 =	vld.idx.msk [tilespmem:v34+s31+$0x0], $0xffff  }
0x10c: {  	v36 =	vand.u32 $0x18, v32;
	v47 =	vor.u32 v40, v41;
	v34 =	vor.u32 v13, v3;
	v24 =	vld.idx.msk [tilespmem:v42+s29+$0x0], $0xffff  }
0x10d: {  	s18 =	simm.s32 $0xF;
	v32 =	vimm.f32 $0.0e+00;
	v42 =	vor.u32 v5, v3;
	v46 =	vor.u32 v36, v34;
	v25 =	vld.idx.msk [tilespmem:v25+s31+$0x0], $0xffff  }
.LBB2_10:
0x10e: {  	p0 =	sne.s32 s18, $0x1F;
	v3 =	vand.u32 $0x18, v26;
	v26 =	vor.u32 v13, v48;
	v49 =	vor.u32 v36, v42;
	v44 =	vld.idx.msk [tilespmem:v44+s29+$0x0], $0xffff  }
0x10f: {  	v50 =	vadd.s32 s18, v0;
	v48 =	vor.u32 v5, v48;
	v51 =	vor.u32 v3, v26;
	v45 =	vld.idx.msk [tilespmem:v45+s31+$0x0], $0xffff  }
0x110: {  	s3 =	sadd.s32 $0xFFFFFFFF, s18;
	v52 =	vand.u32 $0x18, v50;
	v53 =	vor.u32 v3, v48;
	v3 =	vor.u32 $0x20, v3;
	v43 =	vld.idx.msk [tilespmem:v43+s29+$0x0], $0xffff  }
0x111: {  	s7 =	sadd.s32 $0xFFFFFFFE, s18;
	v54 =	vadd.s32 s3, v0;
	v50 =	vand.u32 $0x7, v50;
	v55 =	vor.u32 v3, v26;
	v47 =	vld.idx.msk [tilespmem:v47+s31+$0x0], $0xffff  }
0x112: {  	s15 =	sadd.s32 $0xFFFFFFFD, s18;
	s3 =	sadd.s32 $0xFFFFFFFC, s18;
	v56 =	vadd.s32 s7, v0;
	v3 =	vor.u32 v3, v48;
	v26 =	vor.u32 $0x20, v36;
	v46 =	vld.idx.msk [tilespmem:v46+s29+$0x0], $0xffff  }
0x113: {  	s7 =	sadd.s32 $0xFFFFFFFB, s18;
	v36 =	vadd.s32 s3, v0;
	v48 =	vadd.s32 s15, v0;
	v57 =	vor.u32 v26, v34;
	v49 =	vld.idx.msk [tilespmem:v49+s31+$0x0], $0xffff  }
0x114: {  	v40 =	vor.u32 $0x20, v40;
	s3 =	sadd.s32 $0xFFFFFFF9, s18;
	s15 =	sadd.s32 $0xFFFFFFFA, s18;
	v34 =	vadd.s32 s7, v0;
	v42 =	vor.u32 v26, v42;
	v51 =	vld.idx.msk [tilespmem:v51+s29+$0x0], $0xffff  }
0x115: {  	v39 =	vor.u32 v40, v39;
	v58 =	vadd.s32 s3, v0;
	v26 =	vadd.s32 s15, v0;
	v53 =	vld.idx.msk [tilespmem:v53+s31+$0x0], $0xffff  }
0x116: {  	v37 =	vor.u32 $0x20, v37;
	v40 =	vor.u32 v40, v41;
	v59 =	vor.u32 v13, v50;
	v55 =	vld.idx.msk [tilespmem:v55+s29+$0x0], $0xffff  }
0x117: {  	v35 =	vor.u32 v37, v35;
	v41 =	vor.u32 v5, v50;
	v50 =	vor.u32 $0x20, v11;
	v11 =	vmovc v52;
	v3 =	vld.idx.msk [tilespmem:v3+s31+$0x0], $0xffff  }
0x118: {  	v37 =	vor.u32 v37, v38;
	v38 =	vor.u32 $0x20, v17;
	v52 =	vand.u32 $0x18, v54;
	v57 =	vld.idx.msk [tilespmem:v57+s29+$0x0], $0xffff  }
0x119: {  	v17 =	vand.u32 $0x18, v56;
	v54 =	vand.u32 $0x7, v54;
	v30 =	vor.u32 v38, v30;
	v42 =	vld.idx.msk [tilespmem:v42+s31+$0x0], $0xffff  }
0x11a: {  	v56 =	vand.u32 $0x7, v56;
	v28 =	vor.u32 v38, v28;
	v38 =	vor.u32 $0x20, v12;
	v12 =	vmovc v52;
	v39 =	vld.idx.msk [tilespmem:v39+s29+$0x0], $0xffff  }
0x11b: {  	v27 =	vmul.f32 v29, v27;
	v29 =	vmul.f32 v33, v31;
	v20 =	vor.u32 v38, v20;
	v31 =	vld.idx.msk [tilespmem:v40+s31+$0x0], $0xffff  }
0x11c: {  	v22 =	vor.u32 v38, v22;
	v38 =	vor.u32 v50, v10;
	v33 =	vmul.f32 v53, v51;
	v35 =	vld.idx.msk [tilespmem:v35+s29+$0x0], $0xffff  }
0x11d: {  	v21 =	vadd.f32 v27, v21;
	v27 =	vadd.f32 v29, v32;
	v3 =	vmul.f32 v3, v55;
	v29 =	vld.idx.msk [tilespmem:v37+s31+$0x0], $0xffff  }
0x11e: {  	v10 =	vmovc v59;
	v32 =	vmul.f32 v49, v46;
	v40 =	vand.u32 $0x7, v48;
	v37 =	vor.u32 v50, v9;
	v30 =	vld.idx.msk [tilespmem:v30+s29+$0x0], $0xffff  }
0x11f: {  	v21 =	vadd.f32 v33, v21;
	v3 =	vadd.f32 v3, v27;
	v27 =	vmul.f32 v42, v57;
	v28 =	vld.idx.msk [tilespmem:v28+s31+$0x0], $0xffff  }
0x120: {  	v43 =	vmul.f32 v47, v43;
	v33 =	vand.u32 $0x18, v58;
	v9 =	vmovc v41;
	v42 =	vor.u32 v11, v10;
	v46 =	vld.idx.msk [tilespmem:v20+s29+$0x0], $0xffff  }
0x121: {  	v21 =	vadd.f32 v32, v21;
	v3 =	vadd.f32 v27, v3;
	v27 =	vmul.f32 v31, v39;
	v31 =	vld.idx.msk [tilespmem:v22+s31+$0x0], $0xffff  }
0x122: {  	v32 =	vor.u32 v11, v9;
	v20 =	vor.u32 v13, v54;
	v39 =	vmul.f32 v45, v44;
	v38 =	vld.idx.msk [tilespmem:v38+s29+$0x0], $0xffff  }
0x123: {  	v21 =	vadd.f32 v43, v21;
	v3 =	vadd.f32 v27, v3;
	v27 =	vmul.f32 v29, v35;
	v29 =	vld.idx.msk [tilespmem:v37+s31+$0x0], $0xffff  }
0x124: {  	v24 =	vmul.f32 v25, v24;
	v22 =	vor.u32 v5, v54;
	v35 =	vor.u32 v33, v14  }
0x125: {  	v21 =	vadd.f32 v39, v21;
	v3 =	vadd.f32 v27, v3;
	v25 =	vmul.f32 v28, v30  }
0x126: {  	v19 =	vmul.f32 v23, v19;
	v39 =	vor.u32 v16, v33;
	v37 =	vor.u32 v33, v15  }
0x127: {  	v21 =	vadd.f32 v24, v21;
	v3 =	vadd.f32 v25, v3;
	v23 =	vmul.f32 v31, v46  }
0x128: {  	v24 =	vor.u32 v18, v33;
	v25 =	vor.u32 v12, v20;
	v31 =	vmul.f32 v8, v7;
	v7 =	vld.idx.msk [tilespmem:v42+s29+$0x0], $0xffff  }
0x129: {  	v19 =	vadd.f32 v19, v21;
	v3 =	vadd.f32 v23, v3;
	v23 =	vmul.f32 v29, v38;
	v8 =	vld.idx.msk [tilespmem:v32+s31+$0x0], $0xffff  }
0x12a: {  	v30 =	vor.u32 v13, v56;
	v28 =	vor.u32 v5, v56;
	v42 =	vor.u32 v12, v22;
	v27 =	vld.idx.msk [tilespmem:v35+s29+$0x0], $0xffff  }
0x12b: {  	v46 =	vor.u32 v17, v30;
	v21 =	vadd.f32 v31, v19;
	v32 =	vadd.f32 v23, v3;
	v29 =	vld.idx.msk [tilespmem:v37+s31+$0x0], $0xffff  }
0x12c: {  	v35 =	vor.u32 v13, v40;
	v3 =	vor.u32 v17, v28;
	v37 =	vand.u32 $0x18, v48;
	v31 =	vld.idx.msk [tilespmem:v39+s29+$0x0], $0xffff  }
.Ltmp3:
0x12d: {  	v38 =	vor.u32 v5, v40;
	v23 =	vand.u32 $0x7, v36;
	v44 =	vor.u32 v37, v35;
	v33 =	vld.idx.msk [tilespmem:v24+s31+$0x0], $0xffff;
	(pc) =	sbr.rel @p0 .LBB2_10-.Ltmp3, $4  }
0x12e: {  	v40 =	vand.u32 $0x18, v36;
	v39 =	vor.u32 v13, v23;
	v45 =	vor.u32 v37, v38;
	v19 =	vld.idx.msk [tilespmem:v25+s29+$0x0], $0xffff  }
0x12f: {  	v41 =	vor.u32 v5, v23;
	v43 =	vor.u32 v40, v39;
	v25 =	vand.u32 $0x7, v34;
	v23 =	vld.idx.msk [tilespmem:v42+s31+$0x0], $0xffff  }
0x130: {  	v36 =	vand.u32 $0x18, v34;
	v47 =	vor.u32 v40, v41;
	v34 =	vor.u32 v13, v25;
	v24 =	vld.idx.msk [tilespmem:v46+s29+$0x0], $0xffff  }
0x131: {  	s18 =	sadd.s32 $0x8, s18;
	v48 =	vand.u32 $0x7, v26;
	v42 =	vor.u32 v5, v25;
	v46 =	vor.u32 v36, v34;
	v25 =	vld.idx.msk [tilespmem:v3+s31+$0x0], $0xffff  }
0x132: {  	_ =	sdelay $0x3  }
0x133: {  	v3 =	vand.u32 $0x18, v26;
	v13 =	vor.u32 v13, v48;
	v14 =	vor.u32 v36, v42;
	v15 =	vld.idx.msk [tilespmem:v44+s29+$0x0], $0xffff  }
0x134: {  	v18 =	vor.u32 v5, v48;
	v26 =	vld.idx.msk [tilespmem:v45+s31+$0x0], $0xffff;
	v16 =	vor.u32 v3, v13  }
0x135: {  	v43 =	vld.idx.msk [tilespmem:v43+s29+$0x0], $0xffff;
	v51 =	vor.u32 $0x20, v36;
	v49 =	vor.u32 v3, v18  }
0x136: {  	v50 =	vld.idx.msk [tilespmem:v47+s31+$0x0], $0xffff;
	v3 =	vor.u32 $0x20, v3;
	v34 =	vor.u32 v51, v34  }
0x137: {  	v36 =	vor.u32 v51, v42;
	v13 =	vor.u32 v3, v13;
	v3 =	vor.u32 v3, v18;
	v18 =	vld.idx.msk [tilespmem:v46+s29+$0x0], $0xffff  }
0x138: {  	v14 =	vld.idx.msk [tilespmem:v14+s31+$0x0], $0xffff  }
0x139: {  	v40 =	vor.u32 $0x20, v40;
	v16 =	vld.idx.msk [tilespmem:v16+s29+$0x0], $0xffff  }
0x13a: {  	v39 =	vor.u32 v40, v39;
	v52 =	vld.idx.msk [tilespmem:v49+s31+$0x0], $0xffff  }
0x13b: {  	v11 =	vor.u32 $0x20, v11;
	v40 =	vor.u32 v40, v41;
	v34 =	vld.idx.msk [tilespmem:v34+s29+$0x0], $0xffff  }
0x13c: {  	v10 =	vor.u32 v11, v10;
	v36 =	vld.idx.msk [tilespmem:v36+s31+$0x0], $0xffff  }
0x13d: {  	v37 =	vor.u32 $0x20, v37;
	v9 =	vor.u32 v11, v9;
	v13 =	vld.idx.msk [tilespmem:v13+s29+$0x0], $0xffff  }
0x13e: {  	v17 =	vor.u32 $0x20, v17;
	v27 =	vmul.f32 v29, v27;
	v12 =	vor.u32 $0x20, v12;
	v3 =	vld.idx.msk [tilespmem:v3+s31+$0x0], $0xffff  }
0x13f: {  	v7 =	vmul.f32 v8, v7;
	v35 =	vor.u32 v37, v35;
	v37 =	vor.u32 v37, v38;
	v29 =	vld.idx.msk [tilespmem:v39+s29+$0x0], $0xffff  }
0x140: {  	v30 =	vor.u32 v17, v30;
	v17 =	vor.u32 v17, v28;
	v28 =	vmul.f32 v33, v31;
	v31 =	vld.idx.msk [tilespmem:v40+s31+$0x0], $0xffff  }
0x141: {  	v6 =	vmul.u32 $0x48, v6;
	s18 =	simm.s32 $0x5;
	v20 =	vor.u32 v12, v20;
	v12 =	vor.u32 v12, v22;
	v10 =	vld.idx.msk [tilespmem:v10+s29+$0x0], $0xffff  }
0x142: {  	v56 =	vadd.s32 s18, v0;
	v21 =	vadd.f32 v27, v21;
	v9 =	vld.idx.msk [tilespmem:v9+s31+$0x0], $0xffff;
	v16 =	vmul.f32 v52, v16  }
0x143: {  	v58 =	vand.u32 $0x18, v56;
	v22 =	vadd.f32 v28, v32;
	v3 =	vmul.f32 v3, v13  }
0x144: {  	s18 =	simm.s32 $0x7;
	v15 =	vmul.f32 v26, v15;
	v27 =	vld.idx.msk [tilespmem:v35+s29+$0x0], $0xffff;
	v14 =	vmul.f32 v14, v18;
	v16 =	vadd.f32 v16, v21  }
0x145: {  	v39 =	vadd.s32 s18, v0;
	v11 =	vmul.f32 v36, v34;
	v13 =	vld.idx.msk [tilespmem:v37+s31+$0x0], $0xffff;
	v3 =	vadd.f32 v3, v22  }
0x146: {  	v17 =	vld.idx.msk [tilespmem:v17+s31+$0x0], $0xffff;
	v40 =	vadd.s32 v6, v58;
	v21 =	vmul.f32 v50, v43;
	v14 =	vadd.f32 v14, v16  }
0x147: {  	s15 =	simm.s32 $0x2;
	v18 =	vld.idx.msk [tilespmem:v30+s29+$0x0], $0xffff;
	v9 =	vmul.f32 v9, v10;
	v3 =	vadd.f32 v11, v3;
	v11 =	vmul.f32 v31, v29  }
0x148: {  	v12 =	vld.idx.msk [tilespmem:v12+s31+$0x0], $0xffff;
	v10 =	vor.u32 v4, v5;
	v22 =	vadd.s32 s15, v0;
	s15 =	simm.s32 $0x3;
	v14 =	vadd.f32 v21, v14  }
0x149: {  	v43 =	vand.u32 $0x1F, v39;
	v16 =	vld.idx.msk [tilespmem:v20+s29+$0x0], $0xffff;
	v29 =	vadd.s32 s15, v0;
	v3 =	vadd.f32 v11, v3  }
0x14a: {  	s15 =	simm.s32 $0x6;
	v11 =	vmul.f32 v13, v27;
	v13 =	vmul.f32 v25, v24;
	v14 =	vadd.f32 v15, v14  }
0x14b: {  	v20 =	vadd.s32 $0x41, v6;
	v61 =	vadd.s32 s15, v0;
	v15 =	vmul.f32 v23, v19  }
0x14c: {  	v3 =	vadd.f32 v11, v3;
	v11 =	vmul.f32 v17, v18;
	v13 =	vadd.f32 v13, v14  }
0x14d: {  	v27 =	vand.u32 $0x18, v22;
	v63 =	vand.u32 $0x1F, v61;
	v33 =	vand.u32 $0x7, v61  }
0x14e: {  	v3 =	vadd.f32 v11, v3;
	v11 =	vmul.f32 v12, v16;
	v8 =	vadd.f32 v15, v13  }
0x14f: {  	s7 =	simm.s32 $0x1;
	v19 =	vand.u32 $0x1F, v22;
	v28 =	vadd.s32 v6, v27;
	v22 =	vand.u32 $0x7, v22  }
0x150: {  	v14 =	vadd.s32 s7, v0;
	v3 =	vadd.f32 v11, v3;
	v7 =	vadd.f32 v7, v8  }
0x151: {  	v28 =	vor.u32 v22, v28;
	s7 =	simm.s32 $0x4;
	v12 =	vor.u32 v1, v6;
	v17 =	vand.u32 $0x18, v14  }
0x152: {  	v59 =	vadd.s32 s7, v0;
	v3 =	vadd.f32 v9, v3;
	v7 =	vmax.f32 v7, $-1.000000000e+01  }
0x153: {  	v15 =	vadd.s32 v2, v6;
	v13 =	vand.u32 $0x1F, v14;
	v7 =	vmin.f32 v7, $1.000000000e+01  }
0x154: {  	v24 =	vadd.s32 v6, v17;
	v3 =	vmax.f32 v3, $-1.000000000e+01;
	v7 =	vmul.f32 $1.442695020e+00, v7  }
0x155: {  	v60 =	vand.u32 $0x18, v59;
	v62 =	vand.u32 $0x7, v59;
	v3 =	vmin.f32 v3, $1.000000000e+01  }
0x156: {  	s3 =	simm.s32 $0x0;
	v14 =	vand.u32 $0x7, v14;
	v3 =	vmul.f32 $1.442695020e+00, v3;
	(erf) = vpow2.f32 v7;
	v7 =	vld [tilespmem:$0x1FFF0]  }
0x157: {  	v34 =	vand.u32 $0x1F, v59;
	v11 =	vadd.s32 s3, v0;
	v24 =	vor.u32 v14, v24  }
0x158: {  	v8 =	vor.u32 $0x40, v5;
	v11 =	vand.u32 $0x18, v11;
	(erf) = vpow2.f32 v3  }
0x159: {  	v30 =	vor.u32 v10, v11;
	v55 =	vor.u32 v13, v8;
	v21 =	vor.u32 v19, v8  }
0x15a: {  	v23 =	vadd.s32 v12, v11;
	v26 =	vadd.s32 v11, v15;
	v36 =	vor.u32 v34, v8  }
0x15b: {  	v3 =	vadd.s32 $0x40, v6;
	v9 =	vor.u32 v7, v5;
	v7 =	vor.u32 $0x60, v5  }
0x15c: {  	v5 =	vadd.s32 $0x20, v6;
	v53 =	vor.u32 v9, v11;
	v54 =	vor.u32 v13, v7  }
0x15d: {  	v13 =	vand.u32 $0x1F, v29;
	v19 =	vor.u32 v19, v7;
	v25 =	vadd.s32 v17, v5  }
0x15e: {  	v27 =	vadd.s32 v27, v5;
	v35 =	vor.u32 v34, v7;
	v34 =	vor.u32 v63, v8  }
0x15f: {  	v37 =	vor.u32 v63, v7;
	v42 =	vadd.s32 v58, v5;
	v18 =	vor.u32 v13, v8  }
0x160: {  	v16 =	vor.u32 v13, v7;
	v13 =	vand.u32 $0x18, v29;
	v25 =	vor.u32 v14, v25;
	v11 =	vpop (erf)  }
0x161: {  	v17 =	vand.u32 $0x18, v61;
	v27 =	vor.u32 v22, v27;
	v31 =	vadd.s32 v6, v13;
	v14 =	vpop (erf);
	[tilespmem:v3+s20+$0x0] =	vst.idx.msk $0xffff, v11  }
0x162: {  	v57 =	vadd.s32 v13, v5;
	v13 =	vadd.s32 v60, v5;
	v3 =	vand.u32 $0x7, v29;
	[tilespmem:v20+s20+$0x0] =	vst.idx.msk $0xffff, v14  }
0x163: {  	v13 =	vor.u32 v62, v13;
	v29 =	vor.u32 v3, v31;
	v20 =	vand.u32 $0x1F, v56;
	v45 =	vld.idx.msk [tilespmem:v30+s31+$0x0], $0xffff  }
0x164: {  	v31 =	vor.u32 v3, v57;
	v3 =	vadd.s32 v6, v60;
	v22 =	vor.u32 v20, v7;
	v47 =	vld.idx.msk [tilespmem:v53+s31+$0x0], $0xffff  }
0x165: {  	v32 =	vor.u32 v20, v8;
	v20 =	vor.u32 v62, v3;
	v3 =	vand.u32 $0x18, v39;
	v46 =	vld.idx.msk [tilespmem:v55+s31+$0x0], $0xffff  }
0x166: {  	s18 =	simm.s32 $0xF;
	v30 =	vand.u32 $0x7, v56;
	v48 =	vld.idx.msk [tilespmem:v54+s31+$0x0], $0xffff;
	v38 =	vadd.s32 v6, v3;
	v44 =	vadd.s32 v3, v5  }
.LBB2_12:
0x167: {  	s3 =	sadd.s32 $0xFFFFFFF9, s18;
	s7 =	sadd.s32 $0xFFFFFFFA, s18;
	s15 =	sadd.s32 $0xFFFFFFFB, s18;
	v3 =	vor.u32 v43, v8;
	v49 =	vor.u32 v43, v7;
	v50 =	vadd.s32 v6, v17  }
0x168: {  	p0 =	sne.s32 s18, $0x1F;
	v41 =	vadd.s32 s3, v0;
	v51 =	vadd.s32 s7, v0;
	v52 =	vadd.s32 s15, v0;
	v21 =	vld.idx.msk [tilespmem:v21+s31+$0x0], $0xffff;
	s3 =	smov.u32 s18;
	s18 =	sadd.s32 $0x8, s18  }
0x169: {  	v45 =	vmul.f32 v45, v14;
	v53 =	vand.u32 $0x18, v41;
	v54 =	vand.u32 $0x1F, v51;
	s7 =	sadd.s32 $0xFFFFFFFC, s3;
	v19 =	vld.idx.msk [tilespmem:v19+s31+$0x0], $0xffff  }
0x16a: {  	v47 =	vmul.f32 v47, v11;
	v43 =	vor.u32 v9, v53;
	v55 =	vor.u32 v10, v53;
	v56 =	vld.idx.msk [tilespmem:v18+s31+$0x0], $0xffff  }
0x16b: {  	v41 =	vor.u32 v54, v7;
	v57 =	vadd.s32 s7, v0;
	v46 =	vmul.f32 v46, v11;
	v58 =	vld.idx.msk [tilespmem:v16+s31+$0x0], $0xffff  }
0x16c: {  	v54 =	vor.u32 v54, v8;
	v16 =	vand.u32 $0x1F, v57;
	v48 =	vmul.f32 v48, v14;
	[tilespmem:v23+s20+$0x0] =	vst.idx.msk $0xffff, v47  }
0x16d: {  	v18 =	vor.u32 v16, v8;
	v16 =	vor.u32 v16, v7;
	v23 =	vand.u32 $0x18, v51;
	[tilespmem:v26+s20+$0x0] =	vst.idx.msk $0xffff, v45  }
0x16e: {  	v26 =	vand.u32 $0x1F, v52;
	v45 =	vadd.s32 v6, v23;
	v47 =	vmul.f32 v21, v11;
	[tilespmem:v24+s20+$0x0] =	vst.idx.msk $0xffff, v46  }
0x16f: {  	v21 =	vor.u32 v26, v8;
	v24 =	vand.u32 $0x18, v57;
	v46 =	vmul.f32 v19, v14;
	[tilespmem:v25+s20+$0x0] =	vst.idx.msk $0xffff, v48  }
0x170: {  	s7 =	sadd.s32 $0xFFFFFFFE, s3;
	v19 =	vor.u32 v26, v7;
	v48 =	vand.u32 $0x18, v52;
	v25 =	vmul.f32 v56, v11;
	[tilespmem:v28+s20+$0x0] =	vst.idx.msk $0xffff, v47  }
0x171: {  	v28 =	vadd.s32 v23, v5;
	v47 =	vadd.s32 s7, v0;
	v23 =	vmul.f32 v58, v14;
	[tilespmem:v27+s20+$0x0] =	vst.idx.msk $0xffff, v46  }
0x172: {  	v56 =	vadd.s32 v24, v5;
	s7 =	sadd.s32 $0xFFFFFFFD, s3;
	v46 =	vadd.s32 v6, v24;
	v58 =	vand.u32 $0x18, v47;
	[tilespmem:v29+s20+$0x0] =	vst.idx.msk $0xffff, v25  }
0x173: {  	v27 =	vadd.s32 v6, v48;
	v59 =	vadd.s32 s7, v0;
	[tilespmem:v31+s20+$0x0] =	vst.idx.msk $0xffff, v23;
	v23 =	vand.u32 $0x7, v39  }
0x174: {  	s7 =	sadd.s32 $0xFFFFFFFF, s3;
	v24 =	vadd.s32 v17, v5;
	v60 =	vand.u32 $0x7, v59;
	v39 =	vand.u32 $0x18, v59;
	v29 =	vld.idx.msk [tilespmem:v36+s31+$0x0], $0xffff  }
0x175: {  	v61 =	vadd.s32 s7, v0;
	v17 =	vadd.s32 v39, v5;
	v44 =	vor.u32 v23, v44;
	v31 =	vld.idx.msk [tilespmem:v35+s31+$0x0], $0xffff  }
0x176: {  	v62 =	vand.u32 $0x1F, v61;
	v38 =	vor.u32 v23, v38;
	v35 =	vor.u32 v60, v17;
	v32 =	vld.idx.msk [tilespmem:v32+s31+$0x0], $0xffff  }
0x177: {  	v63 =	vor.u32 v33, v24;
	v23 =	vadd.s32 v12, v53;
	v17 =	vand.u32 $0x18, v61;
	v22 =	vld.idx.msk [tilespmem:v22+s31+$0x0], $0xffff  }
0x178: {  	v26 =	vadd.s32 v53, v15;
	v25 =	vand.u32 $0x7, v51;
	v36 =	vor.u32 v30, v42;
	v34 =	vld.idx.msk [tilespmem:v34+s31+$0x0], $0xffff  }
0x179: {  	v33 =	vor.u32 v33, v50;
	v24 =	vor.u32 v25, v45;
	v30 =	vor.u32 v30, v40;
	v37 =	vld.idx.msk [tilespmem:v37+s31+$0x0], $0xffff  }
0x17a: {  	v25 =	vor.u32 v25, v28;
	v40 =	vand.u32 $0x7, v52;
	v29 =	vmul.f32 v29, v11;
	v3 =	vld.idx.msk [tilespmem:v3+s31+$0x0], $0xffff  }
0x17b: {  	v28 =	vor.u32 v40, v27;
	v27 =	vadd.s32 v48, v5;
	v31 =	vmul.f32 v31, v14;
	v42 =	vld.idx.msk [tilespmem:v49+s31+$0x0], $0xffff  }
0x17c: {  	v27 =	vor.u32 v40, v27;
	v40 =	vand.u32 $0x7, v57;
	v32 =	vmul.f32 v32, v11;
	[tilespmem:v20+s20+$0x0] =	vst.idx.msk $0xffff, v29  }
0x17d: {  	v29 =	vor.u32 v40, v46;
	v20 =	vmul.f32 v22, v14;
	[tilespmem:v13+s20+$0x0] =	vst.idx.msk $0xffff, v31;
	v13 =	vmov v35  }
0x17e: {  	v31 =	vor.u32 v40, v56;
	v40 =	vand.u32 $0x1F, v47;
	v34 =	vmul.f32 v34, v11;
	[tilespmem:v30+s20+$0x0] =	vst.idx.msk $0xffff, v32  }
0x17f: {  	v30 =	vand.u32 $0x1F, v59;
	v22 =	vor.u32 v40, v7;
	v32 =	vmul.f32 v37, v14;
	[tilespmem:v36+s20+$0x0] =	vst.idx.msk $0xffff, v20  }
0x180: {  	v36 =	vor.u32 v30, v8;
	v3 =	vmul.f32 v3, v11;
	[tilespmem:v33+s20+$0x0] =	vst.idx.msk $0xffff, v34  }
0x181: {  	v35 =	vor.u32 v30, v7;
	v30 =	vmul.f32 v42, v14;
	[tilespmem:v63+s20+$0x0] =	vst.idx.msk $0xffff, v32  }
0x182: {  	v20 =	vadd.s32 v6, v39;
	v32 =	vor.u32 v40, v8;
	[tilespmem:v38+s20+$0x0] =	vst.idx.msk $0xffff, v3  }
.Ltmp4:
0x183: {  	v20 =	vor.u32 v60, v20;
	[tilespmem:v44+s20+$0x0] =	vst.idx.msk $0xffff, v30;
	(pc) =	sbr.rel @p0 .LBB2_12-.Ltmp4, $4  }
0x184: {  	v39 =	vadd.s32 s3, v0;
	v34 =	vor.u32 v62, v8;
	v30 =	vand.u32 $0x7, v47;
	v45 =	vld.idx.msk [tilespmem:v55+s31+$0x0], $0xffff  }
0x185: {  	v37 =	vor.u32 v62, v7;
	v3 =	vand.u32 $0x18, v39;
	v47 =	vld.idx.msk [tilespmem:v43+s31+$0x0], $0xffff  }
0x186: {  	v33 =	vand.u32 $0x7, v61;
	v38 =	vadd.s32 v6, v3;
	v43 =	vand.u32 $0x1F, v39;
	v46 =	vld.idx.msk [tilespmem:v54+s31+$0x0], $0xffff  }
0x187: {  	v42 =	vadd.s32 v58, v5;
	v40 =	vadd.s32 v6, v58;
	v44 =	vadd.s32 v3, v5;
	v48 =	vld.idx.msk [tilespmem:v41+s31+$0x0], $0xffff  }
0x188: {  	_ =	sdelay $0x3  }
0x189: {  	v3 =	vld.idx.msk [tilespmem:v21+s31+$0x0], $0xffff  }
0x18a: {  	v9 =	vld.idx.msk [tilespmem:v19+s31+$0x0], $0xffff;
	v10 =	vmul.f32 v47, v11  }
0x18b: {  	v12 =	vld.idx.msk [tilespmem:v18+s31+$0x0], $0xffff;
	v15 =	vmul.f32 v45, v14  }
0x18c: {  	v16 =	vld.idx.msk [tilespmem:v16+s31+$0x0], $0xffff;
	v53 =	vmul.f32 v46, v11;
	[tilespmem:v23+s20+$0x0] =	vst.idx.msk $0xffff, v10  }
0x18d: {  	v54 =	vmul.f32 v48, v14;
	[tilespmem:v26+s20+$0x0] =	vst.idx.msk $0xffff, v15  }
0x18e: {  	v3 =	vmul.f32 v3, v11;
	[tilespmem:v24+s20+$0x0] =	vst.idx.msk $0xffff, v53  }
0x18f: {  	v9 =	vmul.f32 v9, v14;
	[tilespmem:v25+s20+$0x0] =	vst.idx.msk $0xffff, v54  }
0x190: {  	v55 =	vmul.f32 v12, v11;
	[tilespmem:v28+s20+$0x0] =	vst.idx.msk $0xffff, v3  }
0x191: {  	v3 =	vmul.f32 v16, v14;
	[tilespmem:v27+s20+$0x0] =	vst.idx.msk $0xffff, v9  }
0x192: {  	[tilespmem:v29+s20+$0x0] =	vst.idx.msk $0xffff, v55  }
0x193: {  	[tilespmem:v31+s20+$0x0] =	vst.idx.msk $0xffff, v3  }
0x194: {  	v3 =	vld.idx.msk [tilespmem:v36+s31+$0x0], $0xffff  }
0x195: {  	v8 =	vor.u32 v43, v8;
	v9 =	vld.idx.msk [tilespmem:v35+s31+$0x0], $0xffff  }
0x196: {  	v7 =	vor.u32 v43, v7;
	v10 =	vld.idx.msk [tilespmem:v32+s31+$0x0], $0xffff  }
0x197: {  	v56 =	vld.idx.msk [tilespmem:v22+s31+$0x0], $0xffff  }
0x198: {  	v58 =	vor.u32 v30, v40;
	v6 =	vadd.s32 v6, v17;
	v15 =	vld.idx.msk [tilespmem:v34+s31+$0x0], $0xffff  }
0x199: {  	v59 =	vor.u32 v30, v42;
	v5 =	vadd.s32 v17, v5;
	v57 =	vld.idx.msk [tilespmem:v37+s31+$0x0], $0xffff;
	v3 =	vmul.f32 v3, v11  }
0x19a: {  	v60 =	vand.u32 $0x7, v39;
	v6 =	vor.u32 v33, v6;
	v8 =	vld.idx.msk [tilespmem:v8+s31+$0x0], $0xffff;
	v9 =	vmul.f32 v9, v14  }
0x19b: {  	v5 =	vor.u32 v33, v5;
	v7 =	vld.idx.msk [tilespmem:v7+s31+$0x0], $0xffff;
	v10 =	vmul.f32 v10, v11;
	[tilespmem:v20+s20+$0x0] =	vst.idx.msk $0xffff, v3  }
0x19c: {  	s5 =	sadd.s32 $0x1, s5;
	v12 =	vmul.f32 v56, v14;
	v3 =	vor.u32 v60, v38;
	[tilespmem:v13+s20+$0x0] =	vst.idx.msk $0xffff, v9  }
0x19d: {  	v61 =	vor.u32 v60, v44;
	p0 =	sne.s32 s5, $0x5;
	v62 =	vmul.f32 v15, v11;
	[tilespmem:v58+s20+$0x0] =	vst.idx.msk $0xffff, v10  }
.Ltmp5:
0x19e: {  	v63 =	vmul.f32 v57, v14;
	[tilespmem:v59+s20+$0x0] =	vst.idx.msk $0xffff, v12;
	(pc) =	sbr.rel @p0 .LBB2_9-.Ltmp5, $4  }
0x19f: {  	v8 =	vmul.f32 v8, v11;
	[tilespmem:v6+s20+$0x0] =	vst.idx.msk $0xffff, v62  }
0x1a0: {  	v6 =	vmul.f32 v7, v14;
	[tilespmem:v5+s20+$0x0] =	vst.idx.msk $0xffff, v63  }
0x1a1: {  	[tilespmem:v3+s20+$0x0] =	vst.idx.msk $0xffff, v8  }
0x1a2: {  	[tilespmem:v61+s20+$0x0] =	vst.idx.msk $0xffff, v6  }
0x1a3: {  	[spmem:s2] =	stream.indirect.scatter.add.f32 [tilespmem:s20], [sflag:$0x3], $0x48, s28, s23, $0xb8;
	[tilespmem:$0x15B80] =	vst v63  }
0x1a4: {  	_ =	swait.ge [sflag:s22], $0xA0  }
0x1a5: {  	[sflag:s22] =	ssyncset.done $0x0  }
0x1a6: {  	[sflag:s22] =	ssyncadd.s32 $0xFFFFFF60  }
0x1a7: {  	[tilespmem:s29], [sflag:$0x1] =	stream.indirect.gather [hbm4b:s8+s23], $0x40, s10, s23, $0xb8;
	[tilespmem:$0x15B80] =	vst v63  }
0x1a8: {  	s3 =	simm.s32 $0x15B30  }
0x1a9: {  	[tilespmem:s31], [sflag:$0x1] =	stream.indirect.gather [hbm4b:s9+s23], $0x80, s3, s23, $0xb8;
	[tilespmem:$0x15B80] =	vst v63  }
0x1aa: {  	_ =	swait.ge [sflag:s0], $0x1400  }
0x1ab: {  	[sflag:s0] =	ssyncset.done $0x0  }
0x1ac: {  	[sflag:s0] =	ssyncadd.s32 $0xFFFFEC00  }
0x1ad: {  	_ =	swait.ge [sflag:s0], $0x2800  }
0x1ae: {  	[sflag:s0] =	ssyncset.done $0x0  }
0x1af: {  	s18 =	sadd.s32 s17, s13;
	[sflag:s0] =	ssyncadd.s32 $0xFFFFD800  }
0x1b0: {  	s3 =	smul.u32 $0x14, s18;
	_ =	swait.ge [sflag:s16], $0x1680  }
0x1b1: {  	[sflag:s16] =	ssyncset.done $0x0  }
0x1b2: {  	s5 =	simm.s32 $0x0;
	s3 =	sadd.s32 s4, s3;
	[sflag:s16] =	ssyncadd.s32 $0xFFFFE980  }
0x1b3: {  	[tilespmem:s21], [sflag:$0x2] =	stream.linear.gather [hbm4b:s3+s5], $0xA0, $0x38;
	[tilespmem:$0x15B80] =	vst v63  }
.LBB2_15:
0x1b4: {  	s3 =	sshll.u32 s5, $0x4;
	s18 =	simm.s32 $0x7;
	v21 =	vimm.f32 $0.0e+00;
	s15 =	simm.s32 $0x0  }
0x1b5: {  	v6 =	vor.u32 s3, v0;
	v3 =	vadd.s32 s18, v0;
	v8 =	vadd.s32 s15, v0  }
0x1b6: {  	s7 =	simm.s32 $0x6;
	v13 =	vshll.u32 v6, $0x6;
	v5 =	vshll.u32 v6, $0x7;
	v7 =	vand.u32 $0x7, v3  }
0x1b7: {  	s18 =	simm.s32 $0x3;
	s15 =	simm.s32 $0x4;
	v11 =	vand.u32 $0x18, v3;
	v3 =	vadd.s32 s7, v0;
	v8 =	vand.u32 $0x18, v8  }
0x1b8: {  	v24 =	vadd.s32 s18, v0;
	v25 =	vadd.s32 s15, v0;
	v10 =	vor.u32 v13, v7  }
0x1b9: {  	v14 =	vor.u32 v1, v13;
	v9 =	vor.u32 v5, v7;
	v7 =	vor.u32 v11, v10  }
0x1ba: {  	s7 =	simm.s32 $0x5;
	v15 =	vor.u32 v1, v5;
	v16 =	vor.u32 v2, v13;
	v23 =	vor.u32 v11, v9  }
0x1bb: {  	s18 =	simm.s32 $0x1;
	v18 =	vor.u32 v2, v5;
	v19 =	vadd.s32 s7, v0;
	v27 =	vor.u32 v8, v14  }
0x1bc: {  	v26 =	vadd.s32 s18, v0;
	v12 =	vand.u32 $0x18, v3;
	v29 =	vor.u32 v8, v15  }
0x1bd: {  	v3 =	vand.u32 $0x7, v3;
	v37 =	vand.u32 $0x18, v25;
	v31 =	vor.u32 v16, v8  }
0x1be: {  	v17 =	vand.u32 $0x18, v19;
	v20 =	vor.u32 v13, v3;
	v33 =	vor.u32 v18, v8;
	v7 =	vld.idx.msk [tilespmem:v7+s24+$0x0], $0xffff  }
0x1bf: {  	v19 =	vand.u32 $0x7, v19;
	v22 =	vor.u32 v5, v3;
	v3 =	vor.u32 v12, v20;
	v8 =	vld.idx.msk [tilespmem:v23+s26+$0x0], $0xffff  }
0x1c0: {  	v36 =	vand.u32 $0x7, v24;
	v30 =	vor.u32 v13, v19;
	v34 =	vor.u32 v12, v22;
	v27 =	vld.idx.msk [tilespmem:v27+s24+$0x0], $0xffff  }
0x1c1: {  	v28 =	vor.u32 v5, v19;
	v42 =	vor.u32 v17, v30;
	v23 =	vand.u32 $0x7, v25;
	v29 =	vld.idx.msk [tilespmem:v29+s26+$0x0], $0xffff  }
0x1c2: {  	s7 =	simm.s32 $0x2;
	v40 =	vand.u32 $0x18, v24;
	v31 =	vld.idx.msk [tilespmem:v31+s24+$0x0], $0xffff;
	v25 =	vor.u32 v17, v28;
	v35 =	vor.u32 v13, v23  }
0x1c3: {  	v32 =	vadd.s32 s7, v0;
	v33 =	vld.idx.msk [tilespmem:v33+s26+$0x0], $0xffff;
	v38 =	vor.u32 v5, v23;
	v44 =	vor.u32 v37, v35  }
0x1c4: {  	v39 =	vor.u32 v13, v36;
	v41 =	vor.u32 v5, v36;
	v19 =	vld.idx.msk [tilespmem:v3+s24+$0x0], $0xffff;
	v45 =	vor.u32 v37, v38  }
0x1c5: {  	v48 =	vand.u32 $0x7, v26;
	v43 =	vor.u32 v40, v39;
	v3 =	vand.u32 $0x7, v32;
	v23 =	vld.idx.msk [tilespmem:v34+s26+$0x0], $0xffff  }
0x1c6: {  	v36 =	vand.u32 $0x18, v32;
	v47 =	vor.u32 v40, v41;
	v34 =	vor.u32 v13, v3;
	v24 =	vld.idx.msk [tilespmem:v42+s24+$0x0], $0xffff  }
0x1c7: {  	s18 =	simm.s32 $0xF;
	v32 =	vimm.f32 $0.0e+00;
	v42 =	vor.u32 v5, v3;
	v46 =	vor.u32 v36, v34;
	v25 =	vld.idx.msk [tilespmem:v25+s26+$0x0], $0xffff  }
.LBB2_16:
0x1c8: {  	p0 =	sne.s32 s18, $0x1F;
	v3 =	vand.u32 $0x18, v26;
	v26 =	vor.u32 v13, v48;
	v49 =	vor.u32 v36, v42;
	v44 =	vld.idx.msk [tilespmem:v44+s24+$0x0], $0xffff  }
0x1c9: {  	v50 =	vadd.s32 s18, v0;
	v48 =	vor.u32 v5, v48;
	v51 =	vor.u32 v3, v26;
	v45 =	vld.idx.msk [tilespmem:v45+s26+$0x0], $0xffff  }
0x1ca: {  	s3 =	sadd.s32 $0xFFFFFFFF, s18;
	v52 =	vand.u32 $0x18, v50;
	v53 =	vor.u32 v3, v48;
	v3 =	vor.u32 $0x20, v3;
	v43 =	vld.idx.msk [tilespmem:v43+s24+$0x0], $0xffff  }
0x1cb: {  	s7 =	sadd.s32 $0xFFFFFFFE, s18;
	v54 =	vadd.s32 s3, v0;
	v50 =	vand.u32 $0x7, v50;
	v55 =	vor.u32 v3, v26;
	v47 =	vld.idx.msk [tilespmem:v47+s26+$0x0], $0xffff  }
0x1cc: {  	s15 =	sadd.s32 $0xFFFFFFFD, s18;
	s3 =	sadd.s32 $0xFFFFFFFC, s18;
	v56 =	vadd.s32 s7, v0;
	v3 =	vor.u32 v3, v48;
	v26 =	vor.u32 $0x20, v36;
	v46 =	vld.idx.msk [tilespmem:v46+s24+$0x0], $0xffff  }
0x1cd: {  	s7 =	sadd.s32 $0xFFFFFFFB, s18;
	v36 =	vadd.s32 s3, v0;
	v48 =	vadd.s32 s15, v0;
	v57 =	vor.u32 v26, v34;
	v49 =	vld.idx.msk [tilespmem:v49+s26+$0x0], $0xffff  }
0x1ce: {  	v40 =	vor.u32 $0x20, v40;
	s3 =	sadd.s32 $0xFFFFFFF9, s18;
	s15 =	sadd.s32 $0xFFFFFFFA, s18;
	v34 =	vadd.s32 s7, v0;
	v42 =	vor.u32 v26, v42;
	v51 =	vld.idx.msk [tilespmem:v51+s24+$0x0], $0xffff  }
0x1cf: {  	v39 =	vor.u32 v40, v39;
	v58 =	vadd.s32 s3, v0;
	v26 =	vadd.s32 s15, v0;
	v53 =	vld.idx.msk [tilespmem:v53+s26+$0x0], $0xffff  }
0x1d0: {  	v37 =	vor.u32 $0x20, v37;
	v40 =	vor.u32 v40, v41;
	v59 =	vor.u32 v13, v50;
	v55 =	vld.idx.msk [tilespmem:v55+s24+$0x0], $0xffff  }
0x1d1: {  	v35 =	vor.u32 v37, v35;
	v41 =	vor.u32 v5, v50;
	v50 =	vor.u32 $0x20, v11;
	v11 =	vmovc v52;
	v3 =	vld.idx.msk [tilespmem:v3+s26+$0x0], $0xffff  }
0x1d2: {  	v37 =	vor.u32 v37, v38;
	v38 =	vor.u32 $0x20, v17;
	v52 =	vand.u32 $0x18, v54;
	v57 =	vld.idx.msk [tilespmem:v57+s24+$0x0], $0xffff  }
0x1d3: {  	v17 =	vand.u32 $0x18, v56;
	v54 =	vand.u32 $0x7, v54;
	v30 =	vor.u32 v38, v30;
	v42 =	vld.idx.msk [tilespmem:v42+s26+$0x0], $0xffff  }
0x1d4: {  	v56 =	vand.u32 $0x7, v56;
	v28 =	vor.u32 v38, v28;
	v38 =	vor.u32 $0x20, v12;
	v12 =	vmovc v52;
	v39 =	vld.idx.msk [tilespmem:v39+s24+$0x0], $0xffff  }
0x1d5: {  	v27 =	vmul.f32 v29, v27;
	v29 =	vmul.f32 v33, v31;
	v20 =	vor.u32 v38, v20;
	v31 =	vld.idx.msk [tilespmem:v40+s26+$0x0], $0xffff  }
0x1d6: {  	v22 =	vor.u32 v38, v22;
	v38 =	vor.u32 v50, v10;
	v33 =	vmul.f32 v53, v51;
	v35 =	vld.idx.msk [tilespmem:v35+s24+$0x0], $0xffff  }
0x1d7: {  	v21 =	vadd.f32 v27, v21;
	v27 =	vadd.f32 v29, v32;
	v3 =	vmul.f32 v3, v55;
	v29 =	vld.idx.msk [tilespmem:v37+s26+$0x0], $0xffff  }
0x1d8: {  	v10 =	vmovc v59;
	v32 =	vmul.f32 v49, v46;
	v40 =	vand.u32 $0x7, v48;
	v37 =	vor.u32 v50, v9;
	v30 =	vld.idx.msk [tilespmem:v30+s24+$0x0], $0xffff  }
0x1d9: {  	v21 =	vadd.f32 v33, v21;
	v3 =	vadd.f32 v3, v27;
	v27 =	vmul.f32 v42, v57;
	v28 =	vld.idx.msk [tilespmem:v28+s26+$0x0], $0xffff  }
0x1da: {  	v43 =	vmul.f32 v47, v43;
	v33 =	vand.u32 $0x18, v58;
	v9 =	vmovc v41;
	v42 =	vor.u32 v11, v10;
	v46 =	vld.idx.msk [tilespmem:v20+s24+$0x0], $0xffff  }
0x1db: {  	v21 =	vadd.f32 v32, v21;
	v3 =	vadd.f32 v27, v3;
	v27 =	vmul.f32 v31, v39;
	v31 =	vld.idx.msk [tilespmem:v22+s26+$0x0], $0xffff  }
0x1dc: {  	v32 =	vor.u32 v11, v9;
	v20 =	vor.u32 v13, v54;
	v39 =	vmul.f32 v45, v44;
	v38 =	vld.idx.msk [tilespmem:v38+s24+$0x0], $0xffff  }
0x1dd: {  	v21 =	vadd.f32 v43, v21;
	v3 =	vadd.f32 v27, v3;
	v27 =	vmul.f32 v29, v35;
	v29 =	vld.idx.msk [tilespmem:v37+s26+$0x0], $0xffff  }
0x1de: {  	v24 =	vmul.f32 v25, v24;
	v22 =	vor.u32 v5, v54;
	v35 =	vor.u32 v33, v14  }
0x1df: {  	v21 =	vadd.f32 v39, v21;
	v3 =	vadd.f32 v27, v3;
	v25 =	vmul.f32 v28, v30  }
0x1e0: {  	v19 =	vmul.f32 v23, v19;
	v39 =	vor.u32 v16, v33;
	v37 =	vor.u32 v33, v15  }
0x1e1: {  	v21 =	vadd.f32 v24, v21;
	v3 =	vadd.f32 v25, v3;
	v23 =	vmul.f32 v31, v46  }
0x1e2: {  	v24 =	vor.u32 v18, v33;
	v25 =	vor.u32 v12, v20;
	v31 =	vmul.f32 v8, v7;
	v7 =	vld.idx.msk [tilespmem:v42+s24+$0x0], $0xffff  }
0x1e3: {  	v19 =	vadd.f32 v19, v21;
	v3 =	vadd.f32 v23, v3;
	v23 =	vmul.f32 v29, v38;
	v8 =	vld.idx.msk [tilespmem:v32+s26+$0x0], $0xffff  }
0x1e4: {  	v30 =	vor.u32 v13, v56;
	v28 =	vor.u32 v5, v56;
	v42 =	vor.u32 v12, v22;
	v27 =	vld.idx.msk [tilespmem:v35+s24+$0x0], $0xffff  }
0x1e5: {  	v46 =	vor.u32 v17, v30;
	v21 =	vadd.f32 v31, v19;
	v32 =	vadd.f32 v23, v3;
	v29 =	vld.idx.msk [tilespmem:v37+s26+$0x0], $0xffff  }
0x1e6: {  	v35 =	vor.u32 v13, v40;
	v3 =	vor.u32 v17, v28;
	v37 =	vand.u32 $0x18, v48;
	v31 =	vld.idx.msk [tilespmem:v39+s24+$0x0], $0xffff  }
.Ltmp6:
0x1e7: {  	v38 =	vor.u32 v5, v40;
	v23 =	vand.u32 $0x7, v36;
	v44 =	vor.u32 v37, v35;
	v33 =	vld.idx.msk [tilespmem:v24+s26+$0x0], $0xffff;
	(pc) =	sbr.rel @p0 .LBB2_16-.Ltmp6, $4  }
0x1e8: {  	v40 =	vand.u32 $0x18, v36;
	v39 =	vor.u32 v13, v23;
	v45 =	vor.u32 v37, v38;
	v19 =	vld.idx.msk [tilespmem:v25+s24+$0x0], $0xffff  }
0x1e9: {  	v41 =	vor.u32 v5, v23;
	v43 =	vor.u32 v40, v39;
	v25 =	vand.u32 $0x7, v34;
	v23 =	vld.idx.msk [tilespmem:v42+s26+$0x0], $0xffff  }
0x1ea: {  	v36 =	vand.u32 $0x18, v34;
	v47 =	vor.u32 v40, v41;
	v34 =	vor.u32 v13, v25;
	v24 =	vld.idx.msk [tilespmem:v46+s24+$0x0], $0xffff  }
0x1eb: {  	s18 =	sadd.s32 $0x8, s18;
	v48 =	vand.u32 $0x7, v26;
	v42 =	vor.u32 v5, v25;
	v46 =	vor.u32 v36, v34;
	v25 =	vld.idx.msk [tilespmem:v3+s26+$0x0], $0xffff  }
0x1ec: {  	_ =	sdelay $0x3  }
0x1ed: {  	v3 =	vand.u32 $0x18, v26;
	v13 =	vor.u32 v13, v48;
	v14 =	vor.u32 v36, v42;
	v15 =	vld.idx.msk [tilespmem:v44+s24+$0x0], $0xffff  }
0x1ee: {  	v18 =	vor.u32 v5, v48;
	v26 =	vld.idx.msk [tilespmem:v45+s26+$0x0], $0xffff;
	v16 =	vor.u32 v3, v13  }
0x1ef: {  	v43 =	vld.idx.msk [tilespmem:v43+s24+$0x0], $0xffff;
	v51 =	vor.u32 $0x20, v36;
	v49 =	vor.u32 v3, v18  }
0x1f0: {  	v50 =	vld.idx.msk [tilespmem:v47+s26+$0x0], $0xffff;
	v3 =	vor.u32 $0x20, v3;
	v34 =	vor.u32 v51, v34  }
0x1f1: {  	v36 =	vor.u32 v51, v42;
	v13 =	vor.u32 v3, v13;
	v3 =	vor.u32 v3, v18;
	v18 =	vld.idx.msk [tilespmem:v46+s24+$0x0], $0xffff  }
0x1f2: {  	v14 =	vld.idx.msk [tilespmem:v14+s26+$0x0], $0xffff  }
0x1f3: {  	v40 =	vor.u32 $0x20, v40;
	v16 =	vld.idx.msk [tilespmem:v16+s24+$0x0], $0xffff  }
0x1f4: {  	v39 =	vor.u32 v40, v39;
	v52 =	vld.idx.msk [tilespmem:v49+s26+$0x0], $0xffff  }
0x1f5: {  	v11 =	vor.u32 $0x20, v11;
	v40 =	vor.u32 v40, v41;
	v34 =	vld.idx.msk [tilespmem:v34+s24+$0x0], $0xffff  }
0x1f6: {  	v10 =	vor.u32 v11, v10;
	v36 =	vld.idx.msk [tilespmem:v36+s26+$0x0], $0xffff  }
0x1f7: {  	v37 =	vor.u32 $0x20, v37;
	v9 =	vor.u32 v11, v9;
	v13 =	vld.idx.msk [tilespmem:v13+s24+$0x0], $0xffff  }
0x1f8: {  	v17 =	vor.u32 $0x20, v17;
	v27 =	vmul.f32 v29, v27;
	v12 =	vor.u32 $0x20, v12;
	v3 =	vld.idx.msk [tilespmem:v3+s26+$0x0], $0xffff  }
0x1f9: {  	v7 =	vmul.f32 v8, v7;
	v35 =	vor.u32 v37, v35;
	v37 =	vor.u32 v37, v38;
	v29 =	vld.idx.msk [tilespmem:v39+s24+$0x0], $0xffff  }
0x1fa: {  	v30 =	vor.u32 v17, v30;
	v17 =	vor.u32 v17, v28;
	v28 =	vmul.f32 v33, v31;
	v31 =	vld.idx.msk [tilespmem:v40+s26+$0x0], $0xffff  }
0x1fb: {  	v6 =	vmul.u32 $0x48, v6;
	s18 =	simm.s32 $0x5;
	v20 =	vor.u32 v12, v20;
	v12 =	vor.u32 v12, v22;
	v10 =	vld.idx.msk [tilespmem:v10+s24+$0x0], $0xffff  }
0x1fc: {  	v56 =	vadd.s32 s18, v0;
	v21 =	vadd.f32 v27, v21;
	v9 =	vld.idx.msk [tilespmem:v9+s26+$0x0], $0xffff;
	v16 =	vmul.f32 v52, v16  }
0x1fd: {  	v58 =	vand.u32 $0x18, v56;
	v22 =	vadd.f32 v28, v32;
	v3 =	vmul.f32 v3, v13  }
0x1fe: {  	s18 =	simm.s32 $0x7;
	v15 =	vmul.f32 v26, v15;
	v27 =	vld.idx.msk [tilespmem:v35+s24+$0x0], $0xffff;
	v14 =	vmul.f32 v14, v18;
	v16 =	vadd.f32 v16, v21  }
0x1ff: {  	v39 =	vadd.s32 s18, v0;
	v11 =	vmul.f32 v36, v34;
	v13 =	vld.idx.msk [tilespmem:v37+s26+$0x0], $0xffff;
	v3 =	vadd.f32 v3, v22  }
0x200: {  	v17 =	vld.idx.msk [tilespmem:v17+s26+$0x0], $0xffff;
	v40 =	vadd.s32 v6, v58;
	v21 =	vmul.f32 v50, v43;
	v14 =	vadd.f32 v14, v16  }
0x201: {  	s15 =	simm.s32 $0x2;
	v18 =	vld.idx.msk [tilespmem:v30+s24+$0x0], $0xffff;
	v9 =	vmul.f32 v9, v10;
	v3 =	vadd.f32 v11, v3;
	v11 =	vmul.f32 v31, v29  }
0x202: {  	v12 =	vld.idx.msk [tilespmem:v12+s26+$0x0], $0xffff;
	v10 =	vor.u32 v4, v5;
	v22 =	vadd.s32 s15, v0;
	s15 =	simm.s32 $0x3;
	v14 =	vadd.f32 v21, v14  }
0x203: {  	v43 =	vand.u32 $0x1F, v39;
	v16 =	vld.idx.msk [tilespmem:v20+s24+$0x0], $0xffff;
	v29 =	vadd.s32 s15, v0;
	v3 =	vadd.f32 v11, v3  }
0x204: {  	s15 =	simm.s32 $0x6;
	v11 =	vmul.f32 v13, v27;
	v13 =	vmul.f32 v25, v24;
	v14 =	vadd.f32 v15, v14  }
0x205: {  	v20 =	vadd.s32 $0x41, v6;
	v61 =	vadd.s32 s15, v0;
	v15 =	vmul.f32 v23, v19  }
0x206: {  	v3 =	vadd.f32 v11, v3;
	v11 =	vmul.f32 v17, v18;
	v13 =	vadd.f32 v13, v14  }
0x207: {  	v27 =	vand.u32 $0x18, v22;
	v63 =	vand.u32 $0x1F, v61;
	v33 =	vand.u32 $0x7, v61  }
0x208: {  	v3 =	vadd.f32 v11, v3;
	v11 =	vmul.f32 v12, v16;
	v8 =	vadd.f32 v15, v13  }
0x209: {  	s7 =	simm.s32 $0x1;
	v19 =	vand.u32 $0x1F, v22;
	v28 =	vadd.s32 v6, v27;
	v22 =	vand.u32 $0x7, v22  }
0x20a: {  	v14 =	vadd.s32 s7, v0;
	v3 =	vadd.f32 v11, v3;
	v7 =	vadd.f32 v7, v8  }
0x20b: {  	v28 =	vor.u32 v22, v28;
	s7 =	simm.s32 $0x4;
	v12 =	vor.u32 v1, v6;
	v17 =	vand.u32 $0x18, v14  }
0x20c: {  	v59 =	vadd.s32 s7, v0;
	v3 =	vadd.f32 v9, v3;
	v7 =	vmax.f32 v7, $-1.000000000e+01  }
0x20d: {  	v15 =	vadd.s32 v2, v6;
	v13 =	vand.u32 $0x1F, v14;
	v7 =	vmin.f32 v7, $1.000000000e+01  }
0x20e: {  	v24 =	vadd.s32 v6, v17;
	v3 =	vmax.f32 v3, $-1.000000000e+01;
	v7 =	vmul.f32 $1.442695020e+00, v7  }
0x20f: {  	v60 =	vand.u32 $0x18, v59;
	v62 =	vand.u32 $0x7, v59;
	v3 =	vmin.f32 v3, $1.000000000e+01  }
0x210: {  	s3 =	simm.s32 $0x0;
	v14 =	vand.u32 $0x7, v14;
	v3 =	vmul.f32 $1.442695020e+00, v3;
	(erf) = vpow2.f32 v7;
	v7 =	vld [tilespmem:$0x1FFF0]  }
0x211: {  	v34 =	vand.u32 $0x1F, v59;
	v11 =	vadd.s32 s3, v0;
	v24 =	vor.u32 v14, v24  }
0x212: {  	v8 =	vor.u32 $0x40, v5;
	v11 =	vand.u32 $0x18, v11;
	(erf) = vpow2.f32 v3  }
0x213: {  	v30 =	vor.u32 v10, v11;
	v55 =	vor.u32 v13, v8;
	v21 =	vor.u32 v19, v8  }
0x214: {  	v23 =	vadd.s32 v12, v11;
	v26 =	vadd.s32 v11, v15;
	v36 =	vor.u32 v34, v8  }
0x215: {  	v3 =	vadd.s32 $0x40, v6;
	v9 =	vor.u32 v7, v5;
	v7 =	vor.u32 $0x60, v5  }
0x216: {  	v5 =	vadd.s32 $0x20, v6;
	v53 =	vor.u32 v9, v11;
	v54 =	vor.u32 v13, v7  }
0x217: {  	v13 =	vand.u32 $0x1F, v29;
	v19 =	vor.u32 v19, v7;
	v25 =	vadd.s32 v17, v5  }
0x218: {  	v27 =	vadd.s32 v27, v5;
	v35 =	vor.u32 v34, v7;
	v34 =	vor.u32 v63, v8  }
0x219: {  	v37 =	vor.u32 v63, v7;
	v42 =	vadd.s32 v58, v5;
	v18 =	vor.u32 v13, v8  }
0x21a: {  	v16 =	vor.u32 v13, v7;
	v13 =	vand.u32 $0x18, v29;
	v25 =	vor.u32 v14, v25;
	v11 =	vpop (erf)  }
0x21b: {  	v17 =	vand.u32 $0x18, v61;
	v27 =	vor.u32 v22, v27;
	v31 =	vadd.s32 v6, v13;
	v14 =	vpop (erf);
	[tilespmem:v3+s19+$0x0] =	vst.idx.msk $0xffff, v11  }
0x21c: {  	v57 =	vadd.s32 v13, v5;
	v13 =	vadd.s32 v60, v5;
	v3 =	vand.u32 $0x7, v29;
	[tilespmem:v20+s19+$0x0] =	vst.idx.msk $0xffff, v14  }
0x21d: {  	v13 =	vor.u32 v62, v13;
	v29 =	vor.u32 v3, v31;
	v20 =	vand.u32 $0x1F, v56;
	v45 =	vld.idx.msk [tilespmem:v30+s26+$0x0], $0xffff  }
0x21e: {  	v31 =	vor.u32 v3, v57;
	v3 =	vadd.s32 v6, v60;
	v22 =	vor.u32 v20, v7;
	v47 =	vld.idx.msk [tilespmem:v53+s26+$0x0], $0xffff  }
0x21f: {  	v32 =	vor.u32 v20, v8;
	v20 =	vor.u32 v62, v3;
	v3 =	vand.u32 $0x18, v39;
	v46 =	vld.idx.msk [tilespmem:v55+s26+$0x0], $0xffff  }
0x220: {  	s18 =	simm.s32 $0xF;
	v30 =	vand.u32 $0x7, v56;
	v48 =	vld.idx.msk [tilespmem:v54+s26+$0x0], $0xffff;
	v38 =	vadd.s32 v6, v3;
	v44 =	vadd.s32 v3, v5  }
.LBB2_18:
0x221: {  	s3 =	sadd.s32 $0xFFFFFFF9, s18;
	s7 =	sadd.s32 $0xFFFFFFFA, s18;
	s15 =	sadd.s32 $0xFFFFFFFB, s18;
	v3 =	vor.u32 v43, v8;
	v49 =	vor.u32 v43, v7;
	v50 =	vadd.s32 v6, v17  }
0x222: {  	p0 =	sne.s32 s18, $0x1F;
	v41 =	vadd.s32 s3, v0;
	v51 =	vadd.s32 s7, v0;
	v52 =	vadd.s32 s15, v0;
	v21 =	vld.idx.msk [tilespmem:v21+s26+$0x0], $0xffff;
	s3 =	smov.u32 s18;
	s18 =	sadd.s32 $0x8, s18  }
0x223: {  	v45 =	vmul.f32 v45, v14;
	v53 =	vand.u32 $0x18, v41;
	v54 =	vand.u32 $0x1F, v51;
	s7 =	sadd.s32 $0xFFFFFFFC, s3;
	v19 =	vld.idx.msk [tilespmem:v19+s26+$0x0], $0xffff  }
0x224: {  	v47 =	vmul.f32 v47, v11;
	v43 =	vor.u32 v9, v53;
	v55 =	vor.u32 v10, v53;
	v56 =	vld.idx.msk [tilespmem:v18+s26+$0x0], $0xffff  }
0x225: {  	v41 =	vor.u32 v54, v7;
	v57 =	vadd.s32 s7, v0;
	v46 =	vmul.f32 v46, v11;
	v58 =	vld.idx.msk [tilespmem:v16+s26+$0x0], $0xffff  }
0x226: {  	v54 =	vor.u32 v54, v8;
	v16 =	vand.u32 $0x1F, v57;
	v48 =	vmul.f32 v48, v14;
	[tilespmem:v23+s19+$0x0] =	vst.idx.msk $0xffff, v47  }
0x227: {  	v18 =	vor.u32 v16, v8;
	v16 =	vor.u32 v16, v7;
	v23 =	vand.u32 $0x18, v51;
	[tilespmem:v26+s19+$0x0] =	vst.idx.msk $0xffff, v45  }
0x228: {  	v26 =	vand.u32 $0x1F, v52;
	v45 =	vadd.s32 v6, v23;
	v47 =	vmul.f32 v21, v11;
	[tilespmem:v24+s19+$0x0] =	vst.idx.msk $0xffff, v46  }
0x229: {  	v21 =	vor.u32 v26, v8;
	v24 =	vand.u32 $0x18, v57;
	v46 =	vmul.f32 v19, v14;
	[tilespmem:v25+s19+$0x0] =	vst.idx.msk $0xffff, v48  }
0x22a: {  	s7 =	sadd.s32 $0xFFFFFFFE, s3;
	v19 =	vor.u32 v26, v7;
	v48 =	vand.u32 $0x18, v52;
	v25 =	vmul.f32 v56, v11;
	[tilespmem:v28+s19+$0x0] =	vst.idx.msk $0xffff, v47  }
0x22b: {  	v28 =	vadd.s32 v23, v5;
	v47 =	vadd.s32 s7, v0;
	v23 =	vmul.f32 v58, v14;
	[tilespmem:v27+s19+$0x0] =	vst.idx.msk $0xffff, v46  }
0x22c: {  	v56 =	vadd.s32 v24, v5;
	s7 =	sadd.s32 $0xFFFFFFFD, s3;
	v46 =	vadd.s32 v6, v24;
	v58 =	vand.u32 $0x18, v47;
	[tilespmem:v29+s19+$0x0] =	vst.idx.msk $0xffff, v25  }
0x22d: {  	v27 =	vadd.s32 v6, v48;
	v59 =	vadd.s32 s7, v0;
	[tilespmem:v31+s19+$0x0] =	vst.idx.msk $0xffff, v23;
	v23 =	vand.u32 $0x7, v39  }
0x22e: {  	s7 =	sadd.s32 $0xFFFFFFFF, s3;
	v24 =	vadd.s32 v17, v5;
	v60 =	vand.u32 $0x7, v59;
	v39 =	vand.u32 $0x18, v59;
	v29 =	vld.idx.msk [tilespmem:v36+s26+$0x0], $0xffff  }
0x22f: {  	v61 =	vadd.s32 s7, v0;
	v17 =	vadd.s32 v39, v5;
	v44 =	vor.u32 v23, v44;
	v31 =	vld.idx.msk [tilespmem:v35+s26+$0x0], $0xffff  }
0x230: {  	v62 =	vand.u32 $0x1F, v61;
	v38 =	vor.u32 v23, v38;
	v35 =	vor.u32 v60, v17;
	v32 =	vld.idx.msk [tilespmem:v32+s26+$0x0], $0xffff  }
0x231: {  	v63 =	vor.u32 v33, v24;
	v23 =	vadd.s32 v12, v53;
	v17 =	vand.u32 $0x18, v61;
	v22 =	vld.idx.msk [tilespmem:v22+s26+$0x0], $0xffff  }
0x232: {  	v26 =	vadd.s32 v53, v15;
	v25 =	vand.u32 $0x7, v51;
	v36 =	vor.u32 v30, v42;
	v34 =	vld.idx.msk [tilespmem:v34+s26+$0x0], $0xffff  }
0x233: {  	v33 =	vor.u32 v33, v50;
	v24 =	vor.u32 v25, v45;
	v30 =	vor.u32 v30, v40;
	v37 =	vld.idx.msk [tilespmem:v37+s26+$0x0], $0xffff  }
0x234: {  	v25 =	vor.u32 v25, v28;
	v40 =	vand.u32 $0x7, v52;
	v29 =	vmul.f32 v29, v11;
	v3 =	vld.idx.msk [tilespmem:v3+s26+$0x0], $0xffff  }
0x235: {  	v28 =	vor.u32 v40, v27;
	v27 =	vadd.s32 v48, v5;
	v31 =	vmul.f32 v31, v14;
	v42 =	vld.idx.msk [tilespmem:v49+s26+$0x0], $0xffff  }
0x236: {  	v27 =	vor.u32 v40, v27;
	v40 =	vand.u32 $0x7, v57;
	v32 =	vmul.f32 v32, v11;
	[tilespmem:v20+s19+$0x0] =	vst.idx.msk $0xffff, v29  }
0x237: {  	v29 =	vor.u32 v40, v46;
	v20 =	vmul.f32 v22, v14;
	[tilespmem:v13+s19+$0x0] =	vst.idx.msk $0xffff, v31;
	v13 =	vmov v35  }
0x238: {  	v31 =	vor.u32 v40, v56;
	v40 =	vand.u32 $0x1F, v47;
	v34 =	vmul.f32 v34, v11;
	[tilespmem:v30+s19+$0x0] =	vst.idx.msk $0xffff, v32  }
0x239: {  	v30 =	vand.u32 $0x1F, v59;
	v22 =	vor.u32 v40, v7;
	v32 =	vmul.f32 v37, v14;
	[tilespmem:v36+s19+$0x0] =	vst.idx.msk $0xffff, v20  }
0x23a: {  	v36 =	vor.u32 v30, v8;
	v3 =	vmul.f32 v3, v11;
	[tilespmem:v33+s19+$0x0] =	vst.idx.msk $0xffff, v34  }
0x23b: {  	v35 =	vor.u32 v30, v7;
	v30 =	vmul.f32 v42, v14;
	[tilespmem:v63+s19+$0x0] =	vst.idx.msk $0xffff, v32  }
0x23c: {  	v20 =	vadd.s32 v6, v39;
	v32 =	vor.u32 v40, v8;
	[tilespmem:v38+s19+$0x0] =	vst.idx.msk $0xffff, v3  }
.Ltmp7:
0x23d: {  	v20 =	vor.u32 v60, v20;
	[tilespmem:v44+s19+$0x0] =	vst.idx.msk $0xffff, v30;
	(pc) =	sbr.rel @p0 .LBB2_18-.Ltmp7, $4  }
0x23e: {  	v39 =	vadd.s32 s3, v0;
	v34 =	vor.u32 v62, v8;
	v30 =	vand.u32 $0x7, v47;
	v45 =	vld.idx.msk [tilespmem:v55+s26+$0x0], $0xffff  }
0x23f: {  	v37 =	vor.u32 v62, v7;
	v3 =	vand.u32 $0x18, v39;
	v47 =	vld.idx.msk [tilespmem:v43+s26+$0x0], $0xffff  }
0x240: {  	v33 =	vand.u32 $0x7, v61;
	v38 =	vadd.s32 v6, v3;
	v43 =	vand.u32 $0x1F, v39;
	v46 =	vld.idx.msk [tilespmem:v54+s26+$0x0], $0xffff  }
0x241: {  	v42 =	vadd.s32 v58, v5;
	v40 =	vadd.s32 v6, v58;
	v44 =	vadd.s32 v3, v5;
	v48 =	vld.idx.msk [tilespmem:v41+s26+$0x0], $0xffff  }
0x242: {  	_ =	sdelay $0x3  }
0x243: {  	v3 =	vld.idx.msk [tilespmem:v21+s26+$0x0], $0xffff  }
0x244: {  	v9 =	vld.idx.msk [tilespmem:v19+s26+$0x0], $0xffff;
	v10 =	vmul.f32 v47, v11  }
0x245: {  	v12 =	vld.idx.msk [tilespmem:v18+s26+$0x0], $0xffff;
	v15 =	vmul.f32 v45, v14  }
0x246: {  	v16 =	vld.idx.msk [tilespmem:v16+s26+$0x0], $0xffff;
	v53 =	vmul.f32 v46, v11;
	[tilespmem:v23+s19+$0x0] =	vst.idx.msk $0xffff, v10  }
0x247: {  	v54 =	vmul.f32 v48, v14;
	[tilespmem:v26+s19+$0x0] =	vst.idx.msk $0xffff, v15  }
0x248: {  	v3 =	vmul.f32 v3, v11;
	[tilespmem:v24+s19+$0x0] =	vst.idx.msk $0xffff, v53  }
0x249: {  	v9 =	vmul.f32 v9, v14;
	[tilespmem:v25+s19+$0x0] =	vst.idx.msk $0xffff, v54  }
0x24a: {  	v55 =	vmul.f32 v12, v11;
	[tilespmem:v28+s19+$0x0] =	vst.idx.msk $0xffff, v3  }
0x24b: {  	v3 =	vmul.f32 v16, v14;
	[tilespmem:v27+s19+$0x0] =	vst.idx.msk $0xffff, v9  }
0x24c: {  	[tilespmem:v29+s19+$0x0] =	vst.idx.msk $0xffff, v55  }
0x24d: {  	[tilespmem:v31+s19+$0x0] =	vst.idx.msk $0xffff, v3  }
0x24e: {  	v3 =	vld.idx.msk [tilespmem:v36+s26+$0x0], $0xffff  }
0x24f: {  	v8 =	vor.u32 v43, v8;
	v9 =	vld.idx.msk [tilespmem:v35+s26+$0x0], $0xffff  }
0x250: {  	v7 =	vor.u32 v43, v7;
	v10 =	vld.idx.msk [tilespmem:v32+s26+$0x0], $0xffff  }
0x251: {  	v56 =	vld.idx.msk [tilespmem:v22+s26+$0x0], $0xffff  }
0x252: {  	v58 =	vor.u32 v30, v40;
	v6 =	vadd.s32 v6, v17;
	v15 =	vld.idx.msk [tilespmem:v34+s26+$0x0], $0xffff  }
0x253: {  	v59 =	vor.u32 v30, v42;
	v5 =	vadd.s32 v17, v5;
	v57 =	vld.idx.msk [tilespmem:v37+s26+$0x0], $0xffff;
	v3 =	vmul.f32 v3, v11  }
0x254: {  	v60 =	vand.u32 $0x7, v39;
	v6 =	vor.u32 v33, v6;
	v8 =	vld.idx.msk [tilespmem:v8+s26+$0x0], $0xffff;
	v9 =	vmul.f32 v9, v14  }
0x255: {  	v5 =	vor.u32 v33, v5;
	v7 =	vld.idx.msk [tilespmem:v7+s26+$0x0], $0xffff;
	v10 =	vmul.f32 v10, v11;
	[tilespmem:v20+s19+$0x0] =	vst.idx.msk $0xffff, v3  }
0x256: {  	s5 =	sadd.s32 $0x1, s5;
	v12 =	vmul.f32 v56, v14;
	v3 =	vor.u32 v60, v38;
	[tilespmem:v13+s19+$0x0] =	vst.idx.msk $0xffff, v9  }
0x257: {  	v61 =	vor.u32 v60, v44;
	p0 =	sne.s32 s5, $0x5;
	v62 =	vmul.f32 v15, v11;
	[tilespmem:v58+s19+$0x0] =	vst.idx.msk $0xffff, v10  }
.Ltmp8:
0x258: {  	v63 =	vmul.f32 v57, v14;
	[tilespmem:v59+s19+$0x0] =	vst.idx.msk $0xffff, v12;
	(pc) =	sbr.rel @p0 .LBB2_15-.Ltmp8, $4  }
0x259: {  	v8 =	vmul.f32 v8, v11;
	[tilespmem:v6+s19+$0x0] =	vst.idx.msk $0xffff, v62  }
0x25a: {  	v6 =	vmul.f32 v7, v14;
	[tilespmem:v5+s19+$0x0] =	vst.idx.msk $0xffff, v63  }
0x25b: {  	[tilespmem:v3+s19+$0x0] =	vst.idx.msk $0xffff, v8  }
0x25c: {  	[tilespmem:v61+s19+$0x0] =	vst.idx.msk $0xffff, v6  }
0x25d: {  	[spmem:s2] =	stream.indirect.scatter.add.f32 [tilespmem:s19], [sflag:$0x3], $0x48, s1, s23, $0xb8;
	[tilespmem:$0x15B80] =	vst v63  }
0x25e: {  	_ =	swait.ge [sflag:s22], $0xA0  }
0x25f: {  	[sflag:s22] =	ssyncset.done $0x0  }
0x260: {  	[sflag:s22] =	ssyncadd.s32 $0xFFFFFF60  }
0x261: {  	[tilespmem:s24], [sflag:$0x1] =	stream.indirect.gather [hbm4b:s8+s23], $0x40, s21, s23, $0xb8;
	[tilespmem:$0x15B80] =	vst v63  }
0x262: {  	_ = 	snop  }
0x263: {  	[tilespmem:s26], [sflag:$0x1] =	stream.indirect.gather [hbm4b:s9+s23], $0x80, s25, s23, $0xb8;
	[tilespmem:$0x15B80] =	vst v63  }
0x264: {  	_ =	swait.ge [sflag:s0], $0x1400  }
0x265: {  	[sflag:s0] =	ssyncset.done $0x0  }
0x266: {  	[sflag:s0] =	ssyncadd.s32 $0xFFFFEC00  }
0x267: {  	_ =	swait.ge [sflag:s0], $0x2800  }
0x268: {  	[sflag:s0] =	ssyncset.done $0x0  }
0x269: {  	s3 =	sadd.s32 s17, s14;
	[sflag:s0] =	ssyncadd.s32 $0xFFFFD800  }
0x26a: {  	s3 =	smul.u32 $0x14, s3;
	_ =	swait.ge [sflag:s16], $0x1680  }
0x26b: {  	[sflag:s16] =	ssyncset.done $0x0  }
0x26c: {  	s5 =	simm.s32 $0x0;
	s3 =	sadd.s32 s4, s3;
	[sflag:s16] =	ssyncadd.s32 $0xFFFFE980  }
0x26d: {  	[tilespmem:s28], [sflag:$0x2] =	stream.linear.gather [hbm4b:s3+s5], $0xA0, $0x38;
	[tilespmem:$0x15B80] =	vst v63  }
.LBB2_21:
0x26e: {  	s3 =	sshll.u32 s5, $0x4;
	s7 =	simm.s32 $0x7;
	v21 =	vimm.f32 $0.0e+00;
	s17 =	simm.s32 $0x0  }
0x26f: {  	s18 =	simm.s32 $0x3;
	v6 =	vor.u32 s3, v0;
	v3 =	vadd.s32 s7, v0;
	v8 =	vadd.s32 s17, v0  }
0x270: {  	s15 =	simm.s32 $0x6;
	v24 =	vadd.s32 s18, v0;
	v13 =	vshll.u32 v6, $0x6;
	v5 =	vshll.u32 v6, $0x7  }
0x271: {  	s7 =	simm.s32 $0x5;
	v7 =	vand.u32 $0x7, v3;
	v11 =	vand.u32 $0x18, v3;
	v3 =	vadd.s32 s15, v0  }
0x272: {  	s17 =	simm.s32 $0x2;
	v19 =	vadd.s32 s7, v0;
	v8 =	vand.u32 $0x18, v8;
	v10 =	vor.u32 v13, v7  }
0x273: {  	s18 =	simm.s32 $0x1;
	v32 =	vadd.s32 s17, v0;
	v9 =	vor.u32 v5, v7;
	v7 =	vor.u32 v11, v10  }
0x274: {  	v26 =	vadd.s32 s18, v0;
	v14 =	vor.u32 v1, v13;
	v23 =	vor.u32 v11, v9  }
0x275: {  	v36 =	vand.u32 $0x7, v24;
	v15 =	vor.u32 v1, v5;
	v27 =	vor.u32 v8, v14  }
0x276: {  	v16 =	vor.u32 v2, v13;
	v18 =	vor.u32 v2, v5;
	v29 =	vor.u32 v8, v15  }
0x277: {  	v12 =	vand.u32 $0x18, v3;
	v3 =	vand.u32 $0x7, v3;
	v31 =	vor.u32 v16, v8  }
0x278: {  	v17 =	vand.u32 $0x18, v19;
	v20 =	vor.u32 v13, v3;
	v33 =	vor.u32 v18, v8;
	v7 =	vld.idx.msk [tilespmem:v7+s29+$0x0], $0xffff  }
0x279: {  	s15 =	simm.s32 $0x4;
	v19 =	vand.u32 $0x7, v19;
	v22 =	vor.u32 v5, v3;
	v3 =	vor.u32 v12, v20;
	v8 =	vld.idx.msk [tilespmem:v23+s31+$0x0], $0xffff  }
0x27a: {  	v25 =	vadd.s32 s15, v0;
	v30 =	vor.u32 v13, v19;
	v34 =	vor.u32 v12, v22;
	v27 =	vld.idx.msk [tilespmem:v27+s29+$0x0], $0xffff  }
0x27b: {  	v28 =	vor.u32 v5, v19;
	v42 =	vor.u32 v17, v30;
	v23 =	vand.u32 $0x7, v25;
	v29 =	vld.idx.msk [tilespmem:v29+s31+$0x0], $0xffff  }
0x27c: {  	v37 =	vand.u32 $0x18, v25;
	v31 =	vld.idx.msk [tilespmem:v31+s29+$0x0], $0xffff;
	v25 =	vor.u32 v17, v28;
	v35 =	vor.u32 v13, v23  }
0x27d: {  	v40 =	vand.u32 $0x18, v24;
	v33 =	vld.idx.msk [tilespmem:v33+s31+$0x0], $0xffff;
	v38 =	vor.u32 v5, v23;
	v44 =	vor.u32 v37, v35  }
0x27e: {  	v39 =	vor.u32 v13, v36;
	v41 =	vor.u32 v5, v36;
	v19 =	vld.idx.msk [tilespmem:v3+s29+$0x0], $0xffff;
	v45 =	vor.u32 v37, v38  }
0x27f: {  	v36 =	vand.u32 $0x18, v32;
	v43 =	vor.u32 v40, v39;
	v3 =	vand.u32 $0x7, v32;
	v23 =	vld.idx.msk [tilespmem:v34+s31+$0x0], $0xffff  }
0x280: {  	v48 =	vand.u32 $0x7, v26;
	v47 =	vor.u32 v40, v41;
	v24 =	vld.idx.msk [tilespmem:v42+s29+$0x0], $0xffff;
	v34 =	vor.u32 v13, v3  }
0x281: {  	s17 =	simm.s32 $0xF;
	v32 =	vimm.f32 $0.0e+00;
	v42 =	vor.u32 v5, v3;
	v46 =	vor.u32 v36, v34;
	v25 =	vld.idx.msk [tilespmem:v25+s31+$0x0], $0xffff  }
.LBB2_22:
0x282: {  	p0 =	sne.s32 s17, $0x1F;
	v3 =	vand.u32 $0x18, v26;
	v26 =	vor.u32 v13, v48;
	v49 =	vor.u32 v36, v42;
	v44 =	vld.idx.msk [tilespmem:v44+s29+$0x0], $0xffff  }
0x283: {  	v50 =	vadd.s32 s17, v0;
	v48 =	vor.u32 v5, v48;
	v51 =	vor.u32 v3, v26;
	v45 =	vld.idx.msk [tilespmem:v45+s31+$0x0], $0xffff  }
0x284: {  	s3 =	sadd.s32 $0xFFFFFFFF, s17;
	v52 =	vand.u32 $0x18, v50;
	v53 =	vor.u32 v3, v48;
	v3 =	vor.u32 $0x20, v3;
	v43 =	vld.idx.msk [tilespmem:v43+s29+$0x0], $0xffff  }
0x285: {  	s7 =	sadd.s32 $0xFFFFFFFE, s17;
	v54 =	vadd.s32 s3, v0;
	v50 =	vand.u32 $0x7, v50;
	v55 =	vor.u32 v3, v26;
	v47 =	vld.idx.msk [tilespmem:v47+s31+$0x0], $0xffff  }
0x286: {  	s15 =	sadd.s32 $0xFFFFFFFD, s17;
	s3 =	sadd.s32 $0xFFFFFFFC, s17;
	v56 =	vadd.s32 s7, v0;
	v3 =	vor.u32 v3, v48;
	v26 =	vor.u32 $0x20, v36;
	v46 =	vld.idx.msk [tilespmem:v46+s29+$0x0], $0xffff  }
0x287: {  	s7 =	sadd.s32 $0xFFFFFFFB, s17;
	v36 =	vadd.s32 s3, v0;
	v48 =	vadd.s32 s15, v0;
	v57 =	vor.u32 v26, v34;
	v49 =	vld.idx.msk [tilespmem:v49+s31+$0x0], $0xffff  }
0x288: {  	v40 =	vor.u32 $0x20, v40;
	s3 =	sadd.s32 $0xFFFFFFF9, s17;
	s15 =	sadd.s32 $0xFFFFFFFA, s17;
	v34 =	vadd.s32 s7, v0;
	v42 =	vor.u32 v26, v42;
	v51 =	vld.idx.msk [tilespmem:v51+s29+$0x0], $0xffff  }
0x289: {  	v39 =	vor.u32 v40, v39;
	v58 =	vadd.s32 s3, v0;
	v26 =	vadd.s32 s15, v0;
	v53 =	vld.idx.msk [tilespmem:v53+s31+$0x0], $0xffff  }
0x28a: {  	v37 =	vor.u32 $0x20, v37;
	v40 =	vor.u32 v40, v41;
	v59 =	vor.u32 v13, v50;
	v55 =	vld.idx.msk [tilespmem:v55+s29+$0x0], $0xffff  }
0x28b: {  	v35 =	vor.u32 v37, v35;
	v41 =	vor.u32 v5, v50;
	v50 =	vor.u32 $0x20, v11;
	v11 =	vmovc v52;
	v3 =	vld.idx.msk [tilespmem:v3+s31+$0x0], $0xffff  }
0x28c: {  	v37 =	vor.u32 v37, v38;
	v38 =	vor.u32 $0x20, v17;
	v52 =	vand.u32 $0x18, v54;
	v57 =	vld.idx.msk [tilespmem:v57+s29+$0x0], $0xffff  }
0x28d: {  	v17 =	vand.u32 $0x18, v56;
	v54 =	vand.u32 $0x7, v54;
	v30 =	vor.u32 v38, v30;
	v42 =	vld.idx.msk [tilespmem:v42+s31+$0x0], $0xffff  }
0x28e: {  	v56 =	vand.u32 $0x7, v56;
	v28 =	vor.u32 v38, v28;
	v38 =	vor.u32 $0x20, v12;
	v12 =	vmovc v52;
	v39 =	vld.idx.msk [tilespmem:v39+s29+$0x0], $0xffff  }
0x28f: {  	v27 =	vmul.f32 v29, v27;
	v29 =	vmul.f32 v33, v31;
	v20 =	vor.u32 v38, v20;
	v31 =	vld.idx.msk [tilespmem:v40+s31+$0x0], $0xffff  }
0x290: {  	v22 =	vor.u32 v38, v22;
	v38 =	vor.u32 v50, v10;
	v33 =	vmul.f32 v53, v51;
	v35 =	vld.idx.msk [tilespmem:v35+s29+$0x0], $0xffff  }
0x291: {  	v21 =	vadd.f32 v27, v21;
	v27 =	vadd.f32 v29, v32;
	v3 =	vmul.f32 v3, v55;
	v29 =	vld.idx.msk [tilespmem:v37+s31+$0x0], $0xffff  }
0x292: {  	v10 =	vmovc v59;
	v32 =	vmul.f32 v49, v46;
	v40 =	vand.u32 $0x7, v48;
	v37 =	vor.u32 v50, v9;
	v30 =	vld.idx.msk [tilespmem:v30+s29+$0x0], $0xffff  }
0x293: {  	v21 =	vadd.f32 v33, v21;
	v3 =	vadd.f32 v3, v27;
	v27 =	vmul.f32 v42, v57;
	v28 =	vld.idx.msk [tilespmem:v28+s31+$0x0], $0xffff  }
0x294: {  	v43 =	vmul.f32 v47, v43;
	v33 =	vand.u32 $0x18, v58;
	v9 =	vmovc v41;
	v42 =	vor.u32 v11, v10;
	v46 =	vld.idx.msk [tilespmem:v20+s29+$0x0], $0xffff  }
0x295: {  	v21 =	vadd.f32 v32, v21;
	v3 =	vadd.f32 v27, v3;
	v27 =	vmul.f32 v31, v39;
	v31 =	vld.idx.msk [tilespmem:v22+s31+$0x0], $0xffff  }
0x296: {  	v32 =	vor.u32 v11, v9;
	v20 =	vor.u32 v13, v54;
	v39 =	vmul.f32 v45, v44;
	v38 =	vld.idx.msk [tilespmem:v38+s29+$0x0], $0xffff  }
0x297: {  	v21 =	vadd.f32 v43, v21;
	v3 =	vadd.f32 v27, v3;
	v27 =	vmul.f32 v29, v35;
	v29 =	vld.idx.msk [tilespmem:v37+s31+$0x0], $0xffff  }
0x298: {  	v24 =	vmul.f32 v25, v24;
	v22 =	vor.u32 v5, v54;
	v35 =	vor.u32 v33, v14  }
0x299: {  	v21 =	vadd.f32 v39, v21;
	v3 =	vadd.f32 v27, v3;
	v25 =	vmul.f32 v28, v30  }
0x29a: {  	v19 =	vmul.f32 v23, v19;
	v39 =	vor.u32 v16, v33;
	v37 =	vor.u32 v33, v15  }
0x29b: {  	v21 =	vadd.f32 v24, v21;
	v3 =	vadd.f32 v25, v3;
	v23 =	vmul.f32 v31, v46  }
0x29c: {  	v24 =	vor.u32 v18, v33;
	v25 =	vor.u32 v12, v20;
	v31 =	vmul.f32 v8, v7;
	v7 =	vld.idx.msk [tilespmem:v42+s29+$0x0], $0xffff  }
0x29d: {  	v19 =	vadd.f32 v19, v21;
	v3 =	vadd.f32 v23, v3;
	v23 =	vmul.f32 v29, v38;
	v8 =	vld.idx.msk [tilespmem:v32+s31+$0x0], $0xffff  }
0x29e: {  	v30 =	vor.u32 v13, v56;
	v28 =	vor.u32 v5, v56;
	v42 =	vor.u32 v12, v22;
	v27 =	vld.idx.msk [tilespmem:v35+s29+$0x0], $0xffff  }
0x29f: {  	v46 =	vor.u32 v17, v30;
	v21 =	vadd.f32 v31, v19;
	v32 =	vadd.f32 v23, v3;
	v29 =	vld.idx.msk [tilespmem:v37+s31+$0x0], $0xffff  }
0x2a0: {  	v35 =	vor.u32 v13, v40;
	v3 =	vor.u32 v17, v28;
	v37 =	vand.u32 $0x18, v48;
	v31 =	vld.idx.msk [tilespmem:v39+s29+$0x0], $0xffff  }
.Ltmp9:
0x2a1: {  	v38 =	vor.u32 v5, v40;
	v23 =	vand.u32 $0x7, v36;
	v44 =	vor.u32 v37, v35;
	v33 =	vld.idx.msk [tilespmem:v24+s31+$0x0], $0xffff;
	(pc) =	sbr.rel @p0 .LBB2_22-.Ltmp9, $4  }
0x2a2: {  	v40 =	vand.u32 $0x18, v36;
	v39 =	vor.u32 v13, v23;
	v45 =	vor.u32 v37, v38;
	v19 =	vld.idx.msk [tilespmem:v25+s29+$0x0], $0xffff  }
0x2a3: {  	v41 =	vor.u32 v5, v23;
	v43 =	vor.u32 v40, v39;
	v25 =	vand.u32 $0x7, v34;
	v23 =	vld.idx.msk [tilespmem:v42+s31+$0x0], $0xffff  }
0x2a4: {  	v36 =	vand.u32 $0x18, v34;
	v47 =	vor.u32 v40, v41;
	v34 =	vor.u32 v13, v25;
	v24 =	vld.idx.msk [tilespmem:v46+s29+$0x0], $0xffff  }
0x2a5: {  	s17 =	sadd.s32 $0x8, s17;
	v48 =	vand.u32 $0x7, v26;
	v42 =	vor.u32 v5, v25;
	v46 =	vor.u32 v36, v34;
	v25 =	vld.idx.msk [tilespmem:v3+s31+$0x0], $0xffff  }
0x2a6: {  	_ =	sdelay $0x3  }
0x2a7: {  	v3 =	vand.u32 $0x18, v26;
	v13 =	vor.u32 v13, v48;
	v14 =	vor.u32 v36, v42;
	v15 =	vld.idx.msk [tilespmem:v44+s29+$0x0], $0xffff  }
0x2a8: {  	v18 =	vor.u32 v5, v48;
	v26 =	vld.idx.msk [tilespmem:v45+s31+$0x0], $0xffff;
	v16 =	vor.u32 v3, v13  }
0x2a9: {  	v43 =	vld.idx.msk [tilespmem:v43+s29+$0x0], $0xffff;
	v51 =	vor.u32 $0x20, v36;
	v49 =	vor.u32 v3, v18  }
0x2aa: {  	v50 =	vld.idx.msk [tilespmem:v47+s31+$0x0], $0xffff;
	v3 =	vor.u32 $0x20, v3;
	v34 =	vor.u32 v51, v34  }
0x2ab: {  	v36 =	vor.u32 v51, v42;
	v13 =	vor.u32 v3, v13;
	v3 =	vor.u32 v3, v18;
	v18 =	vld.idx.msk [tilespmem:v46+s29+$0x0], $0xffff  }
0x2ac: {  	v14 =	vld.idx.msk [tilespmem:v14+s31+$0x0], $0xffff  }
0x2ad: {  	v40 =	vor.u32 $0x20, v40;
	v16 =	vld.idx.msk [tilespmem:v16+s29+$0x0], $0xffff  }
0x2ae: {  	v11 =	vor.u32 $0x20, v11;
	v39 =	vor.u32 v40, v39;
	v52 =	vld.idx.msk [tilespmem:v49+s31+$0x0], $0xffff  }
0x2af: {  	v10 =	vor.u32 v11, v10;
	v34 =	vld.idx.msk [tilespmem:v34+s29+$0x0], $0xffff  }
0x2b0: {  	v9 =	vor.u32 v11, v9;
	v36 =	vld.idx.msk [tilespmem:v36+s31+$0x0], $0xffff  }
0x2b1: {  	v37 =	vor.u32 $0x20, v37;
	v40 =	vor.u32 v40, v41;
	v13 =	vld.idx.msk [tilespmem:v13+s29+$0x0], $0xffff  }
0x2b2: {  	v17 =	vor.u32 $0x20, v17;
	v27 =	vmul.f32 v29, v27;
	v12 =	vor.u32 $0x20, v12;
	v3 =	vld.idx.msk [tilespmem:v3+s31+$0x0], $0xffff  }
0x2b3: {  	v7 =	vmul.f32 v8, v7;
	v6 =	vmul.u32 $0x48, v6;
	v35 =	vor.u32 v37, v35;
	v29 =	vld.idx.msk [tilespmem:v39+s29+$0x0], $0xffff  }
0x2b4: {  	v37 =	vor.u32 v37, v38;
	v30 =	vor.u32 v17, v30;
	v17 =	vor.u32 v17, v28;
	v10 =	vld.idx.msk [tilespmem:v10+s29+$0x0], $0xffff  }
0x2b5: {  	s17 =	simm.s32 $0x6;
	v28 =	vmul.f32 v33, v31;
	v20 =	vor.u32 v12, v20;
	v12 =	vor.u32 v12, v22;
	v9 =	vld.idx.msk [tilespmem:v9+s31+$0x0], $0xffff  }
0x2b6: {  	v61 =	vadd.s32 s17, v0;
	v21 =	vadd.f32 v27, v21;
	v31 =	vld.idx.msk [tilespmem:v40+s31+$0x0], $0xffff;
	v16 =	vmul.f32 v52, v16  }
0x2b7: {  	v63 =	vand.u32 $0x1F, v61;
	v22 =	vadd.f32 v28, v32;
	v3 =	vmul.f32 v3, v13  }
0x2b8: {  	v33 =	vand.u32 $0x7, v61;
	v27 =	vld.idx.msk [tilespmem:v35+s29+$0x0], $0xffff;
	v14 =	vmul.f32 v14, v18;
	v16 =	vadd.f32 v16, v21  }
0x2b9: {  	v15 =	vmul.f32 v26, v15;
	v11 =	vmul.f32 v36, v34;
	v13 =	vld.idx.msk [tilespmem:v37+s31+$0x0], $0xffff;
	v3 =	vadd.f32 v3, v22  }
0x2ba: {  	v17 =	vld.idx.msk [tilespmem:v17+s31+$0x0], $0xffff;
	v9 =	vmul.f32 v9, v10;
	v21 =	vmul.f32 v50, v43;
	v14 =	vadd.f32 v14, v16  }
0x2bb: {  	s15 =	simm.s32 $0x2;
	v18 =	vld.idx.msk [tilespmem:v30+s29+$0x0], $0xffff;
	v10 =	vor.u32 v4, v5;
	v3 =	vadd.f32 v11, v3;
	v11 =	vmul.f32 v31, v29  }
0x2bc: {  	s18 =	simm.s32 $0x3;
	v22 =	vadd.s32 s15, v0;
	s15 =	simm.s32 $0x4;
	v16 =	vld.idx.msk [tilespmem:v20+s29+$0x0], $0xffff;
	v20 =	vadd.s32 $0x41, v6;
	v14 =	vadd.f32 v21, v14  }
0x2bd: {  	v12 =	vld.idx.msk [tilespmem:v12+s31+$0x0], $0xffff;
	v59 =	vadd.s32 s15, v0;
	v29 =	vadd.s32 s18, v0;
	v3 =	vadd.f32 v11, v3  }
0x2be: {  	v11 =	vmul.f32 v13, v27;
	v13 =	vmul.f32 v25, v24;
	v14 =	vadd.f32 v15, v14  }
0x2bf: {  	v60 =	vand.u32 $0x18, v59;
	v62 =	vand.u32 $0x7, v59;
	v15 =	vmul.f32 v23, v19  }
0x2c0: {  	s18 =	simm.s32 $0x7;
	v3 =	vadd.f32 v11, v3;
	v11 =	vmul.f32 v17, v18;
	v13 =	vadd.f32 v13, v14  }
0x2c1: {  	v34 =	vand.u32 $0x1F, v59;
	v39 =	vadd.s32 s18, v0;
	v27 =	vand.u32 $0x18, v22  }
0x2c2: {  	v3 =	vadd.f32 v11, v3;
	v11 =	vmul.f32 v12, v16;
	v8 =	vadd.f32 v15, v13  }
0x2c3: {  	v43 =	vand.u32 $0x1F, v39;
	v19 =	vand.u32 $0x1F, v22;
	v28 =	vadd.s32 v6, v27  }
0x2c4: {  	s7 =	simm.s32 $0x1;
	v22 =	vand.u32 $0x7, v22;
	v3 =	vadd.f32 v11, v3;
	v7 =	vadd.f32 v7, v8  }
0x2c5: {  	v28 =	vor.u32 v22, v28;
	v14 =	vadd.s32 s7, v0;
	v12 =	vor.u32 v1, v6  }
0x2c6: {  	s7 =	simm.s32 $0x5;
	v17 =	vand.u32 $0x18, v14;
	v3 =	vadd.f32 v9, v3;
	v7 =	vmax.f32 v7, $-1.000000000e+01  }
0x2c7: {  	v56 =	vadd.s32 s7, v0;
	v15 =	vadd.s32 v2, v6;
	v7 =	vmin.f32 v7, $1.000000000e+01  }
0x2c8: {  	v13 =	vand.u32 $0x1F, v14;
	v3 =	vmax.f32 v3, $-1.000000000e+01;
	v7 =	vmul.f32 $1.442695020e+00, v7  }
0x2c9: {  	v24 =	vadd.s32 v6, v17;
	v58 =	vand.u32 $0x18, v56;
	v3 =	vmin.f32 v3, $1.000000000e+01  }
0x2ca: {  	s3 =	simm.s32 $0x0;
	v14 =	vand.u32 $0x7, v14;
	v3 =	vmul.f32 $1.442695020e+00, v3;
	(erf) = vpow2.f32 v7;
	v7 =	vld [tilespmem:$0x1FFF0]  }
0x2cb: {  	v11 =	vadd.s32 s3, v0;
	v24 =	vor.u32 v14, v24;
	v40 =	vadd.s32 v6, v58  }
0x2cc: {  	v8 =	vor.u32 $0x40, v5;
	v11 =	vand.u32 $0x18, v11;
	(erf) = vpow2.f32 v3  }
0x2cd: {  	v30 =	vor.u32 v10, v11;
	v55 =	vor.u32 v13, v8;
	v21 =	vor.u32 v19, v8  }
0x2ce: {  	v23 =	vadd.s32 v12, v11;
	v26 =	vadd.s32 v11, v15;
	v36 =	vor.u32 v34, v8  }
0x2cf: {  	v3 =	vadd.s32 $0x40, v6;
	v9 =	vor.u32 v7, v5;
	v7 =	vor.u32 $0x60, v5  }
0x2d0: {  	v5 =	vadd.s32 $0x20, v6;
	v53 =	vor.u32 v9, v11;
	v54 =	vor.u32 v13, v7  }
0x2d1: {  	v13 =	vand.u32 $0x1F, v29;
	v19 =	vor.u32 v19, v7;
	v25 =	vadd.s32 v17, v5  }
0x2d2: {  	v27 =	vadd.s32 v27, v5;
	v35 =	vor.u32 v34, v7;
	v34 =	vor.u32 v63, v8  }
0x2d3: {  	v37 =	vor.u32 v63, v7;
	v42 =	vadd.s32 v58, v5;
	v18 =	vor.u32 v13, v8  }
0x2d4: {  	v16 =	vor.u32 v13, v7;
	v13 =	vand.u32 $0x18, v29;
	v25 =	vor.u32 v14, v25;
	v11 =	vpop (erf)  }
0x2d5: {  	v17 =	vand.u32 $0x18, v61;
	v27 =	vor.u32 v22, v27;
	v31 =	vadd.s32 v6, v13;
	v14 =	vpop (erf);
	[tilespmem:v3+s20+$0x0] =	vst.idx.msk $0xffff, v11  }
0x2d6: {  	v57 =	vadd.s32 v13, v5;
	v13 =	vadd.s32 v60, v5;
	v3 =	vand.u32 $0x7, v29;
	[tilespmem:v20+s20+$0x0] =	vst.idx.msk $0xffff, v14  }
0x2d7: {  	v13 =	vor.u32 v62, v13;
	v29 =	vor.u32 v3, v31;
	v20 =	vand.u32 $0x1F, v56;
	v45 =	vld.idx.msk [tilespmem:v30+s31+$0x0], $0xffff  }
0x2d8: {  	v31 =	vor.u32 v3, v57;
	v3 =	vadd.s32 v6, v60;
	v22 =	vor.u32 v20, v7;
	v47 =	vld.idx.msk [tilespmem:v53+s31+$0x0], $0xffff  }
0x2d9: {  	v32 =	vor.u32 v20, v8;
	v20 =	vor.u32 v62, v3;
	v3 =	vand.u32 $0x18, v39;
	v46 =	vld.idx.msk [tilespmem:v55+s31+$0x0], $0xffff  }
0x2da: {  	s17 =	simm.s32 $0xF;
	v30 =	vand.u32 $0x7, v56;
	v48 =	vld.idx.msk [tilespmem:v54+s31+$0x0], $0xffff;
	v38 =	vadd.s32 v6, v3;
	v44 =	vadd.s32 v3, v5  }
.LBB2_24:
0x2db: {  	s3 =	sadd.s32 $0xFFFFFFF9, s17;
	s7 =	sadd.s32 $0xFFFFFFFA, s17;
	s15 =	sadd.s32 $0xFFFFFFFB, s17;
	v3 =	vor.u32 v43, v8;
	v49 =	vor.u32 v43, v7;
	v50 =	vadd.s32 v6, v17  }
0x2dc: {  	p0 =	sne.s32 s17, $0x1F;
	v41 =	vadd.s32 s3, v0;
	v51 =	vadd.s32 s7, v0;
	v52 =	vadd.s32 s15, v0;
	v21 =	vld.idx.msk [tilespmem:v21+s31+$0x0], $0xffff;
	s3 =	smov.u32 s17;
	s17 =	sadd.s32 $0x8, s17  }
0x2dd: {  	v45 =	vmul.f32 v45, v14;
	v53 =	vand.u32 $0x18, v41;
	v54 =	vand.u32 $0x1F, v51;
	s7 =	sadd.s32 $0xFFFFFFFC, s3;
	v19 =	vld.idx.msk [tilespmem:v19+s31+$0x0], $0xffff  }
0x2de: {  	v47 =	vmul.f32 v47, v11;
	v43 =	vor.u32 v9, v53;
	v55 =	vor.u32 v10, v53;
	v56 =	vld.idx.msk [tilespmem:v18+s31+$0x0], $0xffff  }
0x2df: {  	v41 =	vor.u32 v54, v7;
	v57 =	vadd.s32 s7, v0;
	v46 =	vmul.f32 v46, v11;
	v58 =	vld.idx.msk [tilespmem:v16+s31+$0x0], $0xffff  }
0x2e0: {  	v54 =	vor.u32 v54, v8;
	v16 =	vand.u32 $0x1F, v57;
	v48 =	vmul.f32 v48, v14;
	[tilespmem:v23+s20+$0x0] =	vst.idx.msk $0xffff, v47  }
0x2e1: {  	v18 =	vor.u32 v16, v8;
	v16 =	vor.u32 v16, v7;
	v23 =	vand.u32 $0x18, v51;
	[tilespmem:v26+s20+$0x0] =	vst.idx.msk $0xffff, v45  }
0x2e2: {  	v26 =	vand.u32 $0x1F, v52;
	v45 =	vadd.s32 v6, v23;
	v47 =	vmul.f32 v21, v11;
	[tilespmem:v24+s20+$0x0] =	vst.idx.msk $0xffff, v46  }
0x2e3: {  	v21 =	vor.u32 v26, v8;
	v24 =	vand.u32 $0x18, v57;
	v46 =	vmul.f32 v19, v14;
	[tilespmem:v25+s20+$0x0] =	vst.idx.msk $0xffff, v48  }
0x2e4: {  	s7 =	sadd.s32 $0xFFFFFFFE, s3;
	v19 =	vor.u32 v26, v7;
	v48 =	vand.u32 $0x18, v52;
	v25 =	vmul.f32 v56, v11;
	[tilespmem:v28+s20+$0x0] =	vst.idx.msk $0xffff, v47  }
0x2e5: {  	v28 =	vadd.s32 v23, v5;
	v47 =	vadd.s32 s7, v0;
	v23 =	vmul.f32 v58, v14;
	[tilespmem:v27+s20+$0x0] =	vst.idx.msk $0xffff, v46  }
0x2e6: {  	v56 =	vadd.s32 v24, v5;
	s7 =	sadd.s32 $0xFFFFFFFD, s3;
	v46 =	vadd.s32 v6, v24;
	v58 =	vand.u32 $0x18, v47;
	[tilespmem:v29+s20+$0x0] =	vst.idx.msk $0xffff, v25  }
0x2e7: {  	v27 =	vadd.s32 v6, v48;
	v59 =	vadd.s32 s7, v0;
	[tilespmem:v31+s20+$0x0] =	vst.idx.msk $0xffff, v23;
	v23 =	vand.u32 $0x7, v39  }
0x2e8: {  	s7 =	sadd.s32 $0xFFFFFFFF, s3;
	v24 =	vadd.s32 v17, v5;
	v60 =	vand.u32 $0x7, v59;
	v39 =	vand.u32 $0x18, v59;
	v29 =	vld.idx.msk [tilespmem:v36+s31+$0x0], $0xffff  }
0x2e9: {  	v61 =	vadd.s32 s7, v0;
	v17 =	vadd.s32 v39, v5;
	v44 =	vor.u32 v23, v44;
	v31 =	vld.idx.msk [tilespmem:v35+s31+$0x0], $0xffff  }
0x2ea: {  	v62 =	vand.u32 $0x1F, v61;
	v38 =	vor.u32 v23, v38;
	v35 =	vor.u32 v60, v17;
	v32 =	vld.idx.msk [tilespmem:v32+s31+$0x0], $0xffff  }
0x2eb: {  	v63 =	vor.u32 v33, v24;
	v23 =	vadd.s32 v12, v53;
	v17 =	vand.u32 $0x18, v61;
	v22 =	vld.idx.msk [tilespmem:v22+s31+$0x0], $0xffff  }
0x2ec: {  	v26 =	vadd.s32 v53, v15;
	v25 =	vand.u32 $0x7, v51;
	v36 =	vor.u32 v30, v42;
	v34 =	vld.idx.msk [tilespmem:v34+s31+$0x0], $0xffff  }
0x2ed: {  	v33 =	vor.u32 v33, v50;
	v24 =	vor.u32 v25, v45;
	v30 =	vor.u32 v30, v40;
	v37 =	vld.idx.msk [tilespmem:v37+s31+$0x0], $0xffff  }
0x2ee: {  	v25 =	vor.u32 v25, v28;
	v40 =	vand.u32 $0x7, v52;
	v29 =	vmul.f32 v29, v11;
	v3 =	vld.idx.msk [tilespmem:v3+s31+$0x0], $0xffff  }
0x2ef: {  	v28 =	vor.u32 v40, v27;
	v27 =	vadd.s32 v48, v5;
	v31 =	vmul.f32 v31, v14;
	v42 =	vld.idx.msk [tilespmem:v49+s31+$0x0], $0xffff  }
0x2f0: {  	v27 =	vor.u32 v40, v27;
	v40 =	vand.u32 $0x7, v57;
	v32 =	vmul.f32 v32, v11;
	[tilespmem:v20+s20+$0x0] =	vst.idx.msk $0xffff, v29  }
0x2f1: {  	v29 =	vor.u32 v40, v46;
	v20 =	vmul.f32 v22, v14;
	[tilespmem:v13+s20+$0x0] =	vst.idx.msk $0xffff, v31;
	v13 =	vmov v35  }
0x2f2: {  	v31 =	vor.u32 v40, v56;
	v40 =	vand.u32 $0x1F, v47;
	v34 =	vmul.f32 v34, v11;
	[tilespmem:v30+s20+$0x0] =	vst.idx.msk $0xffff, v32  }
0x2f3: {  	v30 =	vand.u32 $0x1F, v59;
	v22 =	vor.u32 v40, v7;
	v32 =	vmul.f32 v37, v14;
	[tilespmem:v36+s20+$0x0] =	vst.idx.msk $0xffff, v20  }
0x2f4: {  	v36 =	vor.u32 v30, v8;
	v3 =	vmul.f32 v3, v11;
	[tilespmem:v33+s20+$0x0] =	vst.idx.msk $0xffff, v34  }
0x2f5: {  	v35 =	vor.u32 v30, v7;
	v30 =	vmul.f32 v42, v14;
	[tilespmem:v63+s20+$0x0] =	vst.idx.msk $0xffff, v32  }
0x2f6: {  	v20 =	vadd.s32 v6, v39;
	v32 =	vor.u32 v40, v8;
	[tilespmem:v38+s20+$0x0] =	vst.idx.msk $0xffff, v3  }
.Ltmp10:
0x2f7: {  	v20 =	vor.u32 v60, v20;
	[tilespmem:v44+s20+$0x0] =	vst.idx.msk $0xffff, v30;
	(pc) =	sbr.rel @p0 .LBB2_24-.Ltmp10, $4  }
0x2f8: {  	v39 =	vadd.s32 s3, v0;
	v34 =	vor.u32 v62, v8;
	v30 =	vand.u32 $0x7, v47;
	v45 =	vld.idx.msk [tilespmem:v55+s31+$0x0], $0xffff  }
0x2f9: {  	v37 =	vor.u32 v62, v7;
	v3 =	vand.u32 $0x18, v39;
	v47 =	vld.idx.msk [tilespmem:v43+s31+$0x0], $0xffff  }
0x2fa: {  	v33 =	vand.u32 $0x7, v61;
	v38 =	vadd.s32 v6, v3;
	v43 =	vand.u32 $0x1F, v39;
	v46 =	vld.idx.msk [tilespmem:v54+s31+$0x0], $0xffff  }
0x2fb: {  	v42 =	vadd.s32 v58, v5;
	v40 =	vadd.s32 v6, v58;
	v44 =	vadd.s32 v3, v5;
	v48 =	vld.idx.msk [tilespmem:v41+s31+$0x0], $0xffff  }
0x2fc: {  	_ =	sdelay $0x3  }
0x2fd: {  	v3 =	vld.idx.msk [tilespmem:v21+s31+$0x0], $0xffff  }
0x2fe: {  	v9 =	vld.idx.msk [tilespmem:v19+s31+$0x0], $0xffff;
	v10 =	vmul.f32 v47, v11  }
0x2ff: {  	v12 =	vld.idx.msk [tilespmem:v18+s31+$0x0], $0xffff;
	v15 =	vmul.f32 v45, v14  }
0x300: {  	v16 =	vld.idx.msk [tilespmem:v16+s31+$0x0], $0xffff;
	v53 =	vmul.f32 v46, v11;
	[tilespmem:v23+s20+$0x0] =	vst.idx.msk $0xffff, v10  }
0x301: {  	v54 =	vmul.f32 v48, v14;
	[tilespmem:v26+s20+$0x0] =	vst.idx.msk $0xffff, v15  }
0x302: {  	v3 =	vmul.f32 v3, v11;
	[tilespmem:v24+s20+$0x0] =	vst.idx.msk $0xffff, v53  }
0x303: {  	v9 =	vmul.f32 v9, v14;
	[tilespmem:v25+s20+$0x0] =	vst.idx.msk $0xffff, v54  }
0x304: {  	v55 =	vmul.f32 v12, v11;
	[tilespmem:v28+s20+$0x0] =	vst.idx.msk $0xffff, v3  }
0x305: {  	v3 =	vmul.f32 v16, v14;
	[tilespmem:v27+s20+$0x0] =	vst.idx.msk $0xffff, v9  }
0x306: {  	[tilespmem:v29+s20+$0x0] =	vst.idx.msk $0xffff, v55  }
0x307: {  	[tilespmem:v31+s20+$0x0] =	vst.idx.msk $0xffff, v3  }
0x308: {  	v3 =	vld.idx.msk [tilespmem:v36+s31+$0x0], $0xffff  }
0x309: {  	v8 =	vor.u32 v43, v8;
	v9 =	vld.idx.msk [tilespmem:v35+s31+$0x0], $0xffff  }
0x30a: {  	v7 =	vor.u32 v43, v7;
	v10 =	vld.idx.msk [tilespmem:v32+s31+$0x0], $0xffff  }
0x30b: {  	v56 =	vld.idx.msk [tilespmem:v22+s31+$0x0], $0xffff  }
0x30c: {  	v58 =	vor.u32 v30, v40;
	v6 =	vadd.s32 v6, v17;
	v15 =	vld.idx.msk [tilespmem:v34+s31+$0x0], $0xffff  }
0x30d: {  	v59 =	vor.u32 v30, v42;
	v5 =	vadd.s32 v17, v5;
	v57 =	vld.idx.msk [tilespmem:v37+s31+$0x0], $0xffff;
	v3 =	vmul.f32 v3, v11  }
0x30e: {  	v60 =	vand.u32 $0x7, v39;
	v6 =	vor.u32 v33, v6;
	v8 =	vld.idx.msk [tilespmem:v8+s31+$0x0], $0xffff;
	v9 =	vmul.f32 v9, v14  }
0x30f: {  	v5 =	vor.u32 v33, v5;
	v7 =	vld.idx.msk [tilespmem:v7+s31+$0x0], $0xffff;
	v10 =	vmul.f32 v10, v11;
	[tilespmem:v20+s20+$0x0] =	vst.idx.msk $0xffff, v3  }
0x310: {  	s5 =	sadd.s32 $0x1, s5;
	v12 =	vmul.f32 v56, v14;
	v3 =	vor.u32 v60, v38;
	[tilespmem:v13+s20+$0x0] =	vst.idx.msk $0xffff, v9  }
0x311: {  	v61 =	vor.u32 v60, v44;
	p0 =	sne.s32 s5, $0x5;
	v62 =	vmul.f32 v15, v11;
	[tilespmem:v58+s20+$0x0] =	vst.idx.msk $0xffff, v10  }
.Ltmp11:
0x312: {  	v63 =	vmul.f32 v57, v14;
	[tilespmem:v59+s20+$0x0] =	vst.idx.msk $0xffff, v12;
	(pc) =	sbr.rel @p0 .LBB2_21-.Ltmp11, $4  }
0x313: {  	v8 =	vmul.f32 v8, v11;
	[tilespmem:v6+s20+$0x0] =	vst.idx.msk $0xffff, v62  }
0x314: {  	v6 =	vmul.f32 v7, v14;
	[tilespmem:v5+s20+$0x0] =	vst.idx.msk $0xffff, v63  }
0x315: {  	[tilespmem:v3+s20+$0x0] =	vst.idx.msk $0xffff, v8  }
0x316: {  	[tilespmem:v61+s20+$0x0] =	vst.idx.msk $0xffff, v6  }
0x317: {  	s6 =	sadd.s32 $0x1, s6  }
0x318: {  	p0 =	sne.s32 s6, $0x3E  }
.Ltmp12:
0x319: {  	_ = 	snop;
	(pc) =	sbr.rel @p0 .LBB2_2-.Ltmp12, $2  }
0x31a: {  	_ =	sdelay $0x2  }
0x31b: {  	[spmem:s2] =	stream.indirect.scatter.add.f32 [tilespmem:s20], [sflag:$0x3], $0x48, s10, s23, $0xb8;
	[tilespmem:$0x15B80] =	vst v63  }
0x31c: {  	_ =	swait.ge [sflag:s22], $0xA0  }
0x31d: {  	[sflag:s22] =	ssyncset.done $0x0  }
0x31e: {  	[sflag:s22] =	ssyncadd.s32 $0xFFFFFF60  }
0x31f: {  	[tilespmem:s29], [sflag:$0x1] =	stream.indirect.gather [hbm4b:s8+s23], $0x40, s28, s23, $0xb8;
	[tilespmem:$0x15B80] =	vst v63  }
0x320: {  	_ = 	snop  }
0x321: {  	[tilespmem:s31], [sflag:$0x1] =	stream.indirect.gather [hbm4b:s9+s23], $0x80, s30, s23, $0xb8;
	[tilespmem:$0x15B80] =	vst v63  }
0x322: {  	_ =	swait.ge [sflag:s0], $0x1400  }
0x323: {  	[sflag:s0] =	ssyncset.done $0x0  }
0x324: {  	[sflag:s0] =	ssyncadd.s32 $0xFFFFEC00  }
0x325: {  	_ =	swait.ge [sflag:s0], $0x2800  }
0x326: {  	[sflag:s0] =	ssyncset.done $0x0  }
0x327: {  	[sflag:s0] =	ssyncadd.s32 $0xFFFFD800  }
0x328: {  	_ =	swait.ge [sflag:s16], $0x1680  }
0x329: {  	[sflag:s16] =	ssyncset.done $0x0  }
0x32a: {  	s5 =	simm.s32 $0x0;
	[sflag:s16] =	ssyncadd.s32 $0xFFFFE980  }
.LBB2_28:
0x32b: {  	s3 =	sshll.u32 s5, $0x4;
	s18 =	simm.s32 $0x7;
	v21 =	vimm.f32 $0.0e+00;
	s7 =	simm.s32 $0x0  }
0x32c: {  	s15 =	simm.s32 $0x3;
	s17 =	simm.s32 $0x2;
	v6 =	vor.u32 s3, v0;
	v3 =	vadd.s32 s18, v0;
	v8 =	vadd.s32 s7, v0  }
0x32d: {  	v24 =	vadd.s32 s15, v0;
	v32 =	vadd.s32 s17, v0;
	v13 =	vshll.u32 v6, $0x6  }
0x32e: {  	s6 =	simm.s32 $0x6;
	v5 =	vshll.u32 v6, $0x7;
	v7 =	vand.u32 $0x7, v3;
	v11 =	vand.u32 $0x18, v3  }
0x32f: {  	s7 =	simm.s32 $0x4;
	v3 =	vadd.s32 s6, v0;
	v8 =	vand.u32 $0x18, v8;
	v10 =	vor.u32 v13, v7  }
0x330: {  	s18 =	simm.s32 $0x1;
	v25 =	vadd.s32 s7, v0;
	v9 =	vor.u32 v5, v7;
	v7 =	vor.u32 v11, v10  }
0x331: {  	v26 =	vadd.s32 s18, v0;
	v14 =	vor.u32 v1, v13;
	v23 =	vor.u32 v11, v9  }
0x332: {  	s6 =	simm.s32 $0x5;
	v15 =	vor.u32 v1, v5;
	v16 =	vor.u32 v2, v13;
	v27 =	vor.u32 v8, v14  }
0x333: {  	v18 =	vor.u32 v2, v5;
	v19 =	vadd.s32 s6, v0;
	v29 =	vor.u32 v8, v15  }
0x334: {  	v12 =	vand.u32 $0x18, v3;
	v3 =	vand.u32 $0x7, v3;
	v31 =	vor.u32 v16, v8  }
0x335: {  	v17 =	vand.u32 $0x18, v19;
	v20 =	vor.u32 v13, v3;
	v33 =	vor.u32 v18, v8;
	v7 =	vld.idx.msk [tilespmem:v7+s24+$0x0], $0xffff  }
0x336: {  	v19 =	vand.u32 $0x7, v19;
	v22 =	vor.u32 v5, v3;
	v3 =	vor.u32 v12, v20;
	v8 =	vld.idx.msk [tilespmem:v23+s26+$0x0], $0xffff  }
0x337: {  	v36 =	vand.u32 $0x7, v24;
	v30 =	vor.u32 v13, v19;
	v34 =	vor.u32 v12, v22;
	v27 =	vld.idx.msk [tilespmem:v27+s24+$0x0], $0xffff  }
0x338: {  	v28 =	vor.u32 v5, v19;
	v42 =	vor.u32 v17, v30;
	v23 =	vand.u32 $0x7, v25;
	v29 =	vld.idx.msk [tilespmem:v29+s26+$0x0], $0xffff  }
0x339: {  	v37 =	vand.u32 $0x18, v25;
	v31 =	vld.idx.msk [tilespmem:v31+s24+$0x0], $0xffff;
	v25 =	vor.u32 v17, v28;
	v35 =	vor.u32 v13, v23  }
0x33a: {  	v40 =	vand.u32 $0x18, v24;
	v33 =	vld.idx.msk [tilespmem:v33+s26+$0x0], $0xffff;
	v38 =	vor.u32 v5, v23;
	v44 =	vor.u32 v37, v35  }
0x33b: {  	v39 =	vor.u32 v13, v36;
	v41 =	vor.u32 v5, v36;
	v19 =	vld.idx.msk [tilespmem:v3+s24+$0x0], $0xffff;
	v45 =	vor.u32 v37, v38  }
0x33c: {  	v36 =	vand.u32 $0x18, v32;
	v43 =	vor.u32 v40, v39;
	v3 =	vand.u32 $0x7, v32;
	v23 =	vld.idx.msk [tilespmem:v34+s26+$0x0], $0xffff  }
0x33d: {  	v48 =	vand.u32 $0x7, v26;
	v47 =	vor.u32 v40, v41;
	v34 =	vor.u32 v13, v3;
	v24 =	vld.idx.msk [tilespmem:v42+s24+$0x0], $0xffff  }
0x33e: {  	s6 =	simm.s32 $0xF;
	v32 =	vimm.f32 $0.0e+00;
	v42 =	vor.u32 v5, v3;
	v46 =	vor.u32 v36, v34;
	v25 =	vld.idx.msk [tilespmem:v25+s26+$0x0], $0xffff  }
.LBB2_29:
0x33f: {  	p0 =	sne.s32 s6, $0x1F;
	v3 =	vand.u32 $0x18, v26;
	v26 =	vor.u32 v13, v48;
	v49 =	vor.u32 v36, v42;
	v44 =	vld.idx.msk [tilespmem:v44+s24+$0x0], $0xffff  }
0x340: {  	v50 =	vadd.s32 s6, v0;
	v48 =	vor.u32 v5, v48;
	v51 =	vor.u32 v3, v26;
	v45 =	vld.idx.msk [tilespmem:v45+s26+$0x0], $0xffff  }
0x341: {  	s3 =	sadd.s32 $0xFFFFFFFF, s6;
	v52 =	vand.u32 $0x18, v50;
	v53 =	vor.u32 v3, v48;
	v3 =	vor.u32 $0x20, v3;
	v43 =	vld.idx.msk [tilespmem:v43+s24+$0x0], $0xffff  }
0x342: {  	s7 =	sadd.s32 $0xFFFFFFFE, s6;
	v54 =	vadd.s32 s3, v0;
	v50 =	vand.u32 $0x7, v50;
	v55 =	vor.u32 v3, v26;
	v47 =	vld.idx.msk [tilespmem:v47+s26+$0x0], $0xffff  }
0x343: {  	s15 =	sadd.s32 $0xFFFFFFFD, s6;
	s3 =	sadd.s32 $0xFFFFFFFC, s6;
	v56 =	vadd.s32 s7, v0;
	v3 =	vor.u32 v3, v48;
	v26 =	vor.u32 $0x20, v36;
	v46 =	vld.idx.msk [tilespmem:v46+s24+$0x0], $0xffff  }
0x344: {  	s7 =	sadd.s32 $0xFFFFFFFB, s6;
	v36 =	vadd.s32 s3, v0;
	v48 =	vadd.s32 s15, v0;
	v57 =	vor.u32 v26, v34;
	v49 =	vld.idx.msk [tilespmem:v49+s26+$0x0], $0xffff  }
0x345: {  	v40 =	vor.u32 $0x20, v40;
	s3 =	sadd.s32 $0xFFFFFFF9, s6;
	s15 =	sadd.s32 $0xFFFFFFFA, s6;
	v34 =	vadd.s32 s7, v0;
	v42 =	vor.u32 v26, v42;
	v51 =	vld.idx.msk [tilespmem:v51+s24+$0x0], $0xffff  }
0x346: {  	v39 =	vor.u32 v40, v39;
	v58 =	vadd.s32 s3, v0;
	v26 =	vadd.s32 s15, v0;
	v53 =	vld.idx.msk [tilespmem:v53+s26+$0x0], $0xffff  }
0x347: {  	v37 =	vor.u32 $0x20, v37;
	v40 =	vor.u32 v40, v41;
	v59 =	vor.u32 v13, v50;
	v55 =	vld.idx.msk [tilespmem:v55+s24+$0x0], $0xffff  }
0x348: {  	v35 =	vor.u32 v37, v35;
	v41 =	vor.u32 v5, v50;
	v50 =	vor.u32 $0x20, v11;
	v11 =	vmovc v52;
	v3 =	vld.idx.msk [tilespmem:v3+s26+$0x0], $0xffff  }
0x349: {  	v37 =	vor.u32 v37, v38;
	v38 =	vor.u32 $0x20, v17;
	v52 =	vand.u32 $0x18, v54;
	v57 =	vld.idx.msk [tilespmem:v57+s24+$0x0], $0xffff  }
0x34a: {  	v17 =	vand.u32 $0x18, v56;
	v54 =	vand.u32 $0x7, v54;
	v30 =	vor.u32 v38, v30;
	v42 =	vld.idx.msk [tilespmem:v42+s26+$0x0], $0xffff  }
0x34b: {  	v56 =	vand.u32 $0x7, v56;
	v28 =	vor.u32 v38, v28;
	v38 =	vor.u32 $0x20, v12;
	v12 =	vmovc v52;
	v39 =	vld.idx.msk [tilespmem:v39+s24+$0x0], $0xffff  }
0x34c: {  	v27 =	vmul.f32 v29, v27;
	v29 =	vmul.f32 v33, v31;
	v20 =	vor.u32 v38, v20;
	v31 =	vld.idx.msk [tilespmem:v40+s26+$0x0], $0xffff  }
0x34d: {  	v22 =	vor.u32 v38, v22;
	v38 =	vor.u32 v50, v10;
	v33 =	vmul.f32 v53, v51;
	v35 =	vld.idx.msk [tilespmem:v35+s24+$0x0], $0xffff  }
0x34e: {  	v21 =	vadd.f32 v27, v21;
	v27 =	vadd.f32 v29, v32;
	v3 =	vmul.f32 v3, v55;
	v29 =	vld.idx.msk [tilespmem:v37+s26+$0x0], $0xffff  }
0x34f: {  	v10 =	vmovc v59;
	v32 =	vmul.f32 v49, v46;
	v40 =	vand.u32 $0x7, v48;
	v37 =	vor.u32 v50, v9;
	v30 =	vld.idx.msk [tilespmem:v30+s24+$0x0], $0xffff  }
0x350: {  	v21 =	vadd.f32 v33, v21;
	v3 =	vadd.f32 v3, v27;
	v27 =	vmul.f32 v42, v57;
	v28 =	vld.idx.msk [tilespmem:v28+s26+$0x0], $0xffff  }
0x351: {  	v43 =	vmul.f32 v47, v43;
	v33 =	vand.u32 $0x18, v58;
	v9 =	vmovc v41;
	v42 =	vor.u32 v11, v10;
	v46 =	vld.idx.msk [tilespmem:v20+s24+$0x0], $0xffff  }
0x352: {  	v21 =	vadd.f32 v32, v21;
	v3 =	vadd.f32 v27, v3;
	v27 =	vmul.f32 v31, v39;
	v31 =	vld.idx.msk [tilespmem:v22+s26+$0x0], $0xffff  }
0x353: {  	v32 =	vor.u32 v11, v9;
	v20 =	vor.u32 v13, v54;
	v39 =	vmul.f32 v45, v44;
	v38 =	vld.idx.msk [tilespmem:v38+s24+$0x0], $0xffff  }
0x354: {  	v21 =	vadd.f32 v43, v21;
	v3 =	vadd.f32 v27, v3;
	v27 =	vmul.f32 v29, v35;
	v29 =	vld.idx.msk [tilespmem:v37+s26+$0x0], $0xffff  }
0x355: {  	v24 =	vmul.f32 v25, v24;
	v22 =	vor.u32 v5, v54;
	v35 =	vor.u32 v33, v14  }
0x356: {  	v21 =	vadd.f32 v39, v21;
	v3 =	vadd.f32 v27, v3;
	v25 =	vmul.f32 v28, v30  }
0x357: {  	v19 =	vmul.f32 v23, v19;
	v39 =	vor.u32 v16, v33;
	v37 =	vor.u32 v33, v15  }
0x358: {  	v21 =	vadd.f32 v24, v21;
	v3 =	vadd.f32 v25, v3;
	v23 =	vmul.f32 v31, v46  }
0x359: {  	v24 =	vor.u32 v18, v33;
	v25 =	vor.u32 v12, v20;
	v31 =	vmul.f32 v8, v7;
	v7 =	vld.idx.msk [tilespmem:v42+s24+$0x0], $0xffff  }
0x35a: {  	v19 =	vadd.f32 v19, v21;
	v3 =	vadd.f32 v23, v3;
	v23 =	vmul.f32 v29, v38;
	v8 =	vld.idx.msk [tilespmem:v32+s26+$0x0], $0xffff  }
0x35b: {  	v30 =	vor.u32 v13, v56;
	v28 =	vor.u32 v5, v56;
	v42 =	vor.u32 v12, v22;
	v27 =	vld.idx.msk [tilespmem:v35+s24+$0x0], $0xffff  }
0x35c: {  	v46 =	vor.u32 v17, v30;
	v21 =	vadd.f32 v31, v19;
	v32 =	vadd.f32 v23, v3;
	v29 =	vld.idx.msk [tilespmem:v37+s26+$0x0], $0xffff  }
0x35d: {  	v35 =	vor.u32 v13, v40;
	v3 =	vor.u32 v17, v28;
	v37 =	vand.u32 $0x18, v48;
	v31 =	vld.idx.msk [tilespmem:v39+s24+$0x0], $0xffff  }
.Ltmp13:
0x35e: {  	v38 =	vor.u32 v5, v40;
	v23 =	vand.u32 $0x7, v36;
	v44 =	vor.u32 v37, v35;
	v33 =	vld.idx.msk [tilespmem:v24+s26+$0x0], $0xffff;
	(pc) =	sbr.rel @p0 .LBB2_29-.Ltmp13, $4  }
0x35f: {  	v40 =	vand.u32 $0x18, v36;
	v39 =	vor.u32 v13, v23;
	v45 =	vor.u32 v37, v38;
	v19 =	vld.idx.msk [tilespmem:v25+s24+$0x0], $0xffff  }
0x360: {  	v41 =	vor.u32 v5, v23;
	v43 =	vor.u32 v40, v39;
	v25 =	vand.u32 $0x7, v34;
	v23 =	vld.idx.msk [tilespmem:v42+s26+$0x0], $0xffff  }
0x361: {  	v36 =	vand.u32 $0x18, v34;
	v47 =	vor.u32 v40, v41;
	v34 =	vor.u32 v13, v25;
	v24 =	vld.idx.msk [tilespmem:v46+s24+$0x0], $0xffff  }
0x362: {  	s6 =	sadd.s32 $0x8, s6;
	v48 =	vand.u32 $0x7, v26;
	v42 =	vor.u32 v5, v25;
	v46 =	vor.u32 v36, v34;
	v25 =	vld.idx.msk [tilespmem:v3+s26+$0x0], $0xffff  }
0x363: {  	_ =	sdelay $0x3  }
0x364: {  	v3 =	vand.u32 $0x18, v26;
	v13 =	vor.u32 v13, v48;
	v14 =	vor.u32 v36, v42;
	v15 =	vld.idx.msk [tilespmem:v44+s24+$0x0], $0xffff  }
0x365: {  	v18 =	vor.u32 v5, v48;
	v26 =	vld.idx.msk [tilespmem:v45+s26+$0x0], $0xffff;
	v16 =	vor.u32 v3, v13  }
0x366: {  	v43 =	vld.idx.msk [tilespmem:v43+s24+$0x0], $0xffff;
	v51 =	vor.u32 $0x20, v36;
	v49 =	vor.u32 v3, v18  }
0x367: {  	v50 =	vld.idx.msk [tilespmem:v47+s26+$0x0], $0xffff;
	v3 =	vor.u32 $0x20, v3;
	v34 =	vor.u32 v51, v34  }
0x368: {  	v13 =	vor.u32 v3, v13;
	v3 =	vor.u32 v3, v18;
	v18 =	vld.idx.msk [tilespmem:v46+s24+$0x0], $0xffff  }
0x369: {  	v14 =	vld.idx.msk [tilespmem:v14+s26+$0x0], $0xffff  }
0x36a: {  	v40 =	vor.u32 $0x20, v40;
	v36 =	vor.u32 v51, v42;
	v16 =	vld.idx.msk [tilespmem:v16+s24+$0x0], $0xffff  }
0x36b: {  	v39 =	vor.u32 v40, v39;
	v52 =	vld.idx.msk [tilespmem:v49+s26+$0x0], $0xffff  }
0x36c: {  	v37 =	vor.u32 $0x20, v37;
	v40 =	vor.u32 v40, v41;
	v34 =	vld.idx.msk [tilespmem:v34+s24+$0x0], $0xffff  }
0x36d: {  	v17 =	vor.u32 $0x20, v17;
	v11 =	vor.u32 $0x20, v11;
	v35 =	vor.u32 v37, v35;
	v13 =	vld.idx.msk [tilespmem:v13+s24+$0x0], $0xffff  }
0x36e: {  	v27 =	vmul.f32 v29, v27;
	v12 =	vor.u32 $0x20, v12;
	v10 =	vor.u32 v11, v10;
	v3 =	vld.idx.msk [tilespmem:v3+s26+$0x0], $0xffff  }
0x36f: {  	v7 =	vmul.f32 v8, v7;
	v6 =	vmul.u32 $0x48, v6;
	v9 =	vor.u32 v11, v9;
	v36 =	vld.idx.msk [tilespmem:v36+s26+$0x0], $0xffff  }
0x370: {  	v37 =	vor.u32 v37, v38;
	v30 =	vor.u32 v17, v30;
	v17 =	vor.u32 v17, v28;
	v29 =	vld.idx.msk [tilespmem:v39+s24+$0x0], $0xffff  }
0x371: {  	s15 =	simm.s32 $0x4;
	v28 =	vmul.f32 v33, v31;
	v20 =	vor.u32 v12, v20;
	v12 =	vor.u32 v12, v22;
	v31 =	vld.idx.msk [tilespmem:v40+s26+$0x0], $0xffff  }
0x372: {  	s17 =	simm.s32 $0x6;
	v59 =	vadd.s32 s15, v0;
	v21 =	vadd.f32 v27, v21;
	v27 =	vld.idx.msk [tilespmem:v35+s24+$0x0], $0xffff;
	v16 =	vmul.f32 v52, v16  }
0x373: {  	v61 =	vadd.s32 s17, v0;
	v22 =	vadd.f32 v28, v32;
	v10 =	vld.idx.msk [tilespmem:v10+s24+$0x0], $0xffff;
	v3 =	vmul.f32 v3, v13  }
0x374: {  	v60 =	vand.u32 $0x18, v59;
	v9 =	vld.idx.msk [tilespmem:v9+s26+$0x0], $0xffff;
	v14 =	vmul.f32 v14, v18;
	v16 =	vadd.f32 v16, v21  }
0x375: {  	v62 =	vand.u32 $0x7, v59;
	v11 =	vmul.f32 v36, v34;
	v13 =	vld.idx.msk [tilespmem:v37+s26+$0x0], $0xffff;
	v3 =	vadd.f32 v3, v22  }
0x376: {  	v63 =	vand.u32 $0x1F, v61;
	v17 =	vld.idx.msk [tilespmem:v17+s26+$0x0], $0xffff;
	v21 =	vmul.f32 v50, v43;
	v14 =	vadd.f32 v14, v16  }
0x377: {  	s18 =	simm.s32 $0x7;
	v33 =	vand.u32 $0x7, v61;
	v18 =	vld.idx.msk [tilespmem:v30+s24+$0x0], $0xffff;
	v3 =	vadd.f32 v11, v3;
	v11 =	vmul.f32 v31, v29  }
0x378: {  	v15 =	vmul.f32 v26, v15;
	v12 =	vld.idx.msk [tilespmem:v12+s26+$0x0], $0xffff;
	v39 =	vadd.s32 s18, v0;
	v14 =	vadd.f32 v21, v14  }
0x379: {  	v9 =	vmul.f32 v9, v10;
	v10 =	vor.u32 v4, v5;
	v16 =	vld.idx.msk [tilespmem:v20+s24+$0x0], $0xffff;
	v3 =	vadd.f32 v11, v3  }
0x37a: {  	s7 =	simm.s32 $0x2;
	v11 =	vmul.f32 v13, v27;
	v13 =	vmul.f32 v25, v24;
	v14 =	vadd.f32 v15, v14  }
0x37b: {  	v34 =	vand.u32 $0x1F, v59;
	v22 =	vadd.s32 s7, v0;
	v15 =	vmul.f32 v23, v19  }
0x37c: {  	s7 =	simm.s32 $0x5;
	v3 =	vadd.f32 v11, v3;
	v11 =	vmul.f32 v17, v18;
	v13 =	vadd.f32 v13, v14  }
0x37d: {  	v43 =	vand.u32 $0x1F, v39;
	v56 =	vadd.s32 s7, v0;
	v27 =	vand.u32 $0x18, v22  }
0x37e: {  	v3 =	vadd.f32 v11, v3;
	v11 =	vmul.f32 v12, v16;
	v8 =	vadd.f32 v15, v13  }
0x37f: {  	v58 =	vand.u32 $0x18, v56;
	v19 =	vand.u32 $0x1F, v22;
	v28 =	vadd.s32 v6, v27  }
0x380: {  	v22 =	vand.u32 $0x7, v22;
	v3 =	vadd.f32 v11, v3;
	v7 =	vadd.f32 v7, v8  }
0x381: {  	s6 =	simm.s32 $0x1;
	v20 =	vadd.s32 $0x41, v6;
	v40 =	vadd.s32 v6, v58;
	v28 =	vor.u32 v22, v28  }
0x382: {  	v14 =	vadd.s32 s6, v0;
	s6 =	simm.s32 $0x3;
	v3 =	vadd.f32 v9, v3;
	v7 =	vmax.f32 v7, $-1.000000000e+01  }
0x383: {  	v12 =	vor.u32 v1, v6;
	v29 =	vadd.s32 s6, v0;
	v7 =	vmin.f32 v7, $1.000000000e+01  }
0x384: {  	v17 =	vand.u32 $0x18, v14;
	v3 =	vmax.f32 v3, $-1.000000000e+01;
	v7 =	vmul.f32 $1.442695020e+00, v7  }
0x385: {  	v13 =	vand.u32 $0x1F, v14;
	v24 =	vadd.s32 v6, v17;
	v3 =	vmin.f32 v3, $1.000000000e+01  }
0x386: {  	s3 =	simm.s32 $0x0;
	v14 =	vand.u32 $0x7, v14;
	v3 =	vmul.f32 $1.442695020e+00, v3;
	(erf) = vpow2.f32 v7;
	v7 =	vld [tilespmem:$0x1FFF0]  }
0x387: {  	v15 =	vadd.s32 v2, v6;
	v11 =	vadd.s32 s3, v0;
	v24 =	vor.u32 v14, v24  }
0x388: {  	v8 =	vor.u32 $0x40, v5;
	v11 =	vand.u32 $0x18, v11;
	(erf) = vpow2.f32 v3  }
0x389: {  	v30 =	vor.u32 v10, v11;
	v55 =	vor.u32 v13, v8;
	v21 =	vor.u32 v19, v8  }
0x38a: {  	v23 =	vadd.s32 v12, v11;
	v26 =	vadd.s32 v11, v15;
	v36 =	vor.u32 v34, v8  }
0x38b: {  	v3 =	vadd.s32 $0x40, v6;
	v9 =	vor.u32 v7, v5;
	v7 =	vor.u32 $0x60, v5  }
0x38c: {  	v5 =	vadd.s32 $0x20, v6;
	v53 =	vor.u32 v9, v11;
	v54 =	vor.u32 v13, v7  }
0x38d: {  	v13 =	vand.u32 $0x1F, v29;
	v19 =	vor.u32 v19, v7;
	v25 =	vadd.s32 v17, v5  }
0x38e: {  	v27 =	vadd.s32 v27, v5;
	v35 =	vor.u32 v34, v7;
	v34 =	vor.u32 v63, v8  }
0x38f: {  	v37 =	vor.u32 v63, v7;
	v42 =	vadd.s32 v58, v5;
	v18 =	vor.u32 v13, v8  }
0x390: {  	v16 =	vor.u32 v13, v7;
	v13 =	vand.u32 $0x18, v29;
	v25 =	vor.u32 v14, v25;
	v11 =	vpop (erf)  }
0x391: {  	v17 =	vand.u32 $0x18, v61;
	v27 =	vor.u32 v22, v27;
	v31 =	vadd.s32 v6, v13;
	v14 =	vpop (erf);
	[tilespmem:v3+s19+$0x0] =	vst.idx.msk $0xffff, v11  }
0x392: {  	v57 =	vadd.s32 v13, v5;
	v13 =	vadd.s32 v60, v5;
	v3 =	vand.u32 $0x7, v29;
	[tilespmem:v20+s19+$0x0] =	vst.idx.msk $0xffff, v14  }
0x393: {  	v13 =	vor.u32 v62, v13;
	v29 =	vor.u32 v3, v31;
	v20 =	vand.u32 $0x1F, v56;
	v45 =	vld.idx.msk [tilespmem:v30+s26+$0x0], $0xffff  }
0x394: {  	v31 =	vor.u32 v3, v57;
	v3 =	vadd.s32 v6, v60;
	v22 =	vor.u32 v20, v7;
	v47 =	vld.idx.msk [tilespmem:v53+s26+$0x0], $0xffff  }
0x395: {  	v32 =	vor.u32 v20, v8;
	v20 =	vor.u32 v62, v3;
	v3 =	vand.u32 $0x18, v39;
	v46 =	vld.idx.msk [tilespmem:v55+s26+$0x0], $0xffff  }
0x396: {  	s6 =	simm.s32 $0xF;
	v30 =	vand.u32 $0x7, v56;
	v48 =	vld.idx.msk [tilespmem:v54+s26+$0x0], $0xffff;
	v38 =	vadd.s32 v6, v3;
	v44 =	vadd.s32 v3, v5  }
.LBB2_31:
0x397: {  	s3 =	sadd.s32 $0xFFFFFFF9, s6;
	s7 =	sadd.s32 $0xFFFFFFFA, s6;
	s15 =	sadd.s32 $0xFFFFFFFB, s6;
	v3 =	vor.u32 v43, v8;
	v49 =	vor.u32 v43, v7;
	v50 =	vadd.s32 v6, v17  }
0x398: {  	p0 =	sne.s32 s6, $0x1F;
	v41 =	vadd.s32 s3, v0;
	v51 =	vadd.s32 s7, v0;
	v52 =	vadd.s32 s15, v0;
	v21 =	vld.idx.msk [tilespmem:v21+s26+$0x0], $0xffff;
	s3 =	smov.u32 s6;
	s6 =	sadd.s32 $0x8, s6  }
0x399: {  	v45 =	vmul.f32 v45, v14;
	v53 =	vand.u32 $0x18, v41;
	v54 =	vand.u32 $0x1F, v51;
	s7 =	sadd.s32 $0xFFFFFFFC, s3;
	v19 =	vld.idx.msk [tilespmem:v19+s26+$0x0], $0xffff  }
0x39a: {  	v47 =	vmul.f32 v47, v11;
	v43 =	vor.u32 v9, v53;
	v55 =	vor.u32 v10, v53;
	v56 =	vld.idx.msk [tilespmem:v18+s26+$0x0], $0xffff  }
0x39b: {  	v41 =	vor.u32 v54, v7;
	v57 =	vadd.s32 s7, v0;
	v46 =	vmul.f32 v46, v11;
	v58 =	vld.idx.msk [tilespmem:v16+s26+$0x0], $0xffff  }
0x39c: {  	v54 =	vor.u32 v54, v8;
	v16 =	vand.u32 $0x1F, v57;
	v48 =	vmul.f32 v48, v14;
	[tilespmem:v23+s19+$0x0] =	vst.idx.msk $0xffff, v47  }
0x39d: {  	v18 =	vor.u32 v16, v8;
	v16 =	vor.u32 v16, v7;
	v23 =	vand.u32 $0x18, v51;
	[tilespmem:v26+s19+$0x0] =	vst.idx.msk $0xffff, v45  }
0x39e: {  	v26 =	vand.u32 $0x1F, v52;
	v45 =	vadd.s32 v6, v23;
	v47 =	vmul.f32 v21, v11;
	[tilespmem:v24+s19+$0x0] =	vst.idx.msk $0xffff, v46  }
0x39f: {  	v21 =	vor.u32 v26, v8;
	v24 =	vand.u32 $0x18, v57;
	v46 =	vmul.f32 v19, v14;
	[tilespmem:v25+s19+$0x0] =	vst.idx.msk $0xffff, v48  }
0x3a0: {  	s7 =	sadd.s32 $0xFFFFFFFE, s3;
	v19 =	vor.u32 v26, v7;
	v48 =	vand.u32 $0x18, v52;
	v25 =	vmul.f32 v56, v11;
	[tilespmem:v28+s19+$0x0] =	vst.idx.msk $0xffff, v47  }
0x3a1: {  	v28 =	vadd.s32 v23, v5;
	v47 =	vadd.s32 s7, v0;
	v23 =	vmul.f32 v58, v14;
	[tilespmem:v27+s19+$0x0] =	vst.idx.msk $0xffff, v46  }
0x3a2: {  	v56 =	vadd.s32 v24, v5;
	s7 =	sadd.s32 $0xFFFFFFFD, s3;
	v46 =	vadd.s32 v6, v24;
	v58 =	vand.u32 $0x18, v47;
	[tilespmem:v29+s19+$0x0] =	vst.idx.msk $0xffff, v25  }
0x3a3: {  	v27 =	vadd.s32 v6, v48;
	v59 =	vadd.s32 s7, v0;
	[tilespmem:v31+s19+$0x0] =	vst.idx.msk $0xffff, v23;
	v23 =	vand.u32 $0x7, v39  }
0x3a4: {  	s7 =	sadd.s32 $0xFFFFFFFF, s3;
	v24 =	vadd.s32 v17, v5;
	v60 =	vand.u32 $0x7, v59;
	v39 =	vand.u32 $0x18, v59;
	v29 =	vld.idx.msk [tilespmem:v36+s26+$0x0], $0xffff  }
0x3a5: {  	v61 =	vadd.s32 s7, v0;
	v17 =	vadd.s32 v39, v5;
	v44 =	vor.u32 v23, v44;
	v31 =	vld.idx.msk [tilespmem:v35+s26+$0x0], $0xffff  }
0x3a6: {  	v62 =	vand.u32 $0x1F, v61;
	v38 =	vor.u32 v23, v38;
	v35 =	vor.u32 v60, v17;
	v32 =	vld.idx.msk [tilespmem:v32+s26+$0x0], $0xffff  }
0x3a7: {  	v63 =	vor.u32 v33, v24;
	v23 =	vadd.s32 v12, v53;
	v17 =	vand.u32 $0x18, v61;
	v22 =	vld.idx.msk [tilespmem:v22+s26+$0x0], $0xffff  }
0x3a8: {  	v26 =	vadd.s32 v53, v15;
	v25 =	vand.u32 $0x7, v51;
	v36 =	vor.u32 v30, v42;
	v34 =	vld.idx.msk [tilespmem:v34+s26+$0x0], $0xffff  }
0x3a9: {  	v33 =	vor.u32 v33, v50;
	v24 =	vor.u32 v25, v45;
	v30 =	vor.u32 v30, v40;
	v37 =	vld.idx.msk [tilespmem:v37+s26+$0x0], $0xffff  }
0x3aa: {  	v25 =	vor.u32 v25, v28;
	v40 =	vand.u32 $0x7, v52;
	v29 =	vmul.f32 v29, v11;
	v3 =	vld.idx.msk [tilespmem:v3+s26+$0x0], $0xffff  }
0x3ab: {  	v28 =	vor.u32 v40, v27;
	v27 =	vadd.s32 v48, v5;
	v31 =	vmul.f32 v31, v14;
	v42 =	vld.idx.msk [tilespmem:v49+s26+$0x0], $0xffff  }
0x3ac: {  	v27 =	vor.u32 v40, v27;
	v40 =	vand.u32 $0x7, v57;
	v32 =	vmul.f32 v32, v11;
	[tilespmem:v20+s19+$0x0] =	vst.idx.msk $0xffff, v29  }
0x3ad: {  	v29 =	vor.u32 v40, v46;
	v20 =	vmul.f32 v22, v14;
	[tilespmem:v13+s19+$0x0] =	vst.idx.msk $0xffff, v31;
	v13 =	vmov v35  }
0x3ae: {  	v31 =	vor.u32 v40, v56;
	v40 =	vand.u32 $0x1F, v47;
	v34 =	vmul.f32 v34, v11;
	[tilespmem:v30+s19+$0x0] =	vst.idx.msk $0xffff, v32  }
0x3af: {  	v30 =	vand.u32 $0x1F, v59;
	v22 =	vor.u32 v40, v7;
	v32 =	vmul.f32 v37, v14;
	[tilespmem:v36+s19+$0x0] =	vst.idx.msk $0xffff, v20  }
0x3b0: {  	v36 =	vor.u32 v30, v8;
	v3 =	vmul.f32 v3, v11;
	[tilespmem:v33+s19+$0x0] =	vst.idx.msk $0xffff, v34  }
0x3b1: {  	v35 =	vor.u32 v30, v7;
	v30 =	vmul.f32 v42, v14;
	[tilespmem:v63+s19+$0x0] =	vst.idx.msk $0xffff, v32  }
0x3b2: {  	v20 =	vadd.s32 v6, v39;
	v32 =	vor.u32 v40, v8;
	[tilespmem:v38+s19+$0x0] =	vst.idx.msk $0xffff, v3  }
.Ltmp14:
0x3b3: {  	v20 =	vor.u32 v60, v20;
	[tilespmem:v44+s19+$0x0] =	vst.idx.msk $0xffff, v30;
	(pc) =	sbr.rel @p0 .LBB2_31-.Ltmp14, $4  }
0x3b4: {  	v39 =	vadd.s32 s3, v0;
	v34 =	vor.u32 v62, v8;
	v30 =	vand.u32 $0x7, v47;
	v45 =	vld.idx.msk [tilespmem:v55+s26+$0x0], $0xffff  }
0x3b5: {  	v37 =	vor.u32 v62, v7;
	v3 =	vand.u32 $0x18, v39;
	v47 =	vld.idx.msk [tilespmem:v43+s26+$0x0], $0xffff  }
0x3b6: {  	v33 =	vand.u32 $0x7, v61;
	v38 =	vadd.s32 v6, v3;
	v43 =	vand.u32 $0x1F, v39;
	v46 =	vld.idx.msk [tilespmem:v54+s26+$0x0], $0xffff  }
0x3b7: {  	v42 =	vadd.s32 v58, v5;
	v40 =	vadd.s32 v6, v58;
	v44 =	vadd.s32 v3, v5;
	v48 =	vld.idx.msk [tilespmem:v41+s26+$0x0], $0xffff  }
0x3b8: {  	_ =	sdelay $0x3  }
0x3b9: {  	v3 =	vld.idx.msk [tilespmem:v21+s26+$0x0], $0xffff  }
0x3ba: {  	v9 =	vld.idx.msk [tilespmem:v19+s26+$0x0], $0xffff;
	v10 =	vmul.f32 v47, v11  }
0x3bb: {  	v12 =	vld.idx.msk [tilespmem:v18+s26+$0x0], $0xffff;
	v15 =	vmul.f32 v45, v14  }
0x3bc: {  	v16 =	vld.idx.msk [tilespmem:v16+s26+$0x0], $0xffff;
	v53 =	vmul.f32 v46, v11;
	[tilespmem:v23+s19+$0x0] =	vst.idx.msk $0xffff, v10  }
0x3bd: {  	v54 =	vmul.f32 v48, v14;
	[tilespmem:v26+s19+$0x0] =	vst.idx.msk $0xffff, v15  }
0x3be: {  	v3 =	vmul.f32 v3, v11;
	[tilespmem:v24+s19+$0x0] =	vst.idx.msk $0xffff, v53  }
0x3bf: {  	v9 =	vmul.f32 v9, v14;
	[tilespmem:v25+s19+$0x0] =	vst.idx.msk $0xffff, v54  }
0x3c0: {  	v55 =	vmul.f32 v12, v11;
	[tilespmem:v28+s19+$0x0] =	vst.idx.msk $0xffff, v3  }
0x3c1: {  	v3 =	vmul.f32 v16, v14;
	[tilespmem:v27+s19+$0x0] =	vst.idx.msk $0xffff, v9  }
0x3c2: {  	[tilespmem:v29+s19+$0x0] =	vst.idx.msk $0xffff, v55  }
0x3c3: {  	[tilespmem:v31+s19+$0x0] =	vst.idx.msk $0xffff, v3  }
0x3c4: {  	v3 =	vld.idx.msk [tilespmem:v36+s26+$0x0], $0xffff  }
0x3c5: {  	v8 =	vor.u32 v43, v8;
	v9 =	vld.idx.msk [tilespmem:v35+s26+$0x0], $0xffff  }
0x3c6: {  	v7 =	vor.u32 v43, v7;
	v10 =	vld.idx.msk [tilespmem:v32+s26+$0x0], $0xffff  }
0x3c7: {  	v56 =	vld.idx.msk [tilespmem:v22+s26+$0x0], $0xffff  }
0x3c8: {  	v58 =	vor.u32 v30, v40;
	v6 =	vadd.s32 v6, v17;
	v15 =	vld.idx.msk [tilespmem:v34+s26+$0x0], $0xffff  }
0x3c9: {  	v59 =	vor.u32 v30, v42;
	v5 =	vadd.s32 v17, v5;
	v57 =	vld.idx.msk [tilespmem:v37+s26+$0x0], $0xffff;
	v3 =	vmul.f32 v3, v11  }
0x3ca: {  	v60 =	vand.u32 $0x7, v39;
	v6 =	vor.u32 v33, v6;
	v8 =	vld.idx.msk [tilespmem:v8+s26+$0x0], $0xffff;
	v9 =	vmul.f32 v9, v14  }
0x3cb: {  	v5 =	vor.u32 v33, v5;
	v7 =	vld.idx.msk [tilespmem:v7+s26+$0x0], $0xffff;
	v10 =	vmul.f32 v10, v11;
	[tilespmem:v20+s19+$0x0] =	vst.idx.msk $0xffff, v3  }
0x3cc: {  	s5 =	sadd.s32 $0x1, s5;
	v12 =	vmul.f32 v56, v14;
	v3 =	vor.u32 v60, v38;
	[tilespmem:v13+s19+$0x0] =	vst.idx.msk $0xffff, v9  }
0x3cd: {  	v61 =	vor.u32 v60, v44;
	p0 =	sne.s32 s5, $0x5;
	v62 =	vmul.f32 v15, v11;
	[tilespmem:v58+s19+$0x0] =	vst.idx.msk $0xffff, v10  }
.Ltmp15:
0x3ce: {  	v63 =	vmul.f32 v57, v14;
	[tilespmem:v59+s19+$0x0] =	vst.idx.msk $0xffff, v12;
	(pc) =	sbr.rel @p0 .LBB2_28-.Ltmp15, $4  }
0x3cf: {  	v8 =	vmul.f32 v8, v11;
	[tilespmem:v6+s19+$0x0] =	vst.idx.msk $0xffff, v62  }
0x3d0: {  	v6 =	vmul.f32 v7, v14;
	[tilespmem:v5+s19+$0x0] =	vst.idx.msk $0xffff, v63  }
0x3d1: {  	[tilespmem:v3+s19+$0x0] =	vst.idx.msk $0xffff, v8  }
0x3d2: {  	[tilespmem:v61+s19+$0x0] =	vst.idx.msk $0xffff, v6  }
0x3d3: {  	[spmem:s2] =	stream.indirect.scatter.add.f32 [tilespmem:s19], [sflag:$0x3], $0x48, s21, s23, $0xb8;
	[tilespmem:$0x15B80] =	vst v63  }
0x3d4: {  	_ =	swait.ge [sflag:s0], $0x1400  }
0x3d5: {  	[sflag:s0] =	ssyncset.done $0x0  }
0x3d6: {  	[sflag:s0] =	ssyncadd.s32 $0xFFFFEC00  }
0x3d7: {  	_ =	swait.ge [sflag:s0], $0x2800  }
0x3d8: {  	[sflag:s0] =	ssyncset.done $0x0  }
0x3d9: {  	[sflag:s0] =	ssyncadd.s32 $0xFFFFD800  }
0x3da: {  	_ =	swait.ge [sflag:s16], $0x1680  }
0x3db: {  	[sflag:s16] =	ssyncset.done $0x0  }
0x3dc: {  	s5 =	simm.s32 $0x0;
	[sflag:s16] =	ssyncadd.s32 $0xFFFFE980  }
.LBB2_34:
0x3dd: {  	s3 =	sshll.u32 s5, $0x4;
	s18 =	simm.s32 $0x7;
	v21 =	vimm.f32 $0.0e+00;
	s7 =	simm.s32 $0x0  }
0x3de: {  	s15 =	simm.s32 $0x3;
	s17 =	simm.s32 $0x2;
	v6 =	vor.u32 s3, v0;
	v3 =	vadd.s32 s18, v0;
	v8 =	vadd.s32 s7, v0  }
0x3df: {  	v24 =	vadd.s32 s15, v0;
	v32 =	vadd.s32 s17, v0;
	v13 =	vshll.u32 v6, $0x6  }
0x3e0: {  	s6 =	simm.s32 $0x6;
	v5 =	vshll.u32 v6, $0x7;
	v7 =	vand.u32 $0x7, v3;
	v11 =	vand.u32 $0x18, v3  }
0x3e1: {  	s7 =	simm.s32 $0x4;
	v3 =	vadd.s32 s6, v0;
	v8 =	vand.u32 $0x18, v8;
	v10 =	vor.u32 v13, v7  }
0x3e2: {  	s18 =	simm.s32 $0x1;
	v25 =	vadd.s32 s7, v0;
	v9 =	vor.u32 v5, v7;
	v7 =	vor.u32 v11, v10  }
0x3e3: {  	v26 =	vadd.s32 s18, v0;
	v14 =	vor.u32 v1, v13;
	v23 =	vor.u32 v11, v9  }
0x3e4: {  	s6 =	simm.s32 $0x5;
	v15 =	vor.u32 v1, v5;
	v16 =	vor.u32 v2, v13;
	v27 =	vor.u32 v8, v14  }
0x3e5: {  	v18 =	vor.u32 v2, v5;
	v19 =	vadd.s32 s6, v0;
	v29 =	vor.u32 v8, v15  }
0x3e6: {  	v12 =	vand.u32 $0x18, v3;
	v3 =	vand.u32 $0x7, v3;
	v31 =	vor.u32 v16, v8  }
0x3e7: {  	v17 =	vand.u32 $0x18, v19;
	v20 =	vor.u32 v13, v3;
	v33 =	vor.u32 v18, v8;
	v7 =	vld.idx.msk [tilespmem:v7+s29+$0x0], $0xffff  }
0x3e8: {  	v19 =	vand.u32 $0x7, v19;
	v22 =	vor.u32 v5, v3;
	v3 =	vor.u32 v12, v20;
	v8 =	vld.idx.msk [tilespmem:v23+s31+$0x0], $0xffff  }
0x3e9: {  	v36 =	vand.u32 $0x7, v24;
	v30 =	vor.u32 v13, v19;
	v34 =	vor.u32 v12, v22;
	v27 =	vld.idx.msk [tilespmem:v27+s29+$0x0], $0xffff  }
0x3ea: {  	v28 =	vor.u32 v5, v19;
	v42 =	vor.u32 v17, v30;
	v23 =	vand.u32 $0x7, v25;
	v29 =	vld.idx.msk [tilespmem:v29+s31+$0x0], $0xffff  }
0x3eb: {  	v37 =	vand.u32 $0x18, v25;
	v31 =	vld.idx.msk [tilespmem:v31+s29+$0x0], $0xffff;
	v25 =	vor.u32 v17, v28;
	v35 =	vor.u32 v13, v23  }
0x3ec: {  	v40 =	vand.u32 $0x18, v24;
	v33 =	vld.idx.msk [tilespmem:v33+s31+$0x0], $0xffff;
	v38 =	vor.u32 v5, v23;
	v44 =	vor.u32 v37, v35  }
0x3ed: {  	v39 =	vor.u32 v13, v36;
	v41 =	vor.u32 v5, v36;
	v19 =	vld.idx.msk [tilespmem:v3+s29+$0x0], $0xffff;
	v45 =	vor.u32 v37, v38  }
0x3ee: {  	v36 =	vand.u32 $0x18, v32;
	v43 =	vor.u32 v40, v39;
	v3 =	vand.u32 $0x7, v32;
	v23 =	vld.idx.msk [tilespmem:v34+s31+$0x0], $0xffff  }
0x3ef: {  	v48 =	vand.u32 $0x7, v26;
	v47 =	vor.u32 v40, v41;
	v34 =	vor.u32 v13, v3;
	v24 =	vld.idx.msk [tilespmem:v42+s29+$0x0], $0xffff  }
0x3f0: {  	s6 =	simm.s32 $0xF;
	v32 =	vimm.f32 $0.0e+00;
	v42 =	vor.u32 v5, v3;
	v46 =	vor.u32 v36, v34;
	v25 =	vld.idx.msk [tilespmem:v25+s31+$0x0], $0xffff  }
.LBB2_35:
0x3f1: {  	p0 =	sne.s32 s6, $0x1F;
	v3 =	vand.u32 $0x18, v26;
	v26 =	vor.u32 v13, v48;
	v49 =	vor.u32 v36, v42;
	v44 =	vld.idx.msk [tilespmem:v44+s29+$0x0], $0xffff  }
0x3f2: {  	v50 =	vadd.s32 s6, v0;
	v48 =	vor.u32 v5, v48;
	v51 =	vor.u32 v3, v26;
	v45 =	vld.idx.msk [tilespmem:v45+s31+$0x0], $0xffff  }
0x3f3: {  	s3 =	sadd.s32 $0xFFFFFFFF, s6;
	v52 =	vand.u32 $0x18, v50;
	v53 =	vor.u32 v3, v48;
	v3 =	vor.u32 $0x20, v3;
	v43 =	vld.idx.msk [tilespmem:v43+s29+$0x0], $0xffff  }
0x3f4: {  	s7 =	sadd.s32 $0xFFFFFFFE, s6;
	v54 =	vadd.s32 s3, v0;
	v50 =	vand.u32 $0x7, v50;
	v55 =	vor.u32 v3, v26;
	v47 =	vld.idx.msk [tilespmem:v47+s31+$0x0], $0xffff  }
0x3f5: {  	s15 =	sadd.s32 $0xFFFFFFFD, s6;
	s3 =	sadd.s32 $0xFFFFFFFC, s6;
	v56 =	vadd.s32 s7, v0;
	v3 =	vor.u32 v3, v48;
	v26 =	vor.u32 $0x20, v36;
	v46 =	vld.idx.msk [tilespmem:v46+s29+$0x0], $0xffff  }
0x3f6: {  	s7 =	sadd.s32 $0xFFFFFFFB, s6;
	v36 =	vadd.s32 s3, v0;
	v48 =	vadd.s32 s15, v0;
	v57 =	vor.u32 v26, v34;
	v49 =	vld.idx.msk [tilespmem:v49+s31+$0x0], $0xffff  }
0x3f7: {  	v40 =	vor.u32 $0x20, v40;
	s3 =	sadd.s32 $0xFFFFFFF9, s6;
	s15 =	sadd.s32 $0xFFFFFFFA, s6;
	v34 =	vadd.s32 s7, v0;
	v42 =	vor.u32 v26, v42;
	v51 =	vld.idx.msk [tilespmem:v51+s29+$0x0], $0xffff  }
0x3f8: {  	v39 =	vor.u32 v40, v39;
	v58 =	vadd.s32 s3, v0;
	v26 =	vadd.s32 s15, v0;
	v53 =	vld.idx.msk [tilespmem:v53+s31+$0x0], $0xffff  }
0x3f9: {  	v37 =	vor.u32 $0x20, v37;
	v40 =	vor.u32 v40, v41;
	v59 =	vor.u32 v13, v50;
	v55 =	vld.idx.msk [tilespmem:v55+s29+$0x0], $0xffff  }
0x3fa: {  	v35 =	vor.u32 v37, v35;
	v41 =	vor.u32 v5, v50;
	v50 =	vor.u32 $0x20, v11;
	v11 =	vmovc v52;
	v3 =	vld.idx.msk [tilespmem:v3+s31+$0x0], $0xffff  }
0x3fb: {  	v37 =	vor.u32 v37, v38;
	v38 =	vor.u32 $0x20, v17;
	v52 =	vand.u32 $0x18, v54;
	v57 =	vld.idx.msk [tilespmem:v57+s29+$0x0], $0xffff  }
0x3fc: {  	v17 =	vand.u32 $0x18, v56;
	v54 =	vand.u32 $0x7, v54;
	v30 =	vor.u32 v38, v30;
	v42 =	vld.idx.msk [tilespmem:v42+s31+$0x0], $0xffff  }
0x3fd: {  	v56 =	vand.u32 $0x7, v56;
	v28 =	vor.u32 v38, v28;
	v38 =	vor.u32 $0x20, v12;
	v12 =	vmovc v52;
	v39 =	vld.idx.msk [tilespmem:v39+s29+$0x0], $0xffff  }
0x3fe: {  	v27 =	vmul.f32 v29, v27;
	v29 =	vmul.f32 v33, v31;
	v20 =	vor.u32 v38, v20;
	v31 =	vld.idx.msk [tilespmem:v40+s31+$0x0], $0xffff  }
0x3ff: {  	v22 =	vor.u32 v38, v22;
	v38 =	vor.u32 v50, v10;
	v33 =	vmul.f32 v53, v51;
	v35 =	vld.idx.msk [tilespmem:v35+s29+$0x0], $0xffff  }
0x400: {  	v21 =	vadd.f32 v27, v21;
	v27 =	vadd.f32 v29, v32;
	v3 =	vmul.f32 v3, v55;
	v29 =	vld.idx.msk [tilespmem:v37+s31+$0x0], $0xffff  }
0x401: {  	v10 =	vmovc v59;
	v32 =	vmul.f32 v49, v46;
	v40 =	vand.u32 $0x7, v48;
	v37 =	vor.u32 v50, v9;
	v30 =	vld.idx.msk [tilespmem:v30+s29+$0x0], $0xffff  }
0x402: {  	v21 =	vadd.f32 v33, v21;
	v3 =	vadd.f32 v3, v27;
	v27 =	vmul.f32 v42, v57;
	v28 =	vld.idx.msk [tilespmem:v28+s31+$0x0], $0xffff  }
0x403: {  	v43 =	vmul.f32 v47, v43;
	v33 =	vand.u32 $0x18, v58;
	v9 =	vmovc v41;
	v42 =	vor.u32 v11, v10;
	v46 =	vld.idx.msk [tilespmem:v20+s29+$0x0], $0xffff  }
0x404: {  	v21 =	vadd.f32 v32, v21;
	v3 =	vadd.f32 v27, v3;
	v27 =	vmul.f32 v31, v39;
	v31 =	vld.idx.msk [tilespmem:v22+s31+$0x0], $0xffff  }
0x405: {  	v32 =	vor.u32 v11, v9;
	v20 =	vor.u32 v13, v54;
	v39 =	vmul.f32 v45, v44;
	v38 =	vld.idx.msk [tilespmem:v38+s29+$0x0], $0xffff  }
0x406: {  	v21 =	vadd.f32 v43, v21;
	v3 =	vadd.f32 v27, v3;
	v27 =	vmul.f32 v29, v35;
	v29 =	vld.idx.msk [tilespmem:v37+s31+$0x0], $0xffff  }
0x407: {  	v24 =	vmul.f32 v25, v24;
	v22 =	vor.u32 v5, v54;
	v35 =	vor.u32 v33, v14  }
0x408: {  	v21 =	vadd.f32 v39, v21;
	v3 =	vadd.f32 v27, v3;
	v25 =	vmul.f32 v28, v30  }
0x409: {  	v19 =	vmul.f32 v23, v19;
	v39 =	vor.u32 v16, v33;
	v37 =	vor.u32 v33, v15  }
0x40a: {  	v21 =	vadd.f32 v24, v21;
	v3 =	vadd.f32 v25, v3;
	v23 =	vmul.f32 v31, v46  }
0x40b: {  	v24 =	vor.u32 v18, v33;
	v25 =	vor.u32 v12, v20;
	v31 =	vmul.f32 v8, v7;
	v7 =	vld.idx.msk [tilespmem:v42+s29+$0x0], $0xffff  }
0x40c: {  	v19 =	vadd.f32 v19, v21;
	v3 =	vadd.f32 v23, v3;
	v23 =	vmul.f32 v29, v38;
	v8 =	vld.idx.msk [tilespmem:v32+s31+$0x0], $0xffff  }
0x40d: {  	v30 =	vor.u32 v13, v56;
	v28 =	vor.u32 v5, v56;
	v42 =	vor.u32 v12, v22;
	v27 =	vld.idx.msk [tilespmem:v35+s29+$0x0], $0xffff  }
0x40e: {  	v46 =	vor.u32 v17, v30;
	v21 =	vadd.f32 v31, v19;
	v32 =	vadd.f32 v23, v3;
	v29 =	vld.idx.msk [tilespmem:v37+s31+$0x0], $0xffff  }
0x40f: {  	v35 =	vor.u32 v13, v40;
	v3 =	vor.u32 v17, v28;
	v37 =	vand.u32 $0x18, v48;
	v31 =	vld.idx.msk [tilespmem:v39+s29+$0x0], $0xffff  }
.Ltmp16:
0x410: {  	v38 =	vor.u32 v5, v40;
	v23 =	vand.u32 $0x7, v36;
	v44 =	vor.u32 v37, v35;
	v33 =	vld.idx.msk [tilespmem:v24+s31+$0x0], $0xffff;
	(pc) =	sbr.rel @p0 .LBB2_35-.Ltmp16, $4  }
0x411: {  	v40 =	vand.u32 $0x18, v36;
	v39 =	vor.u32 v13, v23;
	v45 =	vor.u32 v37, v38;
	v19 =	vld.idx.msk [tilespmem:v25+s29+$0x0], $0xffff  }
0x412: {  	v41 =	vor.u32 v5, v23;
	v43 =	vor.u32 v40, v39;
	v25 =	vand.u32 $0x7, v34;
	v23 =	vld.idx.msk [tilespmem:v42+s31+$0x0], $0xffff  }
0x413: {  	v36 =	vand.u32 $0x18, v34;
	v47 =	vor.u32 v40, v41;
	v34 =	vor.u32 v13, v25;
	v24 =	vld.idx.msk [tilespmem:v46+s29+$0x0], $0xffff  }
0x414: {  	s6 =	sadd.s32 $0x8, s6;
	v48 =	vand.u32 $0x7, v26;
	v42 =	vor.u32 v5, v25;
	v46 =	vor.u32 v36, v34;
	v25 =	vld.idx.msk [tilespmem:v3+s31+$0x0], $0xffff  }
0x415: {  	_ =	sdelay $0x3  }
0x416: {  	v3 =	vand.u32 $0x18, v26;
	v13 =	vor.u32 v13, v48;
	v14 =	vor.u32 v36, v42;
	v15 =	vld.idx.msk [tilespmem:v44+s29+$0x0], $0xffff  }
0x417: {  	v18 =	vor.u32 v5, v48;
	v26 =	vld.idx.msk [tilespmem:v45+s31+$0x0], $0xffff;
	v16 =	vor.u32 v3, v13  }
0x418: {  	v43 =	vld.idx.msk [tilespmem:v43+s29+$0x0], $0xffff;
	v51 =	vor.u32 $0x20, v36;
	v49 =	vor.u32 v3, v18  }
0x419: {  	v50 =	vld.idx.msk [tilespmem:v47+s31+$0x0], $0xffff;
	v3 =	vor.u32 $0x20, v3;
	v34 =	vor.u32 v51, v34  }
0x41a: {  	v13 =	vor.u32 v3, v13;
	v3 =	vor.u32 v3, v18;
	v18 =	vld.idx.msk [tilespmem:v46+s29+$0x0], $0xffff  }
0x41b: {  	v14 =	vld.idx.msk [tilespmem:v14+s31+$0x0], $0xffff  }
0x41c: {  	v40 =	vor.u32 $0x20, v40;
	v36 =	vor.u32 v51, v42;
	v16 =	vld.idx.msk [tilespmem:v16+s29+$0x0], $0xffff  }
0x41d: {  	v39 =	vor.u32 v40, v39;
	v52 =	vld.idx.msk [tilespmem:v49+s31+$0x0], $0xffff  }
0x41e: {  	v37 =	vor.u32 $0x20, v37;
	v40 =	vor.u32 v40, v41;
	v34 =	vld.idx.msk [tilespmem:v34+s29+$0x0], $0xffff  }
0x41f: {  	v17 =	vor.u32 $0x20, v17;
	v11 =	vor.u32 $0x20, v11;
	v35 =	vor.u32 v37, v35;
	v13 =	vld.idx.msk [tilespmem:v13+s29+$0x0], $0xffff  }
0x420: {  	v27 =	vmul.f32 v29, v27;
	v12 =	vor.u32 $0x20, v12;
	v10 =	vor.u32 v11, v10;
	v3 =	vld.idx.msk [tilespmem:v3+s31+$0x0], $0xffff  }
0x421: {  	v7 =	vmul.f32 v8, v7;
	v6 =	vmul.u32 $0x48, v6;
	v9 =	vor.u32 v11, v9;
	v36 =	vld.idx.msk [tilespmem:v36+s31+$0x0], $0xffff  }
0x422: {  	v37 =	vor.u32 v37, v38;
	v30 =	vor.u32 v17, v30;
	v17 =	vor.u32 v17, v28;
	v29 =	vld.idx.msk [tilespmem:v39+s29+$0x0], $0xffff  }
0x423: {  	s15 =	simm.s32 $0x4;
	v28 =	vmul.f32 v33, v31;
	v20 =	vor.u32 v12, v20;
	v12 =	vor.u32 v12, v22;
	v31 =	vld.idx.msk [tilespmem:v40+s31+$0x0], $0xffff  }
0x424: {  	s17 =	simm.s32 $0x6;
	v59 =	vadd.s32 s15, v0;
	v21 =	vadd.f32 v27, v21;
	v27 =	vld.idx.msk [tilespmem:v35+s29+$0x0], $0xffff;
	v16 =	vmul.f32 v52, v16  }
0x425: {  	v61 =	vadd.s32 s17, v0;
	v22 =	vadd.f32 v28, v32;
	v10 =	vld.idx.msk [tilespmem:v10+s29+$0x0], $0xffff;
	v3 =	vmul.f32 v3, v13  }
0x426: {  	v60 =	vand.u32 $0x18, v59;
	v9 =	vld.idx.msk [tilespmem:v9+s31+$0x0], $0xffff;
	v14 =	vmul.f32 v14, v18;
	v16 =	vadd.f32 v16, v21  }
0x427: {  	v62 =	vand.u32 $0x7, v59;
	v11 =	vmul.f32 v36, v34;
	v13 =	vld.idx.msk [tilespmem:v37+s31+$0x0], $0xffff;
	v3 =	vadd.f32 v3, v22  }
0x428: {  	v63 =	vand.u32 $0x1F, v61;
	v17 =	vld.idx.msk [tilespmem:v17+s31+$0x0], $0xffff;
	v21 =	vmul.f32 v50, v43;
	v14 =	vadd.f32 v14, v16  }
0x429: {  	s18 =	simm.s32 $0x7;
	v33 =	vand.u32 $0x7, v61;
	v18 =	vld.idx.msk [tilespmem:v30+s29+$0x0], $0xffff;
	v3 =	vadd.f32 v11, v3;
	v11 =	vmul.f32 v31, v29  }
0x42a: {  	v15 =	vmul.f32 v26, v15;
	v12 =	vld.idx.msk [tilespmem:v12+s31+$0x0], $0xffff;
	v39 =	vadd.s32 s18, v0;
	v14 =	vadd.f32 v21, v14  }
0x42b: {  	v9 =	vmul.f32 v9, v10;
	v10 =	vor.u32 v4, v5;
	v16 =	vld.idx.msk [tilespmem:v20+s29+$0x0], $0xffff;
	v3 =	vadd.f32 v11, v3  }
0x42c: {  	s7 =	simm.s32 $0x2;
	v11 =	vmul.f32 v13, v27;
	v13 =	vmul.f32 v25, v24;
	v14 =	vadd.f32 v15, v14  }
0x42d: {  	v34 =	vand.u32 $0x1F, v59;
	v22 =	vadd.s32 s7, v0;
	v15 =	vmul.f32 v23, v19  }
0x42e: {  	s7 =	simm.s32 $0x5;
	v3 =	vadd.f32 v11, v3;
	v11 =	vmul.f32 v17, v18;
	v13 =	vadd.f32 v13, v14  }
0x42f: {  	v43 =	vand.u32 $0x1F, v39;
	v56 =	vadd.s32 s7, v0;
	v27 =	vand.u32 $0x18, v22  }
0x430: {  	v3 =	vadd.f32 v11, v3;
	v11 =	vmul.f32 v12, v16;
	v8 =	vadd.f32 v15, v13  }
0x431: {  	v58 =	vand.u32 $0x18, v56;
	v19 =	vand.u32 $0x1F, v22;
	v28 =	vadd.s32 v6, v27  }
0x432: {  	v22 =	vand.u32 $0x7, v22;
	v3 =	vadd.f32 v11, v3;
	v7 =	vadd.f32 v7, v8  }
0x433: {  	s6 =	simm.s32 $0x1;
	v20 =	vadd.s32 $0x41, v6;
	v40 =	vadd.s32 v6, v58;
	v28 =	vor.u32 v22, v28  }
0x434: {  	v14 =	vadd.s32 s6, v0;
	s6 =	simm.s32 $0x3;
	v3 =	vadd.f32 v9, v3;
	v7 =	vmax.f32 v7, $-1.000000000e+01  }
0x435: {  	v12 =	vor.u32 v1, v6;
	v29 =	vadd.s32 s6, v0;
	v7 =	vmin.f32 v7, $1.000000000e+01  }
0x436: {  	v17 =	vand.u32 $0x18, v14;
	v3 =	vmax.f32 v3, $-1.000000000e+01;
	v7 =	vmul.f32 $1.442695020e+00, v7  }
0x437: {  	v13 =	vand.u32 $0x1F, v14;
	v24 =	vadd.s32 v6, v17;
	v3 =	vmin.f32 v3, $1.000000000e+01  }
0x438: {  	s3 =	simm.s32 $0x0;
	v14 =	vand.u32 $0x7, v14;
	v3 =	vmul.f32 $1.442695020e+00, v3;
	(erf) = vpow2.f32 v7;
	v7 =	vld [tilespmem:$0x1FFF0]  }
0x439: {  	v15 =	vadd.s32 v2, v6;
	v11 =	vadd.s32 s3, v0;
	v24 =	vor.u32 v14, v24  }
0x43a: {  	v8 =	vor.u32 $0x40, v5;
	v11 =	vand.u32 $0x18, v11;
	(erf) = vpow2.f32 v3  }
0x43b: {  	v30 =	vor.u32 v10, v11;
	v55 =	vor.u32 v13, v8;
	v21 =	vor.u32 v19, v8  }
0x43c: {  	v23 =	vadd.s32 v12, v11;
	v26 =	vadd.s32 v11, v15;
	v36 =	vor.u32 v34, v8  }
0x43d: {  	v3 =	vadd.s32 $0x40, v6;
	v9 =	vor.u32 v7, v5;
	v7 =	vor.u32 $0x60, v5  }
0x43e: {  	v5 =	vadd.s32 $0x20, v6;
	v53 =	vor.u32 v9, v11;
	v54 =	vor.u32 v13, v7  }
0x43f: {  	v13 =	vand.u32 $0x1F, v29;
	v19 =	vor.u32 v19, v7;
	v25 =	vadd.s32 v17, v5  }
0x440: {  	v27 =	vadd.s32 v27, v5;
	v35 =	vor.u32 v34, v7;
	v34 =	vor.u32 v63, v8  }
0x441: {  	v37 =	vor.u32 v63, v7;
	v42 =	vadd.s32 v58, v5;
	v18 =	vor.u32 v13, v8  }
0x442: {  	v16 =	vor.u32 v13, v7;
	v13 =	vand.u32 $0x18, v29;
	v25 =	vor.u32 v14, v25;
	v11 =	vpop (erf)  }
0x443: {  	v17 =	vand.u32 $0x18, v61;
	v27 =	vor.u32 v22, v27;
	v31 =	vadd.s32 v6, v13;
	v14 =	vpop (erf);
	[tilespmem:v3+s20+$0x0] =	vst.idx.msk $0xffff, v11  }
0x444: {  	v57 =	vadd.s32 v13, v5;
	v13 =	vadd.s32 v60, v5;
	v3 =	vand.u32 $0x7, v29;
	[tilespmem:v20+s20+$0x0] =	vst.idx.msk $0xffff, v14  }
0x445: {  	v13 =	vor.u32 v62, v13;
	v29 =	vor.u32 v3, v31;
	v20 =	vand.u32 $0x1F, v56;
	v45 =	vld.idx.msk [tilespmem:v30+s31+$0x0], $0xffff  }
0x446: {  	v31 =	vor.u32 v3, v57;
	v3 =	vadd.s32 v6, v60;
	v22 =	vor.u32 v20, v7;
	v47 =	vld.idx.msk [tilespmem:v53+s31+$0x0], $0xffff  }
0x447: {  	v32 =	vor.u32 v20, v8;
	v20 =	vor.u32 v62, v3;
	v3 =	vand.u32 $0x18, v39;
	v46 =	vld.idx.msk [tilespmem:v55+s31+$0x0], $0xffff  }
0x448: {  	s6 =	simm.s32 $0xF;
	v30 =	vand.u32 $0x7, v56;
	v48 =	vld.idx.msk [tilespmem:v54+s31+$0x0], $0xffff;
	v38 =	vadd.s32 v6, v3;
	v44 =	vadd.s32 v3, v5  }
.LBB2_37:
0x449: {  	s3 =	sadd.s32 $0xFFFFFFF9, s6;
	s7 =	sadd.s32 $0xFFFFFFFA, s6;
	s15 =	sadd.s32 $0xFFFFFFFB, s6;
	v3 =	vor.u32 v43, v8;
	v49 =	vor.u32 v43, v7;
	v50 =	vadd.s32 v6, v17  }
0x44a: {  	p0 =	sne.s32 s6, $0x1F;
	v41 =	vadd.s32 s3, v0;
	v51 =	vadd.s32 s7, v0;
	v52 =	vadd.s32 s15, v0;
	v21 =	vld.idx.msk [tilespmem:v21+s31+$0x0], $0xffff;
	s3 =	smov.u32 s6;
	s6 =	sadd.s32 $0x8, s6  }
0x44b: {  	v45 =	vmul.f32 v45, v14;
	v53 =	vand.u32 $0x18, v41;
	v54 =	vand.u32 $0x1F, v51;
	s7 =	sadd.s32 $0xFFFFFFFC, s3;
	v19 =	vld.idx.msk [tilespmem:v19+s31+$0x0], $0xffff  }
0x44c: {  	v47 =	vmul.f32 v47, v11;
	v43 =	vor.u32 v9, v53;
	v55 =	vor.u32 v10, v53;
	v56 =	vld.idx.msk [tilespmem:v18+s31+$0x0], $0xffff  }
0x44d: {  	v41 =	vor.u32 v54, v7;
	v57 =	vadd.s32 s7, v0;
	v46 =	vmul.f32 v46, v11;
	v58 =	vld.idx.msk [tilespmem:v16+s31+$0x0], $0xffff  }
0x44e: {  	v54 =	vor.u32 v54, v8;
	v16 =	vand.u32 $0x1F, v57;
	v48 =	vmul.f32 v48, v14;
	[tilespmem:v23+s20+$0x0] =	vst.idx.msk $0xffff, v47  }
0x44f: {  	v18 =	vor.u32 v16, v8;
	v16 =	vor.u32 v16, v7;
	v23 =	vand.u32 $0x18, v51;
	[tilespmem:v26+s20+$0x0] =	vst.idx.msk $0xffff, v45  }
0x450: {  	v26 =	vand.u32 $0x1F, v52;
	v45 =	vadd.s32 v6, v23;
	v47 =	vmul.f32 v21, v11;
	[tilespmem:v24+s20+$0x0] =	vst.idx.msk $0xffff, v46  }
0x451: {  	v21 =	vor.u32 v26, v8;
	v24 =	vand.u32 $0x18, v57;
	v46 =	vmul.f32 v19, v14;
	[tilespmem:v25+s20+$0x0] =	vst.idx.msk $0xffff, v48  }
0x452: {  	s7 =	sadd.s32 $0xFFFFFFFE, s3;
	v19 =	vor.u32 v26, v7;
	v48 =	vand.u32 $0x18, v52;
	v25 =	vmul.f32 v56, v11;
	[tilespmem:v28+s20+$0x0] =	vst.idx.msk $0xffff, v47  }
0x453: {  	v28 =	vadd.s32 v23, v5;
	v47 =	vadd.s32 s7, v0;
	v23 =	vmul.f32 v58, v14;
	[tilespmem:v27+s20+$0x0] =	vst.idx.msk $0xffff, v46  }
0x454: {  	v56 =	vadd.s32 v24, v5;
	s7 =	sadd.s32 $0xFFFFFFFD, s3;
	v46 =	vadd.s32 v6, v24;
	v58 =	vand.u32 $0x18, v47;
	[tilespmem:v29+s20+$0x0] =	vst.idx.msk $0xffff, v25  }
0x455: {  	v27 =	vadd.s32 v6, v48;
	v59 =	vadd.s32 s7, v0;
	[tilespmem:v31+s20+$0x0] =	vst.idx.msk $0xffff, v23;
	v23 =	vand.u32 $0x7, v39  }
0x456: {  	s7 =	sadd.s32 $0xFFFFFFFF, s3;
	v24 =	vadd.s32 v17, v5;
	v60 =	vand.u32 $0x7, v59;
	v39 =	vand.u32 $0x18, v59;
	v29 =	vld.idx.msk [tilespmem:v36+s31+$0x0], $0xffff  }
0x457: {  	v61 =	vadd.s32 s7, v0;
	v17 =	vadd.s32 v39, v5;
	v44 =	vor.u32 v23, v44;
	v31 =	vld.idx.msk [tilespmem:v35+s31+$0x0], $0xffff  }
0x458: {  	v62 =	vand.u32 $0x1F, v61;
	v38 =	vor.u32 v23, v38;
	v35 =	vor.u32 v60, v17;
	v32 =	vld.idx.msk [tilespmem:v32+s31+$0x0], $0xffff  }
0x459: {  	v63 =	vor.u32 v33, v24;
	v23 =	vadd.s32 v12, v53;
	v17 =	vand.u32 $0x18, v61;
	v22 =	vld.idx.msk [tilespmem:v22+s31+$0x0], $0xffff  }
0x45a: {  	v26 =	vadd.s32 v53, v15;
	v25 =	vand.u32 $0x7, v51;
	v36 =	vor.u32 v30, v42;
	v34 =	vld.idx.msk [tilespmem:v34+s31+$0x0], $0xffff  }
0x45b: {  	v33 =	vor.u32 v33, v50;
	v24 =	vor.u32 v25, v45;
	v30 =	vor.u32 v30, v40;
	v37 =	vld.idx.msk [tilespmem:v37+s31+$0x0], $0xffff  }
0x45c: {  	v25 =	vor.u32 v25, v28;
	v40 =	vand.u32 $0x7, v52;
	v29 =	vmul.f32 v29, v11;
	v3 =	vld.idx.msk [tilespmem:v3+s31+$0x0], $0xffff  }
0x45d: {  	v28 =	vor.u32 v40, v27;
	v27 =	vadd.s32 v48, v5;
	v31 =	vmul.f32 v31, v14;
	v42 =	vld.idx.msk [tilespmem:v49+s31+$0x0], $0xffff  }
0x45e: {  	v27 =	vor.u32 v40, v27;
	v40 =	vand.u32 $0x7, v57;
	v32 =	vmul.f32 v32, v11;
	[tilespmem:v20+s20+$0x0] =	vst.idx.msk $0xffff, v29  }
0x45f: {  	v29 =	vor.u32 v40, v46;
	v20 =	vmul.f32 v22, v14;
	[tilespmem:v13+s20+$0x0] =	vst.idx.msk $0xffff, v31;
	v13 =	vmov v35  }
0x460: {  	v31 =	vor.u32 v40, v56;
	v40 =	vand.u32 $0x1F, v47;
	v34 =	vmul.f32 v34, v11;
	[tilespmem:v30+s20+$0x0] =	vst.idx.msk $0xffff, v32  }
0x461: {  	v30 =	vand.u32 $0x1F, v59;
	v22 =	vor.u32 v40, v7;
	v32 =	vmul.f32 v37, v14;
	[tilespmem:v36+s20+$0x0] =	vst.idx.msk $0xffff, v20  }
0x462: {  	v36 =	vor.u32 v30, v8;
	v3 =	vmul.f32 v3, v11;
	[tilespmem:v33+s20+$0x0] =	vst.idx.msk $0xffff, v34  }
0x463: {  	v35 =	vor.u32 v30, v7;
	v30 =	vmul.f32 v42, v14;
	[tilespmem:v63+s20+$0x0] =	vst.idx.msk $0xffff, v32  }
0x464: {  	v20 =	vadd.s32 v6, v39;
	v32 =	vor.u32 v40, v8;
	[tilespmem:v38+s20+$0x0] =	vst.idx.msk $0xffff, v3  }
.Ltmp17:
0x465: {  	v20 =	vor.u32 v60, v20;
	[tilespmem:v44+s20+$0x0] =	vst.idx.msk $0xffff, v30;
	(pc) =	sbr.rel @p0 .LBB2_37-.Ltmp17, $4  }
0x466: {  	v39 =	vadd.s32 s3, v0;
	v34 =	vor.u32 v62, v8;
	v30 =	vand.u32 $0x7, v47;
	v45 =	vld.idx.msk [tilespmem:v55+s31+$0x0], $0xffff  }
0x467: {  	v37 =	vor.u32 v62, v7;
	v3 =	vand.u32 $0x18, v39;
	v47 =	vld.idx.msk [tilespmem:v43+s31+$0x0], $0xffff  }
0x468: {  	v33 =	vand.u32 $0x7, v61;
	v38 =	vadd.s32 v6, v3;
	v43 =	vand.u32 $0x1F, v39;
	v46 =	vld.idx.msk [tilespmem:v54+s31+$0x0], $0xffff  }
0x469: {  	v42 =	vadd.s32 v58, v5;
	v40 =	vadd.s32 v6, v58;
	v44 =	vadd.s32 v3, v5;
	v48 =	vld.idx.msk [tilespmem:v41+s31+$0x0], $0xffff  }
0x46a: {  	_ =	sdelay $0x3  }
0x46b: {  	v3 =	vld.idx.msk [tilespmem:v21+s31+$0x0], $0xffff  }
0x46c: {  	v9 =	vld.idx.msk [tilespmem:v19+s31+$0x0], $0xffff;
	v10 =	vmul.f32 v47, v11  }
0x46d: {  	v12 =	vld.idx.msk [tilespmem:v18+s31+$0x0], $0xffff;
	v15 =	vmul.f32 v45, v14  }
0x46e: {  	v16 =	vld.idx.msk [tilespmem:v16+s31+$0x0], $0xffff;
	v53 =	vmul.f32 v46, v11;
	[tilespmem:v23+s20+$0x0] =	vst.idx.msk $0xffff, v10  }
0x46f: {  	v54 =	vmul.f32 v48, v14;
	[tilespmem:v26+s20+$0x0] =	vst.idx.msk $0xffff, v15  }
0x470: {  	v3 =	vmul.f32 v3, v11;
	[tilespmem:v24+s20+$0x0] =	vst.idx.msk $0xffff, v53  }
0x471: {  	v9 =	vmul.f32 v9, v14;
	[tilespmem:v25+s20+$0x0] =	vst.idx.msk $0xffff, v54  }
0x472: {  	v55 =	vmul.f32 v12, v11;
	[tilespmem:v28+s20+$0x0] =	vst.idx.msk $0xffff, v3  }
0x473: {  	v3 =	vmul.f32 v16, v14;
	[tilespmem:v27+s20+$0x0] =	vst.idx.msk $0xffff, v9  }
0x474: {  	[tilespmem:v29+s20+$0x0] =	vst.idx.msk $0xffff, v55  }
0x475: {  	[tilespmem:v31+s20+$0x0] =	vst.idx.msk $0xffff, v3  }
0x476: {  	v3 =	vld.idx.msk [tilespmem:v36+s31+$0x0], $0xffff  }
0x477: {  	v8 =	vor.u32 v43, v8;
	v9 =	vld.idx.msk [tilespmem:v35+s31+$0x0], $0xffff  }
0x478: {  	v7 =	vor.u32 v43, v7;
	v10 =	vld.idx.msk [tilespmem:v32+s31+$0x0], $0xffff  }
0x479: {  	v56 =	vld.idx.msk [tilespmem:v22+s31+$0x0], $0xffff  }
0x47a: {  	v58 =	vor.u32 v30, v40;
	v6 =	vadd.s32 v6, v17;
	v15 =	vld.idx.msk [tilespmem:v34+s31+$0x0], $0xffff  }
0x47b: {  	v59 =	vor.u32 v30, v42;
	v5 =	vadd.s32 v17, v5;
	v57 =	vld.idx.msk [tilespmem:v37+s31+$0x0], $0xffff;
	v3 =	vmul.f32 v3, v11  }
0x47c: {  	v60 =	vand.u32 $0x7, v39;
	v6 =	vor.u32 v33, v6;
	v8 =	vld.idx.msk [tilespmem:v8+s31+$0x0], $0xffff;
	v9 =	vmul.f32 v9, v14  }
0x47d: {  	v5 =	vor.u32 v33, v5;
	v7 =	vld.idx.msk [tilespmem:v7+s31+$0x0], $0xffff;
	v10 =	vmul.f32 v10, v11;
	[tilespmem:v20+s20+$0x0] =	vst.idx.msk $0xffff, v3  }
0x47e: {  	s5 =	sadd.s32 $0x1, s5;
	v12 =	vmul.f32 v56, v14;
	v3 =	vor.u32 v60, v38;
	[tilespmem:v13+s20+$0x0] =	vst.idx.msk $0xffff, v9  }
0x47f: {  	v61 =	vor.u32 v60, v44;
	p0 =	sne.s32 s5, $0x5;
	v62 =	vmul.f32 v15, v11;
	[tilespmem:v58+s20+$0x0] =	vst.idx.msk $0xffff, v10  }
.Ltmp18:
0x480: {  	v63 =	vmul.f32 v57, v14;
	[tilespmem:v59+s20+$0x0] =	vst.idx.msk $0xffff, v12;
	(pc) =	sbr.rel @p0 .LBB2_34-.Ltmp18, $4  }
0x481: {  	v8 =	vmul.f32 v8, v11;
	[tilespmem:v6+s20+$0x0] =	vst.idx.msk $0xffff, v62  }
0x482: {  	v6 =	vmul.f32 v7, v14;
	[tilespmem:v5+s20+$0x0] =	vst.idx.msk $0xffff, v63  }
0x483: {  	[tilespmem:v3+s20+$0x0] =	vst.idx.msk $0xffff, v8  }
0x484: {  	[tilespmem:v61+s20+$0x0] =	vst.idx.msk $0xffff, v6  }
0x485: {  	[spmem:s2] =	stream.indirect.scatter.add.f32 [tilespmem:s20], [sflag:$0x3], $0x48, s28, s23, $0xb8;
	[tilespmem:$0x15B80] =	vst v63  }
0x486: {  	_ =	swait.ge [sflag:s16], $0x1680  }
0x487: {  	[sflag:s16] =	ssyncset.done $0x0  }
0x488: {  	[sflag:s16] =	ssyncadd.s32 $0xFFFFE980  }
0x489: {  	_ =	swait.ge [sflag:s16], $0x1680  }
0x48a: {  	[sflag:s16] =	ssyncset.done $0x0  }
0x48b: {  	[sflag:s16] =	ssyncadd.s32 $0xFFFFE980  }
0x48c: {  	[bflag:$0x0] =	sbarrier.arrive $0xFFFF  }
0x48d: {  	s15 =	rddreg [dreg:$0x5]  }
0x48e: {  	s3 =	rddreg [dreg:$0x8]  }
0x48f: {  	s7 =	simm.s32 $0x4;
	s6 =	rddreg [dreg:$0xa]  }
0x490: {  	[hbm:s3], [sflag:s15] =	dma.local [spmem:s6], $0x1680  }
0x491: {  	_ =	swait.ge [sflag:s7], $0x1680  }
0x492: {  	s5 =	rddreg [dreg:$0xb]  }
0x493: {  	s18 =	rddreg [dreg:$0x9];
	s5 =	sadd.s32 $0x1, s5  }
0x494: {  	p0 =	sne.s32 s5, s18  }
.Ltmp19:
0x495: {  	_ = 	snop;
	(pc) =	sbr.rel @p0 .LBB2_1-.Ltmp19, $3  }
0x496: {  	_ =	sdelay $0x1  }
0x497: {  	[sflag:s7] =	ssyncset.done $0x0  }
0x498: {  	[sflag:s7] =	ssyncadd.s32 $0xFFFFE980  }
0x499: {  	_ =	sfence.sel $0x180000  }
0x49a: {  	[bflag:$0x0] =	sbarrier.arrive $0xFFFF  }
0x49b: {  	_ =	strace $0x90000047  }
0x49c: {  	s0 =	stileid.u32;
	[bflag:$0x2] =	sbarrier.arrive $0xFFFF  }
0x49d: {  	p0 =	sne.s32 s0, $0x0;
	s0 =	rddreg [dreg:$0x3]  }
0x49e: {  	s0 =	sadd.s32 @!p0 $0x100000, s0  }
0x49f: {  	[sflag:s0] =	ssyncadd.tile.s32 @!p0 $0x1;
	_ =	shalt  }
.Lfunc_end2:
_tile_overlayer_lowered:
.L_overlay_start_2:
0x4a0: {  	(tag) =	ssettag $0x2  }
0x4a1: {  	s0 =	rddreg [dreg:$0x0];
	s2 =	stileid.u32  }
0x4a2: {  	s1 =	rddreg [dreg:$0x1];
	p0 =	sne.s32 s2, $0x0  }
0x4a3: {  	s3 =	rddreg [dreg:$0x2];
	[bflag:$0x3] =	sbarrier.arrive $0xFFFF;
	s2 =	simm.s32 @!p0 $0x1C04  }
0x4a4: {  	[timem:s3], [sflag:s2] =	dma.local @!p0 [hbm:s0], s1  }
0x4a5: {  	s0 =	simm.s32 @!p0 $0x4  }
0x4a6: {  	_ =	swait.ge @!p0 [sflag:s0], s1  }
0x4a7: {  	s1 =	ssub.s32 @!p0 $0x0, s1;
	[sflag:s0] =	ssyncset.done @!p0 $0x0  }
0x4a8: {  	[sflag:s0] =	ssyncadd.s32 @!p0 s1  }
0x4a9: {  	[bflag:$0x3] =	sbarrier.arrive $0xFFFF  }
0x4aa: {  	_ =	shalt  }

</sc_bundles>
